<compile_context>
chip_gen: v7x
topology: tpu7x:2x2x1
jax: 0.10.2.dev20260603
libtpu: 0.0.44.dev20260713+nightly
codegen_flags: <defaults>
</compile_context>

<pallas_src>
import jax
import jax.numpy as jnp
import numpy as np
from jax.experimental import pallas as pl
from jax.experimental.pallas import tpu as pltpu
from jax.experimental.pallas import tpu_sc as plsc

NQ = 100
NK = 16384
D = 256
K = 1024
ITERS = 2

NQP = 104
BJ = 1024
NBLK = NK // BJ
NW = 32
GCH = 256

_MININT = np.int32(-2147483648)


def _sortkey(x):
    b = jax.lax.bitcast_convert_type(x, jnp.int32)
    return jnp.where(b >= 0, b, jnp.bitwise_xor(jnp.bitwise_not(b), _MININT))



def _qproj_kernel(qry_ref, wq_ref, wr_ref, w1_ref, b1_ref, q_ref, r_ref, qw1_ref):
    qf = qry_ref[...]
    q = jnp.dot(qf, wq_ref[...], preferred_element_type=jnp.float32)
    q_ref[...] = q
    r_ref[...] = jnp.dot(qf, wr_ref[...], preferred_element_type=jnp.float32)
    qw1_ref[...] = (
        jnp.dot(q, w1_ref[...], preferred_element_type=jnp.float32) + b1_ref[...]
    )


def _keyproj_kernel(key_ref, wk_ref, w1_ref, q_ref, r_ref,
                    seg_ref, ref_ref, kw1p_ref):
    kb = jnp.dot(key_ref[...], wk_ref[...], preferred_element_type=jnp.float32)
    dn = (((1,), (1,)), ((), ()))
    seg_ref[...] = jax.lax.dot_general(q_ref[...], kb, dn,
                                       preferred_element_type=jnp.float32)
    ref_ref[...] = jax.lax.dot_general(r_ref[...], kb, dn,
                                       preferred_element_type=jnp.float32)
    kw1 = jnp.dot(kb, w1_ref[...], preferred_element_type=jnp.float32)
    ilo = jax.lax.bitcast_convert_type(kw1[:, :128], jnp.int32)
    ihi = jax.lax.bitcast_convert_type(kw1[:, 128:], jnp.int32)
    half = jnp.int32(0x8000)
    kw1p_ref[...] = (((ilo + half) >> 16) & jnp.int32(0xFFFF)) | (
        (ihi + half) & jnp.int32(-65536))


def _count_ge(keys, cand_s):
    return jnp.sum((keys >= cand_s).astype(jnp.int32), axis=1, keepdims=True)


def _search(keys, col, kk):

    def bit_step(i, tu):
        b = 31 - i
        cand = tu | (jnp.int32(1) << b)
        cnt = _count_ge(keys, cand ^ _MININT)
        return jnp.where(cnt >= kk, cand, tu)

    tu = jax.lax.fori_loop(0, 32, bit_step, jnp.zeros(keys.shape[:1] + (1,),
                                                      jnp.int32))
    ts = tu ^ _MININT
    cnt_gt = jnp.sum((keys > ts).astype(jnp.int32), axis=1, keepdims=True)
    need = kk - cnt_gt
    eqm = keys == ts

    def m_step(i, lo_hi):
        lo, hi = lo_hi
        mid = (lo + hi) // 2
        c = jnp.sum((eqm & (col < mid)).astype(jnp.int32), axis=1, keepdims=True)
        take = c >= need
        return jnp.where(take, lo, mid + 1), jnp.where(take, mid, hi)

    z = jnp.zeros(keys.shape[:1] + (1,), jnp.int32)
    _, hi = jax.lax.fori_loop(0, 15, m_step, (z, jnp.full_like(z, NK)))
    return ts, hi


def _thresh_kernel(ref_ref, thr1_ref, m1_ref, thr2_ref, m2_ref):
    keys = _sortkey(ref_ref[...])
    col = jax.lax.broadcasted_iota(jnp.int32, (NQP, NK), 1)
    thr1_ref[...], m1_ref[...] = _search(keys, col, K)
    thr2_ref[...], m2_ref[...] = _search(keys, col, 2 * K)


def _mlp_kernel(gath_ref, qw1_ref, w2lo_ref, w2hi_ref, ds_ref):
    i = pl.program_id(0)
    qrow = qw1_ref[pl.ds(i, 1), :]
    packed = gath_ref[...]
    x_lo = jax.lax.bitcast_convert_type(packed << 16, jnp.float32)
    x_hi = jax.lax.bitcast_convert_type(packed & jnp.int32(-65536),
                                        jnp.float32)
    h_lo = jnp.tanh(x_lo + qrow[:, :128]).astype(jnp.bfloat16)
    h_hi = jnp.tanh(x_hi + qrow[:, 128:]).astype(jnp.bfloat16)
    dn = (((1,), (1,)), ((), ()))
    y = (jax.lax.dot_general(h_lo, w2lo_ref[...].astype(jnp.bfloat16), dn,
                             preferred_element_type=jnp.float32)
         + jax.lax.dot_general(h_hi, w2hi_ref[...].astype(jnp.bfloat16), dn,
                               preferred_element_type=jnp.float32))
    ds_ref[...] = jnp.transpose(y[:, 0:1]).reshape(1, 1, K)



def _make_sc_gather(second):

    def body(ref_hbm, thr1_hbm, m1_hbm, thr2_hbm, m2_hbm, kw1_hbm,
             idx_hbm, gath_hbm,
             refrow_v, idx_v, gbuf_a, gbuf_b, thr1_s, m1_s, thr2_s, m2_s,
             sga, sgb, swa, swb):
        cid = jax.lax.axis_index("c")
        sid = jax.lax.axis_index("s")
        wid = sid * 2 + cid
        pltpu.sync_copy(thr1_hbm, thr1_s)
        pltpu.sync_copy(m1_hbm, m1_s)
        if second:
            pltpu.sync_copy(thr2_hbm, thr2_s)
            pltpu.sync_copy(m2_hbm, m2_s)

        def do_row(row):
            pltpu.sync_copy(ref_hbm.at[row], refrow_v)
            rowvec = jnp.full((16,), row, jnp.int32)
            thr1 = plsc.load_gather(thr1_s, [rowvec])
            mm1 = plsc.load_gather(m1_s, [rowvec])
            if second:
                thr2 = plsc.load_gather(thr2_s, [rowvec])
                mm2 = plsc.load_gather(m2_s, [rowvec])

            def chunk(c, off):
                v = refrow_v[pl.ds(c * 16, 16)]
                b = jax.lax.bitcast_convert_type(v, jnp.int32)
                key = jnp.where(b >= 0, b,
                                jnp.bitwise_xor(jnp.bitwise_not(b), _MININT))
                cols = jax.lax.iota(jnp.int32, 16) + c * 16
                s1 = (key > thr1) | ((key == thr1) & (cols < mm1))
                if second:
                    s2 = (key > thr2) | ((key == thr2) & (cols < mm2))
                    sel = s2 & jnp.logical_not(s1)
                else:
                    sel = s1
                plsc.store_compressed(idx_v.at[pl.ds(off, 16)], cols, mask=sel)
                return off + jnp.sum(sel.astype(jnp.int32))

            jax.lax.fori_loop(0, NK // 16, chunk, jnp.int32(0))
            pltpu.sync_copy(idx_v, idx_hbm.at[row])

            def gth(h, buf, sem):
                return pltpu.async_copy(
                    kw1_hbm.at[idx_v.at[pl.ds(h * GCH, GCH)]], buf, sem)

            def wout(h, buf, sem):
                return pltpu.async_copy(
                    buf, gath_hbm.at[pl.ds(row * K + h * GCH, GCH)], sem)

            g0 = gth(0, gbuf_a, sga)
            g1 = gth(1, gbuf_b, sgb)
            g0.wait()
            w0 = wout(0, gbuf_a, swa)
            g1.wait()
            w1 = wout(1, gbuf_b, swb)
            w0.wait()
            g2 = gth(2, gbuf_a, sga)
            w1.wait()
            g3 = gth(3, gbuf_b, sgb)
            g2.wait()
            w2 = wout(2, gbuf_a, swa)
            g3.wait()
            w3 = wout(3, gbuf_b, swb)
            w2.wait()
            w3.wait()

        for rb in range(4):
            row = wid + rb * NW

            @pl.when(row < NQ)
            def _():
                do_row(row)

    return body


def _sc_scatter_kernel(seg_hbm, idx1_hbm, ds1_hbm, idx2_hbm, ds2_hbm,
                       segout_hbm,
                       segrow_v, idxrow_v, dsrow_v, idxrow2_v, dsrow2_v, sem):
    cid = jax.lax.axis_index("c")
    sid = jax.lax.axis_index("s")
    wid = sid * 2 + cid

    def do_row(row):
        pltpu.sync_copy(seg_hbm.at[row], segrow_v)
        pltpu.sync_copy(idx1_hbm.at[row], idxrow_v)
        pltpu.sync_copy(ds1_hbm.at[row], dsrow_v)
        pltpu.sync_copy(idx2_hbm.at[row], idxrow2_v)
        pltpu.sync_copy(ds2_hbm.at[row], dsrow2_v)

        def chunk(c, carry):
            iv = idxrow_v[pl.ds(c * 16, 16)]
            plsc.addupdate_scatter(segrow_v, [iv], dsrow_v[pl.ds(c * 16, 16)])
            iv2 = idxrow2_v[pl.ds(c * 16, 16)]
            plsc.addupdate_scatter(segrow_v, [iv2], dsrow2_v[pl.ds(c * 16, 16)])
            return carry

        jax.lax.fori_loop(0, K // 16, chunk, jnp.int32(0))
        pltpu.sync_copy(segrow_v, segout_hbm.at[row])

    for rb in range(4):
        row = wid + rb * NW

        @pl.when(row < NQ)
        def _():
            do_row(row)



def kernel(qry_feats, key_feats, Wq, Wk, Wr, W1, b1, W2s, W2r):
    f32 = jnp.float32
    i32 = jnp.int32
    qry_p = jnp.pad(qry_feats, ((0, NQP - NQ), (0, 0)))
    b1r = b1.reshape(1, D)
    w2c = jnp.pad(jnp.concatenate([W2s, W2r], axis=1).T, ((0, 6), (0, 0)))
    w2lo = w2c[:, :128]
    w2hi = w2c[:, 128:]

    q, r, qw1 = pl.pallas_call(
        _qproj_kernel,
        out_shape=[jax.ShapeDtypeStruct((NQP, D), f32)] * 3,
    )(qry_p, Wq, Wr, W1, b1r)

    seg, ref, kw1p = pl.pallas_call(
        _keyproj_kernel,
        grid=(NBLK,),
        in_specs=[
            pl.BlockSpec((BJ, D), lambda j: (j, 0)),
            pl.BlockSpec((D, D), lambda j: (0, 0)),
            pl.BlockSpec((D, D), lambda j: (0, 0)),
            pl.BlockSpec((NQP, D), lambda j: (0, 0)),
            pl.BlockSpec((NQP, D), lambda j: (0, 0)),
        ],
        out_specs=[
            pl.BlockSpec((NQP, BJ), lambda j: (0, j)),
            pl.BlockSpec((NQP, BJ), lambda j: (0, j)),
            pl.BlockSpec((BJ, D // 2), lambda j: (j, 0)),
        ],
        out_shape=[
            jax.ShapeDtypeStruct((NQP, NK), f32),
            jax.ShapeDtypeStruct((NQP, NK), f32),
            jax.ShapeDtypeStruct((NK, D // 2), jnp.int32),
        ],
    )(key_feats, Wk, W1, q, r)

    thr1, m1, thr2, m2 = pl.pallas_call(
        _thresh_kernel,
        out_shape=[jax.ShapeDtypeStruct((NQP, 1), i32)] * 4,
    )(ref)
    targs = (thr1.reshape(NQP), m1.reshape(NQP),
             thr2.reshape(NQP), m2.reshape(NQP))

    vmesh = plsc.VectorSubcoreMesh(core_axis_name="c", subcore_axis_name="s")
    sc_params = pltpu.CompilerParams(needs_layout_passes=False)

    gather_out = [
        jax.ShapeDtypeStruct((NQ, K), i32),
        jax.ShapeDtypeStruct((NQ * K, D // 2), i32),
    ]
    gather_scratch = [
        pltpu.VMEM((NK,), f32),
        pltpu.VMEM((K,), i32),
        pltpu.VMEM((GCH, D // 2), i32),
        pltpu.VMEM((GCH, D // 2), i32),
        pltpu.VMEM((NQP,), i32),
        pltpu.VMEM((NQP,), i32),
        pltpu.VMEM((NQP,), i32),
        pltpu.VMEM((NQP,), i32),
        pltpu.SemaphoreType.DMA,
        pltpu.SemaphoreType.DMA,
        pltpu.SemaphoreType.DMA,
        pltpu.SemaphoreType.DMA,
    ]

    idx1, gath1 = pl.kernel(
        _make_sc_gather(False), compiler_params=sc_params,
        out_type=gather_out, mesh=vmesh, scratch_types=gather_scratch,
    )(ref, *targs, kw1p)
    idx2, gath2 = pl.kernel(
        _make_sc_gather(True), compiler_params=sc_params,
        out_type=gather_out, mesh=vmesh, scratch_types=gather_scratch,
    )(ref, *targs, kw1p)

    def run_mlp(gath):
        (ds3,) = pl.pallas_call(
            _mlp_kernel,
            grid=(NQ,),
            in_specs=[
                pl.BlockSpec((K, D // 2), lambda i: (i, 0)),
                pl.BlockSpec((NQP, D), lambda i: (0, 0)),
                pl.BlockSpec((8, D // 2), lambda i: (0, 0)),
                pl.BlockSpec((8, D // 2), lambda i: (0, 0)),
            ],
            out_specs=[
                pl.BlockSpec((1, 1, K), lambda i: (i, 0, 0)),
            ],
            out_shape=[
                jax.ShapeDtypeStruct((NQ, 1, K), f32),
            ],
        )(gath, qw1, w2lo, w2hi)
        return ds3.reshape(NQ, K)

    ds1 = run_mlp(gath1)
    ds2 = run_mlp(gath2)

    segout = pl.kernel(
        _sc_scatter_kernel, compiler_params=sc_params,
        out_type=jax.ShapeDtypeStruct((NQP, NK), f32),
        mesh=vmesh,
        scratch_types=[
            pltpu.VMEM((NK,), f32),
            pltpu.VMEM((K,), i32),
            pltpu.VMEM((K,), f32),
            pltpu.VMEM((K,), i32),
            pltpu.VMEM((K,), f32),
            pltpu.SemaphoreType.DMA,
        ],
    )(seg, idx1, ds1, idx2, ds2)

    return segout[:NQ]

# --- scband reference (transcript-rebuilt; emitter-appended) ---
"""Pipeline reference for scband-top-down-seg-head-70540542869791 (READ-ONLY COPY).

The authoritative reference and input builder live on the scoring server;
editing this copy changes nothing except your own understanding.
"""

import jax, jax.numpy as jnp
import numpy as np

NQ = 100      # number of object queries
NK = 16384    # flattened key feature map positions (128x128)
D = 256       # feature dim
K = 1024      # refines_per_iter (top-k positions refined per query per iteration)
ITERS = 2     # refine_iters


def setup_inputs(seed: int = 0) -> dict:
    key = jax.random.key(seed)
    ks = jax.random.split(key, 9)
    s = 1.0 / np.sqrt(D)
    return {
        "qry_feats": jax.random.normal(ks[0], (NQ, D), dtype=jnp.float32),
        "key_feats": jax.random.normal(ks[1], (NK, D), dtype=jnp.float32),
        "Wq": jax.random.normal(ks[2], (D, D), dtype=jnp.float32) * s,
        "Wk": jax.random.normal(ks[3], (D, D), dtype=jnp.float32) * s,
        "Wr": jax.random.normal(ks[4], (D, D), dtype=jnp.float32) * s,
        "W1": jax.random.normal(ks[5], (D, D), dtype=jnp.float32) * s,
        "b1": jnp.zeros((D,), dtype=jnp.float32),
        "W2s": jax.random.normal(ks[6], (D, 1), dtype=jnp.float32) * s,
        "W2r": jax.random.normal(ks[7], (D, 1), dtype=jnp.float32) * s,
    }


def reference(qry_feats, key_feats, Wq, Wk, Wr, W1, b1, W2s, W2r):
    # Query / coarse-key projections (qry + coa_key modules)
    q = qry_feats @ Wq                     # [NQ, D]
    k = key_feats @ Wk                     # [NK, D]
    # Coarse segmentation and refinement logits (seg + ref heads)
    seg_logits = q @ k.T                   # [NQ, NK]
    ref_logits = (qry_feats @ Wr) @ k.T    # [NQ, NK]
    rows = jnp.arange(NQ)[:, None]
    for _ in range(ITERS):
        # Top-k masking: select refines_per_iter positions with highest refinement logits
        _, idx = jax.lax.top_k(ref_logits, K)          # [NQ, K]
        sel = jnp.take(k, idx, axis=0)                  # [NQ, K, D] gather fine key feats
        feats = sel + q[:, None, :]                     # fuse query + key (top-down feats)
        h = jnp.tanh(feats @ W1 + b1)                   # fine conv/MLP refinement
        d_seg = jnp.squeeze(h @ W2s, -1)                # [NQ, K] seg logit deltas
        d_ref = jnp.squeeze(h @ W2r, -1)                # [NQ, K] ref logit deltas
        # Scatter refined logits back; mask out selected positions for next iteration
        seg_logits = seg_logits.at[rows, idx].add(d_seg)
        ref_logits = ref_logits.at[rows, idx].add(d_ref - 1.0e4)
    return seg_logits

if __name__ == "__main__":
    import jax
    _d = setup_inputs()
    print(jax.jit(kernel)(*tuple(_d.values())))

</pallas_src>

<mosaic_0001>
#map = affine_map<(d0, d1) -> (0, 0)>
module attributes {stable_mosaic.version = 14 : i64} {
  func.func @_sc_scatter_kernel(%arg0: i32, %arg1: i32, %arg2: memref<104x16384xf32, #tpu.memory_space<hbm>>, %arg3: memref<100x1024xi32, #tpu.memory_space<hbm>>, %arg4: memref<100x1024xf32, #tpu.memory_space<hbm>>, %arg5: memref<100x1024xi32, #tpu.memory_space<hbm>>, %arg6: memref<100x1024xf32, #tpu.memory_space<hbm>>, %arg7: memref<104x16384xf32, #tpu.memory_space<hbm>>, %arg8: memref<16384xf32, #tpu.memory_space<vmem>>, %arg9: memref<1024xi32, #tpu.memory_space<vmem>>, %arg10: memref<1024xf32, #tpu.memory_space<vmem>>, %arg11: memref<1024xi32, #tpu.memory_space<vmem>>, %arg12: memref<1024xf32, #tpu.memory_space<vmem>>, %arg13: memref<!tpu.dma_semaphore, #tpu.memory_space<semaphore_mem>>) attributes {dimension_semantics = [#tpu.dimension_semantics<core_parallel>, #tpu.dimension_semantics<subcore_parallel>], iteration_bounds = array<i64: 2, 16>, scalar_prefetch = 0 : i64, scratch_operands = 6 : i64, tpu.core_type = #tpu.core_type<sc_vector_subcore>, window_params = [{transform_indices = #map}, {transform_indices = #map}, {transform_indices = #map}, {transform_indices = #map}, {transform_indices = #map}, {transform_indices = #map}]} {
    %mul3A = arith.constant 2 : i32
    %mul3A_0 = arith.muli %arg1, %mul3A : i32
    %add3A = arith.addi %mul3A_0, %arg0 : i32
    %add3A_1 = arith.constant 0 : i32
    %add3A_2 = arith.addi %add3A, %add3A_1 : i32
    %lt3A = arith.constant 100 : i32
    %lt3A_3 = arith.cmpi slt, %add3A_2, %lt3A : i32
    %convert_element_type3A = arith.extui %lt3A_3 : i1 to i32
    %cond3A = arith.constant 0 : i32
    %cond3A_4 = arith.cmpi ne, %convert_element_type3A, %cond3A : i32
    scf.if %cond3A_4 {
      "tpu.region"() ({
        %run_scoped3A = tpu.sem_alloc : memref<!tpu.dma_semaphore, #tpu.memory_space<semaphore_mem>>
        %dma_start3A = arith.constant 0 : i32
        %dma_start3A_31 = tpu.memref_slice %arg2[%add3A_2, %dma_start3A] : memref<104x16384xf32, #tpu.memory_space<hbm>> -> memref<1x16384xf32, #tpu.memory_space<hbm>>
        %dma_start3A_32 = tpu.memref_squeeze %dma_start3A_31 : memref<1x16384xf32, #tpu.memory_space<hbm>> -> memref<16384xf32, #tpu.memory_space<hbm>>
        %dma_start3A_33 = arith.constant 0 : i32
        %dma_start3A_34 = tpu.memref_slice %arg2[%add3A_2, %dma_start3A_33] : memref<104x16384xf32, #tpu.memory_space<hbm>> -> memref<1x16384xf32, #tpu.memory_space<hbm>>
        %dma_start3A_35 = tpu.memref_squeeze %dma_start3A_34 : memref<1x16384xf32, #tpu.memory_space<hbm>> -> memref<16384xf32, #tpu.memory_space<hbm>>
        tpu.enqueue_dma source(%dma_start3A_35 : memref<16384xf32, #tpu.memory_space<hbm>>) target(%arg8 : memref<16384xf32, #tpu.memory_space<vmem>>) target_semaphore(%run_scoped3A : memref<!tpu.dma_semaphore, #tpu.memory_space<semaphore_mem>>)
        %dma_wait3A = arith.constant 0 : i32
        %dma_wait3A_36 = tpu.memref_slice %arg2[%add3A_2, %dma_wait3A] : memref<104x16384xf32, #tpu.memory_space<hbm>> -> memref<1x16384xf32, #tpu.memory_space<hbm>>
        %dma_wait3A_37 = tpu.memref_squeeze %dma_wait3A_36 : memref<1x16384xf32, #tpu.memory_space<hbm>> -> memref<16384xf32, #tpu.memory_space<hbm>>
        %dma_wait3A_38 = arith.constant 0 : i32
        %dma_wait3A_39 = tpu.memref_slice %arg2[%add3A_2, %dma_wait3A_38] : memref<104x16384xf32, #tpu.memory_space<hbm>> -> memref<1x16384xf32, #tpu.memory_space<hbm>>
        %dma_wait3A_40 = tpu.memref_squeeze %dma_wait3A_39 : memref<1x16384xf32, #tpu.memory_space<hbm>> -> memref<16384xf32, #tpu.memory_space<hbm>>
        tpu.wait_dma2 semaphore(%run_scoped3A : memref<!tpu.dma_semaphore, #tpu.memory_space<semaphore_mem>>) src(%dma_wait3A_40 : memref<16384xf32, #tpu.memory_space<hbm>>) dst(%arg8 : memref<16384xf32, #tpu.memory_space<vmem>>)
        tpu.yield
      }) : () -> ()
      "tpu.region"() ({
        %run_scoped3A = tpu.sem_alloc : memref<!tpu.dma_semaphore, #tpu.memory_space<semaphore_mem>>
        %dma_start3A = arith.constant 0 : i32
        %dma_start3A_31 = tpu.memref_slice %arg3[%add3A_2, %dma_start3A] : memref<100x1024xi32, #tpu.memory_space<hbm>> -> memref<1x1024xi32, #tpu.memory_space<hbm>>
        %dma_start3A_32 = tpu.memref_squeeze %dma_start3A_31 : memref<1x1024xi32, #tpu.memory_space<hbm>> -> memref<1024xi32, #tpu.memory_space<hbm>>
        %dma_start3A_33 = arith.constant 0 : i32
        %dma_start3A_34 = tpu.memref_slice %arg3[%add3A_2, %dma_start3A_33] : memref<100x1024xi32, #tpu.memory_space<hbm>> -> memref<1x1024xi32, #tpu.memory_space<hbm>>
        %dma_start3A_35 = tpu.memref_squeeze %dma_start3A_34 : memref<1x1024xi32, #tpu.memory_space<hbm>> -> memref<1024xi32, #tpu.memory_space<hbm>>
        tpu.enqueue_dma source(%dma_start3A_35 : memref<1024xi32, #tpu.memory_space<hbm>>) target(%arg9 : memref<1024xi32, #tpu.memory_space<vmem>>) target_semaphore(%run_scoped3A : memref<!tpu.dma_semaphore, #tpu.memory_space<semaphore_mem>>)
        %dma_wait3A = arith.constant 0 : i32
        %dma_wait3A_36 = tpu.memref_slice %arg3[%add3A_2, %dma_wait3A] : memref<100x1024xi32, #tpu.memory_space<hbm>> -> memref<1x1024xi32, #tpu.memory_space<hbm>>
        %dma_wait3A_37 = tpu.memref_squeeze %dma_wait3A_36 : memref<1x1024xi32, #tpu.memory_space<hbm>> -> memref<1024xi32, #tpu.memory_space<hbm>>
        %dma_wait3A_38 = arith.constant 0 : i32
        %dma_wait3A_39 = tpu.memref_slice %arg3[%add3A_2, %dma_wait3A_38] : memref<100x1024xi32, #tpu.memory_space<hbm>> -> memref<1x1024xi32, #tpu.memory_space<hbm>>
        %dma_wait3A_40 = tpu.memref_squeeze %dma_wait3A_39 : memref<1x1024xi32, #tpu.memory_space<hbm>> -> memref<1024xi32, #tpu.memory_space<hbm>>
        tpu.wait_dma2 semaphore(%run_scoped3A : memref<!tpu.dma_semaphore, #tpu.memory_space<semaphore_mem>>) src(%dma_wait3A_40 : memref<1024xi32, #tpu.memory_space<hbm>>) dst(%arg9 : memref<1024xi32, #tpu.memory_space<vmem>>)
        tpu.yield
      }) : () -> ()
      "tpu.region"() ({
        %run_scoped3A = tpu.sem_alloc : memref<!tpu.dma_semaphore, #tpu.memory_space<semaphore_mem>>
        %dma_start3A = arith.constant 0 : i32
        %dma_start3A_31 = tpu.memref_slice %arg4[%add3A_2, %dma_start3A] : memref<100x1024xf32, #tpu.memory_space<hbm>> -> memref<1x1024xf32, #tpu.memory_space<hbm>>
        %dma_start3A_32 = tpu.memref_squeeze %dma_start3A_31 : memref<1x1024xf32, #tpu.memory_space<hbm>> -> memref<1024xf32, #tpu.memory_space<hbm>>
        %dma_start3A_33 = arith.constant 0 : i32
        %dma_start3A_34 = tpu.memref_slice %arg4[%add3A_2, %dma_start3A_33] : memref<100x1024xf32, #tpu.memory_space<hbm>> -> memref<1x1024xf32, #tpu.memory_space<hbm>>
        %dma_start3A_35 = tpu.memref_squeeze %dma_start3A_34 : memref<1x1024xf32, #tpu.memory_space<hbm>> -> memref<1024xf32, #tpu.memory_space<hbm>>
        tpu.enqueue_dma source(%dma_start3A_35 : memref<1024xf32, #tpu.memory_space<hbm>>) target(%arg10 : memref<1024xf32, #tpu.memory_space<vmem>>) target_semaphore(%run_scoped3A : memref<!tpu.dma_semaphore, #tpu.memory_space<semaphore_mem>>)
        %dma_wait3A = arith.constant 0 : i32
        %dma_wait3A_36 = tpu.memref_slice %arg4[%add3A_2, %dma_wait3A] : memref<100x1024xf32, #tpu.memory_space<hbm>> -> memref<1x1024xf32, #tpu.memory_space<hbm>>
        %dma_wait3A_37 = tpu.memref_squeeze %dma_wait3A_36 : memref<1x1024xf32, #tpu.memory_space<hbm>> -> memref<1024xf32, #tpu.memory_space<hbm>>
        %dma_wait3A_38 = arith.constant 0 : i32
        %dma_wait3A_39 = tpu.memref_slice %arg4[%add3A_2, %dma_wait3A_38] : memref<100x1024xf32, #tpu.memory_space<hbm>> -> memref<1x1024xf32, #tpu.memory_space<hbm>>
        %dma_wait3A_40 = tpu.memref_squeeze %dma_wait3A_39 : memref<1x1024xf32, #tpu.memory_space<hbm>> -> memref<1024xf32, #tpu.memory_space<hbm>>
        tpu.wait_dma2 semaphore(%run_scoped3A : memref<!tpu.dma_semaphore, #tpu.memory_space<semaphore_mem>>) src(%dma_wait3A_40 : memref<1024xf32, #tpu.memory_space<hbm>>) dst(%arg10 : memref<1024xf32, #tpu.memory_space<vmem>>)
        tpu.yield
      }) : () -> ()
      "tpu.region"() ({
        %run_scoped3A = tpu.sem_alloc : memref<!tpu.dma_semaphore, #tpu.memory_space<semaphore_mem>>
        %dma_start3A = arith.constant 0 : i32
        %dma_start3A_31 = tpu.memref_slice %arg5[%add3A_2, %dma_start3A] : memref<100x1024xi32, #tpu.memory_space<hbm>> -> memref<1x1024xi32, #tpu.memory_space<hbm>>
        %dma_start3A_32 = tpu.memref_squeeze %dma_start3A_31 : memref<1x1024xi32, #tpu.memory_space<hbm>> -> memref<1024xi32, #tpu.memory_space<hbm>>
        %dma_start3A_33 = arith.constant 0 : i32
        %dma_start3A_34 = tpu.memref_slice %arg5[%add3A_2, %dma_start3A_33] : memref<100x1024xi32, #tpu.memory_space<hbm>> -> memref<1x1024xi32, #tpu.memory_space<hbm>>
        %dma_start3A_35 = tpu.memref_squeeze %dma_start3A_34 : memref<1x1024xi32, #tpu.memory_space<hbm>> -> memref<1024xi32, #tpu.memory_space<hbm>>
        tpu.enqueue_dma source(%dma_start3A_35 : memref<1024xi32, #tpu.memory_space<hbm>>) target(%arg11 : memref<1024xi32, #tpu.memory_space<vmem>>) target_semaphore(%run_scoped3A : memref<!tpu.dma_semaphore, #tpu.memory_space<semaphore_mem>>)
        %dma_wait3A = arith.constant 0 : i32
        %dma_wait3A_36 = tpu.memref_slice %arg5[%add3A_2, %dma_wait3A] : memref<100x1024xi32, #tpu.memory_space<hbm>> -> memref<1x1024xi32, #tpu.memory_space<hbm>>
        %dma_wait3A_37 = tpu.memref_squeeze %dma_wait3A_36 : memref<1x1024xi32, #tpu.memory_space<hbm>> -> memref<1024xi32, #tpu.memory_space<hbm>>
        %dma_wait3A_38 = arith.constant 0 : i32
        %dma_wait3A_39 = tpu.memref_slice %arg5[%add3A_2, %dma_wait3A_38] : memref<100x1024xi32, #tpu.memory_space<hbm>> -> memref<1x1024xi32, #tpu.memory_space<hbm>>
        %dma_wait3A_40 = tpu.memref_squeeze %dma_wait3A_39 : memref<1x1024xi32, #tpu.memory_space<hbm>> -> memref<1024xi32, #tpu.memory_space<hbm>>
        tpu.wait_dma2 semaphore(%run_scoped3A : memref<!tpu.dma_semaphore, #tpu.memory_space<semaphore_mem>>) src(%dma_wait3A_40 : memref<1024xi32, #tpu.memory_space<hbm>>) dst(%arg11 : memref<1024xi32, #tpu.memory_space<vmem>>)
        tpu.yield
      }) : () -> ()
      "tpu.region"() ({
        %run_scoped3A = tpu.sem_alloc : memref<!tpu.dma_semaphore, #tpu.memory_space<semaphore_mem>>
        %dma_start3A = arith.constant 0 : i32
        %dma_start3A_31 = tpu.memref_slice %arg6[%add3A_2, %dma_start3A] : memref<100x1024xf32, #tpu.memory_space<hbm>> -> memref<1x1024xf32, #tpu.memory_space<hbm>>
        %dma_start3A_32 = tpu.memref_squeeze %dma_start3A_31 : memref<1x1024xf32, #tpu.memory_space<hbm>> -> memref<1024xf32, #tpu.memory_space<hbm>>
        %dma_start3A_33 = arith.constant 0 : i32
        %dma_start3A_34 = tpu.memref_slice %arg6[%add3A_2, %dma_start3A_33] : memref<100x1024xf32, #tpu.memory_space<hbm>> -> memref<1x1024xf32, #tpu.memory_space<hbm>>
        %dma_start3A_35 = tpu.memref_squeeze %dma_start3A_34 : memref<1x1024xf32, #tpu.memory_space<hbm>> -> memref<1024xf32, #tpu.memory_space<hbm>>
        tpu.enqueue_dma source(%dma_start3A_35 : memref<1024xf32, #tpu.memory_space<hbm>>) target(%arg12 : memref<1024xf32, #tpu.memory_space<vmem>>) target_semaphore(%run_scoped3A : memref<!tpu.dma_semaphore, #tpu.memory_space<semaphore_mem>>)
        %dma_wait3A = arith.constant 0 : i32
        %dma_wait3A_36 = tpu.memref_slice %arg6[%add3A_2, %dma_wait3A] : memref<100x1024xf32, #tpu.memory_space<hbm>> -> memref<1x1024xf32, #tpu.memory_space<hbm>>
        %dma_wait3A_37 = tpu.memref_squeeze %dma_wait3A_36 : memref<1x1024xf32, #tpu.memory_space<hbm>> -> memref<1024xf32, #tpu.memory_space<hbm>>
        %dma_wait3A_38 = arith.constant 0 : i32
        %dma_wait3A_39 = tpu.memref_slice %arg6[%add3A_2, %dma_wait3A_38] : memref<100x1024xf32, #tpu.memory_space<hbm>> -> memref<1x1024xf32, #tpu.memory_space<hbm>>
        %dma_wait3A_40 = tpu.memref_squeeze %dma_wait3A_39 : memref<1x1024xf32, #tpu.memory_space<hbm>> -> memref<1024xf32, #tpu.memory_space<hbm>>
        tpu.wait_dma2 semaphore(%run_scoped3A : memref<!tpu.dma_semaphore, #tpu.memory_space<semaphore_mem>>) src(%dma_wait3A_40 : memref<1024xf32, #tpu.memory_space<hbm>>) dst(%arg12 : memref<1024xf32, #tpu.memory_space<vmem>>)
        tpu.yield
      }) : () -> ()
      %scan3A = arith.constant 0 : i32
      %scan3A_26 = arith.constant 0 : i32
      %scan3A_27 = arith.constant 64 : i32
      %scan3A_28 = arith.addi %scan3A_26, %scan3A_27 : i32
      %scan3A_29 = arith.constant 1 : i32
      scf.for %scan3A_31 = %scan3A_26 to %scan3A_28 step %scan3A_29  : i32 {
        %mul3A_32 = arith.constant 16 : i32
        %mul3A_33 = arith.muli %scan3A_31, %mul3A_32 : i32
        %get3A = arith.index_cast %mul3A_33 : i32 to index
        %get3A_34 = tpu.vector_load %arg9[%get3A] {strides = array<i32>} : memref<1024xi32, #tpu.memory_space<vmem>>, vector<16xi32>,
        %mul3A_35 = arith.constant 16 : i32
        %mul3A_36 = arith.muli %scan3A_31, %mul3A_35 : i32
        %get3A_37 = arith.index_cast %mul3A_36 : i32 to index
        %get3A_38 = tpu.vector_load %arg10[%get3A_37] {strides = array<i32>} : memref<1024xf32, #tpu.memory_space<vmem>>, vector<16xf32>,
        tpu.vector_store_idx %arg8[%get3A_34], %get3A_38 {add = true} : memref<16384xf32, #tpu.memory_space<vmem>>[vector<16xi32>], vector<16xf32>,
        %mul3A_39 = arith.constant 16 : i32
        %mul3A_40 = arith.muli %scan3A_31, %mul3A_39 : i32
        %get3A_41 = arith.index_cast %mul3A_40 : i32 to index
        %get3A_42 = tpu.vector_load %arg11[%get3A_41] {strides = array<i32>} : memref<1024xi32, #tpu.memory_space<vmem>>, vector<16xi32>,
        %mul3A_43 = arith.constant 16 : i32
        %mul3A_44 = arith.muli %scan3A_31, %mul3A_43 : i32
        %get3A_45 = arith.index_cast %mul3A_44 : i32 to index
        %get3A_46 = tpu.vector_load %arg12[%get3A_45] {strides = array<i32>} : memref<1024xf32, #tpu.memory_space<vmem>>, vector<16xf32>,
        tpu.vector_store_idx %arg8[%get3A_42], %get3A_46 {add = true} : memref<16384xf32, #tpu.memory_space<vmem>>[vector<16xi32>], vector<16xf32>,
      }
      %scan3A_30 = arith.constant 64 : i32
      "tpu.region"() ({
        %run_scoped3A = tpu.sem_alloc : memref<!tpu.dma_semaphore, #tpu.memory_space<semaphore_mem>>
        %dma_start3A = arith.constant 0 : i32
        %dma_start3A_31 = tpu.memref_slice %arg7[%add3A_2, %dma_start3A] : memref<104x16384xf32, #tpu.memory_space<hbm>> -> memref<1x16384xf32, #tpu.memory_space<hbm>>
        %dma_start3A_32 = tpu.memref_squeeze %dma_start3A_31 : memref<1x16384xf32, #tpu.memory_space<hbm>> -> memref<16384xf32, #tpu.memory_space<hbm>>
        %dma_start3A_33 = arith.constant 0 : i32
        %dma_start3A_34 = tpu.memref_slice %arg7[%add3A_2, %dma_start3A_33] : memref<104x16384xf32, #tpu.memory_space<hbm>> -> memref<1x16384xf32, #tpu.memory_space<hbm>>
        %dma_start3A_35 = tpu.memref_squeeze %dma_start3A_34 : memref<1x16384xf32, #tpu.memory_space<hbm>> -> memref<16384xf32, #tpu.memory_space<hbm>>
        tpu.enqueue_dma source(%arg8 : memref<16384xf32, #tpu.memory_space<vmem>>) target(%dma_start3A_35 : memref<16384xf32, #tpu.memory_space<hbm>>) target_semaphore(%run_scoped3A : memref<!tpu.dma_semaphore, #tpu.memory_space<semaphore_mem>>)
        %dma_wait3A = arith.constant 0 : i32
        %dma_wait3A_36 = tpu.memref_slice %arg7[%add3A_2, %dma_wait3A] : memref<104x16384xf32, #tpu.memory_space<hbm>> -> memref<1x16384xf32, #tpu.memory_space<hbm>>
        %dma_wait3A_37 = tpu.memref_squeeze %dma_wait3A_36 : memref<1x16384xf32, #tpu.memory_space<hbm>> -> memref<16384xf32, #tpu.memory_space<hbm>>
        %dma_wait3A_38 = arith.constant 0 : i32
        %dma_wait3A_39 = tpu.memref_slice %arg7[%add3A_2, %dma_wait3A_38] : memref<104x16384xf32, #tpu.memory_space<hbm>> -> memref<1x16384xf32, #tpu.memory_space<hbm>>
        %dma_wait3A_40 = tpu.memref_squeeze %dma_wait3A_39 : memref<1x16384xf32, #tpu.memory_space<hbm>> -> memref<16384xf32, #tpu.memory_space<hbm>>
        tpu.wait_dma2 semaphore(%run_scoped3A : memref<!tpu.dma_semaphore, #tpu.memory_space<semaphore_mem>>) src(%arg8 : memref<16384xf32, #tpu.memory_space<vmem>>) dst(%dma_wait3A_40 : memref<16384xf32, #tpu.memory_space<hbm>>)
        tpu.yield
      }) : () -> ()
    } else {
    }
    %add3A_5 = arith.constant 32 : i32
    %add3A_6 = arith.addi %add3A, %add3A_5 : i32
    %lt3A_7 = arith.constant 100 : i32
    %lt3A_8 = arith.cmpi slt, %add3A_6, %lt3A_7 : i32
    %convert_element_type3A_9 = arith.extui %lt3A_8 : i1 to i32
    %cond3A_10 = arith.constant 0 : i32
    %cond3A_11 = arith.cmpi ne, %convert_element_type3A_9, %cond3A_10 : i32
    scf.if %cond3A_11 {
      "tpu.region"() ({
        %run_scoped3A = tpu.sem_alloc : memref<!tpu.dma_semaphore, #tpu.memory_space<semaphore_mem>>
        %dma_start3A = arith.constant 0 : i32
        %dma_start3A_31 = tpu.memref_slice %arg2[%add3A_6, %dma_start3A] : memref<104x16384xf32, #tpu.memory_space<hbm>> -> memref<1x16384xf32, #tpu.memory_space<hbm>>
        %dma_start3A_32 = tpu.memref_squeeze %dma_start3A_31 : memref<1x16384xf32, #tpu.memory_space<hbm>> -> memref<16384xf32, #tpu.memory_space<hbm>>
        %dma_start3A_33 = arith.constant 0 : i32
        %dma_start3A_34 = tpu.memref_slice %arg2[%add3A_6, %dma_start3A_33] : memref<104x16384xf32, #tpu.memory_space<hbm>> -> memref<1x16384xf32, #tpu.memory_space<hbm>>
        %dma_start3A_35 = tpu.memref_squeeze %dma_start3A_34 : memref<1x16384xf32, #tpu.memory_space<hbm>> -> memref<16384xf32, #tpu.memory_space<hbm>>
        tpu.enqueue_dma source(%dma_start3A_35 : memref<16384xf32, #tpu.memory_space<hbm>>) target(%arg8 : memref<16384xf32, #tpu.memory_space<vmem>>) target_semaphore(%run_scoped3A : memref<!tpu.dma_semaphore, #tpu.memory_space<semaphore_mem>>)
        %dma_wait3A = arith.constant 0 : i32
        %dma_wait3A_36 = tpu.memref_slice %arg2[%add3A_6, %dma_wait3A] : memref<104x16384xf32, #tpu.memory_space<hbm>> -> memref<1x16384xf32, #tpu.memory_space<hbm>>
        %dma_wait3A_37 = tpu.memref_squeeze %dma_wait3A_36 : memref<1x16384xf32, #tpu.memory_space<hbm>> -> memref<16384xf32, #tpu.memory_space<hbm>>
        %dma_wait3A_38 = arith.constant 0 : i32
        %dma_wait3A_39 = tpu.memref_slice %arg2[%add3A_6, %dma_wait3A_38] : memref<104x16384xf32, #tpu.memory_space<hbm>> -> memref<1x16384xf32, #tpu.memory_space<hbm>>
        %dma_wait3A_40 = tpu.memref_squeeze %dma_wait3A_39 : memref<1x16384xf32, #tpu.memory_space<hbm>> -> memref<16384xf32, #tpu.memory_space<hbm>>
        tpu.wait_dma2 semaphore(%run_scoped3A : memref<!tpu.dma_semaphore, #tpu.memory_space<semaphore_mem>>) src(%dma_wait3A_40 : memref<16384xf32, #tpu.memory_space<hbm>>) dst(%arg8 : memref<16384xf32, #tpu.memory_space<vmem>>)
        tpu.yield
      }) : () -> ()
      "tpu.region"() ({
        %run_scoped3A = tpu.sem_alloc : memref<!tpu.dma_semaphore, #tpu.memory_space<semaphore_mem>>
        %dma_start3A = arith.constant 0 : i32
        %dma_start3A_31 = tpu.memref_slice %arg3[%add3A_6, %dma_start3A] : memref<100x1024xi32, #tpu.memory_space<hbm>> -> memref<1x1024xi32, #tpu.memory_space<hbm>>
        %dma_start3A_32 = tpu.memref_squeeze %dma_start3A_31 : memref<1x1024xi32, #tpu.memory_space<hbm>> -> memref<1024xi32, #tpu.memory_space<hbm>>
        %dma_start3A_33 = arith.constant 0 : i32
        %dma_start3A_34 = tpu.memref_slice %arg3[%add3A_6, %dma_start3A_33] : memref<100x1024xi32, #tpu.memory_space<hbm>> -> memref<1x1024xi32, #tpu.memory_space<hbm>>
        %dma_start3A_35 = tpu.memref_squeeze %dma_start3A_34 : memref<1x1024xi32, #tpu.memory_space<hbm>> -> memref<1024xi32, #tpu.memory_space<hbm>>
        tpu.enqueue_dma source(%dma_start3A_35 : memref<1024xi32, #tpu.memory_space<hbm>>) target(%arg9 : memref<1024xi32, #tpu.memory_space<vmem>>) target_semaphore(%run_scoped3A : memref<!tpu.dma_semaphore, #tpu.memory_space<semaphore_mem>>)
        %dma_wait3A = arith.constant 0 : i32
        %dma_wait3A_36 = tpu.memref_slice %arg3[%add3A_6, %dma_wait3A] : memref<100x1024xi32, #tpu.memory_space<hbm>> -> memref<1x1024xi32, #tpu.memory_space<hbm>>
        %dma_wait3A_37 = tpu.memref_squeeze %dma_wait3A_36 : memref<1x1024xi32, #tpu.memory_space<hbm>> -> memref<1024xi32, #tpu.memory_space<hbm>>
        %dma_wait3A_38 = arith.constant 0 : i32
        %dma_wait3A_39 = tpu.memref_slice %arg3[%add3A_6, %dma_wait3A_38] : memref<100x1024xi32, #tpu.memory_space<hbm>> -> memref<1x1024xi32, #tpu.memory_space<hbm>>
        %dma_wait3A_40 = tpu.memref_squeeze %dma_wait3A_39 : memref<1x1024xi32, #tpu.memory_space<hbm>> -> memref<1024xi32, #tpu.memory_space<hbm>>
        tpu.wait_dma2 semaphore(%run_scoped3A : memref<!tpu.dma_semaphore, #tpu.memory_space<semaphore_mem>>) src(%dma_wait3A_40 : memref<1024xi32, #tpu.memory_space<hbm>>) dst(%arg9 : memref<1024xi32, #tpu.memory_space<vmem>>)
        tpu.yield
      }) : () -> ()
      "tpu.region"() ({
        %run_scoped3A = tpu.sem_alloc : memref<!tpu.dma_semaphore, #tpu.memory_space<semaphore_mem>>
        %dma_start3A = arith.constant 0 : i32
        %dma_start3A_31 = tpu.memref_slice %arg4[%add3A_6, %dma_start3A] : memref<100x1024xf32, #tpu.memory_space<hbm>> -> memref<1x1024xf32, #tpu.memory_space<hbm>>
        %dma_start3A_32 = tpu.memref_squeeze %dma_start3A_31 : memref<1x1024xf32, #tpu.memory_space<hbm>> -> memref<1024xf32, #tpu.memory_space<hbm>>
        %dma_start3A_33 = arith.constant 0 : i32
        %dma_start3A_34 = tpu.memref_slice %arg4[%add3A_6, %dma_start3A_33] : memref<100x1024xf32, #tpu.memory_space<hbm>> -> memref<1x1024xf32, #tpu.memory_space<hbm>>
        %dma_start3A_35 = tpu.memref_squeeze %dma_start3A_34 : memref<1x1024xf32, #tpu.memory_space<hbm>> -> memref<1024xf32, #tpu.memory_space<hbm>>
        tpu.enqueue_dma source(%dma_start3A_35 : memref<1024xf32, #tpu.memory_space<hbm>>) target(%arg10 : memref<1024xf32, #tpu.memory_space<vmem>>) target_semaphore(%run_scoped3A : memref<!tpu.dma_semaphore, #tpu.memory_space<semaphore_mem>>)
        %dma_wait3A = arith.constant 0 : i32
        %dma_wait3A_36 = tpu.memref_slice %arg4[%add3A_6, %dma_wait3A] : memref<100x1024xf32, #tpu.memory_space<hbm>> -> memref<1x1024xf32, #tpu.memory_space<hbm>>
        %dma_wait3A_37 = tpu.memref_squeeze %dma_wait3A_36 : memref<1x1024xf32, #tpu.memory_space<hbm>> -> memref<1024xf32, #tpu.memory_space<hbm>>
        %dma_wait3A_38 = arith.constant 0 : i32
        %dma_wait3A_39 = tpu.memref_slice %arg4[%add3A_6, %dma_wait3A_38] : memref<100x1024xf32, #tpu.memory_space<hbm>> -> memref<1x1024xf32, #tpu.memory_space<hbm>>
        %dma_wait3A_40 = tpu.memref_squeeze %dma_wait3A_39 : memref<1x1024xf32, #tpu.memory_space<hbm>> -> memref<1024xf32, #tpu.memory_space<hbm>>
        tpu.wait_dma2 semaphore(%run_scoped3A : memref<!tpu.dma_semaphore, #tpu.memory_space<semaphore_mem>>) src(%dma_wait3A_40 : memref<1024xf32, #tpu.memory_space<hbm>>) dst(%arg10 : memref<1024xf32, #tpu.memory_space<vmem>>)
        tpu.yield
      }) : () -> ()
      "tpu.region"() ({
        %run_scoped3A = tpu.sem_alloc : memref<!tpu.dma_semaphore, #tpu.memory_space<semaphore_mem>>
        %dma_start3A = arith.constant 0 : i32
        %dma_start3A_31 = tpu.memref_slice %arg5[%add3A_6, %dma_start3A] : memref<100x1024xi32, #tpu.memory_space<hbm>> -> memref<1x1024xi32, #tpu.memory_space<hbm>>
        %dma_start3A_32 = tpu.memref_squeeze %dma_start3A_31 : memref<1x1024xi32, #tpu.memory_space<hbm>> -> memref<1024xi32, #tpu.memory_space<hbm>>
        %dma_start3A_33 = arith.constant 0 : i32
        %dma_start3A_34 = tpu.memref_slice %arg5[%add3A_6, %dma_start3A_33] : memref<100x1024xi32, #tpu.memory_space<hbm>> -> memref<1x1024xi32, #tpu.memory_space<hbm>>
        %dma_start3A_35 = tpu.memref_squeeze %dma_start3A_34 : memref<1x1024xi32, #tpu.memory_space<hbm>> -> memref<1024xi32, #tpu.memory_space<hbm>>
        tpu.enqueue_dma source(%dma_start3A_35 : memref<1024xi32, #tpu.memory_space<hbm>>) target(%arg11 : memref<1024xi32, #tpu.memory_space<vmem>>) target_semaphore(%run_scoped3A : memref<!tpu.dma_semaphore, #tpu.memory_space<semaphore_mem>>)
        %dma_wait3A = arith.constant 0 : i32
        %dma_wait3A_36 = tpu.memref_slice %arg5[%add3A_6, %dma_wait3A] : memref<100x1024xi32, #tpu.memory_space<hbm>> -> memref<1x1024xi32, #tpu.memory_space<hbm>>
        %dma_wait3A_37 = tpu.memref_squeeze %dma_wait3A_36 : memref<1x1024xi32, #tpu.memory_space<hbm>> -> memref<1024xi32, #tpu.memory_space<hbm>>
        %dma_wait3A_38 = arith.constant 0 : i32
        %dma_wait3A_39 = tpu.memref_slice %arg5[%add3A_6, %dma_wait3A_38] : memref<100x1024xi32, #tpu.memory_space<hbm>> -> memref<1x1024xi32, #tpu.memory_space<hbm>>
        %dma_wait3A_40 = tpu.memref_squeeze %dma_wait3A_39 : memref<1x1024xi32, #tpu.memory_space<hbm>> -> memref<1024xi32, #tpu.memory_space<hbm>>
        tpu.wait_dma2 semaphore(%run_scoped3A : memref<!tpu.dma_semaphore, #tpu.memory_space<semaphore_mem>>) src(%dma_wait3A_40 : memref<1024xi32, #tpu.memory_space<hbm>>) dst(%arg11 : memref<1024xi32, #tpu.memory_space<vmem>>)
        tpu.yield
      }) : () -> ()
      "tpu.region"() ({
        %run_scoped3A = tpu.sem_alloc : memref<!tpu.dma_semaphore, #tpu.memory_space<semaphore_mem>>
        %dma_start3A = arith.constant 0 : i32
        %dma_start3A_31 = tpu.memref_slice %arg6[%add3A_6, %dma_start3A] : memref<100x1024xf32, #tpu.memory_space<hbm>> -> memref<1x1024xf32, #tpu.memory_space<hbm>>
        %dma_start3A_32 = tpu.memref_squeeze %dma_start3A_31 : memref<1x1024xf32, #tpu.memory_space<hbm>> -> memref<1024xf32, #tpu.memory_space<hbm>>
        %dma_start3A_33 = arith.constant 0 : i32
        %dma_start3A_34 = tpu.memref_slice %arg6[%add3A_6, %dma_start3A_33] : memref<100x1024xf32, #tpu.memory_space<hbm>> -> memref<1x1024xf32, #tpu.memory_space<hbm>>
        %dma_start3A_35 = tpu.memref_squeeze %dma_start3A_34 : memref<1x1024xf32, #tpu.memory_space<hbm>> -> memref<1024xf32, #tpu.memory_space<hbm>>
        tpu.enqueue_dma source(%dma_start3A_35 : memref<1024xf32, #tpu.memory_space<hbm>>) target(%arg12 : memref<1024xf32, #tpu.memory_space<vmem>>) target_semaphore(%run_scoped3A : memref<!tpu.dma_semaphore, #tpu.memory_space<semaphore_mem>>)
        %dma_wait3A = arith.constant 0 : i32
        %dma_wait3A_36 = tpu.memref_slice %arg6[%add3A_6, %dma_wait3A] : memref<100x1024xf32, #tpu.memory_space<hbm>> -> memref<1x1024xf32, #tpu.memory_space<hbm>>
        %dma_wait3A_37 = tpu.memref_squeeze %dma_wait3A_36 : memref<1x1024xf32, #tpu.memory_space<hbm>> -> memref<1024xf32, #tpu.memory_space<hbm>>
        %dma_wait3A_38 = arith.constant 0 : i32
        %dma_wait3A_39 = tpu.memref_slice %arg6[%add3A_6, %dma_wait3A_38] : memref<100x1024xf32, #tpu.memory_space<hbm>> -> memref<1x1024xf32, #tpu.memory_space<hbm>>
        %dma_wait3A_40 = tpu.memref_squeeze %dma_wait3A_39 : memref<1x1024xf32, #tpu.memory_space<hbm>> -> memref<1024xf32, #tpu.memory_space<hbm>>
        tpu.wait_dma2 semaphore(%run_scoped3A : memref<!tpu.dma_semaphore, #tpu.memory_space<semaphore_mem>>) src(%dma_wait3A_40 : memref<1024xf32, #tpu.memory_space<hbm>>) dst(%arg12 : memref<1024xf32, #tpu.memory_space<vmem>>)
        tpu.yield
      }) : () -> ()
      %scan3A = arith.constant 0 : i32
      %scan3A_26 = arith.constant 0 : i32
      %scan3A_27 = arith.constant 64 : i32
      %scan3A_28 = arith.addi %scan3A_26, %scan3A_27 : i32
      %scan3A_29 = arith.constant 1 : i32
      scf.for %scan3A_31 = %scan3A_26 to %scan3A_28 step %scan3A_29  : i32 {
        %mul3A_32 = arith.constant 16 : i32
        %mul3A_33 = arith.muli %scan3A_31, %mul3A_32 : i32
        %get3A = arith.index_cast %mul3A_33 : i32 to index
        %get3A_34 = tpu.vector_load %arg9[%get3A] {strides = array<i32>} : memref<1024xi32, #tpu.memory_space<vmem>>, vector<16xi32>,
        %mul3A_35 = arith.constant 16 : i32
        %mul3A_36 = arith.muli %scan3A_31, %mul3A_35 : i32
        %get3A_37 = arith.index_cast %mul3A_36 : i32 to index
        %get3A_38 = tpu.vector_load %arg10[%get3A_37] {strides = array<i32>} : memref<1024xf32, #tpu.memory_space<vmem>>, vector<16xf32>,
        tpu.vector_store_idx %arg8[%get3A_34], %get3A_38 {add = true} : memref<16384xf32, #tpu.memory_space<vmem>>[vector<16xi32>], vector<16xf32>,
        %mul3A_39 = arith.constant 16 : i32
        %mul3A_40 = arith.muli %scan3A_31, %mul3A_39 : i32
        %get3A_41 = arith.index_cast %mul3A_40 : i32 to index
        %get3A_42 = tpu.vector_load %arg11[%get3A_41] {strides = array<i32>} : memref<1024xi32, #tpu.memory_space<vmem>>, vector<16xi32>,
        %mul3A_43 = arith.constant 16 : i32
        %mul3A_44 = arith.muli %scan3A_31, %mul3A_43 : i32
        %get3A_45 = arith.index_cast %mul3A_44 : i32 to index
        %get3A_46 = tpu.vector_load %arg12[%get3A_45] {strides = array<i32>} : memref<1024xf32, #tpu.memory_space<vmem>>, vector<16xf32>,
        tpu.vector_store_idx %arg8[%get3A_42], %get3A_46 {add = true} : memref<16384xf32, #tpu.memory_space<vmem>>[vector<16xi32>], vector<16xf32>,
      }
      %scan3A_30 = arith.constant 64 : i32
      "tpu.region"() ({
        %run_scoped3A = tpu.sem_alloc : memref<!tpu.dma_semaphore, #tpu.memory_space<semaphore_mem>>
        %dma_start3A = arith.constant 0 : i32
        %dma_start3A_31 = tpu.memref_slice %arg7[%add3A_6, %dma_start3A] : memref<104x16384xf32, #tpu.memory_space<hbm>> -> memref<1x16384xf32, #tpu.memory_space<hbm>>
        %dma_start3A_32 = tpu.memref_squeeze %dma_start3A_31 : memref<1x16384xf32, #tpu.memory_space<hbm>> -> memref<16384xf32, #tpu.memory_space<hbm>>
        %dma_start3A_33 = arith.constant 0 : i32
        %dma_start3A_34 = tpu.memref_slice %arg7[%add3A_6, %dma_start3A_33] : memref<104x16384xf32, #tpu.memory_space<hbm>> -> memref<1x16384xf32, #tpu.memory_space<hbm>>
        %dma_start3A_35 = tpu.memref_squeeze %dma_start3A_34 : memref<1x16384xf32, #tpu.memory_space<hbm>> -> memref<16384xf32, #tpu.memory_space<hbm>>
        tpu.enqueue_dma source(%arg8 : memref<16384xf32, #tpu.memory_space<vmem>>) target(%dma_start3A_35 : memref<16384xf32, #tpu.memory_space<hbm>>) target_semaphore(%run_scoped3A : memref<!tpu.dma_semaphore, #tpu.memory_space<semaphore_mem>>)
        %dma_wait3A = arith.constant 0 : i32
        %dma_wait3A_36 = tpu.memref_slice %arg7[%add3A_6, %dma_wait3A] : memref<104x16384xf32, #tpu.memory_space<hbm>> -> memref<1x16384xf32, #tpu.memory_space<hbm>>
        %dma_wait3A_37 = tpu.memref_squeeze %dma_wait3A_36 : memref<1x16384xf32, #tpu.memory_space<hbm>> -> memref<16384xf32, #tpu.memory_space<hbm>>
        %dma_wait3A_38 = arith.constant 0 : i32
        %dma_wait3A_39 = tpu.memref_slice %arg7[%add3A_6, %dma_wait3A_38] : memref<104x16384xf32, #tpu.memory_space<hbm>> -> memref<1x16384xf32, #tpu.memory_space<hbm>>
        %dma_wait3A_40 = tpu.memref_squeeze %dma_wait3A_39 : memref<1x16384xf32, #tpu.memory_space<hbm>> -> memref<16384xf32, #tpu.memory_space<hbm>>
        tpu.wait_dma2 semaphore(%run_scoped3A : memref<!tpu.dma_semaphore, #tpu.memory_space<semaphore_mem>>) src(%arg8 : memref<16384xf32, #tpu.memory_space<vmem>>) dst(%dma_wait3A_40 : memref<16384xf32, #tpu.memory_space<hbm>>)
        tpu.yield
      }) : () -> ()
    } else {
    }
    %add3A_12 = arith.constant 64 : i32
    %add3A_13 = arith.addi %add3A, %add3A_12 : i32
    %lt3A_14 = arith.constant 100 : i32
    %lt3A_15 = arith.cmpi slt, %add3A_13, %lt3A_14 : i32
    %convert_element_type3A_16 = arith.extui %lt3A_15 : i1 to i32
    %cond3A_17 = arith.constant 0 : i32
    %cond3A_18 = arith.cmpi ne, %convert_element_type3A_16, %cond3A_17 : i32
    scf.if %cond3A_18 {
      "tpu.region"() ({
        %run_scoped3A = tpu.sem_alloc : memref<!tpu.dma_semaphore, #tpu.memory_space<semaphore_mem>>
        %dma_start3A = arith.constant 0 : i32
        %dma_start3A_31 = tpu.memref_slice %arg2[%add3A_13, %dma_start3A] : memref<104x16384xf32, #tpu.memory_space<hbm>> -> memref<1x16384xf32, #tpu.memory_space<hbm>>
        %dma_start3A_32 = tpu.memref_squeeze %dma_start3A_31 : memref<1x16384xf32, #tpu.memory_space<hbm>> -> memref<16384xf32, #tpu.memory_space<hbm>>
        %dma_start3A_33 = arith.constant 0 : i32
        %dma_start3A_34 = tpu.memref_slice %arg2[%add3A_13, %dma_start3A_33] : memref<104x16384xf32, #tpu.memory_space<hbm>> -> memref<1x16384xf32, #tpu.memory_space<hbm>>
        %dma_start3A_35 = tpu.memref_squeeze %dma_start3A_34 : memref<1x16384xf32, #tpu.memory_space<hbm>> -> memref<16384xf32, #tpu.memory_space<hbm>>
        tpu.enqueue_dma source(%dma_start3A_35 : memref<16384xf32, #tpu.memory_space<hbm>>) target(%arg8 : memref<16384xf32, #tpu.memory_space<vmem>>) target_semaphore(%run_scoped3A : memref<!tpu.dma_semaphore, #tpu.memory_space<semaphore_mem>>)
        %dma_wait3A = arith.constant 0 : i32
        %dma_wait3A_36 = tpu.memref_slice %arg2[%add3A_13, %dma_wait3A] : memref<104x16384xf32, #tpu.memory_space<hbm>> -> memref<1x16384xf32, #tpu.memory_space<hbm>>
        %dma_wait3A_37 = tpu.memref_squeeze %dma_wait3A_36 : memref<1x16384xf32, #tpu.memory_space<hbm>> -> memref<16384xf32, #tpu.memory_space<hbm>>
        %dma_wait3A_38 = arith.constant 0 : i32
        %dma_wait3A_39 = tpu.memref_slice %arg2[%add3A_13, %dma_wait3A_38] : memref<104x16384xf32, #tpu.memory_space<hbm>> -> memref<1x16384xf32, #tpu.memory_space<hbm>>
        %dma_wait3A_40 = tpu.memref_squeeze %dma_wait3A_39 : memref<1x16384xf32, #tpu.memory_space<hbm>> -> memref<16384xf32, #tpu.memory_space<hbm>>
        tpu.wait_dma2 semaphore(%run_scoped3A : memref<!tpu.dma_semaphore, #tpu.memory_space<semaphore_mem>>) src(%dma_wait3A_40 : memref<16384xf32, #tpu.memory_space<hbm>>) dst(%arg8 : memref<16384xf32, #tpu.memory_space<vmem>>)
        tpu.yield
      }) : () -> ()
      "tpu.region"() ({
        %run_scoped3A = tpu.sem_alloc : memref<!tpu.dma_semaphore, #tpu.memory_space<semaphore_mem>>
        %dma_start3A = arith.constant 0 : i32
        %dma_start3A_31 = tpu.memref_slice %arg3[%add3A_13, %dma_start3A] : memref<100x1024xi32, #tpu.memory_space<hbm>> -> memref<1x1024xi32, #tpu.memory_space<hbm>>
        %dma_start3A_32 = tpu.memref_squeeze %dma_start3A_31 : memref<1x1024xi32, #tpu.memory_space<hbm>> -> memref<1024xi32, #tpu.memory_space<hbm>>
        %dma_start3A_33 = arith.constant 0 : i32
        %dma_start3A_34 = tpu.memref_slice %arg3[%add3A_13, %dma_start3A_33] : memref<100x1024xi32, #tpu.memory_space<hbm>> -> memref<1x1024xi32, #tpu.memory_space<hbm>>
        %dma_start3A_35 = tpu.memref_squeeze %dma_start3A_34 : memref<1x1024xi32, #tpu.memory_space<hbm>> -> memref<1024xi32, #tpu.memory_space<hbm>>
        tpu.enqueue_dma source(%dma_start3A_35 : memref<1024xi32, #tpu.memory_space<hbm>>) target(%arg9 : memref<1024xi32, #tpu.memory_space<vmem>>) target_semaphore(%run_scoped3A : memref<!tpu.dma_semaphore, #tpu.memory_space<semaphore_mem>>)
        %dma_wait3A = arith.constant 0 : i32
        %dma_wait3A_36 = tpu.memref_slice %arg3[%add3A_13, %dma_wait3A] : memref<100x1024xi32, #tpu.memory_space<hbm>> -> memref<1x1024xi32, #tpu.memory_space<hbm>>
        %dma_wait3A_37 = tpu.memref_squeeze %dma_wait3A_36 : memref<1x1024xi32, #tpu.memory_space<hbm>> -> memref<1024xi32, #tpu.memory_space<hbm>>
        %dma_wait3A_38 = arith.constant 0 : i32
        %dma_wait3A_39 = tpu.memref_slice %arg3[%add3A_13, %dma_wait3A_38] : memref<100x1024xi32, #tpu.memory_space<hbm>> -> memref<1x1024xi32, #tpu.memory_space<hbm>>
        %dma_wait3A_40 = tpu.memref_squeeze %dma_wait3A_39 : memref<1x1024xi32, #tpu.memory_space<hbm>> -> memref<1024xi32, #tpu.memory_space<hbm>>
        tpu.wait_dma2 semaphore(%run_scoped3A : memref<!tpu.dma_semaphore, #tpu.memory_space<semaphore_mem>>) src(%dma_wait3A_40 : memref<1024xi32, #tpu.memory_space<hbm>>) dst(%arg9 : memref<1024xi32, #tpu.memory_space<vmem>>)
        tpu.yield
      }) : () -> ()
      "tpu.region"() ({
        %run_scoped3A = tpu.sem_alloc : memref<!tpu.dma_semaphore, #tpu.memory_space<semaphore_mem>>
        %dma_start3A = arith.constant 0 : i32
        %dma_start3A_31 = tpu.memref_slice %arg4[%add3A_13, %dma_start3A] : memref<100x1024xf32, #tpu.memory_space<hbm>> -> memref<1x1024xf32, #tpu.memory_space<hbm>>
        %dma_start3A_32 = tpu.memref_squeeze %dma_start3A_31 : memref<1x1024xf32, #tpu.memory_space<hbm>> -> memref<1024xf32, #tpu.memory_space<hbm>>
        %dma_start3A_33 = arith.constant 0 : i32
        %dma_start3A_34 = tpu.memref_slice %arg4[%add3A_13, %dma_start3A_33] : memref<100x1024xf32, #tpu.memory_space<hbm>> -> memref<1x1024xf32, #tpu.memory_space<hbm>>
        %dma_start3A_35 = tpu.memref_squeeze %dma_start3A_34 : memref<1x1024xf32, #tpu.memory_space<hbm>> -> memref<1024xf32, #tpu.memory_space<hbm>>
        tpu.enqueue_dma source(%dma_start3A_35 : memref<1024xf32, #tpu.memory_space<hbm>>) target(%arg10 : memref<1024xf32, #tpu.memory_space<vmem>>) target_semaphore(%run_scoped3A : memref<!tpu.dma_semaphore, #tpu.memory_space<semaphore_mem>>)
        %dma_wait3A = arith.constant 0 : i32
        %dma_wait3A_36 = tpu.memref_slice %arg4[%add3A_13, %dma_wait3A] : memref<100x1024xf32, #tpu.memory_space<hbm>> -> memref<1x1024xf32, #tpu.memory_space<hbm>>
        %dma_wait3A_37 = tpu.memref_squeeze %dma_wait3A_36 : memref<1x1024xf32, #tpu.memory_space<hbm>> -> memref<1024xf32, #tpu.memory_space<hbm>>
        %dma_wait3A_38 = arith.constant 0 : i32
        %dma_wait3A_39 = tpu.memref_slice %arg4[%add3A_13, %dma_wait3A_38] : memref<100x1024xf32, #tpu.memory_space<hbm>> -> memref<1x1024xf32, #tpu.memory_space<hbm>>
        %dma_wait3A_40 = tpu.memref_squeeze %dma_wait3A_39 : memref<1x1024xf32, #tpu.memory_space<hbm>> -> memref<1024xf32, #tpu.memory_space<hbm>>
        tpu.wait_dma2 semaphore(%run_scoped3A : memref<!tpu.dma_semaphore, #tpu.memory_space<semaphore_mem>>) src(%dma_wait3A_40 : memref<1024xf32, #tpu.memory_space<hbm>>) dst(%arg10 : memref<1024xf32, #tpu.memory_space<vmem>>)
        tpu.yield
      }) : () -> ()
      "tpu.region"() ({
        %run_scoped3A = tpu.sem_alloc : memref<!tpu.dma_semaphore, #tpu.memory_space<semaphore_mem>>
        %dma_start3A = arith.constant 0 : i32
        %dma_start3A_31 = tpu.memref_slice %arg5[%add3A_13, %dma_start3A] : memref<100x1024xi32, #tpu.memory_space<hbm>> -> memref<1x1024xi32, #tpu.memory_space<hbm>>
        %dma_start3A_32 = tpu.memref_squeeze %dma_start3A_31 : memref<1x1024xi32, #tpu.memory_space<hbm>> -> memref<1024xi32, #tpu.memory_space<hbm>>
        %dma_start3A_33 = arith.constant 0 : i32
        %dma_start3A_34 = tpu.memref_slice %arg5[%add3A_13, %dma_start3A_33] : memref<100x1024xi32, #tpu.memory_space<hbm>> -> memref<1x1024xi32, #tpu.memory_space<hbm>>
        %dma_start3A_35 = tpu.memref_squeeze %dma_start3A_34 : memref<1x1024xi32, #tpu.memory_space<hbm>> -> memref<1024xi32, #tpu.memory_space<hbm>>
        tpu.enqueue_dma source(%dma_start3A_35 : memref<1024xi32, #tpu.memory_space<hbm>>) target(%arg11 : memref<1024xi32, #tpu.memory_space<vmem>>) target_semaphore(%run_scoped3A : memref<!tpu.dma_semaphore, #tpu.memory_space<semaphore_mem>>)
        %dma_wait3A = arith.constant 0 : i32
        %dma_wait3A_36 = tpu.memref_slice %arg5[%add3A_13, %dma_wait3A] : memref<100x1024xi32, #tpu.memory_space<hbm>> -> memref<1x1024xi32, #tpu.memory_space<hbm>>
        %dma_wait3A_37 = tpu.memref_squeeze %dma_wait3A_36 : memref<1x1024xi32, #tpu.memory_space<hbm>> -> memref<1024xi32, #tpu.memory_space<hbm>>
        %dma_wait3A_38 = arith.constant 0 : i32
        %dma_wait3A_39 = tpu.memref_slice %arg5[%add3A_13, %dma_wait3A_38] : memref<100x1024xi32, #tpu.memory_space<hbm>> -> memref<1x1024xi32, #tpu.memory_space<hbm>>
        %dma_wait3A_40 = tpu.memref_squeeze %dma_wait3A_39 : memref<1x1024xi32, #tpu.memory_space<hbm>> -> memref<1024xi32, #tpu.memory_space<hbm>>
        tpu.wait_dma2 semaphore(%run_scoped3A : memref<!tpu.dma_semaphore, #tpu.memory_space<semaphore_mem>>) src(%dma_wait3A_40 : memref<1024xi32, #tpu.memory_space<hbm>>) dst(%arg11 : memref<1024xi32, #tpu.memory_space<vmem>>)
        tpu.yield
      }) : () -> ()
      "tpu.region"() ({
        %run_scoped3A = tpu.sem_alloc : memref<!tpu.dma_semaphore, #tpu.memory_space<semaphore_mem>>
        %dma_start3A = arith.constant 0 : i32
        %dma_start3A_31 = tpu.memref_slice %arg6[%add3A_13, %dma_start3A] : memref<100x1024xf32, #tpu.memory_space<hbm>> -> memref<1x1024xf32, #tpu.memory_space<hbm>>
        %dma_start3A_32 = tpu.memref_squeeze %dma_start3A_31 : memref<1x1024xf32, #tpu.memory_space<hbm>> -> memref<1024xf32, #tpu.memory_space<hbm>>
        %dma_start3A_33 = arith.constant 0 : i32
        %dma_start3A_34 = tpu.memref_slice %arg6[%add3A_13, %dma_start3A_33] : memref<100x1024xf32, #tpu.memory_space<hbm>> -> memref<1x1024xf32, #tpu.memory_space<hbm>>
        %dma_start3A_35 = tpu.memref_squeeze %dma_start3A_34 : memref<1x1024xf32, #tpu.memory_space<hbm>> -> memref<1024xf32, #tpu.memory_space<hbm>>
        tpu.enqueue_dma source(%dma_start3A_35 : memref<1024xf32, #tpu.memory_space<hbm>>) target(%arg12 : memref<1024xf32, #tpu.memory_space<vmem>>) target_semaphore(%run_scoped3A : memref<!tpu.dma_semaphore, #tpu.memory_space<semaphore_mem>>)
        %dma_wait3A = arith.constant 0 : i32
        %dma_wait3A_36 = tpu.memref_slice %arg6[%add3A_13, %dma_wait3A] : memref<100x1024xf32, #tpu.memory_space<hbm>> -> memref<1x1024xf32, #tpu.memory_space<hbm>>
        %dma_wait3A_37 = tpu.memref_squeeze %dma_wait3A_36 : memref<1x1024xf32, #tpu.memory_space<hbm>> -> memref<1024xf32, #tpu.memory_space<hbm>>
        %dma_wait3A_38 = arith.constant 0 : i32
        %dma_wait3A_39 = tpu.memref_slice %arg6[%add3A_13, %dma_wait3A_38] : memref<100x1024xf32, #tpu.memory_space<hbm>> -> memref<1x1024xf32, #tpu.memory_space<hbm>>
        %dma_wait3A_40 = tpu.memref_squeeze %dma_wait3A_39 : memref<1x1024xf32, #tpu.memory_space<hbm>> -> memref<1024xf32, #tpu.memory_space<hbm>>
        tpu.wait_dma2 semaphore(%run_scoped3A : memref<!tpu.dma_semaphore, #tpu.memory_space<semaphore_mem>>) src(%dma_wait3A_40 : memref<1024xf32, #tpu.memory_space<hbm>>) dst(%arg12 : memref<1024xf32, #tpu.memory_space<vmem>>)
        tpu.yield
      }) : () -> ()
      %scan3A = arith.constant 0 : i32
      %scan3A_26 = arith.constant 0 : i32
      %scan3A_27 = arith.constant 64 : i32
      %scan3A_28 = arith.addi %scan3A_26, %scan3A_27 : i32
      %scan3A_29 = arith.constant 1 : i32
      scf.for %scan3A_31 = %scan3A_26 to %scan3A_28 step %scan3A_29  : i32 {
        %mul3A_32 = arith.constant 16 : i32
        %mul3A_33 = arith.muli %scan3A_31, %mul3A_32 : i32
        %get3A = arith.index_cast %mul3A_33 : i32 to index
        %get3A_34 = tpu.vector_load %arg9[%get3A] {strides = array<i32>} : memref<1024xi32, #tpu.memory_space<vmem>>, vector<16xi32>,
        %mul3A_35 = arith.constant 16 : i32
        %mul3A_36 = arith.muli %scan3A_31, %mul3A_35 : i32
        %get3A_37 = arith.index_cast %mul3A_36 : i32 to index
        %get3A_38 = tpu.vector_load %arg10[%get3A_37] {strides = array<i32>} : memref<1024xf32, #tpu.memory_space<vmem>>, vector<16xf32>,
        tpu.vector_store_idx %arg8[%get3A_34], %get3A_38 {add = true} : memref<16384xf32, #tpu.memory_space<vmem>>[vector<16xi32>], vector<16xf32>,
        %mul3A_39 = arith.constant 16 : i32
        %mul3A_40 = arith.muli %scan3A_31, %mul3A_39 : i32
        %get3A_41 = arith.index_cast %mul3A_40 : i32 to index
        %get3A_42 = tpu.vector_load %arg11[%get3A_41] {strides = array<i32>} : memref<1024xi32, #tpu.memory_space<vmem>>, vector<16xi32>,
        %mul3A_43 = arith.constant 16 : i32
        %mul3A_44 = arith.muli %scan3A_31, %mul3A_43 : i32
        %get3A_45 = arith.index_cast %mul3A_44 : i32 to index
        %get3A_46 = tpu.vector_load %arg12[%get3A_45] {strides = array<i32>} : memref<1024xf32, #tpu.memory_space<vmem>>, vector<16xf32>,
        tpu.vector_store_idx %arg8[%get3A_42], %get3A_46 {add = true} : memref<16384xf32, #tpu.memory_space<vmem>>[vector<16xi32>], vector<16xf32>,
      }
      %scan3A_30 = arith.constant 64 : i32
      "tpu.region"() ({
        %run_scoped3A = tpu.sem_alloc : memref<!tpu.dma_semaphore, #tpu.memory_space<semaphore_mem>>
        %dma_start3A = arith.constant 0 : i32
        %dma_start3A_31 = tpu.memref_slice %arg7[%add3A_13, %dma_start3A] : memref<104x16384xf32, #tpu.memory_space<hbm>> -> memref<1x16384xf32, #tpu.memory_space<hbm>>
        %dma_start3A_32 = tpu.memref_squeeze %dma_start3A_31 : memref<1x16384xf32, #tpu.memory_space<hbm>> -> memref<16384xf32, #tpu.memory_space<hbm>>
        %dma_start3A_33 = arith.constant 0 : i32
        %dma_start3A_34 = tpu.memref_slice %arg7[%add3A_13, %dma_start3A_33] : memref<104x16384xf32, #tpu.memory_space<hbm>> -> memref<1x16384xf32, #tpu.memory_space<hbm>>
        %dma_start3A_35 = tpu.memref_squeeze %dma_start3A_34 : memref<1x16384xf32, #tpu.memory_space<hbm>> -> memref<16384xf32, #tpu.memory_space<hbm>>
        tpu.enqueue_dma source(%arg8 : memref<16384xf32, #tpu.memory_space<vmem>>) target(%dma_start3A_35 : memref<16384xf32, #tpu.memory_space<hbm>>) target_semaphore(%run_scoped3A : memref<!tpu.dma_semaphore, #tpu.memory_space<semaphore_mem>>)
        %dma_wait3A = arith.constant 0 : i32
        %dma_wait3A_36 = tpu.memref_slice %arg7[%add3A_13, %dma_wait3A] : memref<104x16384xf32, #tpu.memory_space<hbm>> -> memref<1x16384xf32, #tpu.memory_space<hbm>>
        %dma_wait3A_37 = tpu.memref_squeeze %dma_wait3A_36 : memref<1x16384xf32, #tpu.memory_space<hbm>> -> memref<16384xf32, #tpu.memory_space<hbm>>
        %dma_wait3A_38 = arith.constant 0 : i32
        %dma_wait3A_39 = tpu.memref_slice %arg7[%add3A_13, %dma_wait3A_38] : memref<104x16384xf32, #tpu.memory_space<hbm>> -> memref<1x16384xf32, #tpu.memory_space<hbm>>
        %dma_wait3A_40 = tpu.memref_squeeze %dma_wait3A_39 : memref<1x16384xf32, #tpu.memory_space<hbm>> -> memref<16384xf32, #tpu.memory_space<hbm>>
        tpu.wait_dma2 semaphore(%run_scoped3A : memref<!tpu.dma_semaphore, #tpu.memory_space<semaphore_mem>>) src(%arg8 : memref<16384xf32, #tpu.memory_space<vmem>>) dst(%dma_wait3A_40 : memref<16384xf32, #tpu.memory_space<hbm>>)
        tpu.yield
      }) : () -> ()
    } else {
    }
    %add3A_19 = arith.constant 96 : i32
    %add3A_20 = arith.addi %add3A, %add3A_19 : i32
    %lt3A_21 = arith.constant 100 : i32
    %lt3A_22 = arith.cmpi slt, %add3A_20, %lt3A_21 : i32
    %convert_element_type3A_23 = arith.extui %lt3A_22 : i1 to i32
    %cond3A_24 = arith.constant 0 : i32
    %cond3A_25 = arith.cmpi ne, %convert_element_type3A_23, %cond3A_24 : i32
    scf.if %cond3A_25 {
      "tpu.region"() ({
        %run_scoped3A = tpu.sem_alloc : memref<!tpu.dma_semaphore, #tpu.memory_space<semaphore_mem>>
        %dma_start3A = arith.constant 0 : i32
        %dma_start3A_31 = tpu.memref_slice %arg2[%add3A_20, %dma_start3A] : memref<104x16384xf32, #tpu.memory_space<hbm>> -> memref<1x16384xf32, #tpu.memory_space<hbm>>
        %dma_start3A_32 = tpu.memref_squeeze %dma_start3A_31 : memref<1x16384xf32, #tpu.memory_space<hbm>> -> memref<16384xf32, #tpu.memory_space<hbm>>
        %dma_start3A_33 = arith.constant 0 : i32
        %dma_start3A_34 = tpu.memref_slice %arg2[%add3A_20, %dma_start3A_33] : memref<104x16384xf32, #tpu.memory_space<hbm>> -> memref<1x16384xf32, #tpu.memory_space<hbm>>
        %dma_start3A_35 = tpu.memref_squeeze %dma_start3A_34 : memref<1x16384xf32, #tpu.memory_space<hbm>> -> memref<16384xf32, #tpu.memory_space<hbm>>
        tpu.enqueue_dma source(%dma_start3A_35 : memref<16384xf32, #tpu.memory_space<hbm>>) target(%arg8 : memref<16384xf32, #tpu.memory_space<vmem>>) target_semaphore(%run_scoped3A : memref<!tpu.dma_semaphore, #tpu.memory_space<semaphore_mem>>)
        %dma_wait3A = arith.constant 0 : i32
        %dma_wait3A_36 = tpu.memref_slice %arg2[%add3A_20, %dma_wait3A] : memref<104x16384xf32, #tpu.memory_space<hbm>> -> memref<1x16384xf32, #tpu.memory_space<hbm>>
        %dma_wait3A_37 = tpu.memref_squeeze %dma_wait3A_36 : memref<1x16384xf32, #tpu.memory_space<hbm>> -> memref<16384xf32, #tpu.memory_space<hbm>>
        %dma_wait3A_38 = arith.constant 0 : i32
        %dma_wait3A_39 = tpu.memref_slice %arg2[%add3A_20, %dma_wait3A_38] : memref<104x16384xf32, #tpu.memory_space<hbm>> -> memref<1x16384xf32, #tpu.memory_space<hbm>>
        %dma_wait3A_40 = tpu.memref_squeeze %dma_wait3A_39 : memref<1x16384xf32, #tpu.memory_space<hbm>> -> memref<16384xf32, #tpu.memory_space<hbm>>
        tpu.wait_dma2 semaphore(%run_scoped3A : memref<!tpu.dma_semaphore, #tpu.memory_space<semaphore_mem>>) src(%dma_wait3A_40 : memref<16384xf32, #tpu.memory_space<hbm>>) dst(%arg8 : memref<16384xf32, #tpu.memory_space<vmem>>)
        tpu.yield
      }) : () -> ()
      "tpu.region"() ({
        %run_scoped3A = tpu.sem_alloc : memref<!tpu.dma_semaphore, #tpu.memory_space<semaphore_mem>>
        %dma_start3A = arith.constant 0 : i32
        %dma_start3A_31 = tpu.memref_slice %arg3[%add3A_20, %dma_start3A] : memref<100x1024xi32, #tpu.memory_space<hbm>> -> memref<1x1024xi32, #tpu.memory_space<hbm>>
        %dma_start3A_32 = tpu.memref_squeeze %dma_start3A_31 : memref<1x1024xi32, #tpu.memory_space<hbm>> -> memref<1024xi32, #tpu.memory_space<hbm>>
        %dma_start3A_33 = arith.constant 0 : i32
        %dma_start3A_34 = tpu.memref_slice %arg3[%add3A_20, %dma_start3A_33] : memref<100x1024xi32, #tpu.memory_space<hbm>> -> memref<1x1024xi32, #tpu.memory_space<hbm>>
        %dma_start3A_35 = tpu.memref_squeeze %dma_start3A_34 : memref<1x1024xi32, #tpu.memory_space<hbm>> -> memref<1024xi32, #tpu.memory_space<hbm>>
        tpu.enqueue_dma source(%dma_start3A_35 : memref<1024xi32, #tpu.memory_space<hbm>>) target(%arg9 : memref<1024xi32, #tpu.memory_space<vmem>>) target_semaphore(%run_scoped3A : memref<!tpu.dma_semaphore, #tpu.memory_space<semaphore_mem>>)
        %dma_wait3A = arith.constant 0 : i32
        %dma_wait3A_36 = tpu.memref_slice %arg3[%add3A_20, %dma_wait3A] : memref<100x1024xi32, #tpu.memory_space<hbm>> -> memref<1x1024xi32, #tpu.memory_space<hbm>>
        %dma_wait3A_37 = tpu.memref_squeeze %dma_wait3A_36 : memref<1x1024xi32, #tpu.memory_space<hbm>> -> memref<1024xi32, #tpu.memory_space<hbm>>
        %dma_wait3A_38 = arith.constant 0 : i32
        %dma_wait3A_39 = tpu.memref_slice %arg3[%add3A_20, %dma_wait3A_38] : memref<100x1024xi32, #tpu.memory_space<hbm>> -> memref<1x1024xi32, #tpu.memory_space<hbm>>
        %dma_wait3A_40 = tpu.memref_squeeze %dma_wait3A_39 : memref<1x1024xi32, #tpu.memory_space<hbm>> -> memref<1024xi32, #tpu.memory_space<hbm>>
        tpu.wait_dma2 semaphore(%run_scoped3A : memref<!tpu.dma_semaphore, #tpu.memory_space<semaphore_mem>>) src(%dma_wait3A_40 : memref<1024xi32, #tpu.memory_space<hbm>>) dst(%arg9 : memref<1024xi32, #tpu.memory_space<vmem>>)
        tpu.yield
      }) : () -> ()
      "tpu.region"() ({
        %run_scoped3A = tpu.sem_alloc : memref<!tpu.dma_semaphore, #tpu.memory_space<semaphore_mem>>
        %dma_start3A = arith.constant 0 : i32
        %dma_start3A_31 = tpu.memref_slice %arg4[%add3A_20, %dma_start3A] : memref<100x1024xf32, #tpu.memory_space<hbm>> -> memref<1x1024xf32, #tpu.memory_space<hbm>>
        %dma_start3A_32 = tpu.memref_squeeze %dma_start3A_31 : memref<1x1024xf32, #tpu.memory_space<hbm>> -> memref<1024xf32, #tpu.memory_space<hbm>>
        %dma_start3A_33 = arith.constant 0 : i32
        %dma_start3A_34 = tpu.memref_slice %arg4[%add3A_20, %dma_start3A_33] : memref<100x1024xf32, #tpu.memory_space<hbm>> -> memref<1x1024xf32, #tpu.memory_space<hbm>>
        %dma_start3A_35 = tpu.memref_squeeze %dma_start3A_34 : memref<1x1024xf32, #tpu.memory_space<hbm>> -> memref<1024xf32, #tpu.memory_space<hbm>>
        tpu.enqueue_dma source(%dma_start3A_35 : memref<1024xf32, #tpu.memory_space<hbm>>) target(%arg10 : memref<1024xf32, #tpu.memory_space<vmem>>) target_semaphore(%run_scoped3A : memref<!tpu.dma_semaphore, #tpu.memory_space<semaphore_mem>>)
        %dma_wait3A = arith.constant 0 : i32
        %dma_wait3A_36 = tpu.memref_slice %arg4[%add3A_20, %dma_wait3A] : memref<100x1024xf32, #tpu.memory_space<hbm>> -> memref<1x1024xf32, #tpu.memory_space<hbm>>
        %dma_wait3A_37 = tpu.memref_squeeze %dma_wait3A_36 : memref<1x1024xf32, #tpu.memory_space<hbm>> -> memref<1024xf32, #tpu.memory_space<hbm>>
        %dma_wait3A_38 = arith.constant 0 : i32
        %dma_wait3A_39 = tpu.memref_slice %arg4[%add3A_20, %dma_wait3A_38] : memref<100x1024xf32, #tpu.memory_space<hbm>> -> memref<1x1024xf32, #tpu.memory_space<hbm>>
        %dma_wait3A_40 = tpu.memref_squeeze %dma_wait3A_39 : memref<1x1024xf32, #tpu.memory_space<hbm>> -> memref<1024xf32, #tpu.memory_space<hbm>>
        tpu.wait_dma2 semaphore(%run_scoped3A : memref<!tpu.dma_semaphore, #tpu.memory_space<semaphore_mem>>) src(%dma_wait3A_40 : memref<1024xf32, #tpu.memory_space<hbm>>) dst(%arg10 : memref<1024xf32, #tpu.memory_space<vmem>>)
        tpu.yield
      }) : () -> ()
      "tpu.region"() ({
        %run_scoped3A = tpu.sem_alloc : memref<!tpu.dma_semaphore, #tpu.memory_space<semaphore_mem>>
        %dma_start3A = arith.constant 0 : i32
        %dma_start3A_31 = tpu.memref_slice %arg5[%add3A_20, %dma_start3A] : memref<100x1024xi32, #tpu.memory_space<hbm>> -> memref<1x1024xi32, #tpu.memory_space<hbm>>
        %dma_start3A_32 = tpu.memref_squeeze %dma_start3A_31 : memref<1x1024xi32, #tpu.memory_space<hbm>> -> memref<1024xi32, #tpu.memory_space<hbm>>
        %dma_start3A_33 = arith.constant 0 : i32
        %dma_start3A_34 = tpu.memref_slice %arg5[%add3A_20, %dma_start3A_33] : memref<100x1024xi32, #tpu.memory_space<hbm>> -> memref<1x1024xi32, #tpu.memory_space<hbm>>
        %dma_start3A_35 = tpu.memref_squeeze %dma_start3A_34 : memref<1x1024xi32, #tpu.memory_space<hbm>> -> memref<1024xi32, #tpu.memory_space<hbm>>
        tpu.enqueue_dma source(%dma_start3A_35 : memref<1024xi32, #tpu.memory_space<hbm>>) target(%arg11 : memref<1024xi32, #tpu.memory_space<vmem>>) target_semaphore(%run_scoped3A : memref<!tpu.dma_semaphore, #tpu.memory_space<semaphore_mem>>)
        %dma_wait3A = arith.constant 0 : i32
        %dma_wait3A_36 = tpu.memref_slice %arg5[%add3A_20, %dma_wait3A] : memref<100x1024xi32, #tpu.memory_space<hbm>> -> memref<1x1024xi32, #tpu.memory_space<hbm>>
        %dma_wait3A_37 = tpu.memref_squeeze %dma_wait3A_36 : memref<1x1024xi32, #tpu.memory_space<hbm>> -> memref<1024xi32, #tpu.memory_space<hbm>>
        %dma_wait3A_38 = arith.constant 0 : i32
        %dma_wait3A_39 = tpu.memref_slice %arg5[%add3A_20, %dma_wait3A_38] : memref<100x1024xi32, #tpu.memory_space<hbm>> -> memref<1x1024xi32, #tpu.memory_space<hbm>>
        %dma_wait3A_40 = tpu.memref_squeeze %dma_wait3A_39 : memref<1x1024xi32, #tpu.memory_space<hbm>> -> memref<1024xi32, #tpu.memory_space<hbm>>
        tpu.wait_dma2 semaphore(%run_scoped3A : memref<!tpu.dma_semaphore, #tpu.memory_space<semaphore_mem>>) src(%dma_wait3A_40 : memref<1024xi32, #tpu.memory_space<hbm>>) dst(%arg11 : memref<1024xi32, #tpu.memory_space<vmem>>)
        tpu.yield
      }) : () -> ()
      "tpu.region"() ({
        %run_scoped3A = tpu.sem_alloc : memref<!tpu.dma_semaphore, #tpu.memory_space<semaphore_mem>>
        %dma_start3A = arith.constant 0 : i32
        %dma_start3A_31 = tpu.memref_slice %arg6[%add3A_20, %dma_start3A] : memref<100x1024xf32, #tpu.memory_space<hbm>> -> memref<1x1024xf32, #tpu.memory_space<hbm>>
        %dma_start3A_32 = tpu.memref_squeeze %dma_start3A_31 : memref<1x1024xf32, #tpu.memory_space<hbm>> -> memref<1024xf32, #tpu.memory_space<hbm>>
        %dma_start3A_33 = arith.constant 0 : i32
        %dma_start3A_34 = tpu.memref_slice %arg6[%add3A_20, %dma_start3A_33] : memref<100x1024xf32, #tpu.memory_space<hbm>> -> memref<1x1024xf32, #tpu.memory_space<hbm>>
        %dma_start3A_35 = tpu.memref_squeeze %dma_start3A_34 : memref<1x1024xf32, #tpu.memory_space<hbm>> -> memref<1024xf32, #tpu.memory_space<hbm>>
        tpu.enqueue_dma source(%dma_start3A_35 : memref<1024xf32, #tpu.memory_space<hbm>>) target(%arg12 : memref<1024xf32, #tpu.memory_space<vmem>>) target_semaphore(%run_scoped3A : memref<!tpu.dma_semaphore, #tpu.memory_space<semaphore_mem>>)
        %dma_wait3A = arith.constant 0 : i32
        %dma_wait3A_36 = tpu.memref_slice %arg6[%add3A_20, %dma_wait3A] : memref<100x1024xf32, #tpu.memory_space<hbm>> -> memref<1x1024xf32, #tpu.memory_space<hbm>>
        %dma_wait3A_37 = tpu.memref_squeeze %dma_wait3A_36 : memref<1x1024xf32, #tpu.memory_space<hbm>> -> memref<1024xf32, #tpu.memory_space<hbm>>
        %dma_wait3A_38 = arith.constant 0 : i32
        %dma_wait3A_39 = tpu.memref_slice %arg6[%add3A_20, %dma_wait3A_38] : memref<100x1024xf32, #tpu.memory_space<hbm>> -> memref<1x1024xf32, #tpu.memory_space<hbm>>
        %dma_wait3A_40 = tpu.memref_squeeze %dma_wait3A_39 : memref<1x1024xf32, #tpu.memory_space<hbm>> -> memref<1024xf32, #tpu.memory_space<hbm>>
        tpu.wait_dma2 semaphore(%run_scoped3A : memref<!tpu.dma_semaphore, #tpu.memory_space<semaphore_mem>>) src(%dma_wait3A_40 : memref<1024xf32, #tpu.memory_space<hbm>>) dst(%arg12 : memref<1024xf32, #tpu.memory_space<vmem>>)
        tpu.yield
      }) : () -> ()
      %scan3A = arith.constant 0 : i32
      %scan3A_26 = arith.constant 0 : i32
      %scan3A_27 = arith.constant 64 : i32
      %scan3A_28 = arith.addi %scan3A_26, %scan3A_27 : i32
      %scan3A_29 = arith.constant 1 : i32
      scf.for %scan3A_31 = %scan3A_26 to %scan3A_28 step %scan3A_29  : i32 {
        %mul3A_32 = arith.constant 16 : i32
        %mul3A_33 = arith.muli %scan3A_31, %mul3A_32 : i32
        %get3A = arith.index_cast %mul3A_33 : i32 to index
        %get3A_34 = tpu.vector_load %arg9[%get3A] {strides = array<i32>} : memref<1024xi32, #tpu.memory_space<vmem>>, vector<16xi32>,
        %mul3A_35 = arith.constant 16 : i32
        %mul3A_36 = arith.muli %scan3A_31, %mul3A_35 : i32
        %get3A_37 = arith.index_cast %mul3A_36 : i32 to index
        %get3A_38 = tpu.vector_load %arg10[%get3A_37] {strides = array<i32>} : memref<1024xf32, #tpu.memory_space<vmem>>, vector<16xf32>,
        tpu.vector_store_idx %arg8[%get3A_34], %get3A_38 {add = true} : memref<16384xf32, #tpu.memory_space<vmem>>[vector<16xi32>], vector<16xf32>,
        %mul3A_39 = arith.constant 16 : i32
        %mul3A_40 = arith.muli %scan3A_31, %mul3A_39 : i32
        %get3A_41 = arith.index_cast %mul3A_40 : i32 to index
        %get3A_42 = tpu.vector_load %arg11[%get3A_41] {strides = array<i32>} : memref<1024xi32, #tpu.memory_space<vmem>>, vector<16xi32>,
        %mul3A_43 = arith.constant 16 : i32
        %mul3A_44 = arith.muli %scan3A_31, %mul3A_43 : i32
        %get3A_45 = arith.index_cast %mul3A_44 : i32 to index
        %get3A_46 = tpu.vector_load %arg12[%get3A_45] {strides = array<i32>} : memref<1024xf32, #tpu.memory_space<vmem>>, vector<16xf32>,
        tpu.vector_store_idx %arg8[%get3A_42], %get3A_46 {add = true} : memref<16384xf32, #tpu.memory_space<vmem>>[vector<16xi32>], vector<16xf32>,
      }
      %scan3A_30 = arith.constant 64 : i32
      "tpu.region"() ({
        %run_scoped3A = tpu.sem_alloc : memref<!tpu.dma_semaphore, #tpu.memory_space<semaphore_mem>>
        %dma_start3A = arith.constant 0 : i32
        %dma_start3A_31 = tpu.memref_slice %arg7[%add3A_20, %dma_start3A] : memref<104x16384xf32, #tpu.memory_space<hbm>> -> memref<1x16384xf32, #tpu.memory_space<hbm>>
        %dma_start3A_32 = tpu.memref_squeeze %dma_start3A_31 : memref<1x16384xf32, #tpu.memory_space<hbm>> -> memref<16384xf32, #tpu.memory_space<hbm>>
        %dma_start3A_33 = arith.constant 0 : i32
        %dma_start3A_34 = tpu.memref_slice %arg7[%add3A_20, %dma_start3A_33] : memref<104x16384xf32, #tpu.memory_space<hbm>> -> memref<1x16384xf32, #tpu.memory_space<hbm>>
        %dma_start3A_35 = tpu.memref_squeeze %dma_start3A_34 : memref<1x16384xf32, #tpu.memory_space<hbm>> -> memref<16384xf32, #tpu.memory_space<hbm>>
        tpu.enqueue_dma source(%arg8 : memref<16384xf32, #tpu.memory_space<vmem>>) target(%dma_start3A_35 : memref<16384xf32, #tpu.memory_space<hbm>>) target_semaphore(%run_scoped3A : memref<!tpu.dma_semaphore, #tpu.memory_space<semaphore_mem>>)
        %dma_wait3A = arith.constant 0 : i32
        %dma_wait3A_36 = tpu.memref_slice %arg7[%add3A_20, %dma_wait3A] : memref<104x16384xf32, #tpu.memory_space<hbm>> -> memref<1x16384xf32, #tpu.memory_space<hbm>>
        %dma_wait3A_37 = tpu.memref_squeeze %dma_wait3A_36 : memref<1x16384xf32, #tpu.memory_space<hbm>> -> memref<16384xf32, #tpu.memory_space<hbm>>
        %dma_wait3A_38 = arith.constant 0 : i32
        %dma_wait3A_39 = tpu.memref_slice %arg7[%add3A_20, %dma_wait3A_38] : memref<104x16384xf32, #tpu.memory_space<hbm>> -> memref<1x16384xf32, #tpu.memory_space<hbm>>
        %dma_wait3A_40 = tpu.memref_squeeze %dma_wait3A_39 : memref<1x16384xf32, #tpu.memory_space<hbm>> -> memref<16384xf32, #tpu.memory_space<hbm>>
        tpu.wait_dma2 semaphore(%run_scoped3A : memref<!tpu.dma_semaphore, #tpu.memory_space<semaphore_mem>>) src(%arg8 : memref<16384xf32, #tpu.memory_space<vmem>>) dst(%dma_wait3A_40 : memref<16384xf32, #tpu.memory_space<hbm>>)
        tpu.yield
      }) : () -> ()
    } else {
    }
    return
  }
}

#map = affine_map<(d0, d1) -> (0, 0)>
#map1 = affine_map<(d0, d1) -> (0)>
module attributes {stable_mosaic.version = 14 : i64} {
  func.func @body(%arg0: i32, %arg1: i32, %arg2: memref<104x16384xf32, #tpu.memory_space<hbm>>, %arg3: memref<104xi32, #tpu.memory_space<hbm>>, %arg4: memref<104xi32, #tpu.memory_space<hbm>>, %arg5: memref<104xi32, #tpu.memory_space<hbm>>, %arg6: memref<104xi32, #tpu.memory_space<hbm>>, %arg7: memref<16384x128xi32, #tpu.memory_space<hbm>>, %arg8: memref<100x1024xi32, #tpu.memory_space<hbm>>, %arg9: memref<102400x128xi32, #tpu.memory_space<hbm>>, %arg10: memref<16384xf32, #tpu.memory_space<vmem>>, %arg11: memref<1024xi32, #tpu.memory_space<vmem>>, %arg12: memref<256x128xi32, #tpu.memory_space<vmem>>, %arg13: memref<256x128xi32, #tpu.memory_space<vmem>>, %arg14: memref<104xi32, #tpu.memory_space<vmem>>, %arg15: memref<104xi32, #tpu.memory_space<vmem>>, %arg16: memref<104xi32, #tpu.memory_space<vmem>>, %arg17: memref<104xi32, #tpu.memory_space<vmem>>, %arg18: memref<!tpu.dma_semaphore, #tpu.memory_space<semaphore_mem>>, %arg19: memref<!tpu.dma_semaphore, #tpu.memory_space<semaphore_mem>>, %arg20: memref<!tpu.dma_semaphore, #tpu.memory_space<semaphore_mem>>, %arg21: memref<!tpu.dma_semaphore, #tpu.memory_space<semaphore_mem>>) attributes {dimension_semantics = [#tpu.dimension_semantics<core_parallel>, #tpu.dimension_semantics<subcore_parallel>], iteration_bounds = array<i64: 2, 16>, scalar_prefetch = 0 : i64, scratch_operands = 12 : i64, tpu.core_type = #tpu.core_type<sc_vector_subcore>, window_params = [{transform_indices = #map}, {transform_indices = #map1}, {transform_indices = #map1}, {transform_indices = #map1}, {transform_indices = #map1}, {transform_indices = #map}, {transform_indices = #map}, {transform_indices = #map}]} {
    %mul3A = arith.constant 2 : i32
    %mul3A_0 = arith.muli %arg1, %mul3A : i32
    %add3A = arith.addi %mul3A_0, %arg0 : i32
    "tpu.region"() ({
      %run_scoped3A = tpu.sem_alloc : memref<!tpu.dma_semaphore, #tpu.memory_space<semaphore_mem>>
      tpu.enqueue_dma source(%arg3 : memref<104xi32, #tpu.memory_space<hbm>>) target(%arg14 : memref<104xi32, #tpu.memory_space<vmem>>) target_semaphore(%run_scoped3A : memref<!tpu.dma_semaphore, #tpu.memory_space<semaphore_mem>>)
      tpu.wait_dma2 semaphore(%run_scoped3A : memref<!tpu.dma_semaphore, #tpu.memory_space<semaphore_mem>>) src(%arg3 : memref<104xi32, #tpu.memory_space<hbm>>) dst(%arg14 : memref<104xi32, #tpu.memory_space<vmem>>)
      tpu.yield
    }) : () -> ()
    "tpu.region"() ({
      %run_scoped3A = tpu.sem_alloc : memref<!tpu.dma_semaphore, #tpu.memory_space<semaphore_mem>>
      tpu.enqueue_dma source(%arg4 : memref<104xi32, #tpu.memory_space<hbm>>) target(%arg15 : memref<104xi32, #tpu.memory_space<vmem>>) target_semaphore(%run_scoped3A : memref<!tpu.dma_semaphore, #tpu.memory_space<semaphore_mem>>)
      tpu.wait_dma2 semaphore(%run_scoped3A : memref<!tpu.dma_semaphore, #tpu.memory_space<semaphore_mem>>) src(%arg4 : memref<104xi32, #tpu.memory_space<hbm>>) dst(%arg15 : memref<104xi32, #tpu.memory_space<vmem>>)
      tpu.yield
    }) : () -> ()
    %add3A_1 = arith.constant 0 : i32
    %add3A_2 = arith.addi %add3A, %add3A_1 : i32
    %lt3A = arith.constant 100 : i32
    %lt3A_3 = arith.cmpi slt, %add3A_2, %lt3A : i32
    %convert_element_type3A = arith.extui %lt3A_3 : i1 to i32
    %cond3A = arith.constant 0 : i32
    %cond3A_4 = arith.cmpi ne, %convert_element_type3A, %cond3A : i32
    scf.if %cond3A_4 {
      "tpu.region"() ({
        %run_scoped3A = tpu.sem_alloc : memref<!tpu.dma_semaphore, #tpu.memory_space<semaphore_mem>>
        %dma_start3A_119 = arith.constant 0 : i32
        %dma_start3A_120 = tpu.memref_slice %arg2[%add3A_2, %dma_start3A_119] : memref<104x16384xf32, #tpu.memory_space<hbm>> -> memref<1x16384xf32, #tpu.memory_space<hbm>>
        %dma_start3A_121 = tpu.memref_squeeze %dma_start3A_120 : memref<1x16384xf32, #tpu.memory_space<hbm>> -> memref<16384xf32, #tpu.memory_space<hbm>>
        %dma_start3A_122 = arith.constant 0 : i32
        %dma_start3A_123 = tpu.memref_slice %arg2[%add3A_2, %dma_start3A_122] : memref<104x16384xf32, #tpu.memory_space<hbm>> -> memref<1x16384xf32, #tpu.memory_space<hbm>>
        %dma_start3A_124 = tpu.memref_squeeze %dma_start3A_123 : memref<1x16384xf32, #tpu.memory_space<hbm>> -> memref<16384xf32, #tpu.memory_space<hbm>>
        tpu.enqueue_dma source(%dma_start3A_124 : memref<16384xf32, #tpu.memory_space<hbm>>) target(%arg10 : memref<16384xf32, #tpu.memory_space<vmem>>) target_semaphore(%run_scoped3A : memref<!tpu.dma_semaphore, #tpu.memory_space<semaphore_mem>>)
        %dma_wait3A_125 = arith.constant 0 : i32
        %dma_wait3A_126 = tpu.memref_slice %arg2[%add3A_2, %dma_wait3A_125] : memref<104x16384xf32, #tpu.memory_space<hbm>> -> memref<1x16384xf32, #tpu.memory_space<hbm>>
        %dma_wait3A_127 = tpu.memref_squeeze %dma_wait3A_126 : memref<1x16384xf32, #tpu.memory_space<hbm>> -> memref<16384xf32, #tpu.memory_space<hbm>>
        %dma_wait3A_128 = arith.constant 0 : i32
        %dma_wait3A_129 = tpu.memref_slice %arg2[%add3A_2, %dma_wait3A_128] : memref<104x16384xf32, #tpu.memory_space<hbm>> -> memref<1x16384xf32, #tpu.memory_space<hbm>>
        %dma_wait3A_130 = tpu.memref_squeeze %dma_wait3A_129 : memref<1x16384xf32, #tpu.memory_space<hbm>> -> memref<16384xf32, #tpu.memory_space<hbm>>
        tpu.wait_dma2 semaphore(%run_scoped3A : memref<!tpu.dma_semaphore, #tpu.memory_space<semaphore_mem>>) src(%dma_wait3A_130 : memref<16384xf32, #tpu.memory_space<hbm>>) dst(%arg10 : memref<16384xf32, #tpu.memory_space<vmem>>)
        tpu.yield
      }) : () -> ()
      %broadcast_in_dim3A = vector.broadcast %add3A_2 : i32 to vector<16xi32>
      %gather3A = tpu.vector_load_idx %arg14[%broadcast_in_dim3A] : memref<104xi32, #tpu.memory_space<vmem>>[vector<16xi32>], vector<16xi32>,
      %gather3A_26 = tpu.vector_load_idx %arg15[%broadcast_in_dim3A] : memref<104xi32, #tpu.memory_space<vmem>>[vector<16xi32>], vector<16xi32>,
      %scan3A = arith.constant 0 : i32
      %scan3A_27 = arith.constant 0 : i32
      %scan3A_28 = arith.constant 1024 : i32
      %scan3A_29 = arith.addi %scan3A_27, %scan3A_28 : i32
      %scan3A_30 = arith.constant 1 : i32
      %scan3A_31 = scf.for %scan3A_119 = %scan3A_27 to %scan3A_29 step %scan3A_30 iter_args(%scan3A_120 = %scan3A) -> (i32)  : i32 {
        %mul3A_121 = arith.constant 16 : i32
        %mul3A_122 = arith.muli %scan3A_119, %mul3A_121 : i32
        %get3A = arith.index_cast %mul3A_122 : i32 to index
        %get3A_123 = tpu.vector_load %arg10[%get3A] {strides = array<i32>} : memref<16384xf32, #tpu.memory_space<vmem>>, vector<16xf32>,
        %bitcast_convert_type3A = tpu.bitcast %get3A_123 : vector<16xf32> -> vector<16xi32>
        %ge3A = arith.constant 0 : i32
        %ge3A_124 = vector.broadcast %ge3A : i32 to vector<16xi32>
        %ge3A_125 = arith.cmpi sge, %bitcast_convert_type3A, %ge3A_124 : vector<16xi32>
        %not3A = arith.constant dense<-1> : vector<16xi32>
        %not3A_126 = arith.xori %bitcast_convert_type3A, %not3A : vector<16xi32>
        %xor3A = arith.constant -2147483648 : i32
        %xor3A_127 = vector.broadcast %xor3A : i32 to vector<16xi32>
        %xor3A_128 = arith.xori %not3A_126, %xor3A_127 : vector<16xi32>
        %select_n3A = arith.select %ge3A_125, %bitcast_convert_type3A, %xor3A_128 : vector<16xi1>, vector<16xi32>
        %iota3A = tpu.iota {dimensions = array<i32: 0>} : vector<16xi32>
        %mul3A_129 = arith.constant 16 : i32
        %mul3A_130 = arith.muli %scan3A_119, %mul3A_129 : i32
        %add3A_131 = vector.broadcast %mul3A_130 : i32 to vector<16xi32>
        %add3A_132 = arith.addi %iota3A, %add3A_131 : vector<16xi32>
        %gt3A = arith.cmpi sgt, %select_n3A, %gather3A : vector<16xi32>
        %eq3A = arith.cmpi eq, %select_n3A, %gather3A : vector<16xi32>
        %lt3A_133 = arith.cmpi slt, %add3A_132, %gather3A_26 : vector<16xi32>
        %and3A = arith.andi %eq3A, %lt3A_133 : vector<16xi1>
        %or3A = arith.ori %gt3A, %and3A : vector<16xi1>
        %swap3A = arith.index_cast %scan3A_120 : i32 to index
        %swap3A_134 = tpu.vector_load %arg11[%swap3A] masked %or3A {strides = array<i32>} : memref<1024xi32, #tpu.memory_space<vmem>>, vector<16xi32>, vector<16xi1>
        tpu.vector_store %arg11[%swap3A], %add3A_132 masked %or3A {strides = array<i32>} : memref<1024xi32, #tpu.memory_space<vmem>>, vector<16xi32>, vector<16xi1>
        %convert_element_type3A_135 = arith.extui %or3A : vector<16xi1> to vector<16xi32>
        %reduce_sum3A = arith.constant true
        %reduce_sum3A_136 = vector.broadcast %reduce_sum3A : i1 to vector<16xi1>
        %reduce_sum3A_137 = tpu.scan <sum>, %convert_element_type3A_135 masked %reduce_sum3A_136 : vector<16xi32>, vector<16xi1> -> vector<16xi32>
        %reduce_sum3A_138 = vector.extract %reduce_sum3A_137[15] : i32 from vector<16xi32>
        %add3A_139 = arith.addi %scan3A_120, %reduce_sum3A_138 : i32
        scf.yield %add3A_139 : i32
      }
      %scan3A_32 = arith.constant 1024 : i32
      "tpu.region"() ({
        %run_scoped3A = tpu.sem_alloc : memref<!tpu.dma_semaphore, #tpu.memory_space<semaphore_mem>>
        %dma_start3A_119 = arith.constant 0 : i32
        %dma_start3A_120 = tpu.memref_slice %arg8[%add3A_2, %dma_start3A_119] : memref<100x1024xi32, #tpu.memory_space<hbm>> -> memref<1x1024xi32, #tpu.memory_space<hbm>>
        %dma_start3A_121 = tpu.memref_squeeze %dma_start3A_120 : memref<1x1024xi32, #tpu.memory_space<hbm>> -> memref<1024xi32, #tpu.memory_space<hbm>>
        %dma_start3A_122 = arith.constant 0 : i32
        %dma_start3A_123 = tpu.memref_slice %arg8[%add3A_2, %dma_start3A_122] : memref<100x1024xi32, #tpu.memory_space<hbm>> -> memref<1x1024xi32, #tpu.memory_space<hbm>>
        %dma_start3A_124 = tpu.memref_squeeze %dma_start3A_123 : memref<1x1024xi32, #tpu.memory_space<hbm>> -> memref<1024xi32, #tpu.memory_space<hbm>>
        tpu.enqueue_dma source(%arg11 : memref<1024xi32, #tpu.memory_space<vmem>>) target(%dma_start3A_124 : memref<1024xi32, #tpu.memory_space<hbm>>) target_semaphore(%run_scoped3A : memref<!tpu.dma_semaphore, #tpu.memory_space<semaphore_mem>>)
        %dma_wait3A_125 = arith.constant 0 : i32
        %dma_wait3A_126 = tpu.memref_slice %arg8[%add3A_2, %dma_wait3A_125] : memref<100x1024xi32, #tpu.memory_space<hbm>> -> memref<1x1024xi32, #tpu.memory_space<hbm>>
        %dma_wait3A_127 = tpu.memref_squeeze %dma_wait3A_126 : memref<1x1024xi32, #tpu.memory_space<hbm>> -> memref<1024xi32, #tpu.memory_space<hbm>>
        %dma_wait3A_128 = arith.constant 0 : i32
        %dma_wait3A_129 = tpu.memref_slice %arg8[%add3A_2, %dma_wait3A_128] : memref<100x1024xi32, #tpu.memory_space<hbm>> -> memref<1x1024xi32, #tpu.memory_space<hbm>>
        %dma_wait3A_130 = tpu.memref_squeeze %dma_wait3A_129 : memref<1x1024xi32, #tpu.memory_space<hbm>> -> memref<1024xi32, #tpu.memory_space<hbm>>
        tpu.wait_dma2 semaphore(%run_scoped3A : memref<!tpu.dma_semaphore, #tpu.memory_space<semaphore_mem>>) src(%arg11 : memref<1024xi32, #tpu.memory_space<vmem>>) dst(%dma_wait3A_130 : memref<1024xi32, #tpu.memory_space<hbm>>)
        tpu.yield
      }) : () -> ()
      %dma_start3A = arith.constant 0 : i32
      %dma_start3A_33 = tpu.memref_slice %arg11[%dma_start3A] : memref<1024xi32, #tpu.memory_space<vmem>> -> memref<256xi32, #tpu.memory_space<vmem>>
      %dma_start3A_34 = arith.constant 0 : i32
      %dma_start3A_35 = arith.constant 0 : i32
      %dma_start3A_36 = tpu.memref_slice %arg7[%dma_start3A_34, %dma_start3A_35] : memref<16384x128xi32, #tpu.memory_space<hbm>> -> memref<16384x128xi32, #tpu.memory_space<hbm>>
      tpu.enqueue_indirect_dma source(%dma_start3A_36 : memref<16384x128xi32, #tpu.memory_space<hbm>>) target(%arg12 : memref<256x128xi32, #tpu.memory_space<vmem>>) offsets(%dma_start3A_33 : memref<256xi32, #tpu.memory_space<vmem>>) semaphore(%arg18 : memref<!tpu.dma_semaphore, #tpu.memory_space<semaphore_mem>>)
      %dma_start3A_37 = arith.constant 256 : i32
      %dma_start3A_38 = tpu.memref_slice %arg11[%dma_start3A_37] : memref<1024xi32, #tpu.memory_space<vmem>> -> memref<256xi32, #tpu.memory_space<vmem>>
      %dma_start3A_39 = arith.constant 0 : i32
      %dma_start3A_40 = arith.constant 0 : i32
      %dma_start3A_41 = tpu.memref_slice %arg7[%dma_start3A_39, %dma_start3A_40] : memref<16384x128xi32, #tpu.memory_space<hbm>> -> memref<16384x128xi32, #tpu.memory_space<hbm>>
      tpu.enqueue_indirect_dma source(%dma_start3A_41 : memref<16384x128xi32, #tpu.memory_space<hbm>>) target(%arg13 : memref<256x128xi32, #tpu.memory_space<vmem>>) offsets(%dma_start3A_38 : memref<256xi32, #tpu.memory_space<vmem>>) semaphore(%arg19 : memref<!tpu.dma_semaphore, #tpu.memory_space<semaphore_mem>>)
      %dma_wait3A = arith.constant 0 : i32
      %dma_wait3A_42 = tpu.memref_slice %arg11[%dma_wait3A] : memref<1024xi32, #tpu.memory_space<vmem>> -> memref<256xi32, #tpu.memory_space<vmem>>
      %dma_wait3A_43 = arith.constant 0 : i32
      %dma_wait3A_44 = arith.constant 0 : i32
      %dma_wait3A_45 = tpu.memref_slice %arg7[%dma_wait3A_43, %dma_wait3A_44] : memref<16384x128xi32, #tpu.memory_space<hbm>> -> memref<16384x128xi32, #tpu.memory_space<hbm>>
      tpu.wait_indirect_dma semaphore(%arg18 : memref<!tpu.dma_semaphore, #tpu.memory_space<semaphore_mem>>) src(%dma_wait3A_45 : memref<16384x128xi32, #tpu.memory_space<hbm>>) dst(%arg12 : memref<256x128xi32, #tpu.memory_space<vmem>>)
      %mul3A_46 = arith.constant 1024 : i32
      %mul3A_47 = arith.muli %add3A_2, %mul3A_46 : i32
      %add3A_48 = arith.constant 0 : i32
      %add3A_49 = arith.addi %mul3A_47, %add3A_48 : i32
      %dma_start3A_50 = arith.constant 0 : i32
      %dma_start3A_51 = tpu.memref_slice %arg9[%add3A_49, %dma_start3A_50] : memref<102400x128xi32, #tpu.memory_space<hbm>> -> memref<256x128xi32, #tpu.memory_space<hbm>>
      %dma_start3A_52 = arith.constant 0 : i32
      %dma_start3A_53 = tpu.memref_slice %arg9[%add3A_49, %dma_start3A_52] : memref<102400x128xi32, #tpu.memory_space<hbm>> -> memref<256x128xi32, #tpu.memory_space<hbm>>
      tpu.enqueue_dma source(%arg12 : memref<256x128xi32, #tpu.memory_space<vmem>>) target(%dma_start3A_53 : memref<256x128xi32, #tpu.memory_space<hbm>>) target_semaphore(%arg20 : memref<!tpu.dma_semaphore, #tpu.memory_space<semaphore_mem>>)
      %dma_wait3A_54 = arith.constant 256 : i32
      %dma_wait3A_55 = tpu.memref_slice %arg11[%dma_wait3A_54] : memref<1024xi32, #tpu.memory_space<vmem>> -> memref<256xi32, #tpu.memory_space<vmem>>
      %dma_wait3A_56 = arith.constant 0 : i32
      %dma_wait3A_57 = arith.constant 0 : i32
      %dma_wait3A_58 = tpu.memref_slice %arg7[%dma_wait3A_56, %dma_wait3A_57] : memref<16384x128xi32, #tpu.memory_space<hbm>> -> memref<16384x128xi32, #tpu.memory_space<hbm>>
      tpu.wait_indirect_dma semaphore(%arg19 : memref<!tpu.dma_semaphore, #tpu.memory_space<semaphore_mem>>) src(%dma_wait3A_58 : memref<16384x128xi32, #tpu.memory_space<hbm>>) dst(%arg13 : memref<256x128xi32, #tpu.memory_space<vmem>>)
      %mul3A_59 = arith.constant 1024 : i32
      %mul3A_60 = arith.muli %add3A_2, %mul3A_59 : i32
      %add3A_61 = arith.constant 256 : i32
      %add3A_62 = arith.addi %mul3A_60, %add3A_61 : i32
      %dma_start3A_63 = arith.constant 0 : i32
      %dma_start3A_64 = tpu.memref_slice %arg9[%add3A_62, %dma_start3A_63] : memref<102400x128xi32, #tpu.memory_space<hbm>> -> memref<256x128xi32, #tpu.memory_space<hbm>>
      %dma_start3A_65 = arith.constant 0 : i32
      %dma_start3A_66 = tpu.memref_slice %arg9[%add3A_62, %dma_start3A_65] : memref<102400x128xi32, #tpu.memory_space<hbm>> -> memref<256x128xi32, #tpu.memory_space<hbm>>
      tpu.enqueue_dma source(%arg13 : memref<256x128xi32, #tpu.memory_space<vmem>>) target(%dma_start3A_66 : memref<256x128xi32, #tpu.memory_space<hbm>>) target_semaphore(%arg21 : memref<!tpu.dma_semaphore, #tpu.memory_space<semaphore_mem>>)
      %dma_wait3A_67 = arith.constant 0 : i32
      %dma_wait3A_68 = tpu.memref_slice %arg9[%add3A_49, %dma_wait3A_67] : memref<102400x128xi32, #tpu.memory_space<hbm>> -> memref<256x128xi32, #tpu.memory_space<hbm>>
      %dma_wait3A_69 = arith.constant 0 : i32
      %dma_wait3A_70 = tpu.memref_slice %arg9[%add3A_49, %dma_wait3A_69] : memref<102400x128xi32, #tpu.memory_space<hbm>> -> memref<256x128xi32, #tpu.memory_space<hbm>>
      tpu.wait_dma2 semaphore(%arg20 : memref<!tpu.dma_semaphore, #tpu.memory_space<semaphore_mem>>) src(%arg12 : memref<256x128xi32, #tpu.memory_space<vmem>>) dst(%dma_wait3A_70 : memref<256x128xi32, #tpu.memory_space<hbm>>)
      %dma_start3A_71 = arith.constant 512 : i32
      %dma_start3A_72 = tpu.memref_slice %arg11[%dma_start3A_71] : memref<1024xi32, #tpu.memory_space<vmem>> -> memref<256xi32, #tpu.memory_space<vmem>>
      %dma_start3A_73 = arith.constant 0 : i32
      %dma_start3A_74 = arith.constant 0 : i32
      %dma_start3A_75 = tpu.memref_slice %arg7[%dma_start3A_73, %dma_start3A_74] : memref<16384x128xi32, #tpu.memory_space<hbm>> -> memref<16384x128xi32, #tpu.memory_space<hbm>>
      tpu.enqueue_indirect_dma source(%dma_start3A_75 : memref<16384x128xi32, #tpu.memory_space<hbm>>) target(%arg12 : memref<256x128xi32, #tpu.memory_space<vmem>>) offsets(%dma_start3A_72 : memref<256xi32, #tpu.memory_space<vmem>>) semaphore(%arg18 : memref<!tpu.dma_semaphore, #tpu.memory_space<semaphore_mem>>)
      %dma_wait3A_76 = arith.constant 0 : i32
      %dma_wait3A_77 = tpu.memref_slice %arg9[%add3A_62, %dma_wait3A_76] : memref<102400x128xi32, #tpu.memory_space<hbm>> -> memref<256x128xi32, #tpu.memory_space<hbm>>
      %dma_wait3A_78 = arith.constant 0 : i32
      %dma_wait3A_79 = tpu.memref_slice %arg9[%add3A_62, %dma_wait3A_78] : memref<102400x128xi32, #tpu.memory_space<hbm>> -> memref<256x128xi32, #tpu.memory_space<hbm>>
      tpu.wait_dma2 semaphore(%arg21 : memref<!tpu.dma_semaphore, #tpu.memory_space<semaphore_mem>>) src(%arg13 : memref<256x128xi32, #tpu.memory_space<vmem>>) dst(%dma_wait3A_79 : memref<256x128xi32, #tpu.memory_space<hbm>>)
      %dma_start3A_80 = arith.constant 768 : i32
      %dma_start3A_81 = tpu.memref_slice %arg11[%dma_start3A_80] : memref<1024xi32, #tpu.memory_space<vmem>> -> memref<256xi32, #tpu.memory_space<vmem>>
      %dma_start3A_82 = arith.constant 0 : i32
      %dma_start3A_83 = arith.constant 0 : i32
      %dma_start3A_84 = tpu.memref_slice %arg7[%dma_start3A_82, %dma_start3A_83] : memref<16384x128xi32, #tpu.memory_space<hbm>> -> memref<16384x128xi32, #tpu.memory_space<hbm>>
      tpu.enqueue_indirect_dma source(%dma_start3A_84 : memref<16384x128xi32, #tpu.memory_space<hbm>>) target(%arg13 : memref<256x128xi32, #tpu.memory_space<vmem>>) offsets(%dma_start3A_81 : memref<256xi32, #tpu.memory_space<vmem>>) semaphore(%arg19 : memref<!tpu.dma_semaphore, #tpu.memory_space<semaphore_mem>>)
      %dma_wait3A_85 = arith.constant 512 : i32
      %dma_wait3A_86 = tpu.memref_slice %arg11[%dma_wait3A_85] : memref<1024xi32, #tpu.memory_space<vmem>> -> memref<256xi32, #tpu.memory_space<vmem>>
      %dma_wait3A_87 = arith.constant 0 : i32
      %dma_wait3A_88 = arith.constant 0 : i32
      %dma_wait3A_89 = tpu.memref_slice %arg7[%dma_wait3A_87, %dma_wait3A_88] : memref<16384x128xi32, #tpu.memory_space<hbm>> -> memref<16384x128xi32, #tpu.memory_space<hbm>>
      tpu.wait_indirect_dma semaphore(%arg18 : memref<!tpu.dma_semaphore, #tpu.memory_space<semaphore_mem>>) src(%dma_wait3A_89 : memref<16384x128xi32, #tpu.memory_space<hbm>>) dst(%arg12 : memref<256x128xi32, #tpu.memory_space<vmem>>)
      %mul3A_90 = arith.constant 1024 : i32
      %mul3A_91 = arith.muli %add3A_2, %mul3A_90 : i32
      %add3A_92 = arith.constant 512 : i32
      %add3A_93 = arith.addi %mul3A_91, %add3A_92 : i32
      %dma_start3A_94 = arith.constant 0 : i32
      %dma_start3A_95 = tpu.memref_slice %arg9[%add3A_93, %dma_start3A_94] : memref<102400x128xi32, #tpu.memory_space<hbm>> -> memref<256x128xi32, #tpu.memory_space<hbm>>
      %dma_start3A_96 = arith.constant 0 : i32
      %dma_start3A_97 = tpu.memref_slice %arg9[%add3A_93, %dma_start3A_96] : memref<102400x128xi32, #tpu.memory_space<hbm>> -> memref<256x128xi32, #tpu.memory_space<hbm>>
      tpu.enqueue_dma source(%arg12 : memref<256x128xi32, #tpu.memory_space<vmem>>) target(%dma_start3A_97 : memref<256x128xi32, #tpu.memory_space<hbm>>) target_semaphore(%arg20 : memref<!tpu.dma_semaphore, #tpu.memory_space<semaphore_mem>>)
      %dma_wait3A_98 = arith.constant 768 : i32
      %dma_wait3A_99 = tpu.memref_slice %arg11[%dma_wait3A_98] : memref<1024xi32, #tpu.memory_space<vmem>> -> memref<256xi32, #tpu.memory_space<vmem>>
      %dma_wait3A_100 = arith.constant 0 : i32
      %dma_wait3A_101 = arith.constant 0 : i32
      %dma_wait3A_102 = tpu.memref_slice %arg7[%dma_wait3A_100, %dma_wait3A_101] : memref<16384x128xi32, #tpu.memory_space<hbm>> -> memref<16384x128xi32, #tpu.memory_space<hbm>>
      tpu.wait_indirect_dma semaphore(%arg19 : memref<!tpu.dma_semaphore, #tpu.memory_space<semaphore_mem>>) src(%dma_wait3A_102 : memref<16384x128xi32, #tpu.memory_space<hbm>>) dst(%arg13 : memref<256x128xi32, #tpu.memory_space<vmem>>)
      %mul3A_103 = arith.constant 1024 : i32
      %mul3A_104 = arith.muli %add3A_2, %mul3A_103 : i32
      %add3A_105 = arith.constant 768 : i32
      %add3A_106 = arith.addi %mul3A_104, %add3A_105 : i32
      %dma_start3A_107 = arith.constant 0 : i32
      %dma_start3A_108 = tpu.memref_slice %arg9[%add3A_106, %dma_start3A_107] : memref<102400x128xi32, #tpu.memory_space<hbm>> -> memref<256x128xi32, #tpu.memory_space<hbm>>
      %dma_start3A_109 = arith.constant 0 : i32
      %dma_start3A_110 = tpu.memref_slice %arg9[%add3A_106, %dma_start3A_109] : memref<102400x128xi32, #tpu.memory_space<hbm>> -> memref<256x128xi32, #tpu.memory_space<hbm>>
      tpu.enqueue_dma source(%arg13 : memref<256x128xi32, #tpu.memory_space<vmem>>) target(%dma_start3A_110 : memref<256x128xi32, #tpu.memory_space<hbm>>) target_semaphore(%arg21 : memref<!tpu.dma_semaphore, #tpu.memory_space<semaphore_mem>>)
      %dma_wait3A_111 = arith.constant 0 : i32
      %dma_wait3A_112 = tpu.memref_slice %arg9[%add3A_93, %dma_wait3A_111] : memref<102400x128xi32, #tpu.memory_space<hbm>> -> memref<256x128xi32, #tpu.memory_space<hbm>>
      %dma_wait3A_113 = arith.constant 0 : i32
      %dma_wait3A_114 = tpu.memref_slice %arg9[%add3A_93, %dma_wait3A_113] : memref<102400x128xi32, #tpu.memory_space<hbm>> -> memref<256x128xi32, #tpu.memory_space<hbm>>
      tpu.wait_dma2 semaphore(%arg20 : memref<!tpu.dma_semaphore, #tpu.memory_space<semaphore_mem>>) src(%arg12 : memref<256x128xi32, #tpu.memory_space<vmem>>) dst(%dma_wait3A_114 : memref<256x128xi32, #tpu.memory_space<hbm>>)
      %dma_wait3A_115 = arith.constant 0 : i32
      %dma_wait3A_116 = tpu.memref_slice %arg9[%add3A_106, %dma_wait3A_115] : memref<102400x128xi32, #tpu.memory_space<hbm>> -> memref<256x128xi32, #tpu.memory_space<hbm>>
      %dma_wait3A_117 = arith.constant 0 : i32
      %dma_wait3A_118 = tpu.memref_slice %arg9[%add3A_106, %dma_wait3A_117] : memref<102400x128xi32, #tpu.memory_space<hbm>> -> memref<256x128xi32, #tpu.memory_space<hbm>>
      tpu.wait_dma2 semaphore(%arg21 : memref<!tpu.dma_semaphore, #tpu.memory_space<semaphore_mem>>) src(%arg13 : memref<256x128xi32, #tpu.memory_space<vmem>>) dst(%dma_wait3A_118 : memref<256x128xi32, #tpu.memory_space<hbm>>)
    } else {
    }
    %add3A_5 = arith.constant 32 : i32
    %add3A_6 = arith.addi %add3A, %add3A_5 : i32
    %lt3A_7 = arith.constant 100 : i32
    %lt3A_8 = arith.cmpi slt, %add3A_6, %lt3A_7 : i32
    %convert_element_type3A_9 = arith.extui %lt3A_8 : i1 to i32
    %cond3A_10 = arith.constant 0 : i32
    %cond3A_11 = arith.cmpi ne, %convert_element_type3A_9, %cond3A_10 : i32
    scf.if %cond3A_11 {
      "tpu.region"() ({
        %run_scoped3A = tpu.sem_alloc : memref<!tpu.dma_semaphore, #tpu.memory_space<semaphore_mem>>
        %dma_start3A_119 = arith.constant 0 : i32
        %dma_start3A_120 = tpu.memref_slice %arg2[%add3A_6, %dma_start3A_119] : memref<104x16384xf32, #tpu.memory_space<hbm>> -> memref<1x16384xf32, #tpu.memory_space<hbm>>
        %dma_start3A_121 = tpu.memref_squeeze %dma_start3A_120 : memref<1x16384xf32, #tpu.memory_space<hbm>> -> memref<16384xf32, #tpu.memory_space<hbm>>
        %dma_start3A_122 = arith.constant 0 : i32
        %dma_start3A_123 = tpu.memref_slice %arg2[%add3A_6, %dma_start3A_122] : memref<104x16384xf32, #tpu.memory_space<hbm>> -> memref<1x16384xf32, #tpu.memory_space<hbm>>
        %dma_start3A_124 = tpu.memref_squeeze %dma_start3A_123 : memref<1x16384xf32, #tpu.memory_space<hbm>> -> memref<16384xf32, #tpu.memory_space<hbm>>
        tpu.enqueue_dma source(%dma_start3A_124 : memref<16384xf32, #tpu.memory_space<hbm>>) target(%arg10 : memref<16384xf32, #tpu.memory_space<vmem>>) target_semaphore(%run_scoped3A : memref<!tpu.dma_semaphore, #tpu.memory_space<semaphore_mem>>)
        %dma_wait3A_125 = arith.constant 0 : i32
        %dma_wait3A_126 = tpu.memref_slice %arg2[%add3A_6, %dma_wait3A_125] : memref<104x16384xf32, #tpu.memory_space<hbm>> -> memref<1x16384xf32, #tpu.memory_space<hbm>>
        %dma_wait3A_127 = tpu.memref_squeeze %dma_wait3A_126 : memref<1x16384xf32, #tpu.memory_space<hbm>> -> memref<16384xf32, #tpu.memory_space<hbm>>
        %dma_wait3A_128 = arith.constant 0 : i32
        %dma_wait3A_129 = tpu.memref_slice %arg2[%add3A_6, %dma_wait3A_128] : memref<104x16384xf32, #tpu.memory_space<hbm>> -> memref<1x16384xf32, #tpu.memory_space<hbm>>
        %dma_wait3A_130 = tpu.memref_squeeze %dma_wait3A_129 : memref<1x16384xf32, #tpu.memory_space<hbm>> -> memref<16384xf32, #tpu.memory_space<hbm>>
        tpu.wait_dma2 semaphore(%run_scoped3A : memref<!tpu.dma_semaphore, #tpu.memory_space<semaphore_mem>>) src(%dma_wait3A_130 : memref<16384xf32, #tpu.memory_space<hbm>>) dst(%arg10 : memref<16384xf32, #tpu.memory_space<vmem>>)
        tpu.yield
      }) : () -> ()
      %broadcast_in_dim3A = vector.broadcast %add3A_6 : i32 to vector<16xi32>
      %gather3A = tpu.vector_load_idx %arg14[%broadcast_in_dim3A] : memref<104xi32, #tpu.memory_space<vmem>>[vector<16xi32>], vector<16xi32>,
      %gather3A_26 = tpu.vector_load_idx %arg15[%broadcast_in_dim3A] : memref<104xi32, #tpu.memory_space<vmem>>[vector<16xi32>], vector<16xi32>,
      %scan3A = arith.constant 0 : i32
      %scan3A_27 = arith.constant 0 : i32
      %scan3A_28 = arith.constant 1024 : i32
      %scan3A_29 = arith.addi %scan3A_27, %scan3A_28 : i32
      %scan3A_30 = arith.constant 1 : i32
      %scan3A_31 = scf.for %scan3A_119 = %scan3A_27 to %scan3A_29 step %scan3A_30 iter_args(%scan3A_120 = %scan3A) -> (i32)  : i32 {
        %mul3A_121 = arith.constant 16 : i32
        %mul3A_122 = arith.muli %scan3A_119, %mul3A_121 : i32
        %get3A = arith.index_cast %mul3A_122 : i32 to index
        %get3A_123 = tpu.vector_load %arg10[%get3A] {strides = array<i32>} : memref<16384xf32, #tpu.memory_space<vmem>>, vector<16xf32>,
        %bitcast_convert_type3A = tpu.bitcast %get3A_123 : vector<16xf32> -> vector<16xi32>
        %ge3A = arith.constant 0 : i32
        %ge3A_124 = vector.broadcast %ge3A : i32 to vector<16xi32>
        %ge3A_125 = arith.cmpi sge, %bitcast_convert_type3A, %ge3A_124 : vector<16xi32>
        %not3A = arith.constant dense<-1> : vector<16xi32>
        %not3A_126 = arith.xori %bitcast_convert_type3A, %not3A : vector<16xi32>
        %xor3A = arith.constant -2147483648 : i32
        %xor3A_127 = vector.broadcast %xor3A : i32 to vector<16xi32>
        %xor3A_128 = arith.xori %not3A_126, %xor3A_127 : vector<16xi32>
        %select_n3A = arith.select %ge3A_125, %bitcast_convert_type3A, %xor3A_128 : vector<16xi1>, vector<16xi32>
        %iota3A = tpu.iota {dimensions = array<i32: 0>} : vector<16xi32>
        %mul3A_129 = arith.constant 16 : i32
        %mul3A_130 = arith.muli %scan3A_119, %mul3A_129 : i32
        %add3A_131 = vector.broadcast %mul3A_130 : i32 to vector<16xi32>
        %add3A_132 = arith.addi %iota3A, %add3A_131 : vector<16xi32>
        %gt3A = arith.cmpi sgt, %select_n3A, %gather3A : vector<16xi32>
        %eq3A = arith.cmpi eq, %select_n3A, %gather3A : vector<16xi32>
        %lt3A_133 = arith.cmpi slt, %add3A_132, %gather3A_26 : vector<16xi32>
        %and3A = arith.andi %eq3A, %lt3A_133 : vector<16xi1>
        %or3A = arith.ori %gt3A, %and3A : vector<16xi1>
        %swap3A = arith.index_cast %scan3A_120 : i32 to index
        %swap3A_134 = tpu.vector_load %arg11[%swap3A] masked %or3A {strides = array<i32>} : memref<1024xi32, #tpu.memory_space<vmem>>, vector<16xi32>, vector<16xi1>
        tpu.vector_store %arg11[%swap3A], %add3A_132 masked %or3A {strides = array<i32>} : memref<1024xi32, #tpu.memory_space<vmem>>, vector<16xi32>, vector<16xi1>
        %convert_element_type3A_135 = arith.extui %or3A : vector<16xi1> to vector<16xi32>
        %reduce_sum3A = arith.constant true
        %reduce_sum3A_136 = vector.broadcast %reduce_sum3A : i1 to vector<16xi1>
        %reduce_sum3A_137 = tpu.scan <sum>, %convert_element_type3A_135 masked %reduce_sum3A_136 : vector<16xi32>, vector<16xi1> -> vector<16xi32>
        %reduce_sum3A_138 = vector.extract %reduce_sum3A_137[15] : i32 from vector<16xi32>
        %add3A_139 = arith.addi %scan3A_120, %reduce_sum3A_138 : i32
        scf.yield %add3A_139 : i32
      }
      %scan3A_32 = arith.constant 1024 : i32
      "tpu.region"() ({
        %run_scoped3A = tpu.sem_alloc : memref<!tpu.dma_semaphore, #tpu.memory_space<semaphore_mem>>
        %dma_start3A_119 = arith.constant 0 : i32
        %dma_start3A_120 = tpu.memref_slice %arg8[%add3A_6, %dma_start3A_119] : memref<100x1024xi32, #tpu.memory_space<hbm>> -> memref<1x1024xi32, #tpu.memory_space<hbm>>
        %dma_start3A_121 = tpu.memref_squeeze %dma_start3A_120 : memref<1x1024xi32, #tpu.memory_space<hbm>> -> memref<1024xi32, #tpu.memory_space<hbm>>
        %dma_start3A_122 = arith.constant 0 : i32
        %dma_start3A_123 = tpu.memref_slice %arg8[%add3A_6, %dma_start3A_122] : memref<100x1024xi32, #tpu.memory_space<hbm>> -> memref<1x1024xi32, #tpu.memory_space<hbm>>
        %dma_start3A_124 = tpu.memref_squeeze %dma_start3A_123 : memref<1x1024xi32, #tpu.memory_space<hbm>> -> memref<1024xi32, #tpu.memory_space<hbm>>
        tpu.enqueue_dma source(%arg11 : memref<1024xi32, #tpu.memory_space<vmem>>) target(%dma_start3A_124 : memref<1024xi32, #tpu.memory_space<hbm>>) target_semaphore(%run_scoped3A : memref<!tpu.dma_semaphore, #tpu.memory_space<semaphore_mem>>)
        %dma_wait3A_125 = arith.constant 0 : i32
        %dma_wait3A_126 = tpu.memref_slice %arg8[%add3A_6, %dma_wait3A_125] : memref<100x1024xi32, #tpu.memory_space<hbm>> -> memref<1x1024xi32, #tpu.memory_space<hbm>>
        %dma_wait3A_127 = tpu.memref_squeeze %dma_wait3A_126 : memref<1x1024xi32, #tpu.memory_space<hbm>> -> memref<1024xi32, #tpu.memory_space<hbm>>
        %dma_wait3A_128 = arith.constant 0 : i32
        %dma_wait3A_129 = tpu.memref_slice %arg8[%add3A_6, %dma_wait3A_128] : memref<100x1024xi32, #tpu.memory_space<hbm>> -> memref<1x1024xi32, #tpu.memory_space<hbm>>
        %dma_wait3A_130 = tpu.memref_squeeze %dma_wait3A_129 : memref<1x1024xi32, #tpu.memory_space<hbm>> -> memref<1024xi32, #tpu.memory_space<hbm>>
        tpu.wait_dma2 semaphore(%run_scoped3A : memref<!tpu.dma_semaphore, #tpu.memory_space<semaphore_mem>>) src(%arg11 : memref<1024xi32, #tpu.memory_space<vmem>>) dst(%dma_wait3A_130 : memref<1024xi32, #tpu.memory_space<hbm>>)
        tpu.yield
      }) : () -> ()
      %dma_start3A = arith.constant 0 : i32
      %dma_start3A_33 = tpu.memref_slice %arg11[%dma_start3A] : memref<1024xi32, #tpu.memory_space<vmem>> -> memref<256xi32, #tpu.memory_space<vmem>>
      %dma_start3A_34 = arith.constant 0 : i32
      %dma_start3A_35 = arith.constant 0 : i32
      %dma_start3A_36 = tpu.memref_slice %arg7[%dma_start3A_34, %dma_start3A_35] : memref<16384x128xi32, #tpu.memory_space<hbm>> -> memref<16384x128xi32, #tpu.memory_space<hbm>>
      tpu.enqueue_indirect_dma source(%dma_start3A_36 : memref<16384x128xi32, #tpu.memory_space<hbm>>) target(%arg12 : memref<256x128xi32, #tpu.memory_space<vmem>>) offsets(%dma_start3A_33 : memref<256xi32, #tpu.memory_space<vmem>>) semaphore(%arg18 : memref<!tpu.dma_semaphore, #tpu.memory_space<semaphore_mem>>)
      %dma_start3A_37 = arith.constant 256 : i32
      %dma_start3A_38 = tpu.memref_slice %arg11[%dma_start3A_37] : memref<1024xi32, #tpu.memory_space<vmem>> -> memref<256xi32, #tpu.memory_space<vmem>>
      %dma_start3A_39 = arith.constant 0 : i32
      %dma_start3A_40 = arith.constant 0 : i32
      %dma_start3A_41 = tpu.memref_slice %arg7[%dma_start3A_39, %dma_start3A_40] : memref<16384x128xi32, #tpu.memory_space<hbm>> -> memref<16384x128xi32, #tpu.memory_space<hbm>>
      tpu.enqueue_indirect_dma source(%dma_start3A_41 : memref<16384x128xi32, #tpu.memory_space<hbm>>) target(%arg13 : memref<256x128xi32, #tpu.memory_space<vmem>>) offsets(%dma_start3A_38 : memref<256xi32, #tpu.memory_space<vmem>>) semaphore(%arg19 : memref<!tpu.dma_semaphore, #tpu.memory_space<semaphore_mem>>)
      %dma_wait3A = arith.constant 0 : i32
      %dma_wait3A_42 = tpu.memref_slice %arg11[%dma_wait3A] : memref<1024xi32, #tpu.memory_space<vmem>> -> memref<256xi32, #tpu.memory_space<vmem>>
      %dma_wait3A_43 = arith.constant 0 : i32
      %dma_wait3A_44 = arith.constant 0 : i32
      %dma_wait3A_45 = tpu.memref_slice %arg7[%dma_wait3A_43, %dma_wait3A_44] : memref<16384x128xi32, #tpu.memory_space<hbm>> -> memref<16384x128xi32, #tpu.memory_space<hbm>>
      tpu.wait_indirect_dma semaphore(%arg18 : memref<!tpu.dma_semaphore, #tpu.memory_space<semaphore_mem>>) src(%dma_wait3A_45 : memref<16384x128xi32, #tpu.memory_space<hbm>>) dst(%arg12 : memref<256x128xi32, #tpu.memory_space<vmem>>)
      %mul3A_46 = arith.constant 1024 : i32
      %mul3A_47 = arith.muli %add3A_6, %mul3A_46 : i32
      %add3A_48 = arith.constant 0 : i32
      %add3A_49 = arith.addi %mul3A_47, %add3A_48 : i32
      %dma_start3A_50 = arith.constant 0 : i32
      %dma_start3A_51 = tpu.memref_slice %arg9[%add3A_49, %dma_start3A_50] : memref<102400x128xi32, #tpu.memory_space<hbm>> -> memref<256x128xi32, #tpu.memory_space<hbm>>
      %dma_start3A_52 = arith.constant 0 : i32
      %dma_start3A_53 = tpu.memref_slice %arg9[%add3A_49, %dma_start3A_52] : memref<102400x128xi32, #tpu.memory_space<hbm>> -> memref<256x128xi32, #tpu.memory_space<hbm>>
      tpu.enqueue_dma source(%arg12 : memref<256x128xi32, #tpu.memory_space<vmem>>) target(%dma_start3A_53 : memref<256x128xi32, #tpu.memory_space<hbm>>) target_semaphore(%arg20 : memref<!tpu.dma_semaphore, #tpu.memory_space<semaphore_mem>>)
      %dma_wait3A_54 = arith.constant 256 : i32
      %dma_wait3A_55 = tpu.memref_slice %arg11[%dma_wait3A_54] : memref<1024xi32, #tpu.memory_space<vmem>> -> memref<256xi32, #tpu.memory_space<vmem>>
      %dma_wait3A_56 = arith.constant 0 : i32
      %dma_wait3A_57 = arith.constant 0 : i32
      %dma_wait3A_58 = tpu.memref_slice %arg7[%dma_wait3A_56, %dma_wait3A_57] : memref<16384x128xi32, #tpu.memory_space<hbm>> -> memref<16384x128xi32, #tpu.memory_space<hbm>>
      tpu.wait_indirect_dma semaphore(%arg19 : memref<!tpu.dma_semaphore, #tpu.memory_space<semaphore_mem>>) src(%dma_wait3A_58 : memref<16384x128xi32, #tpu.memory_space<hbm>>) dst(%arg13 : memref<256x128xi32, #tpu.memory_space<vmem>>)
      %mul3A_59 = arith.constant 1024 : i32
      %mul3A_60 = arith.muli %add3A_6, %mul3A_59 : i32
      %add3A_61 = arith.constant 256 : i32
      %add3A_62 = arith.addi %mul3A_60, %add3A_61 : i32
      %dma_start3A_63 = arith.constant 0 : i32
      %dma_start3A_64 = tpu.memref_slice %arg9[%add3A_62, %dma_start3A_63] : memref<102400x128xi32, #tpu.memory_space<hbm>> -> memref<256x128xi32, #tpu.memory_space<hbm>>
      %dma_start3A_65 = arith.constant 0 : i32
      %dma_start3A_66 = tpu.memref_slice %arg9[%add3A_62, %dma_start3A_65] : memref<102400x128xi32, #tpu.memory_space<hbm>> -> memref<256x128xi32, #tpu.memory_space<hbm>>
      tpu.enqueue_dma source(%arg13 : memref<256x128xi32, #tpu.memory_space<vmem>>) target(%dma_start3A_66 : memref<256x128xi32, #tpu.memory_space<hbm>>) target_semaphore(%arg21 : memref<!tpu.dma_semaphore, #tpu.memory_space<semaphore_mem>>)
      %dma_wait3A_67 = arith.constant 0 : i32
      %dma_wait3A_68 = tpu.memref_slice %arg9[%add3A_49, %dma_wait3A_67] : memref<102400x128xi32, #tpu.memory_space<hbm>> -> memref<256x128xi32, #tpu.memory_space<hbm>>
      %dma_wait3A_69 = arith.constant 0 : i32
      %dma_wait3A_70 = tpu.memref_slice %arg9[%add3A_49, %dma_wait3A_69] : memref<102400x128xi32, #tpu.memory_space<hbm>> -> memref<256x128xi32, #tpu.memory_space<hbm>>
      tpu.wait_dma2 semaphore(%arg20 : memref<!tpu.dma_semaphore, #tpu.memory_space<semaphore_mem>>) src(%arg12 : memref<256x128xi32, #tpu.memory_space<vmem>>) dst(%dma_wait3A_70 : memref<256x128xi32, #tpu.memory_space<hbm>>)
      %dma_start3A_71 = arith.constant 512 : i32
      %dma_start3A_72 = tpu.memref_slice %arg11[%dma_start3A_71] : memref<1024xi32, #tpu.memory_space<vmem>> -> memref<256xi32, #tpu.memory_space<vmem>>
      %dma_start3A_73 = arith.constant 0 : i32
      %dma_start3A_74 = arith.constant 0 : i32
      %dma_start3A_75 = tpu.memref_slice %arg7[%dma_start3A_73, %dma_start3A_74] : memref<16384x128xi32, #tpu.memory_space<hbm>> -> memref<16384x128xi32, #tpu.memory_space<hbm>>
      tpu.enqueue_indirect_dma source(%dma_start3A_75 : memref<16384x128xi32, #tpu.memory_space<hbm>>) target(%arg12 : memref<256x128xi32, #tpu.memory_space<vmem>>) offsets(%dma_start3A_72 : memref<256xi32, #tpu.memory_space<vmem>>) semaphore(%arg18 : memref<!tpu.dma_semaphore, #tpu.memory_space<semaphore_mem>>)
      %dma_wait3A_76 = arith.constant 0 : i32
      %dma_wait3A_77 = tpu.memref_slice %arg9[%add3A_62, %dma_wait3A_76] : memref<102400x128xi32, #tpu.memory_space<hbm>> -> memref<256x128xi32, #tpu.memory_space<hbm>>
      %dma_wait3A_78 = arith.constant 0 : i32
      %dma_wait3A_79 = tpu.memref_slice %arg9[%add3A_62, %dma_wait3A_78] : memref<102400x128xi32, #tpu.memory_space<hbm>> -> memref<256x128xi32, #tpu.memory_space<hbm>>
      tpu.wait_dma2 semaphore(%arg21 : memref<!tpu.dma_semaphore, #tpu.memory_space<semaphore_mem>>) src(%arg13 : memref<256x128xi32, #tpu.memory_space<vmem>>) dst(%dma_wait3A_79 : memref<256x128xi32, #tpu.memory_space<hbm>>)
      %dma_start3A_80 = arith.constant 768 : i32
      %dma_start3A_81 = tpu.memref_slice %arg11[%dma_start3A_80] : memref<1024xi32, #tpu.memory_space<vmem>> -> memref<256xi32, #tpu.memory_space<vmem>>
      %dma_start3A_82 = arith.constant 0 : i32
      %dma_start3A_83 = arith.constant 0 : i32
      %dma_start3A_84 = tpu.memref_slice %arg7[%dma_start3A_82, %dma_start3A_83] : memref<16384x128xi32, #tpu.memory_space<hbm>> -> memref<16384x128xi32, #tpu.memory_space<hbm>>
      tpu.enqueue_indirect_dma source(%dma_start3A_84 : memref<16384x128xi32, #tpu.memory_space<hbm>>) target(%arg13 : memref<256x128xi32, #tpu.memory_space<vmem>>) offsets(%dma_start3A_81 : memref<256xi32, #tpu.memory_space<vmem>>) semaphore(%arg19 : memref<!tpu.dma_semaphore, #tpu.memory_space<semaphore_mem>>)
      %dma_wait3A_85 = arith.constant 512 : i32
      %dma_wait3A_86 = tpu.memref_slice %arg11[%dma_wait3A_85] : memref<1024xi32, #tpu.memory_space<vmem>> -> memref<256xi32, #tpu.memory_space<vmem>>
      %dma_wait3A_87 = arith.constant 0 : i32
      %dma_wait3A_88 = arith.constant 0 : i32
      %dma_wait3A_89 = tpu.memref_slice %arg7[%dma_wait3A_87, %dma_wait3A_88] : memref<16384x128xi32, #tpu.memory_space<hbm>> -> memref<16384x128xi32, #tpu.memory_space<hbm>>
      tpu.wait_indirect_dma semaphore(%arg18 : memref<!tpu.dma_semaphore, #tpu.memory_space<semaphore_mem>>) src(%dma_wait3A_89 : memref<16384x128xi32, #tpu.memory_space<hbm>>) dst(%arg12 : memref<256x128xi32, #tpu.memory_space<vmem>>)
      %mul3A_90 = arith.constant 1024 : i32
      %mul3A_91 = arith.muli %add3A_6, %mul3A_90 : i32
      %add3A_92 = arith.constant 512 : i32
      %add3A_93 = arith.addi %mul3A_91, %add3A_92 : i32
      %dma_start3A_94 = arith.constant 0 : i32
      %dma_start3A_95 = tpu.memref_slice %arg9[%add3A_93, %dma_start3A_94] : memref<102400x128xi32, #tpu.memory_space<hbm>> -> memref<256x128xi32, #tpu.memory_space<hbm>>
      %dma_start3A_96 = arith.constant 0 : i32
      %dma_start3A_97 = tpu.memref_slice %arg9[%add3A_93, %dma_start3A_96] : memref<102400x128xi32, #tpu.memory_space<hbm>> -> memref<256x128xi32, #tpu.memory_space<hbm>>
      tpu.enqueue_dma source(%arg12 : memref<256x128xi32, #tpu.memory_space<vmem>>) target(%dma_start3A_97 : memref<256x128xi32, #tpu.memory_space<hbm>>) target_semaphore(%arg20 : memref<!tpu.dma_semaphore, #tpu.memory_space<semaphore_mem>>)
      %dma_wait3A_98 = arith.constant 768 : i32
      %dma_wait3A_99 = tpu.memref_slice %arg11[%dma_wait3A_98] : memref<1024xi32, #tpu.memory_space<vmem>> -> memref<256xi32, #tpu.memory_space<vmem>>
      %dma_wait3A_100 = arith.constant 0 : i32
      %dma_wait3A_101 = arith.constant 0 : i32
      %dma_wait3A_102 = tpu.memref_slice %arg7[%dma_wait3A_100, %dma_wait3A_101] : memref<16384x128xi32, #tpu.memory_space<hbm>> -> memref<16384x128xi32, #tpu.memory_space<hbm>>
      tpu.wait_indirect_dma semaphore(%arg19 : memref<!tpu.dma_semaphore, #tpu.memory_space<semaphore_mem>>) src(%dma_wait3A_102 : memref<16384x128xi32, #tpu.memory_space<hbm>>) dst(%arg13 : memref<256x128xi32, #tpu.memory_space<vmem>>)
      %mul3A_103 = arith.constant 1024 : i32
      %mul3A_104 = arith.muli %add3A_6, %mul3A_103 : i32
      %add3A_105 = arith.constant 768 : i32
      %add3A_106 = arith.addi %mul3A_104, %add3A_105 : i32
      %dma_start3A_107 = arith.constant 0 : i32
      %dma_start3A_108 = tpu.memref_slice %arg9[%add3A_106, %dma_start3A_107] : memref<102400x128xi32, #tpu.memory_space<hbm>> -> memref<256x128xi32, #tpu.memory_space<hbm>>
      %dma_start3A_109 = arith.constant 0 : i32
      %dma_start3A_110 = tpu.memref_slice %arg9[%add3A_106, %dma_start3A_109] : memref<102400x128xi32, #tpu.memory_space<hbm>> -> memref<256x128xi32, #tpu.memory_space<hbm>>
      tpu.enqueue_dma source(%arg13 : memref<256x128xi32, #tpu.memory_space<vmem>>) target(%dma_start3A_110 : memref<256x128xi32, #tpu.memory_space<hbm>>) target_semaphore(%arg21 : memref<!tpu.dma_semaphore, #tpu.memory_space<semaphore_mem>>)
      %dma_wait3A_111 = arith.constant 0 : i32
      %dma_wait3A_112 = tpu.memref_slice %arg9[%add3A_93, %dma_wait3A_111] : memref<102400x128xi32, #tpu.memory_space<hbm>> -> memref<256x128xi32, #tpu.memory_space<hbm>>
      %dma_wait3A_113 = arith.constant 0 : i32
      %dma_wait3A_114 = tpu.memref_slice %arg9[%add3A_93, %dma_wait3A_113] : memref<102400x128xi32, #tpu.memory_space<hbm>> -> memref<256x128xi32, #tpu.memory_space<hbm>>
      tpu.wait_dma2 semaphore(%arg20 : memref<!tpu.dma_semaphore, #tpu.memory_space<semaphore_mem>>) src(%arg12 : memref<256x128xi32, #tpu.memory_space<vmem>>) dst(%dma_wait3A_114 : memref<256x128xi32, #tpu.memory_space<hbm>>)
      %dma_wait3A_115 = arith.constant 0 : i32
      %dma_wait3A_116 = tpu.memref_slice %arg9[%add3A_106, %dma_wait3A_115] : memref<102400x128xi32, #tpu.memory_space<hbm>> -> memref<256x128xi32, #tpu.memory_space<hbm>>
      %dma_wait3A_117 = arith.constant 0 : i32
      %dma_wait3A_118 = tpu.memref_slice %arg9[%add3A_106, %dma_wait3A_117] : memref<102400x128xi32, #tpu.memory_space<hbm>> -> memref<256x128xi32, #tpu.memory_space<hbm>>
      tpu.wait_dma2 semaphore(%arg21 : memref<!tpu.dma_semaphore, #tpu.memory_space<semaphore_mem>>) src(%arg13 : memref<256x128xi32, #tpu.memory_space<vmem>>) dst(%dma_wait3A_118 : memref<256x128xi32, #tpu.memory_space<hbm>>)
    } else {
    }
    %add3A_12 = arith.constant 64 : i32
    %add3A_13 = arith.addi %add3A, %add3A_12 : i32
    %lt3A_14 = arith.constant 100 : i32
    %lt3A_15 = arith.cmpi slt, %add3A_13, %lt3A_14 : i32
    %convert_element_type3A_16 = arith.extui %lt3A_15 : i1 to i32
    %cond3A_17 = arith.constant 0 : i32
    %cond3A_18 = arith.cmpi ne, %convert_element_type3A_16, %cond3A_17 : i32
    scf.if %cond3A_18 {
      "tpu.region"() ({
        %run_scoped3A = tpu.sem_alloc : memref<!tpu.dma_semaphore, #tpu.memory_space<semaphore_mem>>
        %dma_start3A_119 = arith.constant 0 : i32
        %dma_start3A_120 = tpu.memref_slice %arg2[%add3A_13, %dma_start3A_119] : memref<104x16384xf32, #tpu.memory_space<hbm>> -> memref<1x16384xf32, #tpu.memory_space<hbm>>
        %dma_start3A_121 = tpu.memref_squeeze %dma_start3A_120 : memref<1x16384xf32, #tpu.memory_space<hbm>> -> memref<16384xf32, #tpu.memory_space<hbm>>
        %dma_start3A_122 = arith.constant 0 : i32
        %dma_start3A_123 = tpu.memref_slice %arg2[%add3A_13, %dma_start3A_122] : memref<104x16384xf32, #tpu.memory_space<hbm>> -> memref<1x16384xf32, #tpu.memory_space<hbm>>
        %dma_start3A_124 = tpu.memref_squeeze %dma_start3A_123 : memref<1x16384xf32, #tpu.memory_space<hbm>> -> memref<16384xf32, #tpu.memory_space<hbm>>
        tpu.enqueue_dma source(%dma_start3A_124 : memref<16384xf32, #tpu.memory_space<hbm>>) target(%arg10 : memref<16384xf32, #tpu.memory_space<vmem>>) target_semaphore(%run_scoped3A : memref<!tpu.dma_semaphore, #tpu.memory_space<semaphore_mem>>)
        %dma_wait3A_125 = arith.constant 0 : i32
        %dma_wait3A_126 = tpu.memref_slice %arg2[%add3A_13, %dma_wait3A_125] : memref<104x16384xf32, #tpu.memory_space<hbm>> -> memref<1x16384xf32, #tpu.memory_space<hbm>>
        %dma_wait3A_127 = tpu.memref_squeeze %dma_wait3A_126 : memref<1x16384xf32, #tpu.memory_space<hbm>> -> memref<16384xf32, #tpu.memory_space<hbm>>
        %dma_wait3A_128 = arith.constant 0 : i32
        %dma_wait3A_129 = tpu.memref_slice %arg2[%add3A_13, %dma_wait3A_128] : memref<104x16384xf32, #tpu.memory_space<hbm>> -> memref<1x16384xf32, #tpu.memory_space<hbm>>
        %dma_wait3A_130 = tpu.memref_squeeze %dma_wait3A_129 : memref<1x16384xf32, #tpu.memory_space<hbm>> -> memref<16384xf32, #tpu.memory_space<hbm>>
        tpu.wait_dma2 semaphore(%run_scoped3A : memref<!tpu.dma_semaphore, #tpu.memory_space<semaphore_mem>>) src(%dma_wait3A_130 : memref<16384xf32, #tpu.memory_space<hbm>>) dst(%arg10 : memref<16384xf32, #tpu.memory_space<vmem>>)
        tpu.yield
      }) : () -> ()
      %broadcast_in_dim3A = vector.broadcast %add3A_13 : i32 to vector<16xi32>
      %gather3A = tpu.vector_load_idx %arg14[%broadcast_in_dim3A] : memref<104xi32, #tpu.memory_space<vmem>>[vector<16xi32>], vector<16xi32>,
      %gather3A_26 = tpu.vector_load_idx %arg15[%broadcast_in_dim3A] : memref<104xi32, #tpu.memory_space<vmem>>[vector<16xi32>], vector<16xi32>,
      %scan3A = arith.constant 0 : i32
      %scan3A_27 = arith.constant 0 : i32
      %scan3A_28 = arith.constant 1024 : i32
      %scan3A_29 = arith.addi %scan3A_27, %scan3A_28 : i32
      %scan3A_30 = arith.constant 1 : i32
      %scan3A_31 = scf.for %scan3A_119 = %scan3A_27 to %scan3A_29 step %scan3A_30 iter_args(%scan3A_120 = %scan3A) -> (i32)  : i32 {
        %mul3A_121 = arith.constant 16 : i32
        %mul3A_122 = arith.muli %scan3A_119, %mul3A_121 : i32
        %get3A = arith.index_cast %mul3A_122 : i32 to index
        %get3A_123 = tpu.vector_load %arg10[%get3A] {strides = array<i32>} : memref<16384xf32, #tpu.memory_space<vmem>>, vector<16xf32>,
        %bitcast_convert_type3A = tpu.bitcast %get3A_123 : vector<16xf32> -> vector<16xi32>
        %ge3A = arith.constant 0 : i32
        %ge3A_124 = vector.broadcast %ge3A : i32 to vector<16xi32>
        %ge3A_125 = arith.cmpi sge, %bitcast_convert_type3A, %ge3A_124 : vector<16xi32>
        %not3A = arith.constant dense<-1> : vector<16xi32>
        %not3A_126 = arith.xori %bitcast_convert_type3A, %not3A : vector<16xi32>
        %xor3A = arith.constant -2147483648 : i32
        %xor3A_127 = vector.broadcast %xor3A : i32 to vector<16xi32>
        %xor3A_128 = arith.xori %not3A_126, %xor3A_127 : vector<16xi32>
        %select_n3A = arith.select %ge3A_125, %bitcast_convert_type3A, %xor3A_128 : vector<16xi1>, vector<16xi32>
        %iota3A = tpu.iota {dimensions = array<i32: 0>} : vector<16xi32>
        %mul3A_129 = arith.constant 16 : i32
        %mul3A_130 = arith.muli %scan3A_119, %mul3A_129 : i32
        %add3A_131 = vector.broadcast %mul3A_130 : i32 to vector<16xi32>
        %add3A_132 = arith.addi %iota3A, %add3A_131 : vector<16xi32>
        %gt3A = arith.cmpi sgt, %select_n3A, %gather3A : vector<16xi32>
        %eq3A = arith.cmpi eq, %select_n3A, %gather3A : vector<16xi32>
        %lt3A_133 = arith.cmpi slt, %add3A_132, %gather3A_26 : vector<16xi32>
        %and3A = arith.andi %eq3A, %lt3A_133 : vector<16xi1>
        %or3A = arith.ori %gt3A, %and3A : vector<16xi1>
        %swap3A = arith.index_cast %scan3A_120 : i32 to index
        %swap3A_134 = tpu.vector_load %arg11[%swap3A] masked %or3A {strides = array<i32>} : memref<1024xi32, #tpu.memory_space<vmem>>, vector<16xi32>, vector<16xi1>
        tpu.vector_store %arg11[%swap3A], %add3A_132 masked %or3A {strides = array<i32>} : memref<1024xi32, #tpu.memory_space<vmem>>, vector<16xi32>, vector<16xi1>
        %convert_element_type3A_135 = arith.extui %or3A : vector<16xi1> to vector<16xi32>
        %reduce_sum3A = arith.constant true
        %reduce_sum3A_136 = vector.broadcast %reduce_sum3A : i1 to vector<16xi1>
        %reduce_sum3A_137 = tpu.scan <sum>, %convert_element_type3A_135 masked %reduce_sum3A_136 : vector<16xi32>, vector<16xi1> -> vector<16xi32>
        %reduce_sum3A_138 = vector.extract %reduce_sum3A_137[15] : i32 from vector<16xi32>
        %add3A_139 = arith.addi %scan3A_120, %reduce_sum3A_138 : i32
        scf.yield %add3A_139 : i32
      }
      %scan3A_32 = arith.constant 1024 : i32
      "tpu.region"() ({
        %run_scoped3A = tpu.sem_alloc : memref<!tpu.dma_semaphore, #tpu.memory_space<semaphore_mem>>
        %dma_start3A_119 = arith.constant 0 : i32
        %dma_start3A_120 = tpu.memref_slice %arg8[%add3A_13, %dma_start3A_119] : memref<100x1024xi32, #tpu.memory_space<hbm>> -> memref<1x1024xi32, #tpu.memory_space<hbm>>
        %dma_start3A_121 = tpu.memref_squeeze %dma_start3A_120 : memref<1x1024xi32, #tpu.memory_space<hbm>> -> memref<1024xi32, #tpu.memory_space<hbm>>
        %dma_start3A_122 = arith.constant 0 : i32
        %dma_start3A_123 = tpu.memref_slice %arg8[%add3A_13, %dma_start3A_122] : memref<100x1024xi32, #tpu.memory_space<hbm>> -> memref<1x1024xi32, #tpu.memory_space<hbm>>
        %dma_start3A_124 = tpu.memref_squeeze %dma_start3A_123 : memref<1x1024xi32, #tpu.memory_space<hbm>> -> memref<1024xi32, #tpu.memory_space<hbm>>
        tpu.enqueue_dma source(%arg11 : memref<1024xi32, #tpu.memory_space<vmem>>) target(%dma_start3A_124 : memref<1024xi32, #tpu.memory_space<hbm>>) target_semaphore(%run_scoped3A : memref<!tpu.dma_semaphore, #tpu.memory_space<semaphore_mem>>)
        %dma_wait3A_125 = arith.constant 0 : i32
        %dma_wait3A_126 = tpu.memref_slice %arg8[%add3A_13, %dma_wait3A_125] : memref<100x1024xi32, #tpu.memory_space<hbm>> -> memref<1x1024xi32, #tpu.memory_space<hbm>>
        %dma_wait3A_127 = tpu.memref_squeeze %dma_wait3A_126 : memref<1x1024xi32, #tpu.memory_space<hbm>> -> memref<1024xi32, #tpu.memory_space<hbm>>
        %dma_wait3A_128 = arith.constant 0 : i32
        %dma_wait3A_129 = tpu.memref_slice %arg8[%add3A_13, %dma_wait3A_128] : memref<100x1024xi32, #tpu.memory_space<hbm>> -> memref<1x1024xi32, #tpu.memory_space<hbm>>
        %dma_wait3A_130 = tpu.memref_squeeze %dma_wait3A_129 : memref<1x1024xi32, #tpu.memory_space<hbm>> -> memref<1024xi32, #tpu.memory_space<hbm>>
        tpu.wait_dma2 semaphore(%run_scoped3A : memref<!tpu.dma_semaphore, #tpu.memory_space<semaphore_mem>>) src(%arg11 : memref<1024xi32, #tpu.memory_space<vmem>>) dst(%dma_wait3A_130 : memref<1024xi32, #tpu.memory_space<hbm>>)
        tpu.yield
      }) : () -> ()
      %dma_start3A = arith.constant 0 : i32
      %dma_start3A_33 = tpu.memref_slice %arg11[%dma_start3A] : memref<1024xi32, #tpu.memory_space<vmem>> -> memref<256xi32, #tpu.memory_space<vmem>>
      %dma_start3A_34 = arith.constant 0 : i32
      %dma_start3A_35 = arith.constant 0 : i32
      %dma_start3A_36 = tpu.memref_slice %arg7[%dma_start3A_34, %dma_start3A_35] : memref<16384x128xi32, #tpu.memory_space<hbm>> -> memref<16384x128xi32, #tpu.memory_space<hbm>>
      tpu.enqueue_indirect_dma source(%dma_start3A_36 : memref<16384x128xi32, #tpu.memory_space<hbm>>) target(%arg12 : memref<256x128xi32, #tpu.memory_space<vmem>>) offsets(%dma_start3A_33 : memref<256xi32, #tpu.memory_space<vmem>>) semaphore(%arg18 : memref<!tpu.dma_semaphore, #tpu.memory_space<semaphore_mem>>)
      %dma_start3A_37 = arith.constant 256 : i32
      %dma_start3A_38 = tpu.memref_slice %arg11[%dma_start3A_37] : memref<1024xi32, #tpu.memory_space<vmem>> -> memref<256xi32, #tpu.memory_space<vmem>>
      %dma_start3A_39 = arith.constant 0 : i32
      %dma_start3A_40 = arith.constant 0 : i32
      %dma_start3A_41 = tpu.memref_slice %arg7[%dma_start3A_39, %dma_start3A_40] : memref<16384x128xi32, #tpu.memory_space<hbm>> -> memref<16384x128xi32, #tpu.memory_space<hbm>>
      tpu.enqueue_indirect_dma source(%dma_start3A_41 : memref<16384x128xi32, #tpu.memory_space<hbm>>) target(%arg13 : memref<256x128xi32, #tpu.memory_space<vmem>>) offsets(%dma_start3A_38 : memref<256xi32, #tpu.memory_space<vmem>>) semaphore(%arg19 : memref<!tpu.dma_semaphore, #tpu.memory_space<semaphore_mem>>)
      %dma_wait3A = arith.constant 0 : i32
      %dma_wait3A_42 = tpu.memref_slice %arg11[%dma_wait3A] : memref<1024xi32, #tpu.memory_space<vmem>> -> memref<256xi32, #tpu.memory_space<vmem>>
      %dma_wait3A_43 = arith.constant 0 : i32
      %dma_wait3A_44 = arith.constant 0 : i32
      %dma_wait3A_45 = tpu.memref_slice %arg7[%dma_wait3A_43, %dma_wait3A_44] : memref<16384x128xi32, #tpu.memory_space<hbm>> -> memref<16384x128xi32, #tpu.memory_space<hbm>>
      tpu.wait_indirect_dma semaphore(%arg18 : memref<!tpu.dma_semaphore, #tpu.memory_space<semaphore_mem>>) src(%dma_wait3A_45 : memref<16384x128xi32, #tpu.memory_space<hbm>>) dst(%arg12 : memref<256x128xi32, #tpu.memory_space<vmem>>)
      %mul3A_46 = arith.constant 1024 : i32
      %mul3A_47 = arith.muli %add3A_13, %mul3A_46 : i32
      %add3A_48 = arith.constant 0 : i32
      %add3A_49 = arith.addi %mul3A_47, %add3A_48 : i32
      %dma_start3A_50 = arith.constant 0 : i32
      %dma_start3A_51 = tpu.memref_slice %arg9[%add3A_49, %dma_start3A_50] : memref<102400x128xi32, #tpu.memory_space<hbm>> -> memref<256x128xi32, #tpu.memory_space<hbm>>
      %dma_start3A_52 = arith.constant 0 : i32
      %dma_start3A_53 = tpu.memref_slice %arg9[%add3A_49, %dma_start3A_52] : memref<102400x128xi32, #tpu.memory_space<hbm>> -> memref<256x128xi32, #tpu.memory_space<hbm>>
      tpu.enqueue_dma source(%arg12 : memref<256x128xi32, #tpu.memory_space<vmem>>) target(%dma_start3A_53 : memref<256x128xi32, #tpu.memory_space<hbm>>) target_semaphore(%arg20 : memref<!tpu.dma_semaphore, #tpu.memory_space<semaphore_mem>>)
      %dma_wait3A_54 = arith.constant 256 : i32
      %dma_wait3A_55 = tpu.memref_slice %arg11[%dma_wait3A_54] : memref<1024xi32, #tpu.memory_space<vmem>> -> memref<256xi32, #tpu.memory_space<vmem>>
      %dma_wait3A_56 = arith.constant 0 : i32
      %dma_wait3A_57 = arith.constant 0 : i32
      %dma_wait3A_58 = tpu.memref_slice %arg7[%dma_wait3A_56, %dma_wait3A_57] : memref<16384x128xi32, #tpu.memory_space<hbm>> -> memref<16384x128xi32, #tpu.memory_space<hbm>>
      tpu.wait_indirect_dma semaphore(%arg19 : memref<!tpu.dma_semaphore, #tpu.memory_space<semaphore_mem>>) src(%dma_wait3A_58 : memref<16384x128xi32, #tpu.memory_space<hbm>>) dst(%arg13 : memref<256x128xi32, #tpu.memory_space<vmem>>)
      %mul3A_59 = arith.constant 1024 : i32
      %mul3A_60 = arith.muli %add3A_13, %mul3A_59 : i32
      %add3A_61 = arith.constant 256 : i32
      %add3A_62 = arith.addi %mul3A_60, %add3A_61 : i32
      %dma_start3A_63 = arith.constant 0 : i32
      %dma_start3A_64 = tpu.memref_slice %arg9[%add3A_62, %dma_start3A_63] : memref<102400x128xi32, #tpu.memory_space<hbm>> -> memref<256x128xi32, #tpu.memory_space<hbm>>
      %dma_start3A_65 = arith.constant 0 : i32
      %dma_start3A_66 = tpu.memref_slice %arg9[%add3A_62, %dma_start3A_65] : memref<102400x128xi32, #tpu.memory_space<hbm>> -> memref<256x128xi32, #tpu.memory_space<hbm>>
      tpu.enqueue_dma source(%arg13 : memref<256x128xi32, #tpu.memory_space<vmem>>) target(%dma_start3A_66 : memref<256x128xi32, #tpu.memory_space<hbm>>) target_semaphore(%arg21 : memref<!tpu.dma_semaphore, #tpu.memory_space<semaphore_mem>>)
      %dma_wait3A_67 = arith.constant 0 : i32
      %dma_wait3A_68 = tpu.memref_slice %arg9[%add3A_49, %dma_wait3A_67] : memref<102400x128xi32, #tpu.memory_space<hbm>> -> memref<256x128xi32, #tpu.memory_space<hbm>>
      %dma_wait3A_69 = arith.constant 0 : i32
      %dma_wait3A_70 = tpu.memref_slice %arg9[%add3A_49, %dma_wait3A_69] : memref<102400x128xi32, #tpu.memory_space<hbm>> -> memref<256x128xi32, #tpu.memory_space<hbm>>
      tpu.wait_dma2 semaphore(%arg20 : memref<!tpu.dma_semaphore, #tpu.memory_space<semaphore_mem>>) src(%arg12 : memref<256x128xi32, #tpu.memory_space<vmem>>) dst(%dma_wait3A_70 : memref<256x128xi32, #tpu.memory_space<hbm>>)
      %dma_start3A_71 = arith.constant 512 : i32
      %dma_start3A_72 = tpu.memref_slice %arg11[%dma_start3A_71] : memref<1024xi32, #tpu.memory_space<vmem>> -> memref<256xi32, #tpu.memory_space<vmem>>
      %dma_start3A_73 = arith.constant 0 : i32
      %dma_start3A_74 = arith.constant 0 : i32
      %dma_start3A_75 = tpu.memref_slice %arg7[%dma_start3A_73, %dma_start3A_74] : memref<16384x128xi32, #tpu.memory_space<hbm>> -> memref<16384x128xi32, #tpu.memory_space<hbm>>
      tpu.enqueue_indirect_dma source(%dma_start3A_75 : memref<16384x128xi32, #tpu.memory_space<hbm>>) target(%arg12 : memref<256x128xi32, #tpu.memory_space<vmem>>) offsets(%dma_start3A_72 : memref<256xi32, #tpu.memory_space<vmem>>) semaphore(%arg18 : memref<!tpu.dma_semaphore, #tpu.memory_space<semaphore_mem>>)
      %dma_wait3A_76 = arith.constant 0 : i32
      %dma_wait3A_77 = tpu.memref_slice %arg9[%add3A_62, %dma_wait3A_76] : memref<102400x128xi32, #tpu.memory_space<hbm>> -> memref<256x128xi32, #tpu.memory_space<hbm>>
      %dma_wait3A_78 = arith.constant 0 : i32
      %dma_wait3A_79 = tpu.memref_slice %arg9[%add3A_62, %dma_wait3A_78] : memref<102400x128xi32, #tpu.memory_space<hbm>> -> memref<256x128xi32, #tpu.memory_space<hbm>>
      tpu.wait_dma2 semaphore(%arg21 : memref<!tpu.dma_semaphore, #tpu.memory_space<semaphore_mem>>) src(%arg13 : memref<256x128xi32, #tpu.memory_space<vmem>>) dst(%dma_wait3A_79 : memref<256x128xi32, #tpu.memory_space<hbm>>)
      %dma_start3A_80 = arith.constant 768 : i32
      %dma_start3A_81 = tpu.memref_slice %arg11[%dma_start3A_80] : memref<1024xi32, #tpu.memory_space<vmem>> -> memref<256xi32, #tpu.memory_space<vmem>>
      %dma_start3A_82 = arith.constant 0 : i32
      %dma_start3A_83 = arith.constant 0 : i32
      %dma_start3A_84 = tpu.memref_slice %arg7[%dma_start3A_82, %dma_start3A_83] : memref<16384x128xi32, #tpu.memory_space<hbm>> -> memref<16384x128xi32, #tpu.memory_space<hbm>>
      tpu.enqueue_indirect_dma source(%dma_start3A_84 : memref<16384x128xi32, #tpu.memory_space<hbm>>) target(%arg13 : memref<256x128xi32, #tpu.memory_space<vmem>>) offsets(%dma_start3A_81 : memref<256xi32, #tpu.memory_space<vmem>>) semaphore(%arg19 : memref<!tpu.dma_semaphore, #tpu.memory_space<semaphore_mem>>)
      %dma_wait3A_85 = arith.constant 512 : i32
      %dma_wait3A_86 = tpu.memref_slice %arg11[%dma_wait3A_85] : memref<1024xi32, #tpu.memory_space<vmem>> -> memref<256xi32, #tpu.memory_space<vmem>>
      %dma_wait3A_87 = arith.constant 0 : i32
      %dma_wait3A_88 = arith.constant 0 : i32
      %dma_wait3A_89 = tpu.memref_slice %arg7[%dma_wait3A_87, %dma_wait3A_88] : memref<16384x128xi32, #tpu.memory_space<hbm>> -> memref<16384x128xi32, #tpu.memory_space<hbm>>
      tpu.wait_indirect_dma semaphore(%arg18 : memref<!tpu.dma_semaphore, #tpu.memory_space<semaphore_mem>>) src(%dma_wait3A_89 : memref<16384x128xi32, #tpu.memory_space<hbm>>) dst(%arg12 : memref<256x128xi32, #tpu.memory_space<vmem>>)
      %mul3A_90 = arith.constant 1024 : i32
      %mul3A_91 = arith.muli %add3A_13, %mul3A_90 : i32
      %add3A_92 = arith.constant 512 : i32
      %add3A_93 = arith.addi %mul3A_91, %add3A_92 : i32
      %dma_start3A_94 = arith.constant 0 : i32
      %dma_start3A_95 = tpu.memref_slice %arg9[%add3A_93, %dma_start3A_94] : memref<102400x128xi32, #tpu.memory_space<hbm>> -> memref<256x128xi32, #tpu.memory_space<hbm>>
      %dma_start3A_96 = arith.constant 0 : i32
      %dma_start3A_97 = tpu.memref_slice %arg9[%add3A_93, %dma_start3A_96] : memref<102400x128xi32, #tpu.memory_space<hbm>> -> memref<256x128xi32, #tpu.memory_space<hbm>>
      tpu.enqueue_dma source(%arg12 : memref<256x128xi32, #tpu.memory_space<vmem>>) target(%dma_start3A_97 : memref<256x128xi32, #tpu.memory_space<hbm>>) target_semaphore(%arg20 : memref<!tpu.dma_semaphore, #tpu.memory_space<semaphore_mem>>)
      %dma_wait3A_98 = arith.constant 768 : i32
      %dma_wait3A_99 = tpu.memref_slice %arg11[%dma_wait3A_98] : memref<1024xi32, #tpu.memory_space<vmem>> -> memref<256xi32, #tpu.memory_space<vmem>>
      %dma_wait3A_100 = arith.constant 0 : i32
      %dma_wait3A_101 = arith.constant 0 : i32
      %dma_wait3A_102 = tpu.memref_slice %arg7[%dma_wait3A_100, %dma_wait3A_101] : memref<16384x128xi32, #tpu.memory_space<hbm>> -> memref<16384x128xi32, #tpu.memory_space<hbm>>
      tpu.wait_indirect_dma semaphore(%arg19 : memref<!tpu.dma_semaphore, #tpu.memory_space<semaphore_mem>>) src(%dma_wait3A_102 : memref<16384x128xi32, #tpu.memory_space<hbm>>) dst(%arg13 : memref<256x128xi32, #tpu.memory_space<vmem>>)
      %mul3A_103 = arith.constant 1024 : i32
      %mul3A_104 = arith.muli %add3A_13, %mul3A_103 : i32
      %add3A_105 = arith.constant 768 : i32
      %add3A_106 = arith.addi %mul3A_104, %add3A_105 : i32
      %dma_start3A_107 = arith.constant 0 : i32
      %dma_start3A_108 = tpu.memref_slice %arg9[%add3A_106, %dma_start3A_107] : memref<102400x128xi32, #tpu.memory_space<hbm>> -> memref<256x128xi32, #tpu.memory_space<hbm>>
      %dma_start3A_109 = arith.constant 0 : i32
      %dma_start3A_110 = tpu.memref_slice %arg9[%add3A_106, %dma_start3A_109] : memref<102400x128xi32, #tpu.memory_space<hbm>> -> memref<256x128xi32, #tpu.memory_space<hbm>>
      tpu.enqueue_dma source(%arg13 : memref<256x128xi32, #tpu.memory_space<vmem>>) target(%dma_start3A_110 : memref<256x128xi32, #tpu.memory_space<hbm>>) target_semaphore(%arg21 : memref<!tpu.dma_semaphore, #tpu.memory_space<semaphore_mem>>)
      %dma_wait3A_111 = arith.constant 0 : i32
      %dma_wait3A_112 = tpu.memref_slice %arg9[%add3A_93, %dma_wait3A_111] : memref<102400x128xi32, #tpu.memory_space<hbm>> -> memref<256x128xi32, #tpu.memory_space<hbm>>
      %dma_wait3A_113 = arith.constant 0 : i32
      %dma_wait3A_114 = tpu.memref_slice %arg9[%add3A_93, %dma_wait3A_113] : memref<102400x128xi32, #tpu.memory_space<hbm>> -> memref<256x128xi32, #tpu.memory_space<hbm>>
      tpu.wait_dma2 semaphore(%arg20 : memref<!tpu.dma_semaphore, #tpu.memory_space<semaphore_mem>>) src(%arg12 : memref<256x128xi32, #tpu.memory_space<vmem>>) dst(%dma_wait3A_114 : memref<256x128xi32, #tpu.memory_space<hbm>>)
      %dma_wait3A_115 = arith.constant 0 : i32
      %dma_wait3A_116 = tpu.memref_slice %arg9[%add3A_106, %dma_wait3A_115] : memref<102400x128xi32, #tpu.memory_space<hbm>> -> memref<256x128xi32, #tpu.memory_space<hbm>>
      %dma_wait3A_117 = arith.constant 0 : i32
      %dma_wait3A_118 = tpu.memref_slice %arg9[%add3A_106, %dma_wait3A_117] : memref<102400x128xi32, #tpu.memory_space<hbm>> -> memref<256x128xi32, #tpu.memory_space<hbm>>
      tpu.wait_dma2 semaphore(%arg21 : memref<!tpu.dma_semaphore, #tpu.memory_space<semaphore_mem>>) src(%arg13 : memref<256x128xi32, #tpu.memory_space<vmem>>) dst(%dma_wait3A_118 : memref<256x128xi32, #tpu.memory_space<hbm>>)
    } else {
    }
    %add3A_19 = arith.constant 96 : i32
    %add3A_20 = arith.addi %add3A, %add3A_19 : i32
    %lt3A_21 = arith.constant 100 : i32
    %lt3A_22 = arith.cmpi slt, %add3A_20, %lt3A_21 : i32
    %convert_element_type3A_23 = arith.extui %lt3A_22 : i1 to i32
    %cond3A_24 = arith.constant 0 : i32
    %cond3A_25 = arith.cmpi ne, %convert_element_type3A_23, %cond3A_24 : i32
    scf.if %cond3A_25 {
      "tpu.region"() ({
        %run_scoped3A = tpu.sem_alloc : memref<!tpu.dma_semaphore, #tpu.memory_space<semaphore_mem>>
        %dma_start3A_119 = arith.constant 0 : i32
        %dma_start3A_120 = tpu.memref_slice %arg2[%add3A_20, %dma_start3A_119] : memref<104x16384xf32, #tpu.memory_space<hbm>> -> memref<1x16384xf32, #tpu.memory_space<hbm>>
        %dma_start3A_121 = tpu.memref_squeeze %dma_start3A_120 : memref<1x16384xf32, #tpu.memory_space<hbm>> -> memref<16384xf32, #tpu.memory_space<hbm>>
        %dma_start3A_122 = arith.constant 0 : i32
        %dma_start3A_123 = tpu.memref_slice %arg2[%add3A_20, %dma_start3A_122] : memref<104x16384xf32, #tpu.memory_space<hbm>> -> memref<1x16384xf32, #tpu.memory_space<hbm>>
        %dma_start3A_124 = tpu.memref_squeeze %dma_start3A_123 : memref<1x16384xf32, #tpu.memory_space<hbm>> -> memref<16384xf32, #tpu.memory_space<hbm>>
        tpu.enqueue_dma source(%dma_start3A_124 : memref<16384xf32, #tpu.memory_space<hbm>>) target(%arg10 : memref<16384xf32, #tpu.memory_space<vmem>>) target_semaphore(%run_scoped3A : memref<!tpu.dma_semaphore, #tpu.memory_space<semaphore_mem>>)
        %dma_wait3A_125 = arith.constant 0 : i32
        %dma_wait3A_126 = tpu.memref_slice %arg2[%add3A_20, %dma_wait3A_125] : memref<104x16384xf32, #tpu.memory_space<hbm>> -> memref<1x16384xf32, #tpu.memory_space<hbm>>
        %dma_wait3A_127 = tpu.memref_squeeze %dma_wait3A_126 : memref<1x16384xf32, #tpu.memory_space<hbm>> -> memref<16384xf32, #tpu.memory_space<hbm>>
        %dma_wait3A_128 = arith.constant 0 : i32
        %dma_wait3A_129 = tpu.memref_slice %arg2[%add3A_20, %dma_wait3A_128] : memref<104x16384xf32, #tpu.memory_space<hbm>> -> memref<1x16384xf32, #tpu.memory_space<hbm>>
        %dma_wait3A_130 = tpu.memref_squeeze %dma_wait3A_129 : memref<1x16384xf32, #tpu.memory_space<hbm>> -> memref<16384xf32, #tpu.memory_space<hbm>>
        tpu.wait_dma2 semaphore(%run_scoped3A : memref<!tpu.dma_semaphore, #tpu.memory_space<semaphore_mem>>) src(%dma_wait3A_130 : memref<16384xf32, #tpu.memory_space<hbm>>) dst(%arg10 : memref<16384xf32, #tpu.memory_space<vmem>>)
        tpu.yield
      }) : () -> ()
      %broadcast_in_dim3A = vector.broadcast %add3A_20 : i32 to vector<16xi32>
      %gather3A = tpu.vector_load_idx %arg14[%broadcast_in_dim3A] : memref<104xi32, #tpu.memory_space<vmem>>[vector<16xi32>], vector<16xi32>,
      %gather3A_26 = tpu.vector_load_idx %arg15[%broadcast_in_dim3A] : memref<104xi32, #tpu.memory_space<vmem>>[vector<16xi32>], vector<16xi32>,
      %scan3A = arith.constant 0 : i32
      %scan3A_27 = arith.constant 0 : i32
      %scan3A_28 = arith.constant 1024 : i32
      %scan3A_29 = arith.addi %scan3A_27, %scan3A_28 : i32
      %scan3A_30 = arith.constant 1 : i32
      %scan3A_31 = scf.for %scan3A_119 = %scan3A_27 to %scan3A_29 step %scan3A_30 iter_args(%scan3A_120 = %scan3A) -> (i32)  : i32 {
        %mul3A_121 = arith.constant 16 : i32
        %mul3A_122 = arith.muli %scan3A_119, %mul3A_121 : i32
        %get3A = arith.index_cast %mul3A_122 : i32 to index
        %get3A_123 = tpu.vector_load %arg10[%get3A] {strides = array<i32>} : memref<16384xf32, #tpu.memory_space<vmem>>, vector<16xf32>,
        %bitcast_convert_type3A = tpu.bitcast %get3A_123 : vector<16xf32> -> vector<16xi32>
        %ge3A = arith.constant 0 : i32
        %ge3A_124 = vector.broadcast %ge3A : i32 to vector<16xi32>
        %ge3A_125 = arith.cmpi sge, %bitcast_convert_type3A, %ge3A_124 : vector<16xi32>
        %not3A = arith.constant dense<-1> : vector<16xi32>
        %not3A_126 = arith.xori %bitcast_convert_type3A, %not3A : vector<16xi32>
        %xor3A = arith.constant -2147483648 : i32
        %xor3A_127 = vector.broadcast %xor3A : i32 to vector<16xi32>
        %xor3A_128 = arith.xori %not3A_126, %xor3A_127 : vector<16xi32>
        %select_n3A = arith.select %ge3A_125, %bitcast_convert_type3A, %xor3A_128 : vector<16xi1>, vector<16xi32>
        %iota3A = tpu.iota {dimensions = array<i32: 0>} : vector<16xi32>
        %mul3A_129 = arith.constant 16 : i32
        %mul3A_130 = arith.muli %scan3A_119, %mul3A_129 : i32
        %add3A_131 = vector.broadcast %mul3A_130 : i32 to vector<16xi32>
        %add3A_132 = arith.addi %iota3A, %add3A_131 : vector<16xi32>
        %gt3A = arith.cmpi sgt, %select_n3A, %gather3A : vector<16xi32>
        %eq3A = arith.cmpi eq, %select_n3A, %gather3A : vector<16xi32>
        %lt3A_133 = arith.cmpi slt, %add3A_132, %gather3A_26 : vector<16xi32>
        %and3A = arith.andi %eq3A, %lt3A_133 : vector<16xi1>
        %or3A = arith.ori %gt3A, %and3A : vector<16xi1>
        %swap3A = arith.index_cast %scan3A_120 : i32 to index
        %swap3A_134 = tpu.vector_load %arg11[%swap3A] masked %or3A {strides = array<i32>} : memref<1024xi32, #tpu.memory_space<vmem>>, vector<16xi32>, vector<16xi1>
        tpu.vector_store %arg11[%swap3A], %add3A_132 masked %or3A {strides = array<i32>} : memref<1024xi32, #tpu.memory_space<vmem>>, vector<16xi32>, vector<16xi1>
        %convert_element_type3A_135 = arith.extui %or3A : vector<16xi1> to vector<16xi32>
        %reduce_sum3A = arith.constant true
        %reduce_sum3A_136 = vector.broadcast %reduce_sum3A : i1 to vector<16xi1>
        %reduce_sum3A_137 = tpu.scan <sum>, %convert_element_type3A_135 masked %reduce_sum3A_136 : vector<16xi32>, vector<16xi1> -> vector<16xi32>
        %reduce_sum3A_138 = vector.extract %reduce_sum3A_137[15] : i32 from vector<16xi32>
        %add3A_139 = arith.addi %scan3A_120, %reduce_sum3A_138 : i32
        scf.yield %add3A_139 : i32
      }
      %scan3A_32 = arith.constant 1024 : i32
      "tpu.region"() ({
        %run_scoped3A = tpu.sem_alloc : memref<!tpu.dma_semaphore, #tpu.memory_space<semaphore_mem>>
        %dma_start3A_119 = arith.constant 0 : i32
        %dma_start3A_120 = tpu.memref_slice %arg8[%add3A_20, %dma_start3A_119] : memref<100x1024xi32, #tpu.memory_space<hbm>> -> memref<1x1024xi32, #tpu.memory_space<hbm>>
        %dma_start3A_121 = tpu.memref_squeeze %dma_start3A_120 : memref<1x1024xi32, #tpu.memory_space<hbm>> -> memref<1024xi32, #tpu.memory_space<hbm>>
        %dma_start3A_122 = arith.constant 0 : i32
        %dma_start3A_123 = tpu.memref_slice %arg8[%add3A_20, %dma_start3A_122] : memref<100x1024xi32, #tpu.memory_space<hbm>> -> memref<1x1024xi32, #tpu.memory_space<hbm>>
        %dma_start3A_124 = tpu.memref_squeeze %dma_start3A_123 : memref<1x1024xi32, #tpu.memory_space<hbm>> -> memref<1024xi32, #tpu.memory_space<hbm>>
        tpu.enqueue_dma source(%arg11 : memref<1024xi32, #tpu.memory_space<vmem>>) target(%dma_start3A_124 : memref<1024xi32, #tpu.memory_space<hbm>>) target_semaphore(%run_scoped3A : memref<!tpu.dma_semaphore, #tpu.memory_space<semaphore_mem>>)
        %dma_wait3A_125 = arith.constant 0 : i32
        %dma_wait3A_126 = tpu.memref_slice %arg8[%add3A_20, %dma_wait3A_125] : memref<100x1024xi32, #tpu.memory_space<hbm>> -> memref<1x1024xi32, #tpu.memory_space<hbm>>
        %dma_wait3A_127 = tpu.memref_squeeze %dma_wait3A_126 : memref<1x1024xi32, #tpu.memory_space<hbm>> -> memref<1024xi32, #tpu.memory_space<hbm>>
        %dma_wait3A_128 = arith.constant 0 : i32
        %dma_wait3A_129 = tpu.memref_slice %arg8[%add3A_20, %dma_wait3A_128] : memref<100x1024xi32, #tpu.memory_space<hbm>> -> memref<1x1024xi32, #tpu.memory_space<hbm>>
        %dma_wait3A_130 = tpu.memref_squeeze %dma_wait3A_129 : memref<1x1024xi32, #tpu.memory_space<hbm>> -> memref<1024xi32, #tpu.memory_space<hbm>>
        tpu.wait_dma2 semaphore(%run_scoped3A : memref<!tpu.dma_semaphore, #tpu.memory_space<semaphore_mem>>) src(%arg11 : memref<1024xi32, #tpu.memory_space<vmem>>) dst(%dma_wait3A_130 : memref<1024xi32, #tpu.memory_space<hbm>>)
        tpu.yield
      }) : () -> ()
      %dma_start3A = arith.constant 0 : i32
      %dma_start3A_33 = tpu.memref_slice %arg11[%dma_start3A] : memref<1024xi32, #tpu.memory_space<vmem>> -> memref<256xi32, #tpu.memory_space<vmem>>
      %dma_start3A_34 = arith.constant 0 : i32
      %dma_start3A_35 = arith.constant 0 : i32
      %dma_start3A_36 = tpu.memref_slice %arg7[%dma_start3A_34, %dma_start3A_35] : memref<16384x128xi32, #tpu.memory_space<hbm>> -> memref<16384x128xi32, #tpu.memory_space<hbm>>
      tpu.enqueue_indirect_dma source(%dma_start3A_36 : memref<16384x128xi32, #tpu.memory_space<hbm>>) target(%arg12 : memref<256x128xi32, #tpu.memory_space<vmem>>) offsets(%dma_start3A_33 : memref<256xi32, #tpu.memory_space<vmem>>) semaphore(%arg18 : memref<!tpu.dma_semaphore, #tpu.memory_space<semaphore_mem>>)
      %dma_start3A_37 = arith.constant 256 : i32
      %dma_start3A_38 = tpu.memref_slice %arg11[%dma_start3A_37] : memref<1024xi32, #tpu.memory_space<vmem>> -> memref<256xi32, #tpu.memory_space<vmem>>
      %dma_start3A_39 = arith.constant 0 : i32
      %dma_start3A_40 = arith.constant 0 : i32
      %dma_start3A_41 = tpu.memref_slice %arg7[%dma_start3A_39, %dma_start3A_40] : memref<16384x128xi32, #tpu.memory_space<hbm>> -> memref<16384x128xi32, #tpu.memory_space<hbm>>
      tpu.enqueue_indirect_dma source(%dma_start3A_41 : memref<16384x128xi32, #tpu.memory_space<hbm>>) target(%arg13 : memref<256x128xi32, #tpu.memory_space<vmem>>) offsets(%dma_start3A_38 : memref<256xi32, #tpu.memory_space<vmem>>) semaphore(%arg19 : memref<!tpu.dma_semaphore, #tpu.memory_space<semaphore_mem>>)
      %dma_wait3A = arith.constant 0 : i32
      %dma_wait3A_42 = tpu.memref_slice %arg11[%dma_wait3A] : memref<1024xi32, #tpu.memory_space<vmem>> -> memref<256xi32, #tpu.memory_space<vmem>>
      %dma_wait3A_43 = arith.constant 0 : i32
      %dma_wait3A_44 = arith.constant 0 : i32
      %dma_wait3A_45 = tpu.memref_slice %arg7[%dma_wait3A_43, %dma_wait3A_44] : memref<16384x128xi32, #tpu.memory_space<hbm>> -> memref<16384x128xi32, #tpu.memory_space<hbm>>
      tpu.wait_indirect_dma semaphore(%arg18 : memref<!tpu.dma_semaphore, #tpu.memory_space<semaphore_mem>>) src(%dma_wait3A_45 : memref<16384x128xi32, #tpu.memory_space<hbm>>) dst(%arg12 : memref<256x128xi32, #tpu.memory_space<vmem>>)
      %mul3A_46 = arith.constant 1024 : i32
      %mul3A_47 = arith.muli %add3A_20, %mul3A_46 : i32
      %add3A_48 = arith.constant 0 : i32
      %add3A_49 = arith.addi %mul3A_47, %add3A_48 : i32
      %dma_start3A_50 = arith.constant 0 : i32
      %dma_start3A_51 = tpu.memref_slice %arg9[%add3A_49, %dma_start3A_50] : memref<102400x128xi32, #tpu.memory_space<hbm>> -> memref<256x128xi32, #tpu.memory_space<hbm>>
      %dma_start3A_52 = arith.constant 0 : i32
      %dma_start3A_53 = tpu.memref_slice %arg9[%add3A_49, %dma_start3A_52] : memref<102400x128xi32, #tpu.memory_space<hbm>> -> memref<256x128xi32, #tpu.memory_space<hbm>>
      tpu.enqueue_dma source(%arg12 : memref<256x128xi32, #tpu.memory_space<vmem>>) target(%dma_start3A_53 : memref<256x128xi32, #tpu.memory_space<hbm>>) target_semaphore(%arg20 : memref<!tpu.dma_semaphore, #tpu.memory_space<semaphore_mem>>)
      %dma_wait3A_54 = arith.constant 256 : i32
      %dma_wait3A_55 = tpu.memref_slice %arg11[%dma_wait3A_54] : memref<1024xi32, #tpu.memory_space<vmem>> -> memref<256xi32, #tpu.memory_space<vmem>>
      %dma_wait3A_56 = arith.constant 0 : i32
      %dma_wait3A_57 = arith.constant 0 : i32
      %dma_wait3A_58 = tpu.memref_slice %arg7[%dma_wait3A_56, %dma_wait3A_57] : memref<16384x128xi32, #tpu.memory_space<hbm>> -> memref<16384x128xi32, #tpu.memory_space<hbm>>
      tpu.wait_indirect_dma semaphore(%arg19 : memref<!tpu.dma_semaphore, #tpu.memory_space<semaphore_mem>>) src(%dma_wait3A_58 : memref<16384x128xi32, #tpu.memory_space<hbm>>) dst(%arg13 : memref<256x128xi32, #tpu.memory_space<vmem>>)
      %mul3A_59 = arith.constant 1024 : i32
      %mul3A_60 = arith.muli %add3A_20, %mul3A_59 : i32
      %add3A_61 = arith.constant 256 : i32
      %add3A_62 = arith.addi %mul3A_60, %add3A_61 : i32
      %dma_start3A_63 = arith.constant 0 : i32
      %dma_start3A_64 = tpu.memref_slice %arg9[%add3A_62, %dma_start3A_63] : memref<102400x128xi32, #tpu.memory_space<hbm>> -> memref<256x128xi32, #tpu.memory_space<hbm>>
      %dma_start3A_65 = arith.constant 0 : i32
      %dma_start3A_66 = tpu.memref_slice %arg9[%add3A_62, %dma_start3A_65] : memref<102400x128xi32, #tpu.memory_space<hbm>> -> memref<256x128xi32, #tpu.memory_space<hbm>>
      tpu.enqueue_dma source(%arg13 : memref<256x128xi32, #tpu.memory_space<vmem>>) target(%dma_start3A_66 : memref<256x128xi32, #tpu.memory_space<hbm>>) target_semaphore(%arg21 : memref<!tpu.dma_semaphore, #tpu.memory_space<semaphore_mem>>)
      %dma_wait3A_67 = arith.constant 0 : i32
      %dma_wait3A_68 = tpu.memref_slice %arg9[%add3A_49, %dma_wait3A_67] : memref<102400x128xi32, #tpu.memory_space<hbm>> -> memref<256x128xi32, #tpu.memory_space<hbm>>
      %dma_wait3A_69 = arith.constant 0 : i32
      %dma_wait3A_70 = tpu.memref_slice %arg9[%add3A_49, %dma_wait3A_69] : memref<102400x128xi32, #tpu.memory_space<hbm>> -> memref<256x128xi32, #tpu.memory_space<hbm>>
      tpu.wait_dma2 semaphore(%arg20 : memref<!tpu.dma_semaphore, #tpu.memory_space<semaphore_mem>>) src(%arg12 : memref<256x128xi32, #tpu.memory_space<vmem>>) dst(%dma_wait3A_70 : memref<256x128xi32, #tpu.memory_space<hbm>>)
      %dma_start3A_71 = arith.constant 512 : i32
      %dma_start3A_72 = tpu.memref_slice %arg11[%dma_start3A_71] : memref<1024xi32, #tpu.memory_space<vmem>> -> memref<256xi32, #tpu.memory_space<vmem>>
      %dma_start3A_73 = arith.constant 0 : i32
      %dma_start3A_74 = arith.constant 0 : i32
      %dma_start3A_75 = tpu.memref_slice %arg7[%dma_start3A_73, %dma_start3A_74] : memref<16384x128xi32, #tpu.memory_space<hbm>> -> memref<16384x128xi32, #tpu.memory_space<hbm>>
      tpu.enqueue_indirect_dma source(%dma_start3A_75 : memref<16384x128xi32, #tpu.memory_space<hbm>>) target(%arg12 : memref<256x128xi32, #tpu.memory_space<vmem>>) offsets(%dma_start3A_72 : memref<256xi32, #tpu.memory_space<vmem>>) semaphore(%arg18 : memref<!tpu.dma_semaphore, #tpu.memory_space<semaphore_mem>>)
      %dma_wait3A_76 = arith.constant 0 : i32
      %dma_wait3A_77 = tpu.memref_slice %arg9[%add3A_62, %dma_wait3A_76] : memref<102400x128xi32, #tpu.memory_space<hbm>> -> memref<256x128xi32, #tpu.memory_space<hbm>>
      %dma_wait3A_78 = arith.constant 0 : i32
      %dma_wait3A_79 = tpu.memref_slice %arg9[%add3A_62, %dma_wait3A_78] : memref<102400x128xi32, #tpu.memory_space<hbm>> -> memref<256x128xi32, #tpu.memory_space<hbm>>
      tpu.wait_dma2 semaphore(%arg21 : memref<!tpu.dma_semaphore, #tpu.memory_space<semaphore_mem>>) src(%arg13 : memref<256x128xi32, #tpu.memory_space<vmem>>) dst(%dma_wait3A_79 : memref<256x128xi32, #tpu.memory_space<hbm>>)
      %dma_start3A_80 = arith.constant 768 : i32
      %dma_start3A_81 = tpu.memref_slice %arg11[%dma_start3A_80] : memref<1024xi32, #tpu.memory_space<vmem>> -> memref<256xi32, #tpu.memory_space<vmem>>
      %dma_start3A_82 = arith.constant 0 : i32
      %dma_start3A_83 = arith.constant 0 : i32
      %dma_start3A_84 = tpu.memref_slice %arg7[%dma_start3A_82, %dma_start3A_83] : memref<16384x128xi32, #tpu.memory_space<hbm>> -> memref<16384x128xi32, #tpu.memory_space<hbm>>
      tpu.enqueue_indirect_dma source(%dma_start3A_84 : memref<16384x128xi32, #tpu.memory_space<hbm>>) target(%arg13 : memref<256x128xi32, #tpu.memory_space<vmem>>) offsets(%dma_start3A_81 : memref<256xi32, #tpu.memory_space<vmem>>) semaphore(%arg19 : memref<!tpu.dma_semaphore, #tpu.memory_space<semaphore_mem>>)
      %dma_wait3A_85 = arith.constant 512 : i32
      %dma_wait3A_86 = tpu.memref_slice %arg11[%dma_wait3A_85] : memref<1024xi32, #tpu.memory_space<vmem>> -> memref<256xi32, #tpu.memory_space<vmem>>
      %dma_wait3A_87 = arith.constant 0 : i32
      %dma_wait3A_88 = arith.constant 0 : i32
      %dma_wait3A_89 = tpu.memref_slice %arg7[%dma_wait3A_87, %dma_wait3A_88] : memref<16384x128xi32, #tpu.memory_space<hbm>> -> memref<16384x128xi32, #tpu.memory_space<hbm>>
      tpu.wait_indirect_dma semaphore(%arg18 : memref<!tpu.dma_semaphore, #tpu.memory_space<semaphore_mem>>) src(%dma_wait3A_89 : memref<16384x128xi32, #tpu.memory_space<hbm>>) dst(%arg12 : memref<256x128xi32, #tpu.memory_space<vmem>>)
      %mul3A_90 = arith.constant 1024 : i32
      %mul3A_91 = arith.muli %add3A_20, %mul3A_90 : i32
      %add3A_92 = arith.constant 512 : i32
      %add3A_93 = arith.addi %mul3A_91, %add3A_92 : i32
      %dma_start3A_94 = arith.constant 0 : i32
      %dma_start3A_95 = tpu.memref_slice %arg9[%add3A_93, %dma_start3A_94] : memref<102400x128xi32, #tpu.memory_space<hbm>> -> memref<256x128xi32, #tpu.memory_space<hbm>>
      %dma_start3A_96 = arith.constant 0 : i32
      %dma_start3A_97 = tpu.memref_slice %arg9[%add3A_93, %dma_start3A_96] : memref<102400x128xi32, #tpu.memory_space<hbm>> -> memref<256x128xi32, #tpu.memory_space<hbm>>
      tpu.enqueue_dma source(%arg12 : memref<256x128xi32, #tpu.memory_space<vmem>>) target(%dma_start3A_97 : memref<256x128xi32, #tpu.memory_space<hbm>>) target_semaphore(%arg20 : memref<!tpu.dma_semaphore, #tpu.memory_space<semaphore_mem>>)
      %dma_wait3A_98 = arith.constant 768 : i32
      %dma_wait3A_99 = tpu.memref_slice %arg11[%dma_wait3A_98] : memref<1024xi32, #tpu.memory_space<vmem>> -> memref<256xi32, #tpu.memory_space<vmem>>
      %dma_wait3A_100 = arith.constant 0 : i32
      %dma_wait3A_101 = arith.constant 0 : i32
      %dma_wait3A_102 = tpu.memref_slice %arg7[%dma_wait3A_100, %dma_wait3A_101] : memref<16384x128xi32, #tpu.memory_space<hbm>> -> memref<16384x128xi32, #tpu.memory_space<hbm>>
      tpu.wait_indirect_dma semaphore(%arg19 : memref<!tpu.dma_semaphore, #tpu.memory_space<semaphore_mem>>) src(%dma_wait3A_102 : memref<16384x128xi32, #tpu.memory_space<hbm>>) dst(%arg13 : memref<256x128xi32, #tpu.memory_space<vmem>>)
      %mul3A_103 = arith.constant 1024 : i32
      %mul3A_104 = arith.muli %add3A_20, %mul3A_103 : i32
      %add3A_105 = arith.constant 768 : i32
      %add3A_106 = arith.addi %mul3A_104, %add3A_105 : i32
      %dma_start3A_107 = arith.constant 0 : i32
      %dma_start3A_108 = tpu.memref_slice %arg9[%add3A_106, %dma_start3A_107] : memref<102400x128xi32, #tpu.memory_space<hbm>> -> memref<256x128xi32, #tpu.memory_space<hbm>>
      %dma_start3A_109 = arith.constant 0 : i32
      %dma_start3A_110 = tpu.memref_slice %arg9[%add3A_106, %dma_start3A_109] : memref<102400x128xi32, #tpu.memory_space<hbm>> -> memref<256x128xi32, #tpu.memory_space<hbm>>
      tpu.enqueue_dma source(%arg13 : memref<256x128xi32, #tpu.memory_space<vmem>>) target(%dma_start3A_110 : memref<256x128xi32, #tpu.memory_space<hbm>>) target_semaphore(%arg21 : memref<!tpu.dma_semaphore, #tpu.memory_space<semaphore_mem>>)
      %dma_wait3A_111 = arith.constant 0 : i32
      %dma_wait3A_112 = tpu.memref_slice %arg9[%add3A_93, %dma_wait3A_111] : memref<102400x128xi32, #tpu.memory_space<hbm>> -> memref<256x128xi32, #tpu.memory_space<hbm>>
      %dma_wait3A_113 = arith.constant 0 : i32
      %dma_wait3A_114 = tpu.memref_slice %arg9[%add3A_93, %dma_wait3A_113] : memref<102400x128xi32, #tpu.memory_space<hbm>> -> memref<256x128xi32, #tpu.memory_space<hbm>>
      tpu.wait_dma2 semaphore(%arg20 : memref<!tpu.dma_semaphore, #tpu.memory_space<semaphore_mem>>) src(%arg12 : memref<256x128xi32, #tpu.memory_space<vmem>>) dst(%dma_wait3A_114 : memref<256x128xi32, #tpu.memory_space<hbm>>)
      %dma_wait3A_115 = arith.constant 0 : i32
      %dma_wait3A_116 = tpu.memref_slice %arg9[%add3A_106, %dma_wait3A_115] : memref<102400x128xi32, #tpu.memory_space<hbm>> -> memref<256x128xi32, #tpu.memory_space<hbm>>
      %dma_wait3A_117 = arith.constant 0 : i32
      %dma_wait3A_118 = tpu.memref_slice %arg9[%add3A_106, %dma_wait3A_117] : memref<102400x128xi32, #tpu.memory_space<hbm>> -> memref<256x128xi32, #tpu.memory_space<hbm>>
      tpu.wait_dma2 semaphore(%arg21 : memref<!tpu.dma_semaphore, #tpu.memory_space<semaphore_mem>>) src(%arg13 : memref<256x128xi32, #tpu.memory_space<vmem>>) dst(%dma_wait3A_118 : memref<256x128xi32, #tpu.memory_space<hbm>>)
    } else {
    }
    return
  }
}

#map = affine_map<(d0, d1) -> (0, 0)>
#map1 = affine_map<(d0, d1) -> (0)>
module attributes {stable_mosaic.version = 14 : i64} {
  func.func @body(%arg0: i32, %arg1: i32, %arg2: memref<104x16384xf32, #tpu.memory_space<hbm>>, %arg3: memref<104xi32, #tpu.memory_space<hbm>>, %arg4: memref<104xi32, #tpu.memory_space<hbm>>, %arg5: memref<104xi32, #tpu.memory_space<hbm>>, %arg6: memref<104xi32, #tpu.memory_space<hbm>>, %arg7: memref<16384x128xi32, #tpu.memory_space<hbm>>, %arg8: memref<100x1024xi32, #tpu.memory_space<hbm>>, %arg9: memref<102400x128xi32, #tpu.memory_space<hbm>>, %arg10: memref<16384xf32, #tpu.memory_space<vmem>>, %arg11: memref<1024xi32, #tpu.memory_space<vmem>>, %arg12: memref<256x128xi32, #tpu.memory_space<vmem>>, %arg13: memref<256x128xi32, #tpu.memory_space<vmem>>, %arg14: memref<104xi32, #tpu.memory_space<vmem>>, %arg15: memref<104xi32, #tpu.memory_space<vmem>>, %arg16: memref<104xi32, #tpu.memory_space<vmem>>, %arg17: memref<104xi32, #tpu.memory_space<vmem>>, %arg18: memref<!tpu.dma_semaphore, #tpu.memory_space<semaphore_mem>>, %arg19: memref<!tpu.dma_semaphore, #tpu.memory_space<semaphore_mem>>, %arg20: memref<!tpu.dma_semaphore, #tpu.memory_space<semaphore_mem>>, %arg21: memref<!tpu.dma_semaphore, #tpu.memory_space<semaphore_mem>>) attributes {dimension_semantics = [#tpu.dimension_semantics<core_parallel>, #tpu.dimension_semantics<subcore_parallel>], iteration_bounds = array<i64: 2, 16>, scalar_prefetch = 0 : i64, scratch_operands = 12 : i64, tpu.core_type = #tpu.core_type<sc_vector_subcore>, window_params = [{transform_indices = #map}, {transform_indices = #map1}, {transform_indices = #map1}, {transform_indices = #map1}, {transform_indices = #map1}, {transform_indices = #map}, {transform_indices = #map}, {transform_indices = #map}]} {
    %mul3A = arith.constant 2 : i32
    %mul3A_0 = arith.muli %arg1, %mul3A : i32
    %add3A = arith.addi %mul3A_0, %arg0 : i32
    "tpu.region"() ({
      %run_scoped3A = tpu.sem_alloc : memref<!tpu.dma_semaphore, #tpu.memory_space<semaphore_mem>>
      tpu.enqueue_dma source(%arg3 : memref<104xi32, #tpu.memory_space<hbm>>) target(%arg14 : memref<104xi32, #tpu.memory_space<vmem>>) target_semaphore(%run_scoped3A : memref<!tpu.dma_semaphore, #tpu.memory_space<semaphore_mem>>)
      tpu.wait_dma2 semaphore(%run_scoped3A : memref<!tpu.dma_semaphore, #tpu.memory_space<semaphore_mem>>) src(%arg3 : memref<104xi32, #tpu.memory_space<hbm>>) dst(%arg14 : memref<104xi32, #tpu.memory_space<vmem>>)
      tpu.yield
    }) : () -> ()
    "tpu.region"() ({
      %run_scoped3A = tpu.sem_alloc : memref<!tpu.dma_semaphore, #tpu.memory_space<semaphore_mem>>
      tpu.enqueue_dma source(%arg4 : memref<104xi32, #tpu.memory_space<hbm>>) target(%arg15 : memref<104xi32, #tpu.memory_space<vmem>>) target_semaphore(%run_scoped3A : memref<!tpu.dma_semaphore, #tpu.memory_space<semaphore_mem>>)
      tpu.wait_dma2 semaphore(%run_scoped3A : memref<!tpu.dma_semaphore, #tpu.memory_space<semaphore_mem>>) src(%arg4 : memref<104xi32, #tpu.memory_space<hbm>>) dst(%arg15 : memref<104xi32, #tpu.memory_space<vmem>>)
      tpu.yield
    }) : () -> ()
    "tpu.region"() ({
      %run_scoped3A = tpu.sem_alloc : memref<!tpu.dma_semaphore, #tpu.memory_space<semaphore_mem>>
      tpu.enqueue_dma source(%arg5 : memref<104xi32, #tpu.memory_space<hbm>>) target(%arg16 : memref<104xi32, #tpu.memory_space<vmem>>) target_semaphore(%run_scoped3A : memref<!tpu.dma_semaphore, #tpu.memory_space<semaphore_mem>>)
      tpu.wait_dma2 semaphore(%run_scoped3A : memref<!tpu.dma_semaphore, #tpu.memory_space<semaphore_mem>>) src(%arg5 : memref<104xi32, #tpu.memory_space<hbm>>) dst(%arg16 : memref<104xi32, #tpu.memory_space<vmem>>)
      tpu.yield
    }) : () -> ()
    "tpu.region"() ({
      %run_scoped3A = tpu.sem_alloc : memref<!tpu.dma_semaphore, #tpu.memory_space<semaphore_mem>>
      tpu.enqueue_dma source(%arg6 : memref<104xi32, #tpu.memory_space<hbm>>) target(%arg17 : memref<104xi32, #tpu.memory_space<vmem>>) target_semaphore(%run_scoped3A : memref<!tpu.dma_semaphore, #tpu.memory_space<semaphore_mem>>)
      tpu.wait_dma2 semaphore(%run_scoped3A : memref<!tpu.dma_semaphore, #tpu.memory_space<semaphore_mem>>) src(%arg6 : memref<104xi32, #tpu.memory_space<hbm>>) dst(%arg17 : memref<104xi32, #tpu.memory_space<vmem>>)
      tpu.yield
    }) : () -> ()
    %add3A_1 = arith.constant 0 : i32
    %add3A_2 = arith.addi %add3A, %add3A_1 : i32
    %lt3A = arith.constant 100 : i32
    %lt3A_3 = arith.cmpi slt, %add3A_2, %lt3A : i32
    %convert_element_type3A = arith.extui %lt3A_3 : i1 to i32
    %cond3A = arith.constant 0 : i32
    %cond3A_4 = arith.cmpi ne, %convert_element_type3A, %cond3A : i32
    scf.if %cond3A_4 {
      "tpu.region"() ({
        %run_scoped3A = tpu.sem_alloc : memref<!tpu.dma_semaphore, #tpu.memory_space<semaphore_mem>>
        %dma_start3A_121 = arith.constant 0 : i32
        %dma_start3A_122 = tpu.memref_slice %arg2[%add3A_2, %dma_start3A_121] : memref<104x16384xf32, #tpu.memory_space<hbm>> -> memref<1x16384xf32, #tpu.memory_space<hbm>>
        %dma_start3A_123 = tpu.memref_squeeze %dma_start3A_122 : memref<1x16384xf32, #tpu.memory_space<hbm>> -> memref<16384xf32, #tpu.memory_space<hbm>>
        %dma_start3A_124 = arith.constant 0 : i32
        %dma_start3A_125 = tpu.memref_slice %arg2[%add3A_2, %dma_start3A_124] : memref<104x16384xf32, #tpu.memory_space<hbm>> -> memref<1x16384xf32, #tpu.memory_space<hbm>>
        %dma_start3A_126 = tpu.memref_squeeze %dma_start3A_125 : memref<1x16384xf32, #tpu.memory_space<hbm>> -> memref<16384xf32, #tpu.memory_space<hbm>>
        tpu.enqueue_dma source(%dma_start3A_126 : memref<16384xf32, #tpu.memory_space<hbm>>) target(%arg10 : memref<16384xf32, #tpu.memory_space<vmem>>) target_semaphore(%run_scoped3A : memref<!tpu.dma_semaphore, #tpu.memory_space<semaphore_mem>>)
        %dma_wait3A_127 = arith.constant 0 : i32
        %dma_wait3A_128 = tpu.memref_slice %arg2[%add3A_2, %dma_wait3A_127] : memref<104x16384xf32, #tpu.memory_space<hbm>> -> memref<1x16384xf32, #tpu.memory_space<hbm>>
        %dma_wait3A_129 = tpu.memref_squeeze %dma_wait3A_128 : memref<1x16384xf32, #tpu.memory_space<hbm>> -> memref<16384xf32, #tpu.memory_space<hbm>>
        %dma_wait3A_130 = arith.constant 0 : i32
        %dma_wait3A_131 = tpu.memref_slice %arg2[%add3A_2, %dma_wait3A_130] : memref<104x16384xf32, #tpu.memory_space<hbm>> -> memref<1x16384xf32, #tpu.memory_space<hbm>>
        %dma_wait3A_132 = tpu.memref_squeeze %dma_wait3A_131 : memref<1x16384xf32, #tpu.memory_space<hbm>> -> memref<16384xf32, #tpu.memory_space<hbm>>
        tpu.wait_dma2 semaphore(%run_scoped3A : memref<!tpu.dma_semaphore, #tpu.memory_space<semaphore_mem>>) src(%dma_wait3A_132 : memref<16384xf32, #tpu.memory_space<hbm>>) dst(%arg10 : memref<16384xf32, #tpu.memory_space<vmem>>)
        tpu.yield
      }) : () -> ()
      %broadcast_in_dim3A = vector.broadcast %add3A_2 : i32 to vector<16xi32>
      %gather3A = tpu.vector_load_idx %arg14[%broadcast_in_dim3A] : memref<104xi32, #tpu.memory_space<vmem>>[vector<16xi32>], vector<16xi32>,
      %gather3A_26 = tpu.vector_load_idx %arg15[%broadcast_in_dim3A] : memref<104xi32, #tpu.memory_space<vmem>>[vector<16xi32>], vector<16xi32>,
      %gather3A_27 = tpu.vector_load_idx %arg16[%broadcast_in_dim3A] : memref<104xi32, #tpu.memory_space<vmem>>[vector<16xi32>], vector<16xi32>,
      %gather3A_28 = tpu.vector_load_idx %arg17[%broadcast_in_dim3A] : memref<104xi32, #tpu.memory_space<vmem>>[vector<16xi32>], vector<16xi32>,
      %scan3A = arith.constant 0 : i32
      %scan3A_29 = arith.constant 0 : i32
      %scan3A_30 = arith.constant 1024 : i32
      %scan3A_31 = arith.addi %scan3A_29, %scan3A_30 : i32
      %scan3A_32 = arith.constant 1 : i32
      %scan3A_33 = scf.for %scan3A_121 = %scan3A_29 to %scan3A_31 step %scan3A_32 iter_args(%scan3A_122 = %scan3A) -> (i32)  : i32 {
        %mul3A_123 = arith.constant 16 : i32
        %mul3A_124 = arith.muli %scan3A_121, %mul3A_123 : i32
        %get3A = arith.index_cast %mul3A_124 : i32 to index
        %get3A_125 = tpu.vector_load %arg10[%get3A] {strides = array<i32>} : memref<16384xf32, #tpu.memory_space<vmem>>, vector<16xf32>,
        %bitcast_convert_type3A = tpu.bitcast %get3A_125 : vector<16xf32> -> vector<16xi32>
        %ge3A = arith.constant 0 : i32
        %ge3A_126 = vector.broadcast %ge3A : i32 to vector<16xi32>
        %ge3A_127 = arith.cmpi sge, %bitcast_convert_type3A, %ge3A_126 : vector<16xi32>
        %not3A = arith.constant dense<-1> : vector<16xi32>
        %not3A_128 = arith.xori %bitcast_convert_type3A, %not3A : vector<16xi32>
        %xor3A = arith.constant -2147483648 : i32
        %xor3A_129 = vector.broadcast %xor3A : i32 to vector<16xi32>
        %xor3A_130 = arith.xori %not3A_128, %xor3A_129 : vector<16xi32>
        %select_n3A = arith.select %ge3A_127, %bitcast_convert_type3A, %xor3A_130 : vector<16xi1>, vector<16xi32>
        %iota3A = tpu.iota {dimensions = array<i32: 0>} : vector<16xi32>
        %mul3A_131 = arith.constant 16 : i32
        %mul3A_132 = arith.muli %scan3A_121, %mul3A_131 : i32
        %add3A_133 = vector.broadcast %mul3A_132 : i32 to vector<16xi32>
        %add3A_134 = arith.addi %iota3A, %add3A_133 : vector<16xi32>
        %gt3A = arith.cmpi sgt, %select_n3A, %gather3A : vector<16xi32>
        %eq3A = arith.cmpi eq, %select_n3A, %gather3A : vector<16xi32>
        %lt3A_135 = arith.cmpi slt, %add3A_134, %gather3A_26 : vector<16xi32>
        %and3A = arith.andi %eq3A, %lt3A_135 : vector<16xi1>
        %or3A = arith.ori %gt3A, %and3A : vector<16xi1>
        %gt3A_136 = arith.cmpi sgt, %select_n3A, %gather3A_27 : vector<16xi32>
        %eq3A_137 = arith.cmpi eq, %select_n3A, %gather3A_27 : vector<16xi32>
        %lt3A_138 = arith.cmpi slt, %add3A_134, %gather3A_28 : vector<16xi32>
        %and3A_139 = arith.andi %eq3A_137, %lt3A_138 : vector<16xi1>
        %or3A_140 = arith.ori %gt3A_136, %and3A_139 : vector<16xi1>
        %not3A_141 = arith.constant dense<true> : vector<16xi1>
        %not3A_142 = arith.xori %or3A, %not3A_141 : vector<16xi1>
        %and3A_143 = arith.andi %or3A_140, %not3A_142 : vector<16xi1>
        %swap3A = arith.index_cast %scan3A_122 : i32 to index
        %swap3A_144 = tpu.vector_load %arg11[%swap3A] masked %and3A_143 {strides = array<i32>} : memref<1024xi32, #tpu.memory_space<vmem>>, vector<16xi32>, vector<16xi1>
        tpu.vector_store %arg11[%swap3A], %add3A_134 masked %and3A_143 {strides = array<i32>} : memref<1024xi32, #tpu.memory_space<vmem>>, vector<16xi32>, vector<16xi1>
        %convert_element_type3A_145 = arith.extui %and3A_143 : vector<16xi1> to vector<16xi32>
        %reduce_sum3A = arith.constant true
        %reduce_sum3A_146 = vector.broadcast %reduce_sum3A : i1 to vector<16xi1>
        %reduce_sum3A_147 = tpu.scan <sum>, %convert_element_type3A_145 masked %reduce_sum3A_146 : vector<16xi32>, vector<16xi1> -> vector<16xi32>
        %reduce_sum3A_148 = vector.extract %reduce_sum3A_147[15] : i32 from vector<16xi32>
        %add3A_149 = arith.addi %scan3A_122, %reduce_sum3A_148 : i32
        scf.yield %add3A_149 : i32
      }
      %scan3A_34 = arith.constant 1024 : i32
      "tpu.region"() ({
        %run_scoped3A = tpu.sem_alloc : memref<!tpu.dma_semaphore, #tpu.memory_space<semaphore_mem>>
        %dma_start3A_121 = arith.constant 0 : i32
        %dma_start3A_122 = tpu.memref_slice %arg8[%add3A_2, %dma_start3A_121] : memref<100x1024xi32, #tpu.memory_space<hbm>> -> memref<1x1024xi32, #tpu.memory_space<hbm>>
        %dma_start3A_123 = tpu.memref_squeeze %dma_start3A_122 : memref<1x1024xi32, #tpu.memory_space<hbm>> -> memref<1024xi32, #tpu.memory_space<hbm>>
        %dma_start3A_124 = arith.constant 0 : i32
        %dma_start3A_125 = tpu.memref_slice %arg8[%add3A_2, %dma_start3A_124] : memref<100x1024xi32, #tpu.memory_space<hbm>> -> memref<1x1024xi32, #tpu.memory_space<hbm>>
        %dma_start3A_126 = tpu.memref_squeeze %dma_start3A_125 : memref<1x1024xi32, #tpu.memory_space<hbm>> -> memref<1024xi32, #tpu.memory_space<hbm>>
        tpu.enqueue_dma source(%arg11 : memref<1024xi32, #tpu.memory_space<vmem>>) target(%dma_start3A_126 : memref<1024xi32, #tpu.memory_space<hbm>>) target_semaphore(%run_scoped3A : memref<!tpu.dma_semaphore, #tpu.memory_space<semaphore_mem>>)
        %dma_wait3A_127 = arith.constant 0 : i32
        %dma_wait3A_128 = tpu.memref_slice %arg8[%add3A_2, %dma_wait3A_127] : memref<100x1024xi32, #tpu.memory_space<hbm>> -> memref<1x1024xi32, #tpu.memory_space<hbm>>
        %dma_wait3A_129 = tpu.memref_squeeze %dma_wait3A_128 : memref<1x1024xi32, #tpu.memory_space<hbm>> -> memref<1024xi32, #tpu.memory_space<hbm>>
        %dma_wait3A_130 = arith.constant 0 : i32
        %dma_wait3A_131 = tpu.memref_slice %arg8[%add3A_2, %dma_wait3A_130] : memref<100x1024xi32, #tpu.memory_space<hbm>> -> memref<1x1024xi32, #tpu.memory_space<hbm>>
        %dma_wait3A_132 = tpu.memref_squeeze %dma_wait3A_131 : memref<1x1024xi32, #tpu.memory_space<hbm>> -> memref<1024xi32, #tpu.memory_space<hbm>>
        tpu.wait_dma2 semaphore(%run_scoped3A : memref<!tpu.dma_semaphore, #tpu.memory_space<semaphore_mem>>) src(%arg11 : memref<1024xi32, #tpu.memory_space<vmem>>) dst(%dma_wait3A_132 : memref<1024xi32, #tpu.memory_space<hbm>>)
        tpu.yield
      }) : () -> ()
      %dma_start3A = arith.constant 0 : i32
      %dma_start3A_35 = tpu.memref_slice %arg11[%dma_start3A] : memref<1024xi32, #tpu.memory_space<vmem>> -> memref<256xi32, #tpu.memory_space<vmem>>
      %dma_start3A_36 = arith.constant 0 : i32
      %dma_start3A_37 = arith.constant 0 : i32
      %dma_start3A_38 = tpu.memref_slice %arg7[%dma_start3A_36, %dma_start3A_37] : memref<16384x128xi32, #tpu.memory_space<hbm>> -> memref<16384x128xi32, #tpu.memory_space<hbm>>
      tpu.enqueue_indirect_dma source(%dma_start3A_38 : memref<16384x128xi32, #tpu.memory_space<hbm>>) target(%arg12 : memref<256x128xi32, #tpu.memory_space<vmem>>) offsets(%dma_start3A_35 : memref<256xi32, #tpu.memory_space<vmem>>) semaphore(%arg18 : memref<!tpu.dma_semaphore, #tpu.memory_space<semaphore_mem>>)
      %dma_start3A_39 = arith.constant 256 : i32
      %dma_start3A_40 = tpu.memref_slice %arg11[%dma_start3A_39] : memref<1024xi32, #tpu.memory_space<vmem>> -> memref<256xi32, #tpu.memory_space<vmem>>
      %dma_start3A_41 = arith.constant 0 : i32
      %dma_start3A_42 = arith.constant 0 : i32
      %dma_start3A_43 = tpu.memref_slice %arg7[%dma_start3A_41, %dma_start3A_42] : memref<16384x128xi32, #tpu.memory_space<hbm>> -> memref<16384x128xi32, #tpu.memory_space<hbm>>
      tpu.enqueue_indirect_dma source(%dma_start3A_43 : memref<16384x128xi32, #tpu.memory_space<hbm>>) target(%arg13 : memref<256x128xi32, #tpu.memory_space<vmem>>) offsets(%dma_start3A_40 : memref<256xi32, #tpu.memory_space<vmem>>) semaphore(%arg19 : memref<!tpu.dma_semaphore, #tpu.memory_space<semaphore_mem>>)
      %dma_wait3A = arith.constant 0 : i32
      %dma_wait3A_44 = tpu.memref_slice %arg11[%dma_wait3A] : memref<1024xi32, #tpu.memory_space<vmem>> -> memref<256xi32, #tpu.memory_space<vmem>>
      %dma_wait3A_45 = arith.constant 0 : i32
      %dma_wait3A_46 = arith.constant 0 : i32
      %dma_wait3A_47 = tpu.memref_slice %arg7[%dma_wait3A_45, %dma_wait3A_46] : memref<16384x128xi32, #tpu.memory_space<hbm>> -> memref<16384x128xi32, #tpu.memory_space<hbm>>
      tpu.wait_indirect_dma semaphore(%arg18 : memref<!tpu.dma_semaphore, #tpu.memory_space<semaphore_mem>>) src(%dma_wait3A_47 : memref<16384x128xi32, #tpu.memory_space<hbm>>) dst(%arg12 : memref<256x128xi32, #tpu.memory_space<vmem>>)
      %mul3A_48 = arith.constant 1024 : i32
      %mul3A_49 = arith.muli %add3A_2, %mul3A_48 : i32
      %add3A_50 = arith.constant 0 : i32
      %add3A_51 = arith.addi %mul3A_49, %add3A_50 : i32
      %dma_start3A_52 = arith.constant 0 : i32
      %dma_start3A_53 = tpu.memref_slice %arg9[%add3A_51, %dma_start3A_52] : memref<102400x128xi32, #tpu.memory_space<hbm>> -> memref<256x128xi32, #tpu.memory_space<hbm>>
      %dma_start3A_54 = arith.constant 0 : i32
      %dma_start3A_55 = tpu.memref_slice %arg9[%add3A_51, %dma_start3A_54] : memref<102400x128xi32, #tpu.memory_space<hbm>> -> memref<256x128xi32, #tpu.memory_space<hbm>>
      tpu.enqueue_dma source(%arg12 : memref<256x128xi32, #tpu.memory_space<vmem>>) target(%dma_start3A_55 : memref<256x128xi32, #tpu.memory_space<hbm>>) target_semaphore(%arg20 : memref<!tpu.dma_semaphore, #tpu.memory_space<semaphore_mem>>)
      %dma_wait3A_56 = arith.constant 256 : i32
      %dma_wait3A_57 = tpu.memref_slice %arg11[%dma_wait3A_56] : memref<1024xi32, #tpu.memory_space<vmem>> -> memref<256xi32, #tpu.memory_space<vmem>>
      %dma_wait3A_58 = arith.constant 0 : i32
      %dma_wait3A_59 = arith.constant 0 : i32
      %dma_wait3A_60 = tpu.memref_slice %arg7[%dma_wait3A_58, %dma_wait3A_59] : memref<16384x128xi32, #tpu.memory_space<hbm>> -> memref<16384x128xi32, #tpu.memory_space<hbm>>
      tpu.wait_indirect_dma semaphore(%arg19 : memref<!tpu.dma_semaphore, #tpu.memory_space<semaphore_mem>>) src(%dma_wait3A_60 : memref<16384x128xi32, #tpu.memory_space<hbm>>) dst(%arg13 : memref<256x128xi32, #tpu.memory_space<vmem>>)
      %mul3A_61 = arith.constant 1024 : i32
      %mul3A_62 = arith.muli %add3A_2, %mul3A_61 : i32
      %add3A_63 = arith.constant 256 : i32
      %add3A_64 = arith.addi %mul3A_62, %add3A_63 : i32
      %dma_start3A_65 = arith.constant 0 : i32
      %dma_start3A_66 = tpu.memref_slice %arg9[%add3A_64, %dma_start3A_65] : memref<102400x128xi32, #tpu.memory_space<hbm>> -> memref<256x128xi32, #tpu.memory_space<hbm>>
      %dma_start3A_67 = arith.constant 0 : i32
      %dma_start3A_68 = tpu.memref_slice %arg9[%add3A_64, %dma_start3A_67] : memref<102400x128xi32, #tpu.memory_space<hbm>> -> memref<256x128xi32, #tpu.memory_space<hbm>>
      tpu.enqueue_dma source(%arg13 : memref<256x128xi32, #tpu.memory_space<vmem>>) target(%dma_start3A_68 : memref<256x128xi32, #tpu.memory_space<hbm>>) target_semaphore(%arg21 : memref<!tpu.dma_semaphore, #tpu.memory_space<semaphore_mem>>)
      %dma_wait3A_69 = arith.constant 0 : i32
      %dma_wait3A_70 = tpu.memref_slice %arg9[%add3A_51, %dma_wait3A_69] : memref<102400x128xi32, #tpu.memory_space<hbm>> -> memref<256x128xi32, #tpu.memory_space<hbm>>
      %dma_wait3A_71 = arith.constant 0 : i32
      %dma_wait3A_72 = tpu.memref_slice %arg9[%add3A_51, %dma_wait3A_71] : memref<102400x128xi32, #tpu.memory_space<hbm>> -> memref<256x128xi32, #tpu.memory_space<hbm>>
      tpu.wait_dma2 semaphore(%arg20 : memref<!tpu.dma_semaphore, #tpu.memory_space<semaphore_mem>>) src(%arg12 : memref<256x128xi32, #tpu.memory_space<vmem>>) dst(%dma_wait3A_72 : memref<256x128xi32, #tpu.memory_space<hbm>>)
      %dma_start3A_73 = arith.constant 512 : i32
      %dma_start3A_74 = tpu.memref_slice %arg11[%dma_start3A_73] : memref<1024xi32, #tpu.memory_space<vmem>> -> memref<256xi32, #tpu.memory_space<vmem>>
      %dma_start3A_75 = arith.constant 0 : i32
      %dma_start3A_76 = arith.constant 0 : i32
      %dma_start3A_77 = tpu.memref_slice %arg7[%dma_start3A_75, %dma_start3A_76] : memref<16384x128xi32, #tpu.memory_space<hbm>> -> memref<16384x128xi32, #tpu.memory_space<hbm>>
      tpu.enqueue_indirect_dma source(%dma_start3A_77 : memref<16384x128xi32, #tpu.memory_space<hbm>>) target(%arg12 : memref<256x128xi32, #tpu.memory_space<vmem>>) offsets(%dma_start3A_74 : memref<256xi32, #tpu.memory_space<vmem>>) semaphore(%arg18 : memref<!tpu.dma_semaphore, #tpu.memory_space<semaphore_mem>>)
      %dma_wait3A_78 = arith.constant 0 : i32
      %dma_wait3A_79 = tpu.memref_slice %arg9[%add3A_64, %dma_wait3A_78] : memref<102400x128xi32, #tpu.memory_space<hbm>> -> memref<256x128xi32, #tpu.memory_space<hbm>>
      %dma_wait3A_80 = arith.constant 0 : i32
      %dma_wait3A_81 = tpu.memref_slice %arg9[%add3A_64, %dma_wait3A_80] : memref<102400x128xi32, #tpu.memory_space<hbm>> -> memref<256x128xi32, #tpu.memory_space<hbm>>
      tpu.wait_dma2 semaphore(%arg21 : memref<!tpu.dma_semaphore, #tpu.memory_space<semaphore_mem>>) src(%arg13 : memref<256x128xi32, #tpu.memory_space<vmem>>) dst(%dma_wait3A_81 : memref<256x128xi32, #tpu.memory_space<hbm>>)
      %dma_start3A_82 = arith.constant 768 : i32
      %dma_start3A_83 = tpu.memref_slice %arg11[%dma_start3A_82] : memref<1024xi32, #tpu.memory_space<vmem>> -> memref<256xi32, #tpu.memory_space<vmem>>
      %dma_start3A_84 = arith.constant 0 : i32
      %dma_start3A_85 = arith.constant 0 : i32
      %dma_start3A_86 = tpu.memref_slice %arg7[%dma_start3A_84, %dma_start3A_85] : memref<16384x128xi32, #tpu.memory_space<hbm>> -> memref<16384x128xi32, #tpu.memory_space<hbm>>
      tpu.enqueue_indirect_dma source(%dma_start3A_86 : memref<16384x128xi32, #tpu.memory_space<hbm>>) target(%arg13 : memref<256x128xi32, #tpu.memory_space<vmem>>) offsets(%dma_start3A_83 : memref<256xi32, #tpu.memory_space<vmem>>) semaphore(%arg19 : memref<!tpu.dma_semaphore, #tpu.memory_space<semaphore_mem>>)
      %dma_wait3A_87 = arith.constant 512 : i32
      %dma_wait3A_88 = tpu.memref_slice %arg11[%dma_wait3A_87] : memref<1024xi32, #tpu.memory_space<vmem>> -> memref<256xi32, #tpu.memory_space<vmem>>
      %dma_wait3A_89 = arith.constant 0 : i32
      %dma_wait3A_90 = arith.constant 0 : i32
      %dma_wait3A_91 = tpu.memref_slice %arg7[%dma_wait3A_89, %dma_wait3A_90] : memref<16384x128xi32, #tpu.memory_space<hbm>> -> memref<16384x128xi32, #tpu.memory_space<hbm>>
      tpu.wait_indirect_dma semaphore(%arg18 : memref<!tpu.dma_semaphore, #tpu.memory_space<semaphore_mem>>) src(%dma_wait3A_91 : memref<16384x128xi32, #tpu.memory_space<hbm>>) dst(%arg12 : memref<256x128xi32, #tpu.memory_space<vmem>>)
      %mul3A_92 = arith.constant 1024 : i32
      %mul3A_93 = arith.muli %add3A_2, %mul3A_92 : i32
      %add3A_94 = arith.constant 512 : i32
      %add3A_95 = arith.addi %mul3A_93, %add3A_94 : i32
      %dma_start3A_96 = arith.constant 0 : i32
      %dma_start3A_97 = tpu.memref_slice %arg9[%add3A_95, %dma_start3A_96] : memref<102400x128xi32, #tpu.memory_space<hbm>> -> memref<256x128xi32, #tpu.memory_space<hbm>>
      %dma_start3A_98 = arith.constant 0 : i32
      %dma_start3A_99 = tpu.memref_slice %arg9[%add3A_95, %dma_start3A_98] : memref<102400x128xi32, #tpu.memory_space<hbm>> -> memref<256x128xi32, #tpu.memory_space<hbm>>
      tpu.enqueue_dma source(%arg12 : memref<256x128xi32, #tpu.memory_space<vmem>>) target(%dma_start3A_99 : memref<256x128xi32, #tpu.memory_space<hbm>>) target_semaphore(%arg20 : memref<!tpu.dma_semaphore, #tpu.memory_space<semaphore_mem>>)
      %dma_wait3A_100 = arith.constant 768 : i32
      %dma_wait3A_101 = tpu.memref_slice %arg11[%dma_wait3A_100] : memref<1024xi32, #tpu.memory_space<vmem>> -> memref<256xi32, #tpu.memory_space<vmem>>
      %dma_wait3A_102 = arith.constant 0 : i32
      %dma_wait3A_103 = arith.constant 0 : i32
      %dma_wait3A_104 = tpu.memref_slice %arg7[%dma_wait3A_102, %dma_wait3A_103] : memref<16384x128xi32, #tpu.memory_space<hbm>> -> memref<16384x128xi32, #tpu.memory_space<hbm>>
      tpu.wait_indirect_dma semaphore(%arg19 : memref<!tpu.dma_semaphore, #tpu.memory_space<semaphore_mem>>) src(%dma_wait3A_104 : memref<16384x128xi32, #tpu.memory_space<hbm>>) dst(%arg13 : memref<256x128xi32, #tpu.memory_space<vmem>>)
      %mul3A_105 = arith.constant 1024 : i32
      %mul3A_106 = arith.muli %add3A_2, %mul3A_105 : i32
      %add3A_107 = arith.constant 768 : i32
      %add3A_108 = arith.addi %mul3A_106, %add3A_107 : i32
      %dma_start3A_109 = arith.constant 0 : i32
      %dma_start3A_110 = tpu.memref_slice %arg9[%add3A_108, %dma_start3A_109] : memref<102400x128xi32, #tpu.memory_space<hbm>> -> memref<256x128xi32, #tpu.memory_space<hbm>>
      %dma_start3A_111 = arith.constant 0 : i32
      %dma_start3A_112 = tpu.memref_slice %arg9[%add3A_108, %dma_start3A_111] : memref<102400x128xi32, #tpu.memory_space<hbm>> -> memref<256x128xi32, #tpu.memory_space<hbm>>
      tpu.enqueue_dma source(%arg13 : memref<256x128xi32, #tpu.memory_space<vmem>>) target(%dma_start3A_112 : memref<256x128xi32, #tpu.memory_space<hbm>>) target_semaphore(%arg21 : memref<!tpu.dma_semaphore, #tpu.memory_space<semaphore_mem>>)
      %dma_wait3A_113 = arith.constant 0 : i32
      %dma_wait3A_114 = tpu.memref_slice %arg9[%add3A_95, %dma_wait3A_113] : memref<102400x128xi32, #tpu.memory_space<hbm>> -> memref<256x128xi32, #tpu.memory_space<hbm>>
      %dma_wait3A_115 = arith.constant 0 : i32
      %dma_wait3A_116 = tpu.memref_slice %arg9[%add3A_95, %dma_wait3A_115] : memref<102400x128xi32, #tpu.memory_space<hbm>> -> memref<256x128xi32, #tpu.memory_space<hbm>>
      tpu.wait_dma2 semaphore(%arg20 : memref<!tpu.dma_semaphore, #tpu.memory_space<semaphore_mem>>) src(%arg12 : memref<256x128xi32, #tpu.memory_space<vmem>>) dst(%dma_wait3A_116 : memref<256x128xi32, #tpu.memory_space<hbm>>)
      %dma_wait3A_117 = arith.constant 0 : i32
      %dma_wait3A_118 = tpu.memref_slice %arg9[%add3A_108, %dma_wait3A_117] : memref<102400x128xi32, #tpu.memory_space<hbm>> -> memref<256x128xi32, #tpu.memory_space<hbm>>
      %dma_wait3A_119 = arith.constant 0 : i32
      %dma_wait3A_120 = tpu.memref_slice %arg9[%add3A_108, %dma_wait3A_119] : memref<102400x128xi32, #tpu.memory_space<hbm>> -> memref<256x128xi32, #tpu.memory_space<hbm>>
      tpu.wait_dma2 semaphore(%arg21 : memref<!tpu.dma_semaphore, #tpu.memory_space<semaphore_mem>>) src(%arg13 : memref<256x128xi32, #tpu.memory_space<vmem>>) dst(%dma_wait3A_120 : memref<256x128xi32, #tpu.memory_space<hbm>>)
    } else {
    }
    %add3A_5 = arith.constant 32 : i32
    %add3A_6 = arith.addi %add3A, %add3A_5 : i32
    %lt3A_7 = arith.constant 100 : i32
    %lt3A_8 = arith.cmpi slt, %add3A_6, %lt3A_7 : i32
    %convert_element_type3A_9 = arith.extui %lt3A_8 : i1 to i32
    %cond3A_10 = arith.constant 0 : i32
    %cond3A_11 = arith.cmpi ne, %convert_element_type3A_9, %cond3A_10 : i32
    scf.if %cond3A_11 {
      "tpu.region"() ({
        %run_scoped3A = tpu.sem_alloc : memref<!tpu.dma_semaphore, #tpu.memory_space<semaphore_mem>>
        %dma_start3A_121 = arith.constant 0 : i32
        %dma_start3A_122 = tpu.memref_slice %arg2[%add3A_6, %dma_start3A_121] : memref<104x16384xf32, #tpu.memory_space<hbm>> -> memref<1x16384xf32, #tpu.memory_space<hbm>>
        %dma_start3A_123 = tpu.memref_squeeze %dma_start3A_122 : memref<1x16384xf32, #tpu.memory_space<hbm>> -> memref<16384xf32, #tpu.memory_space<hbm>>
        %dma_start3A_124 = arith.constant 0 : i32
        %dma_start3A_125 = tpu.memref_slice %arg2[%add3A_6, %dma_start3A_124] : memref<104x16384xf32, #tpu.memory_space<hbm>> -> memref<1x16384xf32, #tpu.memory_space<hbm>>
        %dma_start3A_126 = tpu.memref_squeeze %dma_start3A_125 : memref<1x16384xf32, #tpu.memory_space<hbm>> -> memref<16384xf32, #tpu.memory_space<hbm>>
        tpu.enqueue_dma source(%dma_start3A_126 : memref<16384xf32, #tpu.memory_space<hbm>>) target(%arg10 : memref<16384xf32, #tpu.memory_space<vmem>>) target_semaphore(%run_scoped3A : memref<!tpu.dma_semaphore, #tpu.memory_space<semaphore_mem>>)
        %dma_wait3A_127 = arith.constant 0 : i32
        %dma_wait3A_128 = tpu.memref_slice %arg2[%add3A_6, %dma_wait3A_127] : memref<104x16384xf32, #tpu.memory_space<hbm>> -> memref<1x16384xf32, #tpu.memory_space<hbm>>
        %dma_wait3A_129 = tpu.memref_squeeze %dma_wait3A_128 : memref<1x16384xf32, #tpu.memory_space<hbm>> -> memref<16384xf32, #tpu.memory_space<hbm>>
        %dma_wait3A_130 = arith.constant 0 : i32
        %dma_wait3A_131 = tpu.memref_slice %arg2[%add3A_6, %dma_wait3A_130] : memref<104x16384xf32, #tpu.memory_space<hbm>> -> memref<1x16384xf32, #tpu.memory_space<hbm>>
        %dma_wait3A_132 = tpu.memref_squeeze %dma_wait3A_131 : memref<1x16384xf32, #tpu.memory_space<hbm>> -> memref<16384xf32, #tpu.memory_space<hbm>>
        tpu.wait_dma2 semaphore(%run_scoped3A : memref<!tpu.dma_semaphore, #tpu.memory_space<semaphore_mem>>) src(%dma_wait3A_132 : memref<16384xf32, #tpu.memory_space<hbm>>) dst(%arg10 : memref<16384xf32, #tpu.memory_space<vmem>>)
        tpu.yield
      }) : () -> ()
      %broadcast_in_dim3A = vector.broadcast %add3A_6 : i32 to vector<16xi32>
      %gather3A = tpu.vector_load_idx %arg14[%broadcast_in_dim3A] : memref<104xi32, #tpu.memory_space<vmem>>[vector<16xi32>], vector<16xi32>,
      %gather3A_26 = tpu.vector_load_idx %arg15[%broadcast_in_dim3A] : memref<104xi32, #tpu.memory_space<vmem>>[vector<16xi32>], vector<16xi32>,
      %gather3A_27 = tpu.vector_load_idx %arg16[%broadcast_in_dim3A] : memref<104xi32, #tpu.memory_space<vmem>>[vector<16xi32>], vector<16xi32>,
      %gather3A_28 = tpu.vector_load_idx %arg17[%broadcast_in_dim3A] : memref<104xi32, #tpu.memory_space<vmem>>[vector<16xi32>], vector<16xi32>,
      %scan3A = arith.constant 0 : i32
      %scan3A_29 = arith.constant 0 : i32
      %scan3A_30 = arith.constant 1024 : i32
      %scan3A_31 = arith.addi %scan3A_29, %scan3A_30 : i32
      %scan3A_32 = arith.constant 1 : i32
      %scan3A_33 = scf.for %scan3A_121 = %scan3A_29 to %scan3A_31 step %scan3A_32 iter_args(%scan3A_122 = %scan3A) -> (i32)  : i32 {
        %mul3A_123 = arith.constant 16 : i32
        %mul3A_124 = arith.muli %scan3A_121, %mul3A_123 : i32
        %get3A = arith.index_cast %mul3A_124 : i32 to index
        %get3A_125 = tpu.vector_load %arg10[%get3A] {strides = array<i32>} : memref<16384xf32, #tpu.memory_space<vmem>>, vector<16xf32>,
        %bitcast_convert_type3A = tpu.bitcast %get3A_125 : vector<16xf32> -> vector<16xi32>
        %ge3A = arith.constant 0 : i32
        %ge3A_126 = vector.broadcast %ge3A : i32 to vector<16xi32>
        %ge3A_127 = arith.cmpi sge, %bitcast_convert_type3A, %ge3A_126 : vector<16xi32>
        %not3A = arith.constant dense<-1> : vector<16xi32>
        %not3A_128 = arith.xori %bitcast_convert_type3A, %not3A : vector<16xi32>
        %xor3A = arith.constant -2147483648 : i32
        %xor3A_129 = vector.broadcast %xor3A : i32 to vector<16xi32>
        %xor3A_130 = arith.xori %not3A_128, %xor3A_129 : vector<16xi32>
        %select_n3A = arith.select %ge3A_127, %bitcast_convert_type3A, %xor3A_130 : vector<16xi1>, vector<16xi32>
        %iota3A = tpu.iota {dimensions = array<i32: 0>} : vector<16xi32>
        %mul3A_131 = arith.constant 16 : i32
        %mul3A_132 = arith.muli %scan3A_121, %mul3A_131 : i32
        %add3A_133 = vector.broadcast %mul3A_132 : i32 to vector<16xi32>
        %add3A_134 = arith.addi %iota3A, %add3A_133 : vector<16xi32>
        %gt3A = arith.cmpi sgt, %select_n3A, %gather3A : vector<16xi32>
        %eq3A = arith.cmpi eq, %select_n3A, %gather3A : vector<16xi32>
        %lt3A_135 = arith.cmpi slt, %add3A_134, %gather3A_26 : vector<16xi32>
        %and3A = arith.andi %eq3A, %lt3A_135 : vector<16xi1>
        %or3A = arith.ori %gt3A, %and3A : vector<16xi1>
        %gt3A_136 = arith.cmpi sgt, %select_n3A, %gather3A_27 : vector<16xi32>
        %eq3A_137 = arith.cmpi eq, %select_n3A, %gather3A_27 : vector<16xi32>
        %lt3A_138 = arith.cmpi slt, %add3A_134, %gather3A_28 : vector<16xi32>
        %and3A_139 = arith.andi %eq3A_137, %lt3A_138 : vector<16xi1>
        %or3A_140 = arith.ori %gt3A_136, %and3A_139 : vector<16xi1>
        %not3A_141 = arith.constant dense<true> : vector<16xi1>
        %not3A_142 = arith.xori %or3A, %not3A_141 : vector<16xi1>
        %and3A_143 = arith.andi %or3A_140, %not3A_142 : vector<16xi1>
        %swap3A = arith.index_cast %scan3A_122 : i32 to index
        %swap3A_144 = tpu.vector_load %arg11[%swap3A] masked %and3A_143 {strides = array<i32>} : memref<1024xi32, #tpu.memory_space<vmem>>, vector<16xi32>, vector<16xi1>
        tpu.vector_store %arg11[%swap3A], %add3A_134 masked %and3A_143 {strides = array<i32>} : memref<1024xi32, #tpu.memory_space<vmem>>, vector<16xi32>, vector<16xi1>
        %convert_element_type3A_145 = arith.extui %and3A_143 : vector<16xi1> to vector<16xi32>
        %reduce_sum3A = arith.constant true
        %reduce_sum3A_146 = vector.broadcast %reduce_sum3A : i1 to vector<16xi1>
        %reduce_sum3A_147 = tpu.scan <sum>, %convert_element_type3A_145 masked %reduce_sum3A_146 : vector<16xi32>, vector<16xi1> -> vector<16xi32>
        %reduce_sum3A_148 = vector.extract %reduce_sum3A_147[15] : i32 from vector<16xi32>
        %add3A_149 = arith.addi %scan3A_122, %reduce_sum3A_148 : i32
        scf.yield %add3A_149 : i32
      }
      %scan3A_34 = arith.constant 1024 : i32
      "tpu.region"() ({
        %run_scoped3A = tpu.sem_alloc : memref<!tpu.dma_semaphore, #tpu.memory_space<semaphore_mem>>
        %dma_start3A_121 = arith.constant 0 : i32
        %dma_start3A_122 = tpu.memref_slice %arg8[%add3A_6, %dma_start3A_121] : memref<100x1024xi32, #tpu.memory_space<hbm>> -> memref<1x1024xi32, #tpu.memory_space<hbm>>
        %dma_start3A_123 = tpu.memref_squeeze %dma_start3A_122 : memref<1x1024xi32, #tpu.memory_space<hbm>> -> memref<1024xi32, #tpu.memory_space<hbm>>
        %dma_start3A_124 = arith.constant 0 : i32
        %dma_start3A_125 = tpu.memref_slice %arg8[%add3A_6, %dma_start3A_124] : memref<100x1024xi32, #tpu.memory_space<hbm>> -> memref<1x1024xi32, #tpu.memory_space<hbm>>
        %dma_start3A_126 = tpu.memref_squeeze %dma_start3A_125 : memref<1x1024xi32, #tpu.memory_space<hbm>> -> memref<1024xi32, #tpu.memory_space<hbm>>
        tpu.enqueue_dma source(%arg11 : memref<1024xi32, #tpu.memory_space<vmem>>) target(%dma_start3A_126 : memref<1024xi32, #tpu.memory_space<hbm>>) target_semaphore(%run_scoped3A : memref<!tpu.dma_semaphore, #tpu.memory_space<semaphore_mem>>)
        %dma_wait3A_127 = arith.constant 0 : i32
        %dma_wait3A_128 = tpu.memref_slice %arg8[%add3A_6, %dma_wait3A_127] : memref<100x1024xi32, #tpu.memory_space<hbm>> -> memref<1x1024xi32, #tpu.memory_space<hbm>>
        %dma_wait3A_129 = tpu.memref_squeeze %dma_wait3A_128 : memref<1x1024xi32, #tpu.memory_space<hbm>> -> memref<1024xi32, #tpu.memory_space<hbm>>
        %dma_wait3A_130 = arith.constant 0 : i32
        %dma_wait3A_131 = tpu.memref_slice %arg8[%add3A_6, %dma_wait3A_130] : memref<100x1024xi32, #tpu.memory_space<hbm>> -> memref<1x1024xi32, #tpu.memory_space<hbm>>
        %dma_wait3A_132 = tpu.memref_squeeze %dma_wait3A_131 : memref<1x1024xi32, #tpu.memory_space<hbm>> -> memref<1024xi32, #tpu.memory_space<hbm>>
        tpu.wait_dma2 semaphore(%run_scoped3A : memref<!tpu.dma_semaphore, #tpu.memory_space<semaphore_mem>>) src(%arg11 : memref<1024xi32, #tpu.memory_space<vmem>>) dst(%dma_wait3A_132 : memref<1024xi32, #tpu.memory_space<hbm>>)
        tpu.yield
      }) : () -> ()
      %dma_start3A = arith.constant 0 : i32
      %dma_start3A_35 = tpu.memref_slice %arg11[%dma_start3A] : memref<1024xi32, #tpu.memory_space<vmem>> -> memref<256xi32, #tpu.memory_space<vmem>>
      %dma_start3A_36 = arith.constant 0 : i32
      %dma_start3A_37 = arith.constant 0 : i32
      %dma_start3A_38 = tpu.memref_slice %arg7[%dma_start3A_36, %dma_start3A_37] : memref<16384x128xi32, #tpu.memory_space<hbm>> -> memref<16384x128xi32, #tpu.memory_space<hbm>>
      tpu.enqueue_indirect_dma source(%dma_start3A_38 : memref<16384x128xi32, #tpu.memory_space<hbm>>) target(%arg12 : memref<256x128xi32, #tpu.memory_space<vmem>>) offsets(%dma_start3A_35 : memref<256xi32, #tpu.memory_space<vmem>>) semaphore(%arg18 : memref<!tpu.dma_semaphore, #tpu.memory_space<semaphore_mem>>)
      %dma_start3A_39 = arith.constant 256 : i32
      %dma_start3A_40 = tpu.memref_slice %arg11[%dma_start3A_39] : memref<1024xi32, #tpu.memory_space<vmem>> -> memref<256xi32, #tpu.memory_space<vmem>>
      %dma_start3A_41 = arith.constant 0 : i32
      %dma_start3A_42 = arith.constant 0 : i32
      %dma_start3A_43 = tpu.memref_slice %arg7[%dma_start3A_41, %dma_start3A_42] : memref<16384x128xi32, #tpu.memory_space<hbm>> -> memref<16384x128xi32, #tpu.memory_space<hbm>>
      tpu.enqueue_indirect_dma source(%dma_start3A_43 : memref<16384x128xi32, #tpu.memory_space<hbm>>) target(%arg13 : memref<256x128xi32, #tpu.memory_space<vmem>>) offsets(%dma_start3A_40 : memref<256xi32, #tpu.memory_space<vmem>>) semaphore(%arg19 : memref<!tpu.dma_semaphore, #tpu.memory_space<semaphore_mem>>)
      %dma_wait3A = arith.constant 0 : i32
      %dma_wait3A_44 = tpu.memref_slice %arg11[%dma_wait3A] : memref<1024xi32, #tpu.memory_space<vmem>> -> memref<256xi32, #tpu.memory_space<vmem>>
      %dma_wait3A_45 = arith.constant 0 : i32
      %dma_wait3A_46 = arith.constant 0 : i32
      %dma_wait3A_47 = tpu.memref_slice %arg7[%dma_wait3A_45, %dma_wait3A_46] : memref<16384x128xi32, #tpu.memory_space<hbm>> -> memref<16384x128xi32, #tpu.memory_space<hbm>>
      tpu.wait_indirect_dma semaphore(%arg18 : memref<!tpu.dma_semaphore, #tpu.memory_space<semaphore_mem>>) src(%dma_wait3A_47 : memref<16384x128xi32, #tpu.memory_space<hbm>>) dst(%arg12 : memref<256x128xi32, #tpu.memory_space<vmem>>)
      %mul3A_48 = arith.constant 1024 : i32
      %mul3A_49 = arith.muli %add3A_6, %mul3A_48 : i32
      %add3A_50 = arith.constant 0 : i32
      %add3A_51 = arith.addi %mul3A_49, %add3A_50 : i32
      %dma_start3A_52 = arith.constant 0 : i32
      %dma_start3A_53 = tpu.memref_slice %arg9[%add3A_51, %dma_start3A_52] : memref<102400x128xi32, #tpu.memory_space<hbm>> -> memref<256x128xi32, #tpu.memory_space<hbm>>
      %dma_start3A_54 = arith.constant 0 : i32
      %dma_start3A_55 = tpu.memref_slice %arg9[%add3A_51, %dma_start3A_54] : memref<102400x128xi32, #tpu.memory_space<hbm>> -> memref<256x128xi32, #tpu.memory_space<hbm>>
      tpu.enqueue_dma source(%arg12 : memref<256x128xi32, #tpu.memory_space<vmem>>) target(%dma_start3A_55 : memref<256x128xi32, #tpu.memory_space<hbm>>) target_semaphore(%arg20 : memref<!tpu.dma_semaphore, #tpu.memory_space<semaphore_mem>>)
      %dma_wait3A_56 = arith.constant 256 : i32
      %dma_wait3A_57 = tpu.memref_slice %arg11[%dma_wait3A_56] : memref<1024xi32, #tpu.memory_space<vmem>> -> memref<256xi32, #tpu.memory_space<vmem>>
      %dma_wait3A_58 = arith.constant 0 : i32
      %dma_wait3A_59 = arith.constant 0 : i32
      %dma_wait3A_60 = tpu.memref_slice %arg7[%dma_wait3A_58, %dma_wait3A_59] : memref<16384x128xi32, #tpu.memory_space<hbm>> -> memref<16384x128xi32, #tpu.memory_space<hbm>>
      tpu.wait_indirect_dma semaphore(%arg19 : memref<!tpu.dma_semaphore, #tpu.memory_space<semaphore_mem>>) src(%dma_wait3A_60 : memref<16384x128xi32, #tpu.memory_space<hbm>>) dst(%arg13 : memref<256x128xi32, #tpu.memory_space<vmem>>)
      %mul3A_61 = arith.constant 1024 : i32
      %mul3A_62 = arith.muli %add3A_6, %mul3A_61 : i32
      %add3A_63 = arith.constant 256 : i32
      %add3A_64 = arith.addi %mul3A_62, %add3A_63 : i32
      %dma_start3A_65 = arith.constant 0 : i32
      %dma_start3A_66 = tpu.memref_slice %arg9[%add3A_64, %dma_start3A_65] : memref<102400x128xi32, #tpu.memory_space<hbm>> -> memref<256x128xi32, #tpu.memory_space<hbm>>
      %dma_start3A_67 = arith.constant 0 : i32
      %dma_start3A_68 = tpu.memref_slice %arg9[%add3A_64, %dma_start3A_67] : memref<102400x128xi32, #tpu.memory_space<hbm>> -> memref<256x128xi32, #tpu.memory_space<hbm>>
      tpu.enqueue_dma source(%arg13 : memref<256x128xi32, #tpu.memory_space<vmem>>) target(%dma_start3A_68 : memref<256x128xi32, #tpu.memory_space<hbm>>) target_semaphore(%arg21 : memref<!tpu.dma_semaphore, #tpu.memory_space<semaphore_mem>>)
      %dma_wait3A_69 = arith.constant 0 : i32
      %dma_wait3A_70 = tpu.memref_slice %arg9[%add3A_51, %dma_wait3A_69] : memref<102400x128xi32, #tpu.memory_space<hbm>> -> memref<256x128xi32, #tpu.memory_space<hbm>>
      %dma_wait3A_71 = arith.constant 0 : i32
      %dma_wait3A_72 = tpu.memref_slice %arg9[%add3A_51, %dma_wait3A_71] : memref<102400x128xi32, #tpu.memory_space<hbm>> -> memref<256x128xi32, #tpu.memory_space<hbm>>
      tpu.wait_dma2 semaphore(%arg20 : memref<!tpu.dma_semaphore, #tpu.memory_space<semaphore_mem>>) src(%arg12 : memref<256x128xi32, #tpu.memory_space<vmem>>) dst(%dma_wait3A_72 : memref<256x128xi32, #tpu.memory_space<hbm>>)
      %dma_start3A_73 = arith.constant 512 : i32
      %dma_start3A_74 = tpu.memref_slice %arg11[%dma_start3A_73] : memref<1024xi32, #tpu.memory_space<vmem>> -> memref<256xi32, #tpu.memory_space<vmem>>
      %dma_start3A_75 = arith.constant 0 : i32
      %dma_start3A_76 = arith.constant 0 : i32
      %dma_start3A_77 = tpu.memref_slice %arg7[%dma_start3A_75, %dma_start3A_76] : memref<16384x128xi32, #tpu.memory_space<hbm>> -> memref<16384x128xi32, #tpu.memory_space<hbm>>
      tpu.enqueue_indirect_dma source(%dma_start3A_77 : memref<16384x128xi32, #tpu.memory_space<hbm>>) target(%arg12 : memref<256x128xi32, #tpu.memory_space<vmem>>) offsets(%dma_start3A_74 : memref<256xi32, #tpu.memory_space<vmem>>) semaphore(%arg18 : memref<!tpu.dma_semaphore, #tpu.memory_space<semaphore_mem>>)
      %dma_wait3A_78 = arith.constant 0 : i32
      %dma_wait3A_79 = tpu.memref_slice %arg9[%add3A_64, %dma_wait3A_78] : memref<102400x128xi32, #tpu.memory_space<hbm>> -> memref<256x128xi32, #tpu.memory_space<hbm>>
      %dma_wait3A_80 = arith.constant 0 : i32
      %dma_wait3A_81 = tpu.memref_slice %arg9[%add3A_64, %dma_wait3A_80] : memref<102400x128xi32, #tpu.memory_space<hbm>> -> memref<256x128xi32, #tpu.memory_space<hbm>>
      tpu.wait_dma2 semaphore(%arg21 : memref<!tpu.dma_semaphore, #tpu.memory_space<semaphore_mem>>) src(%arg13 : memref<256x128xi32, #tpu.memory_space<vmem>>) dst(%dma_wait3A_81 : memref<256x128xi32, #tpu.memory_space<hbm>>)
      %dma_start3A_82 = arith.constant 768 : i32
      %dma_start3A_83 = tpu.memref_slice %arg11[%dma_start3A_82] : memref<1024xi32, #tpu.memory_space<vmem>> -> memref<256xi32, #tpu.memory_space<vmem>>
      %dma_start3A_84 = arith.constant 0 : i32
      %dma_start3A_85 = arith.constant 0 : i32
      %dma_start3A_86 = tpu.memref_slice %arg7[%dma_start3A_84, %dma_start3A_85] : memref<16384x128xi32, #tpu.memory_space<hbm>> -> memref<16384x128xi32, #tpu.memory_space<hbm>>
      tpu.enqueue_indirect_dma source(%dma_start3A_86 : memref<16384x128xi32, #tpu.memory_space<hbm>>) target(%arg13 : memref<256x128xi32, #tpu.memory_space<vmem>>) offsets(%dma_start3A_83 : memref<256xi32, #tpu.memory_space<vmem>>) semaphore(%arg19 : memref<!tpu.dma_semaphore, #tpu.memory_space<semaphore_mem>>)
      %dma_wait3A_87 = arith.constant 512 : i32
      %dma_wait3A_88 = tpu.memref_slice %arg11[%dma_wait3A_87] : memref<1024xi32, #tpu.memory_space<vmem>> -> memref<256xi32, #tpu.memory_space<vmem>>
      %dma_wait3A_89 = arith.constant 0 : i32
      %dma_wait3A_90 = arith.constant 0 : i32
      %dma_wait3A_91 = tpu.memref_slice %arg7[%dma_wait3A_89, %dma_wait3A_90] : memref<16384x128xi32, #tpu.memory_space<hbm>> -> memref<16384x128xi32, #tpu.memory_space<hbm>>
      tpu.wait_indirect_dma semaphore(%arg18 : memref<!tpu.dma_semaphore, #tpu.memory_space<semaphore_mem>>) src(%dma_wait3A_91 : memref<16384x128xi32, #tpu.memory_space<hbm>>) dst(%arg12 : memref<256x128xi32, #tpu.memory_space<vmem>>)
      %mul3A_92 = arith.constant 1024 : i32
      %mul3A_93 = arith.muli %add3A_6, %mul3A_92 : i32
      %add3A_94 = arith.constant 512 : i32
      %add3A_95 = arith.addi %mul3A_93, %add3A_94 : i32
      %dma_start3A_96 = arith.constant 0 : i32
      %dma_start3A_97 = tpu.memref_slice %arg9[%add3A_95, %dma_start3A_96] : memref<102400x128xi32, #tpu.memory_space<hbm>> -> memref<256x128xi32, #tpu.memory_space<hbm>>
      %dma_start3A_98 = arith.constant 0 : i32
      %dma_start3A_99 = tpu.memref_slice %arg9[%add3A_95, %dma_start3A_98] : memref<102400x128xi32, #tpu.memory_space<hbm>> -> memref<256x128xi32, #tpu.memory_space<hbm>>
      tpu.enqueue_dma source(%arg12 : memref<256x128xi32, #tpu.memory_space<vmem>>) target(%dma_start3A_99 : memref<256x128xi32, #tpu.memory_space<hbm>>) target_semaphore(%arg20 : memref<!tpu.dma_semaphore, #tpu.memory_space<semaphore_mem>>)
      %dma_wait3A_100 = arith.constant 768 : i32
      %dma_wait3A_101 = tpu.memref_slice %arg11[%dma_wait3A_100] : memref<1024xi32, #tpu.memory_space<vmem>> -> memref<256xi32, #tpu.memory_space<vmem>>
      %dma_wait3A_102 = arith.constant 0 : i32
      %dma_wait3A_103 = arith.constant 0 : i32
      %dma_wait3A_104 = tpu.memref_slice %arg7[%dma_wait3A_102, %dma_wait3A_103] : memref<16384x128xi32, #tpu.memory_space<hbm>> -> memref<16384x128xi32, #tpu.memory_space<hbm>>
      tpu.wait_indirect_dma semaphore(%arg19 : memref<!tpu.dma_semaphore, #tpu.memory_space<semaphore_mem>>) src(%dma_wait3A_104 : memref<16384x128xi32, #tpu.memory_space<hbm>>) dst(%arg13 : memref<256x128xi32, #tpu.memory_space<vmem>>)
      %mul3A_105 = arith.constant 1024 : i32
      %mul3A_106 = arith.muli %add3A_6, %mul3A_105 : i32
      %add3A_107 = arith.constant 768 : i32
      %add3A_108 = arith.addi %mul3A_106, %add3A_107 : i32
      %dma_start3A_109 = arith.constant 0 : i32
      %dma_start3A_110 = tpu.memref_slice %arg9[%add3A_108, %dma_start3A_109] : memref<102400x128xi32, #tpu.memory_space<hbm>> -> memref<256x128xi32, #tpu.memory_space<hbm>>
      %dma_start3A_111 = arith.constant 0 : i32
      %dma_start3A_112 = tpu.memref_slice %arg9[%add3A_108, %dma_start3A_111] : memref<102400x128xi32, #tpu.memory_space<hbm>> -> memref<256x128xi32, #tpu.memory_space<hbm>>
      tpu.enqueue_dma source(%arg13 : memref<256x128xi32, #tpu.memory_space<vmem>>) target(%dma_start3A_112 : memref<256x128xi32, #tpu.memory_space<hbm>>) target_semaphore(%arg21 : memref<!tpu.dma_semaphore, #tpu.memory_space<semaphore_mem>>)
      %dma_wait3A_113 = arith.constant 0 : i32
      %dma_wait3A_114 = tpu.memref_slice %arg9[%add3A_95, %dma_wait3A_113] : memref<102400x128xi32, #tpu.memory_space<hbm>> -> memref<256x128xi32, #tpu.memory_space<hbm>>
      %dma_wait3A_115 = arith.constant 0 : i32
      %dma_wait3A_116 = tpu.memref_slice %arg9[%add3A_95, %dma_wait3A_115] : memref<102400x128xi32, #tpu.memory_space<hbm>> -> memref<256x128xi32, #tpu.memory_space<hbm>>
      tpu.wait_dma2 semaphore(%arg20 : memref<!tpu.dma_semaphore, #tpu.memory_space<semaphore_mem>>) src(%arg12 : memref<256x128xi32, #tpu.memory_space<vmem>>) dst(%dma_wait3A_116 : memref<256x128xi32, #tpu.memory_space<hbm>>)
      %dma_wait3A_117 = arith.constant 0 : i32
      %dma_wait3A_118 = tpu.memref_slice %arg9[%add3A_108, %dma_wait3A_117] : memref<102400x128xi32, #tpu.memory_space<hbm>> -> memref<256x128xi32, #tpu.memory_space<hbm>>
      %dma_wait3A_119 = arith.constant 0 : i32
      %dma_wait3A_120 = tpu.memref_slice %arg9[%add3A_108, %dma_wait3A_119] : memref<102400x128xi32, #tpu.memory_space<hbm>> -> memref<256x128xi32, #tpu.memory_space<hbm>>
      tpu.wait_dma2 semaphore(%arg21 : memref<!tpu.dma_semaphore, #tpu.memory_space<semaphore_mem>>) src(%arg13 : memref<256x128xi32, #tpu.memory_space<vmem>>) dst(%dma_wait3A_120 : memref<256x128xi32, #tpu.memory_space<hbm>>)
    } else {
    }
    %add3A_12 = arith.constant 64 : i32
    %add3A_13 = arith.addi %add3A, %add3A_12 : i32
    %lt3A_14 = arith.constant 100 : i32
    %lt3A_15 = arith.cmpi slt, %add3A_13, %lt3A_14 : i32
    %convert_element_type3A_16 = arith.extui %lt3A_15 : i1 to i32
    %cond3A_17 = arith.constant 0 : i32
    %cond3A_18 = arith.cmpi ne, %convert_element_type3A_16, %cond3A_17 : i32
    scf.if %cond3A_18 {
      "tpu.region"() ({
        %run_scoped3A = tpu.sem_alloc : memref<!tpu.dma_semaphore, #tpu.memory_space<semaphore_mem>>
        %dma_start3A_121 = arith.constant 0 : i32
        %dma_start3A_122 = tpu.memref_slice %arg2[%add3A_13, %dma_start3A_121] : memref<104x16384xf32, #tpu.memory_space<hbm>> -> memref<1x16384xf32, #tpu.memory_space<hbm>>
        %dma_start3A_123 = tpu.memref_squeeze %dma_start3A_122 : memref<1x16384xf32, #tpu.memory_space<hbm>> -> memref<16384xf32, #tpu.memory_space<hbm>>
        %dma_start3A_124 = arith.constant 0 : i32
        %dma_start3A_125 = tpu.memref_slice %arg2[%add3A_13, %dma_start3A_124] : memref<104x16384xf32, #tpu.memory_space<hbm>> -> memref<1x16384xf32, #tpu.memory_space<hbm>>
        %dma_start3A_126 = tpu.memref_squeeze %dma_start3A_125 : memref<1x16384xf32, #tpu.memory_space<hbm>> -> memref<16384xf32, #tpu.memory_space<hbm>>
        tpu.enqueue_dma source(%dma_start3A_126 : memref<16384xf32, #tpu.memory_space<hbm>>) target(%arg10 : memref<16384xf32, #tpu.memory_space<vmem>>) target_semaphore(%run_scoped3A : memref<!tpu.dma_semaphore, #tpu.memory_space<semaphore_mem>>)
        %dma_wait3A_127 = arith.constant 0 : i32
        %dma_wait3A_128 = tpu.memref_slice %arg2[%add3A_13, %dma_wait3A_127] : memref<104x16384xf32, #tpu.memory_space<hbm>> -> memref<1x16384xf32, #tpu.memory_space<hbm>>
        %dma_wait3A_129 = tpu.memref_squeeze %dma_wait3A_128 : memref<1x16384xf32, #tpu.memory_space<hbm>> -> memref<16384xf32, #tpu.memory_space<hbm>>
        %dma_wait3A_130 = arith.constant 0 : i32
        %dma_wait3A_131 = tpu.memref_slice %arg2[%add3A_13, %dma_wait3A_130] : memref<104x16384xf32, #tpu.memory_space<hbm>> -> memref<1x16384xf32, #tpu.memory_space<hbm>>
        %dma_wait3A_132 = tpu.memref_squeeze %dma_wait3A_131 : memref<1x16384xf32, #tpu.memory_space<hbm>> -> memref<16384xf32, #tpu.memory_space<hbm>>
        tpu.wait_dma2 semaphore(%run_scoped3A : memref<!tpu.dma_semaphore, #tpu.memory_space<semaphore_mem>>) src(%dma_wait3A_132 : memref<16384xf32, #tpu.memory_space<hbm>>) dst(%arg10 : memref<16384xf32, #tpu.memory_space<vmem>>)
        tpu.yield
      }) : () -> ()
      %broadcast_in_dim3A = vector.broadcast %add3A_13 : i32 to vector<16xi32>
      %gather3A = tpu.vector_load_idx %arg14[%broadcast_in_dim3A] : memref<104xi32, #tpu.memory_space<vmem>>[vector<16xi32>], vector<16xi32>,
      %gather3A_26 = tpu.vector_load_idx %arg15[%broadcast_in_dim3A] : memref<104xi32, #tpu.memory_space<vmem>>[vector<16xi32>], vector<16xi32>,
      %gather3A_27 = tpu.vector_load_idx %arg16[%broadcast_in_dim3A] : memref<104xi32, #tpu.memory_space<vmem>>[vector<16xi32>], vector<16xi32>,
      %gather3A_28 = tpu.vector_load_idx %arg17[%broadcast_in_dim3A] : memref<104xi32, #tpu.memory_space<vmem>>[vector<16xi32>], vector<16xi32>,
      %scan3A = arith.constant 0 : i32
      %scan3A_29 = arith.constant 0 : i32
      %scan3A_30 = arith.constant 1024 : i32
      %scan3A_31 = arith.addi %scan3A_29, %scan3A_30 : i32
      %scan3A_32 = arith.constant 1 : i32
      %scan3A_33 = scf.for %scan3A_121 = %scan3A_29 to %scan3A_31 step %scan3A_32 iter_args(%scan3A_122 = %scan3A) -> (i32)  : i32 {
        %mul3A_123 = arith.constant 16 : i32
        %mul3A_124 = arith.muli %scan3A_121, %mul3A_123 : i32
        %get3A = arith.index_cast %mul3A_124 : i32 to index
        %get3A_125 = tpu.vector_load %arg10[%get3A] {strides = array<i32>} : memref<16384xf32, #tpu.memory_space<vmem>>, vector<16xf32>,
        %bitcast_convert_type3A = tpu.bitcast %get3A_125 : vector<16xf32> -> vector<16xi32>
        %ge3A = arith.constant 0 : i32
        %ge3A_126 = vector.broadcast %ge3A : i32 to vector<16xi32>
        %ge3A_127 = arith.cmpi sge, %bitcast_convert_type3A, %ge3A_126 : vector<16xi32>
        %not3A = arith.constant dense<-1> : vector<16xi32>
        %not3A_128 = arith.xori %bitcast_convert_type3A, %not3A : vector<16xi32>
        %xor3A = arith.constant -2147483648 : i32
        %xor3A_129 = vector.broadcast %xor3A : i32 to vector<16xi32>
        %xor3A_130 = arith.xori %not3A_128, %xor3A_129 : vector<16xi32>
        %select_n3A = arith.select %ge3A_127, %bitcast_convert_type3A, %xor3A_130 : vector<16xi1>, vector<16xi32>
        %iota3A = tpu.iota {dimensions = array<i32: 0>} : vector<16xi32>
        %mul3A_131 = arith.constant 16 : i32
        %mul3A_132 = arith.muli %scan3A_121, %mul3A_131 : i32
        %add3A_133 = vector.broadcast %mul3A_132 : i32 to vector<16xi32>
        %add3A_134 = arith.addi %iota3A, %add3A_133 : vector<16xi32>
        %gt3A = arith.cmpi sgt, %select_n3A, %gather3A : vector<16xi32>
        %eq3A = arith.cmpi eq, %select_n3A, %gather3A : vector<16xi32>
        %lt3A_135 = arith.cmpi slt, %add3A_134, %gather3A_26 : vector<16xi32>
        %and3A = arith.andi %eq3A, %lt3A_135 : vector<16xi1>
        %or3A = arith.ori %gt3A, %and3A : vector<16xi1>
        %gt3A_136 = arith.cmpi sgt, %select_n3A, %gather3A_27 : vector<16xi32>
        %eq3A_137 = arith.cmpi eq, %select_n3A, %gather3A_27 : vector<16xi32>
        %lt3A_138 = arith.cmpi slt, %add3A_134, %gather3A_28 : vector<16xi32>
        %and3A_139 = arith.andi %eq3A_137, %lt3A_138 : vector<16xi1>
        %or3A_140 = arith.ori %gt3A_136, %and3A_139 : vector<16xi1>
        %not3A_141 = arith.constant dense<true> : vector<16xi1>
        %not3A_142 = arith.xori %or3A, %not3A_141 : vector<16xi1>
        %and3A_143 = arith.andi %or3A_140, %not3A_142 : vector<16xi1>
        %swap3A = arith.index_cast %scan3A_122 : i32 to index
        %swap3A_144 = tpu.vector_load %arg11[%swap3A] masked %and3A_143 {strides = array<i32>} : memref<1024xi32, #tpu.memory_space<vmem>>, vector<16xi32>, vector<16xi1>
        tpu.vector_store %arg11[%swap3A], %add3A_134 masked %and3A_143 {strides = array<i32>} : memref<1024xi32, #tpu.memory_space<vmem>>, vector<16xi32>, vector<16xi1>
        %convert_element_type3A_145 = arith.extui %and3A_143 : vector<16xi1> to vector<16xi32>
        %reduce_sum3A = arith.constant true
        %reduce_sum3A_146 = vector.broadcast %reduce_sum3A : i1 to vector<16xi1>
        %reduce_sum3A_147 = tpu.scan <sum>, %convert_element_type3A_145 masked %reduce_sum3A_146 : vector<16xi32>, vector<16xi1> -> vector<16xi32>
        %reduce_sum3A_148 = vector.extract %reduce_sum3A_147[15] : i32 from vector<16xi32>
        %add3A_149 = arith.addi %scan3A_122, %reduce_sum3A_148 : i32
        scf.yield %add3A_149 : i32
      }
      %scan3A_34 = arith.constant 1024 : i32
      "tpu.region"() ({
        %run_scoped3A = tpu.sem_alloc : memref<!tpu.dma_semaphore, #tpu.memory_space<semaphore_mem>>
        %dma_start3A_121 = arith.constant 0 : i32
        %dma_start3A_122 = tpu.memref_slice %arg8[%add3A_13, %dma_start3A_121] : memref<100x1024xi32, #tpu.memory_space<hbm>> -> memref<1x1024xi32, #tpu.memory_space<hbm>>
        %dma_start3A_123 = tpu.memref_squeeze %dma_start3A_122 : memref<1x1024xi32, #tpu.memory_space<hbm>> -> memref<1024xi32, #tpu.memory_space<hbm>>
        %dma_start3A_124 = arith.constant 0 : i32
        %dma_start3A_125 = tpu.memref_slice %arg8[%add3A_13, %dma_start3A_124] : memref<100x1024xi32, #tpu.memory_space<hbm>> -> memref<1x1024xi32, #tpu.memory_space<hbm>>
        %dma_start3A_126 = tpu.memref_squeeze %dma_start3A_125 : memref<1x1024xi32, #tpu.memory_space<hbm>> -> memref<1024xi32, #tpu.memory_space<hbm>>
        tpu.enqueue_dma source(%arg11 : memref<1024xi32, #tpu.memory_space<vmem>>) target(%dma_start3A_126 : memref<1024xi32, #tpu.memory_space<hbm>>) target_semaphore(%run_scoped3A : memref<!tpu.dma_semaphore, #tpu.memory_space<semaphore_mem>>)
        %dma_wait3A_127 = arith.constant 0 : i32
        %dma_wait3A_128 = tpu.memref_slice %arg8[%add3A_13, %dma_wait3A_127] : memref<100x1024xi32, #tpu.memory_space<hbm>> -> memref<1x1024xi32, #tpu.memory_space<hbm>>
        %dma_wait3A_129 = tpu.memref_squeeze %dma_wait3A_128 : memref<1x1024xi32, #tpu.memory_space<hbm>> -> memref<1024xi32, #tpu.memory_space<hbm>>
        %dma_wait3A_130 = arith.constant 0 : i32
        %dma_wait3A_131 = tpu.memref_slice %arg8[%add3A_13, %dma_wait3A_130] : memref<100x1024xi32, #tpu.memory_space<hbm>> -> memref<1x1024xi32, #tpu.memory_space<hbm>>
        %dma_wait3A_132 = tpu.memref_squeeze %dma_wait3A_131 : memref<1x1024xi32, #tpu.memory_space<hbm>> -> memref<1024xi32, #tpu.memory_space<hbm>>
        tpu.wait_dma2 semaphore(%run_scoped3A : memref<!tpu.dma_semaphore, #tpu.memory_space<semaphore_mem>>) src(%arg11 : memref<1024xi32, #tpu.memory_space<vmem>>) dst(%dma_wait3A_132 : memref<1024xi32, #tpu.memory_space<hbm>>)
        tpu.yield
      }) : () -> ()
      %dma_start3A = arith.constant 0 : i32
      %dma_start3A_35 = tpu.memref_slice %arg11[%dma_start3A] : memref<1024xi32, #tpu.memory_space<vmem>> -> memref<256xi32, #tpu.memory_space<vmem>>
      %dma_start3A_36 = arith.constant 0 : i32
      %dma_start3A_37 = arith.constant 0 : i32
      %dma_start3A_38 = tpu.memref_slice %arg7[%dma_start3A_36, %dma_start3A_37] : memref<16384x128xi32, #tpu.memory_space<hbm>> -> memref<16384x128xi32, #tpu.memory_space<hbm>>
      tpu.enqueue_indirect_dma source(%dma_start3A_38 : memref<16384x128xi32, #tpu.memory_space<hbm>>) target(%arg12 : memref<256x128xi32, #tpu.memory_space<vmem>>) offsets(%dma_start3A_35 : memref<256xi32, #tpu.memory_space<vmem>>) semaphore(%arg18 : memref<!tpu.dma_semaphore, #tpu.memory_space<semaphore_mem>>)
      %dma_start3A_39 = arith.constant 256 : i32
      %dma_start3A_40 = tpu.memref_slice %arg11[%dma_start3A_39] : memref<1024xi32, #tpu.memory_space<vmem>> -> memref<256xi32, #tpu.memory_space<vmem>>
      %dma_start3A_41 = arith.constant 0 : i32
      %dma_start3A_42 = arith.constant 0 : i32
      %dma_start3A_43 = tpu.memref_slice %arg7[%dma_start3A_41, %dma_start3A_42] : memref<16384x128xi32, #tpu.memory_space<hbm>> -> memref<16384x128xi32, #tpu.memory_space<hbm>>
      tpu.enqueue_indirect_dma source(%dma_start3A_43 : memref<16384x128xi32, #tpu.memory_space<hbm>>) target(%arg13 : memref<256x128xi32, #tpu.memory_space<vmem>>) offsets(%dma_start3A_40 : memref<256xi32, #tpu.memory_space<vmem>>) semaphore(%arg19 : memref<!tpu.dma_semaphore, #tpu.memory_space<semaphore_mem>>)
      %dma_wait3A = arith.constant 0 : i32
      %dma_wait3A_44 = tpu.memref_slice %arg11[%dma_wait3A] : memref<1024xi32, #tpu.memory_space<vmem>> -> memref<256xi32, #tpu.memory_space<vmem>>
      %dma_wait3A_45 = arith.constant 0 : i32
      %dma_wait3A_46 = arith.constant 0 : i32
      %dma_wait3A_47 = tpu.memref_slice %arg7[%dma_wait3A_45, %dma_wait3A_46] : memref<16384x128xi32, #tpu.memory_space<hbm>> -> memref<16384x128xi32, #tpu.memory_space<hbm>>
      tpu.wait_indirect_dma semaphore(%arg18 : memref<!tpu.dma_semaphore, #tpu.memory_space<semaphore_mem>>) src(%dma_wait3A_47 : memref<16384x128xi32, #tpu.memory_space<hbm>>) dst(%arg12 : memref<256x128xi32, #tpu.memory_space<vmem>>)
      %mul3A_48 = arith.constant 1024 : i32
      %mul3A_49 = arith.muli %add3A_13, %mul3A_48 : i32
      %add3A_50 = arith.constant 0 : i32
      %add3A_51 = arith.addi %mul3A_49, %add3A_50 : i32
      %dma_start3A_52 = arith.constant 0 : i32
      %dma_start3A_53 = tpu.memref_slice %arg9[%add3A_51, %dma_start3A_52] : memref<102400x128xi32, #tpu.memory_space<hbm>> -> memref<256x128xi32, #tpu.memory_space<hbm>>
      %dma_start3A_54 = arith.constant 0 : i32
      %dma_start3A_55 = tpu.memref_slice %arg9[%add3A_51, %dma_start3A_54] : memref<102400x128xi32, #tpu.memory_space<hbm>> -> memref<256x128xi32, #tpu.memory_space<hbm>>
      tpu.enqueue_dma source(%arg12 : memref<256x128xi32, #tpu.memory_space<vmem>>) target(%dma_start3A_55 : memref<256x128xi32, #tpu.memory_space<hbm>>) target_semaphore(%arg20 : memref<!tpu.dma_semaphore, #tpu.memory_space<semaphore_mem>>)
      %dma_wait3A_56 = arith.constant 256 : i32
      %dma_wait3A_57 = tpu.memref_slice %arg11[%dma_wait3A_56] : memref<1024xi32, #tpu.memory_space<vmem>> -> memref<256xi32, #tpu.memory_space<vmem>>
      %dma_wait3A_58 = arith.constant 0 : i32
      %dma_wait3A_59 = arith.constant 0 : i32
      %dma_wait3A_60 = tpu.memref_slice %arg7[%dma_wait3A_58, %dma_wait3A_59] : memref<16384x128xi32, #tpu.memory_space<hbm>> -> memref<16384x128xi32, #tpu.memory_space<hbm>>
      tpu.wait_indirect_dma semaphore(%arg19 : memref<!tpu.dma_semaphore, #tpu.memory_space<semaphore_mem>>) src(%dma_wait3A_60 : memref<16384x128xi32, #tpu.memory_space<hbm>>) dst(%arg13 : memref<256x128xi32, #tpu.memory_space<vmem>>)
      %mul3A_61 = arith.constant 1024 : i32
      %mul3A_62 = arith.muli %add3A_13, %mul3A_61 : i32
      %add3A_63 = arith.constant 256 : i32
      %add3A_64 = arith.addi %mul3A_62, %add3A_63 : i32
      %dma_start3A_65 = arith.constant 0 : i32
      %dma_start3A_66 = tpu.memref_slice %arg9[%add3A_64, %dma_start3A_65] : memref<102400x128xi32, #tpu.memory_space<hbm>> -> memref<256x128xi32, #tpu.memory_space<hbm>>
      %dma_start3A_67 = arith.constant 0 : i32
      %dma_start3A_68 = tpu.memref_slice %arg9[%add3A_64, %dma_start3A_67] : memref<102400x128xi32, #tpu.memory_space<hbm>> -> memref<256x128xi32, #tpu.memory_space<hbm>>
      tpu.enqueue_dma source(%arg13 : memref<256x128xi32, #tpu.memory_space<vmem>>) target(%dma_start3A_68 : memref<256x128xi32, #tpu.memory_space<hbm>>) target_semaphore(%arg21 : memref<!tpu.dma_semaphore, #tpu.memory_space<semaphore_mem>>)
      %dma_wait3A_69 = arith.constant 0 : i32
      %dma_wait3A_70 = tpu.memref_slice %arg9[%add3A_51, %dma_wait3A_69] : memref<102400x128xi32, #tpu.memory_space<hbm>> -> memref<256x128xi32, #tpu.memory_space<hbm>>
      %dma_wait3A_71 = arith.constant 0 : i32
      %dma_wait3A_72 = tpu.memref_slice %arg9[%add3A_51, %dma_wait3A_71] : memref<102400x128xi32, #tpu.memory_space<hbm>> -> memref<256x128xi32, #tpu.memory_space<hbm>>
      tpu.wait_dma2 semaphore(%arg20 : memref<!tpu.dma_semaphore, #tpu.memory_space<semaphore_mem>>) src(%arg12 : memref<256x128xi32, #tpu.memory_space<vmem>>) dst(%dma_wait3A_72 : memref<256x128xi32, #tpu.memory_space<hbm>>)
      %dma_start3A_73 = arith.constant 512 : i32
      %dma_start3A_74 = tpu.memref_slice %arg11[%dma_start3A_73] : memref<1024xi32, #tpu.memory_space<vmem>> -> memref<256xi32, #tpu.memory_space<vmem>>
      %dma_start3A_75 = arith.constant 0 : i32
      %dma_start3A_76 = arith.constant 0 : i32
      %dma_start3A_77 = tpu.memref_slice %arg7[%dma_start3A_75, %dma_start3A_76] : memref<16384x128xi32, #tpu.memory_space<hbm>> -> memref<16384x128xi32, #tpu.memory_space<hbm>>
      tpu.enqueue_indirect_dma source(%dma_start3A_77 : memref<16384x128xi32, #tpu.memory_space<hbm>>) target(%arg12 : memref<256x128xi32, #tpu.memory_space<vmem>>) offsets(%dma_start3A_74 : memref<256xi32, #tpu.memory_space<vmem>>) semaphore(%arg18 : memref<!tpu.dma_semaphore, #tpu.memory_space<semaphore_mem>>)
      %dma_wait3A_78 = arith.constant 0 : i32
      %dma_wait3A_79 = tpu.memref_slice %arg9[%add3A_64, %dma_wait3A_78] : memref<102400x128xi32, #tpu.memory_space<hbm>> -> memref<256x128xi32, #tpu.memory_space<hbm>>
      %dma_wait3A_80 = arith.constant 0 : i32
      %dma_wait3A_81 = tpu.memref_slice %arg9[%add3A_64, %dma_wait3A_80] : memref<102400x128xi32, #tpu.memory_space<hbm>> -> memref<256x128xi32, #tpu.memory_space<hbm>>
      tpu.wait_dma2 semaphore(%arg21 : memref<!tpu.dma_semaphore, #tpu.memory_space<semaphore_mem>>) src(%arg13 : memref<256x128xi32, #tpu.memory_space<vmem>>) dst(%dma_wait3A_81 : memref<256x128xi32, #tpu.memory_space<hbm>>)
      %dma_start3A_82 = arith.constant 768 : i32
      %dma_start3A_83 = tpu.memref_slice %arg11[%dma_start3A_82] : memref<1024xi32, #tpu.memory_space<vmem>> -> memref<256xi32, #tpu.memory_space<vmem>>
      %dma_start3A_84 = arith.constant 0 : i32
      %dma_start3A_85 = arith.constant 0 : i32
      %dma_start3A_86 = tpu.memref_slice %arg7[%dma_start3A_84, %dma_start3A_85] : memref<16384x128xi32, #tpu.memory_space<hbm>> -> memref<16384x128xi32, #tpu.memory_space<hbm>>
      tpu.enqueue_indirect_dma source(%dma_start3A_86 : memref<16384x128xi32, #tpu.memory_space<hbm>>) target(%arg13 : memref<256x128xi32, #tpu.memory_space<vmem>>) offsets(%dma_start3A_83 : memref<256xi32, #tpu.memory_space<vmem>>) semaphore(%arg19 : memref<!tpu.dma_semaphore, #tpu.memory_space<semaphore_mem>>)
      %dma_wait3A_87 = arith.constant 512 : i32
      %dma_wait3A_88 = tpu.memref_slice %arg11[%dma_wait3A_87] : memref<1024xi32, #tpu.memory_space<vmem>> -> memref<256xi32, #tpu.memory_space<vmem>>
      %dma_wait3A_89 = arith.constant 0 : i32
      %dma_wait3A_90 = arith.constant 0 : i32
      %dma_wait3A_91 = tpu.memref_slice %arg7[%dma_wait3A_89, %dma_wait3A_90] : memref<16384x128xi32, #tpu.memory_space<hbm>> -> memref<16384x128xi32, #tpu.memory_space<hbm>>
      tpu.wait_indirect_dma semaphore(%arg18 : memref<!tpu.dma_semaphore, #tpu.memory_space<semaphore_mem>>) src(%dma_wait3A_91 : memref<16384x128xi32, #tpu.memory_space<hbm>>) dst(%arg12 : memref<256x128xi32, #tpu.memory_space<vmem>>)
      %mul3A_92 = arith.constant 1024 : i32
      %mul3A_93 = arith.muli %add3A_13, %mul3A_92 : i32
      %add3A_94 = arith.constant 512 : i32
      %add3A_95 = arith.addi %mul3A_93, %add3A_94 : i32
      %dma_start3A_96 = arith.constant 0 : i32
      %dma_start3A_97 = tpu.memref_slice %arg9[%add3A_95, %dma_start3A_96] : memref<102400x128xi32, #tpu.memory_space<hbm>> -> memref<256x128xi32, #tpu.memory_space<hbm>>
      %dma_start3A_98 = arith.constant 0 : i32
      %dma_start3A_99 = tpu.memref_slice %arg9[%add3A_95, %dma_start3A_98] : memref<102400x128xi32, #tpu.memory_space<hbm>> -> memref<256x128xi32, #tpu.memory_space<hbm>>
      tpu.enqueue_dma source(%arg12 : memref<256x128xi32, #tpu.memory_space<vmem>>) target(%dma_start3A_99 : memref<256x128xi32, #tpu.memory_space<hbm>>) target_semaphore(%arg20 : memref<!tpu.dma_semaphore, #tpu.memory_space<semaphore_mem>>)
      %dma_wait3A_100 = arith.constant 768 : i32
      %dma_wait3A_101 = tpu.memref_slice %arg11[%dma_wait3A_100] : memref<1024xi32, #tpu.memory_space<vmem>> -> memref<256xi32, #tpu.memory_space<vmem>>
      %dma_wait3A_102 = arith.constant 0 : i32
      %dma_wait3A_103 = arith.constant 0 : i32
      %dma_wait3A_104 = tpu.memref_slice %arg7[%dma_wait3A_102, %dma_wait3A_103] : memref<16384x128xi32, #tpu.memory_space<hbm>> -> memref<16384x128xi32, #tpu.memory_space<hbm>>
      tpu.wait_indirect_dma semaphore(%arg19 : memref<!tpu.dma_semaphore, #tpu.memory_space<semaphore_mem>>) src(%dma_wait3A_104 : memref<16384x128xi32, #tpu.memory_space<hbm>>) dst(%arg13 : memref<256x128xi32, #tpu.memory_space<vmem>>)
      %mul3A_105 = arith.constant 1024 : i32
      %mul3A_106 = arith.muli %add3A_13, %mul3A_105 : i32
      %add3A_107 = arith.constant 768 : i32
      %add3A_108 = arith.addi %mul3A_106, %add3A_107 : i32
      %dma_start3A_109 = arith.constant 0 : i32
      %dma_start3A_110 = tpu.memref_slice %arg9[%add3A_108, %dma_start3A_109] : memref<102400x128xi32, #tpu.memory_space<hbm>> -> memref<256x128xi32, #tpu.memory_space<hbm>>
      %dma_start3A_111 = arith.constant 0 : i32
      %dma_start3A_112 = tpu.memref_slice %arg9[%add3A_108, %dma_start3A_111] : memref<102400x128xi32, #tpu.memory_space<hbm>> -> memref<256x128xi32, #tpu.memory_space<hbm>>
      tpu.enqueue_dma source(%arg13 : memref<256x128xi32, #tpu.memory_space<vmem>>) target(%dma_start3A_112 : memref<256x128xi32, #tpu.memory_space<hbm>>) target_semaphore(%arg21 : memref<!tpu.dma_semaphore, #tpu.memory_space<semaphore_mem>>)
      %dma_wait3A_113 = arith.constant 0 : i32
      %dma_wait3A_114 = tpu.memref_slice %arg9[%add3A_95, %dma_wait3A_113] : memref<102400x128xi32, #tpu.memory_space<hbm>> -> memref<256x128xi32, #tpu.memory_space<hbm>>
      %dma_wait3A_115 = arith.constant 0 : i32
      %dma_wait3A_116 = tpu.memref_slice %arg9[%add3A_95, %dma_wait3A_115] : memref<102400x128xi32, #tpu.memory_space<hbm>> -> memref<256x128xi32, #tpu.memory_space<hbm>>
      tpu.wait_dma2 semaphore(%arg20 : memref<!tpu.dma_semaphore, #tpu.memory_space<semaphore_mem>>) src(%arg12 : memref<256x128xi32, #tpu.memory_space<vmem>>) dst(%dma_wait3A_116 : memref<256x128xi32, #tpu.memory_space<hbm>>)
      %dma_wait3A_117 = arith.constant 0 : i32
      %dma_wait3A_118 = tpu.memref_slice %arg9[%add3A_108, %dma_wait3A_117] : memref<102400x128xi32, #tpu.memory_space<hbm>> -> memref<256x128xi32, #tpu.memory_space<hbm>>
      %dma_wait3A_119 = arith.constant 0 : i32
      %dma_wait3A_120 = tpu.memref_slice %arg9[%add3A_108, %dma_wait3A_119] : memref<102400x128xi32, #tpu.memory_space<hbm>> -> memref<256x128xi32, #tpu.memory_space<hbm>>
      tpu.wait_dma2 semaphore(%arg21 : memref<!tpu.dma_semaphore, #tpu.memory_space<semaphore_mem>>) src(%arg13 : memref<256x128xi32, #tpu.memory_space<vmem>>) dst(%dma_wait3A_120 : memref<256x128xi32, #tpu.memory_space<hbm>>)
    } else {
    }
    %add3A_19 = arith.constant 96 : i32
    %add3A_20 = arith.addi %add3A, %add3A_19 : i32
    %lt3A_21 = arith.constant 100 : i32
    %lt3A_22 = arith.cmpi slt, %add3A_20, %lt3A_21 : i32
    %convert_element_type3A_23 = arith.extui %lt3A_22 : i1 to i32
    %cond3A_24 = arith.constant 0 : i32
    %cond3A_25 = arith.cmpi ne, %convert_element_type3A_23, %cond3A_24 : i32
    scf.if %cond3A_25 {
      "tpu.region"() ({
        %run_scoped3A = tpu.sem_alloc : memref<!tpu.dma_semaphore, #tpu.memory_space<semaphore_mem>>
        %dma_start3A_121 = arith.constant 0 : i32
        %dma_start3A_122 = tpu.memref_slice %arg2[%add3A_20, %dma_start3A_121] : memref<104x16384xf32, #tpu.memory_space<hbm>> -> memref<1x16384xf32, #tpu.memory_space<hbm>>
        %dma_start3A_123 = tpu.memref_squeeze %dma_start3A_122 : memref<1x16384xf32, #tpu.memory_space<hbm>> -> memref<16384xf32, #tpu.memory_space<hbm>>
        %dma_start3A_124 = arith.constant 0 : i32
        %dma_start3A_125 = tpu.memref_slice %arg2[%add3A_20, %dma_start3A_124] : memref<104x16384xf32, #tpu.memory_space<hbm>> -> memref<1x16384xf32, #tpu.memory_space<hbm>>
        %dma_start3A_126 = tpu.memref_squeeze %dma_start3A_125 : memref<1x16384xf32, #tpu.memory_space<hbm>> -> memref<16384xf32, #tpu.memory_space<hbm>>
        tpu.enqueue_dma source(%dma_start3A_126 : memref<16384xf32, #tpu.memory_space<hbm>>) target(%arg10 : memref<16384xf32, #tpu.memory_space<vmem>>) target_semaphore(%run_scoped3A : memref<!tpu.dma_semaphore, #tpu.memory_space<semaphore_mem>>)
        %dma_wait3A_127 = arith.constant 0 : i32
        %dma_wait3A_128 = tpu.memref_slice %arg2[%add3A_20, %dma_wait3A_127] : memref<104x16384xf32, #tpu.memory_space<hbm>> -> memref<1x16384xf32, #tpu.memory_space<hbm>>
        %dma_wait3A_129 = tpu.memref_squeeze %dma_wait3A_128 : memref<1x16384xf32, #tpu.memory_space<hbm>> -> memref<16384xf32, #tpu.memory_space<hbm>>
        %dma_wait3A_130 = arith.constant 0 : i32
        %dma_wait3A_131 = tpu.memref_slice %arg2[%add3A_20, %dma_wait3A_130] : memref<104x16384xf32, #tpu.memory_space<hbm>> -> memref<1x16384xf32, #tpu.memory_space<hbm>>
        %dma_wait3A_132 = tpu.memref_squeeze %dma_wait3A_131 : memref<1x16384xf32, #tpu.memory_space<hbm>> -> memref<16384xf32, #tpu.memory_space<hbm>>
        tpu.wait_dma2 semaphore(%run_scoped3A : memref<!tpu.dma_semaphore, #tpu.memory_space<semaphore_mem>>) src(%dma_wait3A_132 : memref<16384xf32, #tpu.memory_space<hbm>>) dst(%arg10 : memref<16384xf32, #tpu.memory_space<vmem>>)
        tpu.yield
      }) : () -> ()
      %broadcast_in_dim3A = vector.broadcast %add3A_20 : i32 to vector<16xi32>
      %gather3A = tpu.vector_load_idx %arg14[%broadcast_in_dim3A] : memref<104xi32, #tpu.memory_space<vmem>>[vector<16xi32>], vector<16xi32>,
      %gather3A_26 = tpu.vector_load_idx %arg15[%broadcast_in_dim3A] : memref<104xi32, #tpu.memory_space<vmem>>[vector<16xi32>], vector<16xi32>,
      %gather3A_27 = tpu.vector_load_idx %arg16[%broadcast_in_dim3A] : memref<104xi32, #tpu.memory_space<vmem>>[vector<16xi32>], vector<16xi32>,
      %gather3A_28 = tpu.vector_load_idx %arg17[%broadcast_in_dim3A] : memref<104xi32, #tpu.memory_space<vmem>>[vector<16xi32>], vector<16xi32>,
      %scan3A = arith.constant 0 : i32
      %scan3A_29 = arith.constant 0 : i32
      %scan3A_30 = arith.constant 1024 : i32
      %scan3A_31 = arith.addi %scan3A_29, %scan3A_30 : i32
      %scan3A_32 = arith.constant 1 : i32
      %scan3A_33 = scf.for %scan3A_121 = %scan3A_29 to %scan3A_31 step %scan3A_32 iter_args(%scan3A_122 = %scan3A) -> (i32)  : i32 {
        %mul3A_123 = arith.constant 16 : i32
        %mul3A_124 = arith.muli %scan3A_121, %mul3A_123 : i32
        %get3A = arith.index_cast %mul3A_124 : i32 to index
        %get3A_125 = tpu.vector_load %arg10[%get3A] {strides = array<i32>} : memref<16384xf32, #tpu.memory_space<vmem>>, vector<16xf32>,
        %bitcast_convert_type3A = tpu.bitcast %get3A_125 : vector<16xf32> -> vector<16xi32>
        %ge3A = arith.constant 0 : i32
        %ge3A_126 = vector.broadcast %ge3A : i32 to vector<16xi32>
        %ge3A_127 = arith.cmpi sge, %bitcast_convert_type3A, %ge3A_126 : vector<16xi32>
        %not3A = arith.constant dense<-1> : vector<16xi32>
        %not3A_128 = arith.xori %bitcast_convert_type3A, %not3A : vector<16xi32>
        %xor3A = arith.constant -2147483648 : i32
        %xor3A_129 = vector.broadcast %xor3A : i32 to vector<16xi32>
        %xor3A_130 = arith.xori %not3A_128, %xor3A_129 : vector<16xi32>
        %select_n3A = arith.select %ge3A_127, %bitcast_convert_type3A, %xor3A_130 : vector<16xi1>, vector<16xi32>
        %iota3A = tpu.iota {dimensions = array<i32: 0>} : vector<16xi32>
        %mul3A_131 = arith.constant 16 : i32
        %mul3A_132 = arith.muli %scan3A_121, %mul3A_131 : i32
        %add3A_133 = vector.broadcast %mul3A_132 : i32 to vector<16xi32>
        %add3A_134 = arith.addi %iota3A, %add3A_133 : vector<16xi32>
        %gt3A = arith.cmpi sgt, %select_n3A, %gather3A : vector<16xi32>
        %eq3A = arith.cmpi eq, %select_n3A, %gather3A : vector<16xi32>
        %lt3A_135 = arith.cmpi slt, %add3A_134, %gather3A_26 : vector<16xi32>
        %and3A = arith.andi %eq3A, %lt3A_135 : vector<16xi1>
        %or3A = arith.ori %gt3A, %and3A : vector<16xi1>
        %gt3A_136 = arith.cmpi sgt, %select_n3A, %gather3A_27 : vector<16xi32>
        %eq3A_137 = arith.cmpi eq, %select_n3A, %gather3A_27 : vector<16xi32>
        %lt3A_138 = arith.cmpi slt, %add3A_134, %gather3A_28 : vector<16xi32>
        %and3A_139 = arith.andi %eq3A_137, %lt3A_138 : vector<16xi1>
        %or3A_140 = arith.ori %gt3A_136, %and3A_139 : vector<16xi1>
        %not3A_141 = arith.constant dense<true> : vector<16xi1>
        %not3A_142 = arith.xori %or3A, %not3A_141 : vector<16xi1>
        %and3A_143 = arith.andi %or3A_140, %not3A_142 : vector<16xi1>
        %swap3A = arith.index_cast %scan3A_122 : i32 to index
        %swap3A_144 = tpu.vector_load %arg11[%swap3A] masked %and3A_143 {strides = array<i32>} : memref<1024xi32, #tpu.memory_space<vmem>>, vector<16xi32>, vector<16xi1>
        tpu.vector_store %arg11[%swap3A], %add3A_134 masked %and3A_143 {strides = array<i32>} : memref<1024xi32, #tpu.memory_space<vmem>>, vector<16xi32>, vector<16xi1>
        %convert_element_type3A_145 = arith.extui %and3A_143 : vector<16xi1> to vector<16xi32>
        %reduce_sum3A = arith.constant true
        %reduce_sum3A_146 = vector.broadcast %reduce_sum3A : i1 to vector<16xi1>
        %reduce_sum3A_147 = tpu.scan <sum>, %convert_element_type3A_145 masked %reduce_sum3A_146 : vector<16xi32>, vector<16xi1> -> vector<16xi32>
        %reduce_sum3A_148 = vector.extract %reduce_sum3A_147[15] : i32 from vector<16xi32>
        %add3A_149 = arith.addi %scan3A_122, %reduce_sum3A_148 : i32
        scf.yield %add3A_149 : i32
      }
      %scan3A_34 = arith.constant 1024 : i32
      "tpu.region"() ({
        %run_scoped3A = tpu.sem_alloc : memref<!tpu.dma_semaphore, #tpu.memory_space<semaphore_mem>>
        %dma_start3A_121 = arith.constant 0 : i32
        %dma_start3A_122 = tpu.memref_slice %arg8[%add3A_20, %dma_start3A_121] : memref<100x1024xi32, #tpu.memory_space<hbm>> -> memref<1x1024xi32, #tpu.memory_space<hbm>>
        %dma_start3A_123 = tpu.memref_squeeze %dma_start3A_122 : memref<1x1024xi32, #tpu.memory_space<hbm>> -> memref<1024xi32, #tpu.memory_space<hbm>>
        %dma_start3A_124 = arith.constant 0 : i32
        %dma_start3A_125 = tpu.memref_slice %arg8[%add3A_20, %dma_start3A_124] : memref<100x1024xi32, #tpu.memory_space<hbm>> -> memref<1x1024xi32, #tpu.memory_space<hbm>>
        %dma_start3A_126 = tpu.memref_squeeze %dma_start3A_125 : memref<1x1024xi32, #tpu.memory_space<hbm>> -> memref<1024xi32, #tpu.memory_space<hbm>>
        tpu.enqueue_dma source(%arg11 : memref<1024xi32, #tpu.memory_space<vmem>>) target(%dma_start3A_126 : memref<1024xi32, #tpu.memory_space<hbm>>) target_semaphore(%run_scoped3A : memref<!tpu.dma_semaphore, #tpu.memory_space<semaphore_mem>>)
        %dma_wait3A_127 = arith.constant 0 : i32
        %dma_wait3A_128 = tpu.memref_slice %arg8[%add3A_20, %dma_wait3A_127] : memref<100x1024xi32, #tpu.memory_space<hbm>> -> memref<1x1024xi32, #tpu.memory_space<hbm>>
        %dma_wait3A_129 = tpu.memref_squeeze %dma_wait3A_128 : memref<1x1024xi32, #tpu.memory_space<hbm>> -> memref<1024xi32, #tpu.memory_space<hbm>>
        %dma_wait3A_130 = arith.constant 0 : i32
        %dma_wait3A_131 = tpu.memref_slice %arg8[%add3A_20, %dma_wait3A_130] : memref<100x1024xi32, #tpu.memory_space<hbm>> -> memref<1x1024xi32, #tpu.memory_space<hbm>>
        %dma_wait3A_132 = tpu.memref_squeeze %dma_wait3A_131 : memref<1x1024xi32, #tpu.memory_space<hbm>> -> memref<1024xi32, #tpu.memory_space<hbm>>
        tpu.wait_dma2 semaphore(%run_scoped3A : memref<!tpu.dma_semaphore, #tpu.memory_space<semaphore_mem>>) src(%arg11 : memref<1024xi32, #tpu.memory_space<vmem>>) dst(%dma_wait3A_132 : memref<1024xi32, #tpu.memory_space<hbm>>)
        tpu.yield
      }) : () -> ()
      %dma_start3A = arith.constant 0 : i32
      %dma_start3A_35 = tpu.memref_slice %arg11[%dma_start3A] : memref<1024xi32, #tpu.memory_space<vmem>> -> memref<256xi32, #tpu.memory_space<vmem>>
      %dma_start3A_36 = arith.constant 0 : i32
      %dma_start3A_37 = arith.constant 0 : i32
      %dma_start3A_38 = tpu.memref_slice %arg7[%dma_start3A_36, %dma_start3A_37] : memref<16384x128xi32, #tpu.memory_space<hbm>> -> memref<16384x128xi32, #tpu.memory_space<hbm>>
      tpu.enqueue_indirect_dma source(%dma_start3A_38 : memref<16384x128xi32, #tpu.memory_space<hbm>>) target(%arg12 : memref<256x128xi32, #tpu.memory_space<vmem>>) offsets(%dma_start3A_35 : memref<256xi32, #tpu.memory_space<vmem>>) semaphore(%arg18 : memref<!tpu.dma_semaphore, #tpu.memory_space<semaphore_mem>>)
      %dma_start3A_39 = arith.constant 256 : i32
      %dma_start3A_40 = tpu.memref_slice %arg11[%dma_start3A_39] : memref<1024xi32, #tpu.memory_space<vmem>> -> memref<256xi32, #tpu.memory_space<vmem>>
      %dma_start3A_41 = arith.constant 0 : i32
      %dma_start3A_42 = arith.constant 0 : i32
      %dma_start3A_43 = tpu.memref_slice %arg7[%dma_start3A_41, %dma_start3A_42] : memref<16384x128xi32, #tpu.memory_space<hbm>> -> memref<16384x128xi32, #tpu.memory_space<hbm>>
      tpu.enqueue_indirect_dma source(%dma_start3A_43 : memref<16384x128xi32, #tpu.memory_space<hbm>>) target(%arg13 : memref<256x128xi32, #tpu.memory_space<vmem>>) offsets(%dma_start3A_40 : memref<256xi32, #tpu.memory_space<vmem>>) semaphore(%arg19 : memref<!tpu.dma_semaphore, #tpu.memory_space<semaphore_mem>>)
      %dma_wait3A = arith.constant 0 : i32
      %dma_wait3A_44 = tpu.memref_slice %arg11[%dma_wait3A] : memref<1024xi32, #tpu.memory_space<vmem>> -> memref<256xi32, #tpu.memory_space<vmem>>
      %dma_wait3A_45 = arith.constant 0 : i32
      %dma_wait3A_46 = arith.constant 0 : i32
      %dma_wait3A_47 = tpu.memref_slice %arg7[%dma_wait3A_45, %dma_wait3A_46] : memref<16384x128xi32, #tpu.memory_space<hbm>> -> memref<16384x128xi32, #tpu.memory_space<hbm>>
      tpu.wait_indirect_dma semaphore(%arg18 : memref<!tpu.dma_semaphore, #tpu.memory_space<semaphore_mem>>) src(%dma_wait3A_47 : memref<16384x128xi32, #tpu.memory_space<hbm>>) dst(%arg12 : memref<256x128xi32, #tpu.memory_space<vmem>>)
      %mul3A_48 = arith.constant 1024 : i32
      %mul3A_49 = arith.muli %add3A_20, %mul3A_48 : i32
      %add3A_50 = arith.constant 0 : i32
      %add3A_51 = arith.addi %mul3A_49, %add3A_50 : i32
      %dma_start3A_52 = arith.constant 0 : i32
      %dma_start3A_53 = tpu.memref_slice %arg9[%add3A_51, %dma_start3A_52] : memref<102400x128xi32, #tpu.memory_space<hbm>> -> memref<256x128xi32, #tpu.memory_space<hbm>>
      %dma_start3A_54 = arith.constant 0 : i32
      %dma_start3A_55 = tpu.memref_slice %arg9[%add3A_51, %dma_start3A_54] : memref<102400x128xi32, #tpu.memory_space<hbm>> -> memref<256x128xi32, #tpu.memory_space<hbm>>
      tpu.enqueue_dma source(%arg12 : memref<256x128xi32, #tpu.memory_space<vmem>>) target(%dma_start3A_55 : memref<256x128xi32, #tpu.memory_space<hbm>>) target_semaphore(%arg20 : memref<!tpu.dma_semaphore, #tpu.memory_space<semaphore_mem>>)
      %dma_wait3A_56 = arith.constant 256 : i32
      %dma_wait3A_57 = tpu.memref_slice %arg11[%dma_wait3A_56] : memref<1024xi32, #tpu.memory_space<vmem>> -> memref<256xi32, #tpu.memory_space<vmem>>
      %dma_wait3A_58 = arith.constant 0 : i32
      %dma_wait3A_59 = arith.constant 0 : i32
      %dma_wait3A_60 = tpu.memref_slice %arg7[%dma_wait3A_58, %dma_wait3A_59] : memref<16384x128xi32, #tpu.memory_space<hbm>> -> memref<16384x128xi32, #tpu.memory_space<hbm>>
      tpu.wait_indirect_dma semaphore(%arg19 : memref<!tpu.dma_semaphore, #tpu.memory_space<semaphore_mem>>) src(%dma_wait3A_60 : memref<16384x128xi32, #tpu.memory_space<hbm>>) dst(%arg13 : memref<256x128xi32, #tpu.memory_space<vmem>>)
      %mul3A_61 = arith.constant 1024 : i32
      %mul3A_62 = arith.muli %add3A_20, %mul3A_61 : i32
      %add3A_63 = arith.constant 256 : i32
      %add3A_64 = arith.addi %mul3A_62, %add3A_63 : i32
      %dma_start3A_65 = arith.constant 0 : i32
      %dma_start3A_66 = tpu.memref_slice %arg9[%add3A_64, %dma_start3A_65] : memref<102400x128xi32, #tpu.memory_space<hbm>> -> memref<256x128xi32, #tpu.memory_space<hbm>>
      %dma_start3A_67 = arith.constant 0 : i32
      %dma_start3A_68 = tpu.memref_slice %arg9[%add3A_64, %dma_start3A_67] : memref<102400x128xi32, #tpu.memory_space<hbm>> -> memref<256x128xi32, #tpu.memory_space<hbm>>
      tpu.enqueue_dma source(%arg13 : memref<256x128xi32, #tpu.memory_space<vmem>>) target(%dma_start3A_68 : memref<256x128xi32, #tpu.memory_space<hbm>>) target_semaphore(%arg21 : memref<!tpu.dma_semaphore, #tpu.memory_space<semaphore_mem>>)
      %dma_wait3A_69 = arith.constant 0 : i32
      %dma_wait3A_70 = tpu.memref_slice %arg9[%add3A_51, %dma_wait3A_69] : memref<102400x128xi32, #tpu.memory_space<hbm>> -> memref<256x128xi32, #tpu.memory_space<hbm>>
      %dma_wait3A_71 = arith.constant 0 : i32
      %dma_wait3A_72 = tpu.memref_slice %arg9[%add3A_51, %dma_wait3A_71] : memref<102400x128xi32, #tpu.memory_space<hbm>> -> memref<256x128xi32, #tpu.memory_space<hbm>>
      tpu.wait_dma2 semaphore(%arg20 : memref<!tpu.dma_semaphore, #tpu.memory_space<semaphore_mem>>) src(%arg12 : memref<256x128xi32, #tpu.memory_space<vmem>>) dst(%dma_wait3A_72 : memref<256x128xi32, #tpu.memory_space<hbm>>)
      %dma_start3A_73 = arith.constant 512 : i32
      %dma_start3A_74 = tpu.memref_slice %arg11[%dma_start3A_73] : memref<1024xi32, #tpu.memory_space<vmem>> -> memref<256xi32, #tpu.memory_space<vmem>>
      %dma_start3A_75 = arith.constant 0 : i32
      %dma_start3A_76 = arith.constant 0 : i32
      %dma_start3A_77 = tpu.memref_slice %arg7[%dma_start3A_75, %dma_start3A_76] : memref<16384x128xi32, #tpu.memory_space<hbm>> -> memref<16384x128xi32, #tpu.memory_space<hbm>>
      tpu.enqueue_indirect_dma source(%dma_start3A_77 : memref<16384x128xi32, #tpu.memory_space<hbm>>) target(%arg12 : memref<256x128xi32, #tpu.memory_space<vmem>>) offsets(%dma_start3A_74 : memref<256xi32, #tpu.memory_space<vmem>>) semaphore(%arg18 : memref<!tpu.dma_semaphore, #tpu.memory_space<semaphore_mem>>)
      %dma_wait3A_78 = arith.constant 0 : i32
      %dma_wait3A_79 = tpu.memref_slice %arg9[%add3A_64, %dma_wait3A_78] : memref<102400x128xi32, #tpu.memory_space<hbm>> -> memref<256x128xi32, #tpu.memory_space<hbm>>
      %dma_wait3A_80 = arith.constant 0 : i32
      %dma_wait3A_81 = tpu.memref_slice %arg9[%add3A_64, %dma_wait3A_80] : memref<102400x128xi32, #tpu.memory_space<hbm>> -> memref<256x128xi32, #tpu.memory_space<hbm>>
      tpu.wait_dma2 semaphore(%arg21 : memref<!tpu.dma_semaphore, #tpu.memory_space<semaphore_mem>>) src(%arg13 : memref<256x128xi32, #tpu.memory_space<vmem>>) dst(%dma_wait3A_81 : memref<256x128xi32, #tpu.memory_space<hbm>>)
      %dma_start3A_82 = arith.constant 768 : i32
      %dma_start3A_83 = tpu.memref_slice %arg11[%dma_start3A_82] : memref<1024xi32, #tpu.memory_space<vmem>> -> memref<256xi32, #tpu.memory_space<vmem>>
      %dma_start3A_84 = arith.constant 0 : i32
      %dma_start3A_85 = arith.constant 0 : i32
      %dma_start3A_86 = tpu.memref_slice %arg7[%dma_start3A_84, %dma_start3A_85] : memref<16384x128xi32, #tpu.memory_space<hbm>> -> memref<16384x128xi32, #tpu.memory_space<hbm>>
      tpu.enqueue_indirect_dma source(%dma_start3A_86 : memref<16384x128xi32, #tpu.memory_space<hbm>>) target(%arg13 : memref<256x128xi32, #tpu.memory_space<vmem>>) offsets(%dma_start3A_83 : memref<256xi32, #tpu.memory_space<vmem>>) semaphore(%arg19 : memref<!tpu.dma_semaphore, #tpu.memory_space<semaphore_mem>>)
      %dma_wait3A_87 = arith.constant 512 : i32
      %dma_wait3A_88 = tpu.memref_slice %arg11[%dma_wait3A_87] : memref<1024xi32, #tpu.memory_space<vmem>> -> memref<256xi32, #tpu.memory_space<vmem>>
      %dma_wait3A_89 = arith.constant 0 : i32
      %dma_wait3A_90 = arith.constant 0 : i32
      %dma_wait3A_91 = tpu.memref_slice %arg7[%dma_wait3A_89, %dma_wait3A_90] : memref<16384x128xi32, #tpu.memory_space<hbm>> -> memref<16384x128xi32, #tpu.memory_space<hbm>>
      tpu.wait_indirect_dma semaphore(%arg18 : memref<!tpu.dma_semaphore, #tpu.memory_space<semaphore_mem>>) src(%dma_wait3A_91 : memref<16384x128xi32, #tpu.memory_space<hbm>>) dst(%arg12 : memref<256x128xi32, #tpu.memory_space<vmem>>)
      %mul3A_92 = arith.constant 1024 : i32
      %mul3A_93 = arith.muli %add3A_20, %mul3A_92 : i32
      %add3A_94 = arith.constant 512 : i32
      %add3A_95 = arith.addi %mul3A_93, %add3A_94 : i32
      %dma_start3A_96 = arith.constant 0 : i32
      %dma_start3A_97 = tpu.memref_slice %arg9[%add3A_95, %dma_start3A_96] : memref<102400x128xi32, #tpu.memory_space<hbm>> -> memref<256x128xi32, #tpu.memory_space<hbm>>
      %dma_start3A_98 = arith.constant 0 : i32
      %dma_start3A_99 = tpu.memref_slice %arg9[%add3A_95, %dma_start3A_98] : memref<102400x128xi32, #tpu.memory_space<hbm>> -> memref<256x128xi32, #tpu.memory_space<hbm>>
      tpu.enqueue_dma source(%arg12 : memref<256x128xi32, #tpu.memory_space<vmem>>) target(%dma_start3A_99 : memref<256x128xi32, #tpu.memory_space<hbm>>) target_semaphore(%arg20 : memref<!tpu.dma_semaphore, #tpu.memory_space<semaphore_mem>>)
      %dma_wait3A_100 = arith.constant 768 : i32
      %dma_wait3A_101 = tpu.memref_slice %arg11[%dma_wait3A_100] : memref<1024xi32, #tpu.memory_space<vmem>> -> memref<256xi32, #tpu.memory_space<vmem>>
      %dma_wait3A_102 = arith.constant 0 : i32
      %dma_wait3A_103 = arith.constant 0 : i32
      %dma_wait3A_104 = tpu.memref_slice %arg7[%dma_wait3A_102, %dma_wait3A_103] : memref<16384x128xi32, #tpu.memory_space<hbm>> -> memref<16384x128xi32, #tpu.memory_space<hbm>>
      tpu.wait_indirect_dma semaphore(%arg19 : memref<!tpu.dma_semaphore, #tpu.memory_space<semaphore_mem>>) src(%dma_wait3A_104 : memref<16384x128xi32, #tpu.memory_space<hbm>>) dst(%arg13 : memref<256x128xi32, #tpu.memory_space<vmem>>)
      %mul3A_105 = arith.constant 1024 : i32
      %mul3A_106 = arith.muli %add3A_20, %mul3A_105 : i32
      %add3A_107 = arith.constant 768 : i32
      %add3A_108 = arith.addi %mul3A_106, %add3A_107 : i32
      %dma_start3A_109 = arith.constant 0 : i32
      %dma_start3A_110 = tpu.memref_slice %arg9[%add3A_108, %dma_start3A_109] : memref<102400x128xi32, #tpu.memory_space<hbm>> -> memref<256x128xi32, #tpu.memory_space<hbm>>
      %dma_start3A_111 = arith.constant 0 : i32
      %dma_start3A_112 = tpu.memref_slice %arg9[%add3A_108, %dma_start3A_111] : memref<102400x128xi32, #tpu.memory_space<hbm>> -> memref<256x128xi32, #tpu.memory_space<hbm>>
      tpu.enqueue_dma source(%arg13 : memref<256x128xi32, #tpu.memory_space<vmem>>) target(%dma_start3A_112 : memref<256x128xi32, #tpu.memory_space<hbm>>) target_semaphore(%arg21 : memref<!tpu.dma_semaphore, #tpu.memory_space<semaphore_mem>>)
      %dma_wait3A_113 = arith.constant 0 : i32
      %dma_wait3A_114 = tpu.memref_slice %arg9[%add3A_95, %dma_wait3A_113] : memref<102400x128xi32, #tpu.memory_space<hbm>> -> memref<256x128xi32, #tpu.memory_space<hbm>>
      %dma_wait3A_115 = arith.constant 0 : i32
      %dma_wait3A_116 = tpu.memref_slice %arg9[%add3A_95, %dma_wait3A_115] : memref<102400x128xi32, #tpu.memory_space<hbm>> -> memref<256x128xi32, #tpu.memory_space<hbm>>
      tpu.wait_dma2 semaphore(%arg20 : memref<!tpu.dma_semaphore, #tpu.memory_space<semaphore_mem>>) src(%arg12 : memref<256x128xi32, #tpu.memory_space<vmem>>) dst(%dma_wait3A_116 : memref<256x128xi32, #tpu.memory_space<hbm>>)
      %dma_wait3A_117 = arith.constant 0 : i32
      %dma_wait3A_118 = tpu.memref_slice %arg9[%add3A_108, %dma_wait3A_117] : memref<102400x128xi32, #tpu.memory_space<hbm>> -> memref<256x128xi32, #tpu.memory_space<hbm>>
      %dma_wait3A_119 = arith.constant 0 : i32
      %dma_wait3A_120 = tpu.memref_slice %arg9[%add3A_108, %dma_wait3A_119] : memref<102400x128xi32, #tpu.memory_space<hbm>> -> memref<256x128xi32, #tpu.memory_space<hbm>>
      tpu.wait_dma2 semaphore(%arg21 : memref<!tpu.dma_semaphore, #tpu.memory_space<semaphore_mem>>) src(%arg13 : memref<256x128xi32, #tpu.memory_space<vmem>>) dst(%dma_wait3A_120 : memref<256x128xi32, #tpu.memory_space<hbm>>)
    } else {
    }
    return
  }
}

module attributes {stable_mosaic.version = 14 : i64} {
  func.func @_qproj_kernel(%arg0: memref<104x256xf32, #tpu.memory_space<vmem>>, %arg1: memref<256x256xf32, #tpu.memory_space<vmem>>, %arg2: memref<256x256xf32, #tpu.memory_space<vmem>>, %arg3: memref<256x256xf32, #tpu.memory_space<vmem>>, %arg4: memref<1x256xf32, #tpu.memory_space<vmem>>, %arg5: memref<104x256xf32, #tpu.memory_space<vmem>>, %arg6: memref<104x256xf32, #tpu.memory_space<vmem>>, %arg7: memref<104x256xf32, #tpu.memory_space<vmem>>) attributes {dimension_semantics = [], scalar_prefetch = 0 : i64, scratch_operands = 0 : i64, tpu.core_type = #tpu.core_type<tc>} {
    %get3A = arith.constant 0 : index
    %get3A_0 = arith.constant 0 : index
    %get3A_1 = vector.load %arg0[%get3A, %get3A_0] : memref<104x256xf32, #tpu.memory_space<vmem>>, vector<104x256xf32>
    %get3A_2 = arith.constant 0 : index
    %get3A_3 = arith.constant 0 : index
    %get3A_4 = vector.load %arg1[%get3A_2, %get3A_3] : memref<256x256xf32, #tpu.memory_space<vmem>>, vector<256x256xf32>
    %dot_general3A = arith.constant dense<0.000000e+00> : vector<104x256xf32>
    %dot_general3A_5 = tpu.matmul %get3A_1, %get3A_4, %dot_general3A {dimension_numbers = #tpu.dot_dimension_numbers<[1], [0], [0], [1], [0, 0, 1, 1], [], []>, transpose_lhs_hint = false} : vector<104x256xf32>, vector<256x256xf32>, vector<104x256xf32> -> vector<104x256xf32>
    %swap3A = arith.constant 0 : index
    %swap3A_6 = arith.constant 0 : index
    %swap3A_7 = vector.load %arg5[%swap3A, %swap3A_6] : memref<104x256xf32, #tpu.memory_space<vmem>>, vector<104x256xf32>
    tpu.vector_store %arg5[%swap3A, %swap3A_6], %dot_general3A_5 {strides = array<i32>} : memref<104x256xf32, #tpu.memory_space<vmem>>, vector<104x256xf32>,
    %get3A_8 = arith.constant 0 : index
    %get3A_9 = arith.constant 0 : index
    %get3A_10 = vector.load %arg2[%get3A_8, %get3A_9] : memref<256x256xf32, #tpu.memory_space<vmem>>, vector<256x256xf32>
    %dot_general3A_11 = arith.constant dense<0.000000e+00> : vector<104x256xf32>
    %dot_general3A_12 = tpu.matmul %get3A_1, %get3A_10, %dot_general3A_11 {dimension_numbers = #tpu.dot_dimension_numbers<[1], [0], [0], [1], [0, 0, 1, 1], [], []>, transpose_lhs_hint = false} : vector<104x256xf32>, vector<256x256xf32>, vector<104x256xf32> -> vector<104x256xf32>
    %swap3A_13 = arith.constant 0 : index
    %swap3A_14 = arith.constant 0 : index
    %swap3A_15 = vector.load %arg6[%swap3A_13, %swap3A_14] : memref<104x256xf32, #tpu.memory_space<vmem>>, vector<104x256xf32>
    tpu.vector_store %arg6[%swap3A_13, %swap3A_14], %dot_general3A_12 {strides = array<i32>} : memref<104x256xf32, #tpu.memory_space<vmem>>, vector<104x256xf32>,
    %get3A_16 = arith.constant 0 : index
    %get3A_17 = arith.constant 0 : index
    %get3A_18 = vector.load %arg3[%get3A_16, %get3A_17] : memref<256x256xf32, #tpu.memory_space<vmem>>, vector<256x256xf32>
    %dot_general3A_19 = arith.constant dense<0.000000e+00> : vector<104x256xf32>
    %dot_general3A_20 = tpu.matmul %dot_general3A_5, %get3A_18, %dot_general3A_19 {dimension_numbers = #tpu.dot_dimension_numbers<[1], [0], [0], [1], [0, 0, 1, 1], [], []>, transpose_lhs_hint = false} : vector<104x256xf32>, vector<256x256xf32>, vector<104x256xf32> -> vector<104x256xf32>
    %get3A_21 = arith.constant 0 : index
    %get3A_22 = arith.constant 0 : index
    %get3A_23 = vector.load %arg4[%get3A_21, %get3A_22] : memref<1x256xf32, #tpu.memory_space<vmem>>, vector<1x256xf32>
    %add3A = vector.broadcast %get3A_23 : vector<1x256xf32> to vector<104x256xf32>
    %add3A_24 = arith.addf %dot_general3A_20, %add3A : vector<104x256xf32>
    %swap3A_25 = arith.constant 0 : index
    %swap3A_26 = arith.constant 0 : index
    %swap3A_27 = vector.load %arg7[%swap3A_25, %swap3A_26] : memref<104x256xf32, #tpu.memory_space<vmem>>, vector<104x256xf32>
    tpu.vector_store %arg7[%swap3A_25, %swap3A_26], %add3A_24 {strides = array<i32>} : memref<104x256xf32, #tpu.memory_space<vmem>>, vector<104x256xf32>,
    return
  }
}

module attributes {stable_mosaic.version = 14 : i64} {
  func.func @_thresh_kernel(%arg0: memref<104x16384xf32, #tpu.memory_space<vmem>>, %arg1: memref<104x1xi32, #tpu.memory_space<vmem>>, %arg2: memref<104x1xi32, #tpu.memory_space<vmem>>, %arg3: memref<104x1xi32, #tpu.memory_space<vmem>>, %arg4: memref<104x1xi32, #tpu.memory_space<vmem>>) attributes {dimension_semantics = [], scalar_prefetch = 0 : i64, scratch_operands = 0 : i64, tpu.core_type = #tpu.core_type<tc>} {
    %get3A = arith.constant 0 : index
    %get3A_0 = arith.constant 0 : index
    %get3A_1 = vector.load %arg0[%get3A, %get3A_0] : memref<104x16384xf32, #tpu.memory_space<vmem>>, vector<104x16384xf32>
    %bitcast_convert_type3A = tpu.bitcast %get3A_1 : vector<104x16384xf32> -> vector<104x16384xi32>
    %ge3A = arith.constant 0 : i32
    %ge3A_2 = vector.broadcast %ge3A : i32 to vector<104x16384xi32>
    %ge3A_3 = arith.cmpi sge, %bitcast_convert_type3A, %ge3A_2 : vector<104x16384xi32>
    %not3A = arith.constant dense<-1> : vector<104x16384xi32>
    %not3A_4 = arith.xori %bitcast_convert_type3A, %not3A : vector<104x16384xi32>
    %xor3A = arith.constant -2147483648 : i32
    %xor3A_5 = vector.broadcast %xor3A : i32 to vector<104x16384xi32>
    %xor3A_6 = arith.xori %not3A_4, %xor3A_5 : vector<104x16384xi32>
    %select_n3A = arith.select %ge3A_3, %bitcast_convert_type3A, %xor3A_6 : vector<104x16384xi1>, vector<104x16384xi32>
    %iota3A = tpu.iota {dimensions = array<i32: 1>} : vector<104x16384xi32>
    %broadcast_in_dim3A = arith.constant 0 : i32
    %broadcast_in_dim3A_7 = vector.broadcast %broadcast_in_dim3A : i32 to vector<104x1xi32>
    %scan3A = arith.constant 0 : i32
    %scan3A_8 = arith.constant 32 : i32
    %scan3A_9 = arith.addi %scan3A, %scan3A_8 : i32
    %scan3A_10 = arith.constant 1 : i32
    %scan3A_11 = scf.for %scan3A_73 = %scan3A to %scan3A_9 step %scan3A_10 iter_args(%scan3A_74 = %broadcast_in_dim3A_7) -> (vector<104x1xi32>)  : i32 {
      %sub3A_75 = arith.constant 31 : i32
      %sub3A_76 = arith.subi %sub3A_75, %scan3A_73 : i32
      %shift_left3A = arith.constant 1 : i32
      %shift_left3A_77 = arith.shli %shift_left3A, %sub3A_76 : i32
      %or3A = vector.broadcast %shift_left3A_77 : i32 to vector<104x1xi32>
      %or3A_78 = arith.ori %scan3A_74, %or3A : vector<104x1xi32>
      %xor3A_79 = arith.constant -2147483648 : i32
      %xor3A_80 = vector.broadcast %xor3A_79 : i32 to vector<104x1xi32>
      %xor3A_81 = arith.xori %or3A_78, %xor3A_80 : vector<104x1xi32>
      %ge3A_82 = vector.broadcast %xor3A_81 : vector<104x1xi32> to vector<104x16384xi32>
      %ge3A_83 = arith.cmpi sge, %select_n3A, %ge3A_82 : vector<104x16384xi32>
      %convert_element_type3A_84 = arith.extui %ge3A_83 : vector<104x16384xi1> to vector<104x16384xi32>
      %reduce_sum3A_85 = arith.constant dense<0> : vector<104xi32>
      %reduce_sum3A_86 = vector.multi_reduction <add>, %convert_element_type3A_84, %reduce_sum3A_85 [1] : vector<104x16384xi32> to vector<104xi32>
      %broadcast_in_dim3A_87 = vector.shape_cast %reduce_sum3A_86 : vector<104xi32> to vector<104x1xi32>
      %ge3A_88 = arith.constant 1024 : i32
      %ge3A_89 = vector.broadcast %ge3A_88 : i32 to vector<104x1xi32>
      %ge3A_90 = arith.cmpi sge, %broadcast_in_dim3A_87, %ge3A_89 : vector<104x1xi32>
      %select_n3A_91 = arith.select %ge3A_90, %or3A_78, %scan3A_74 : vector<104x1xi1>, vector<104x1xi32>
      scf.yield %select_n3A_91 : vector<104x1xi32>
    }
    %scan3A_12 = arith.constant 32 : i32
    %xor3A_13 = arith.constant -2147483648 : i32
    %xor3A_14 = vector.broadcast %xor3A_13 : i32 to vector<104x1xi32>
    %xor3A_15 = arith.xori %scan3A_11, %xor3A_14 : vector<104x1xi32>
    %gt3A = vector.broadcast %xor3A_15 : vector<104x1xi32> to vector<104x16384xi32>
    %gt3A_16 = arith.cmpi sgt, %select_n3A, %gt3A : vector<104x16384xi32>
    %convert_element_type3A = arith.extui %gt3A_16 : vector<104x16384xi1> to vector<104x16384xi32>
    %reduce_sum3A = arith.constant dense<0> : vector<104xi32>
    %reduce_sum3A_17 = vector.multi_reduction <add>, %convert_element_type3A, %reduce_sum3A [1] : vector<104x16384xi32> to vector<104xi32>
    %broadcast_in_dim3A_18 = vector.shape_cast %reduce_sum3A_17 : vector<104xi32> to vector<104x1xi32>
    %sub3A = arith.constant 1024 : i32
    %sub3A_19 = vector.broadcast %sub3A : i32 to vector<104x1xi32>
    %sub3A_20 = arith.subi %sub3A_19, %broadcast_in_dim3A_18 : vector<104x1xi32>
    %eq3A = vector.broadcast %xor3A_15 : vector<104x1xi32> to vector<104x16384xi32>
    %eq3A_21 = arith.cmpi eq, %select_n3A, %eq3A : vector<104x16384xi32>
    %broadcast_in_dim3A_22 = arith.constant 0 : i32
    %broadcast_in_dim3A_23 = vector.broadcast %broadcast_in_dim3A_22 : i32 to vector<104x1xi32>
    %broadcast_in_dim3A_24 = arith.constant 16384 : i32
    %broadcast_in_dim3A_25 = vector.broadcast %broadcast_in_dim3A_24 : i32 to vector<104x1xi32>
    %scan3A_26 = arith.constant 0 : i32
    %scan3A_27 = arith.constant 15 : i32
    %scan3A_28 = arith.addi %scan3A_26, %scan3A_27 : i32
    %scan3A_29 = arith.constant 1 : i32
    %scan3A_30:2 = scf.for %scan3A_73 = %scan3A_26 to %scan3A_28 step %scan3A_29 iter_args(%scan3A_74 = %broadcast_in_dim3A_23, %scan3A_75 = %broadcast_in_dim3A_25) -> (vector<104x1xi32>, vector<104x1xi32>)  : i32 {
      %add3A = arith.addi %scan3A_74, %scan3A_75 : vector<104x1xi32>
      %jit3A = arith.constant 2 : i32
      %div3A = vector.broadcast %jit3A : i32 to vector<104x1xi32>
      %div3A_76 = arith.divsi %add3A, %div3A : vector<104x1xi32>
      %sign3A = arith.constant 0 : i32
      %sign3A_77 = vector.broadcast %sign3A : i32 to vector<104x1xi32>
      %sign3A_78 = arith.cmpi sgt, %add3A, %sign3A_77 : vector<104x1xi32>
      %sign3A_79 = arith.extui %sign3A_78 : vector<104x1xi1> to vector<104x1xi32>
      %sign3A_80 = arith.constant 0 : i32
      %sign3A_81 = vector.broadcast %sign3A_80 : i32 to vector<104x1xi32>
      %sign3A_82 = arith.cmpi slt, %add3A, %sign3A_81 : vector<104x1xi32>
      %sign3A_83 = arith.extui %sign3A_82 : vector<104x1xi1> to vector<104x1xi32>
      %sign3A_84 = arith.subi %sign3A_79, %sign3A_83 : vector<104x1xi32>
      %sign3A_85 = arith.constant 0 : i32
      %sign3A_86 = arith.cmpi sgt, %jit3A, %sign3A_85 : i32
      %sign3A_87 = arith.extui %sign3A_86 : i1 to i32
      %sign3A_88 = arith.constant 0 : i32
      %sign3A_89 = arith.cmpi slt, %jit3A, %sign3A_88 : i32
      %sign3A_90 = arith.extui %sign3A_89 : i1 to i32
      %sign3A_91 = arith.subi %sign3A_87, %sign3A_90 : i32
      %ne3A = vector.broadcast %sign3A_91 : i32 to vector<104x1xi32>
      %ne3A_92 = arith.cmpi ne, %sign3A_84, %ne3A : vector<104x1xi32>
      %rem3A = vector.broadcast %jit3A : i32 to vector<104x1xi32>
      %rem3A_93 = arith.remsi %add3A, %rem3A : vector<104x1xi32>
      %ne3A_94 = arith.constant 0 : i32
      %ne3A_95 = vector.broadcast %ne3A_94 : i32 to vector<104x1xi32>
      %ne3A_96 = arith.cmpi ne, %rem3A_93, %ne3A_95 : vector<104x1xi32>
      %and3A = arith.andi %ne3A_92, %ne3A_96 : vector<104x1xi1>
      %sub3A_97 = arith.constant 1 : i32
      %sub3A_98 = vector.broadcast %sub3A_97 : i32 to vector<104x1xi32>
      %sub3A_99 = arith.subi %div3A_76, %sub3A_98 : vector<104x1xi32>
      %select_n3A_100 = arith.select %and3A, %sub3A_99, %div3A_76 : vector<104x1xi1>, vector<104x1xi32>
      %lt3A = vector.broadcast %select_n3A_100 : vector<104x1xi32> to vector<104x16384xi32>
      %lt3A_101 = arith.cmpi slt, %iota3A, %lt3A : vector<104x16384xi32>
      %and3A_102 = arith.andi %eq3A_21, %lt3A_101 : vector<104x16384xi1>
      %convert_element_type3A_103 = arith.extui %and3A_102 : vector<104x16384xi1> to vector<104x16384xi32>
      %reduce_sum3A_104 = arith.constant dense<0> : vector<104xi32>
      %reduce_sum3A_105 = vector.multi_reduction <add>, %convert_element_type3A_103, %reduce_sum3A_104 [1] : vector<104x16384xi32> to vector<104xi32>
      %broadcast_in_dim3A_106 = vector.shape_cast %reduce_sum3A_105 : vector<104xi32> to vector<104x1xi32>
      %ge3A_107 = arith.cmpi sge, %broadcast_in_dim3A_106, %sub3A_20 : vector<104x1xi32>
      %add3A_108 = arith.constant 1 : i32
      %add3A_109 = vector.broadcast %add3A_108 : i32 to vector<104x1xi32>
      %add3A_110 = arith.addi %select_n3A_100, %add3A_109 : vector<104x1xi32>
      %select_n3A_111 = arith.select %ge3A_107, %scan3A_74, %add3A_110 : vector<104x1xi1>, vector<104x1xi32>
      %select_n3A_112 = arith.select %ge3A_107, %select_n3A_100, %scan3A_75 : vector<104x1xi1>, vector<104x1xi32>
      scf.yield %select_n3A_111, %select_n3A_112 : vector<104x1xi32>, vector<104x1xi32>
    }
    %swap3A = arith.constant 0 : index
    %swap3A_31 = arith.constant 0 : index
    %swap3A_32 = vector.load %arg1[%swap3A, %swap3A_31] : memref<104x1xi32, #tpu.memory_space<vmem>>, vector<104x1xi32>
    tpu.vector_store %arg1[%swap3A, %swap3A_31], %xor3A_15 {strides = array<i32>} : memref<104x1xi32, #tpu.memory_space<vmem>>, vector<104x1xi32>,
    %swap3A_33 = arith.constant 0 : index
    %swap3A_34 = arith.constant 0 : index
    %swap3A_35 = vector.load %arg2[%swap3A_33, %swap3A_34] : memref<104x1xi32, #tpu.memory_space<vmem>>, vector<104x1xi32>
    tpu.vector_store %arg2[%swap3A_33, %swap3A_34], %scan3A_30#1 {strides = array<i32>} : memref<104x1xi32, #tpu.memory_space<vmem>>, vector<104x1xi32>,
    %broadcast_in_dim3A_36 = arith.constant 0 : i32
    %broadcast_in_dim3A_37 = vector.broadcast %broadcast_in_dim3A_36 : i32 to vector<104x1xi32>
    %scan3A_38 = arith.constant 0 : i32
    %scan3A_39 = arith.constant 32 : i32
    %scan3A_40 = arith.addi %scan3A_38, %scan3A_39 : i32
    %scan3A_41 = arith.constant 1 : i32
    %scan3A_42 = scf.for %scan3A_73 = %scan3A_38 to %scan3A_40 step %scan3A_41 iter_args(%scan3A_74 = %broadcast_in_dim3A_37) -> (vector<104x1xi32>)  : i32 {
      %sub3A_75 = arith.constant 31 : i32
      %sub3A_76 = arith.subi %sub3A_75, %scan3A_73 : i32
      %shift_left3A = arith.constant 1 : i32
      %shift_left3A_77 = arith.shli %shift_left3A, %sub3A_76 : i32
      %or3A = vector.broadcast %shift_left3A_77 : i32 to vector<104x1xi32>
      %or3A_78 = arith.ori %scan3A_74, %or3A : vector<104x1xi32>
      %xor3A_79 = arith.constant -2147483648 : i32
      %xor3A_80 = vector.broadcast %xor3A_79 : i32 to vector<104x1xi32>
      %xor3A_81 = arith.xori %or3A_78, %xor3A_80 : vector<104x1xi32>
      %ge3A_82 = vector.broadcast %xor3A_81 : vector<104x1xi32> to vector<104x16384xi32>
      %ge3A_83 = arith.cmpi sge, %select_n3A, %ge3A_82 : vector<104x16384xi32>
      %convert_element_type3A_84 = arith.extui %ge3A_83 : vector<104x16384xi1> to vector<104x16384xi32>
      %reduce_sum3A_85 = arith.constant dense<0> : vector<104xi32>
      %reduce_sum3A_86 = vector.multi_reduction <add>, %convert_element_type3A_84, %reduce_sum3A_85 [1] : vector<104x16384xi32> to vector<104xi32>
      %broadcast_in_dim3A_87 = vector.shape_cast %reduce_sum3A_86 : vector<104xi32> to vector<104x1xi32>
      %ge3A_88 = arith.constant 2048 : i32
      %ge3A_89 = vector.broadcast %ge3A_88 : i32 to vector<104x1xi32>
      %ge3A_90 = arith.cmpi sge, %broadcast_in_dim3A_87, %ge3A_89 : vector<104x1xi32>
      %select_n3A_91 = arith.select %ge3A_90, %or3A_78, %scan3A_74 : vector<104x1xi1>, vector<104x1xi32>
      scf.yield %select_n3A_91 : vector<104x1xi32>
    }
    %scan3A_43 = arith.constant 32 : i32
    %xor3A_44 = arith.constant -2147483648 : i32
    %xor3A_45 = vector.broadcast %xor3A_44 : i32 to vector<104x1xi32>
    %xor3A_46 = arith.xori %scan3A_42, %xor3A_45 : vector<104x1xi32>
    %gt3A_47 = vector.broadcast %xor3A_46 : vector<104x1xi32> to vector<104x16384xi32>
    %gt3A_48 = arith.cmpi sgt, %select_n3A, %gt3A_47 : vector<104x16384xi32>
    %convert_element_type3A_49 = arith.extui %gt3A_48 : vector<104x16384xi1> to vector<104x16384xi32>
    %reduce_sum3A_50 = arith.constant dense<0> : vector<104xi32>
    %reduce_sum3A_51 = vector.multi_reduction <add>, %convert_element_type3A_49, %reduce_sum3A_50 [1] : vector<104x16384xi32> to vector<104xi32>
    %broadcast_in_dim3A_52 = vector.shape_cast %reduce_sum3A_51 : vector<104xi32> to vector<104x1xi32>
    %sub3A_53 = arith.constant 2048 : i32
    %sub3A_54 = vector.broadcast %sub3A_53 : i32 to vector<104x1xi32>
    %sub3A_55 = arith.subi %sub3A_54, %broadcast_in_dim3A_52 : vector<104x1xi32>
    %eq3A_56 = vector.broadcast %xor3A_46 : vector<104x1xi32> to vector<104x16384xi32>
    %eq3A_57 = arith.cmpi eq, %select_n3A, %eq3A_56 : vector<104x16384xi32>
    %broadcast_in_dim3A_58 = arith.constant 0 : i32
    %broadcast_in_dim3A_59 = vector.broadcast %broadcast_in_dim3A_58 : i32 to vector<104x1xi32>
    %broadcast_in_dim3A_60 = arith.constant 16384 : i32
    %broadcast_in_dim3A_61 = vector.broadcast %broadcast_in_dim3A_60 : i32 to vector<104x1xi32>
    %scan3A_62 = arith.constant 0 : i32
    %scan3A_63 = arith.constant 15 : i32
    %scan3A_64 = arith.addi %scan3A_62, %scan3A_63 : i32
    %scan3A_65 = arith.constant 1 : i32
    %scan3A_66:2 = scf.for %scan3A_73 = %scan3A_62 to %scan3A_64 step %scan3A_65 iter_args(%scan3A_74 = %broadcast_in_dim3A_59, %scan3A_75 = %broadcast_in_dim3A_61) -> (vector<104x1xi32>, vector<104x1xi32>)  : i32 {
      %add3A = arith.addi %scan3A_74, %scan3A_75 : vector<104x1xi32>
      %jit3A = arith.constant 2 : i32
      %div3A = vector.broadcast %jit3A : i32 to vector<104x1xi32>
      %div3A_76 = arith.divsi %add3A, %div3A : vector<104x1xi32>
      %sign3A = arith.constant 0 : i32
      %sign3A_77 = vector.broadcast %sign3A : i32 to vector<104x1xi32>
      %sign3A_78 = arith.cmpi sgt, %add3A, %sign3A_77 : vector<104x1xi32>
      %sign3A_79 = arith.extui %sign3A_78 : vector<104x1xi1> to vector<104x1xi32>
      %sign3A_80 = arith.constant 0 : i32
      %sign3A_81 = vector.broadcast %sign3A_80 : i32 to vector<104x1xi32>
      %sign3A_82 = arith.cmpi slt, %add3A, %sign3A_81 : vector<104x1xi32>
      %sign3A_83 = arith.extui %sign3A_82 : vector<104x1xi1> to vector<104x1xi32>
      %sign3A_84 = arith.subi %sign3A_79, %sign3A_83 : vector<104x1xi32>
      %sign3A_85 = arith.constant 0 : i32
      %sign3A_86 = arith.cmpi sgt, %jit3A, %sign3A_85 : i32
      %sign3A_87 = arith.extui %sign3A_86 : i1 to i32
      %sign3A_88 = arith.constant 0 : i32
      %sign3A_89 = arith.cmpi slt, %jit3A, %sign3A_88 : i32
      %sign3A_90 = arith.extui %sign3A_89 : i1 to i32
      %sign3A_91 = arith.subi %sign3A_87, %sign3A_90 : i32
      %ne3A = vector.broadcast %sign3A_91 : i32 to vector<104x1xi32>
      %ne3A_92 = arith.cmpi ne, %sign3A_84, %ne3A : vector<104x1xi32>
      %rem3A = vector.broadcast %jit3A : i32 to vector<104x1xi32>
      %rem3A_93 = arith.remsi %add3A, %rem3A : vector<104x1xi32>
      %ne3A_94 = arith.constant 0 : i32
      %ne3A_95 = vector.broadcast %ne3A_94 : i32 to vector<104x1xi32>
      %ne3A_96 = arith.cmpi ne, %rem3A_93, %ne3A_95 : vector<104x1xi32>
      %and3A = arith.andi %ne3A_92, %ne3A_96 : vector<104x1xi1>
      %sub3A_97 = arith.constant 1 : i32
      %sub3A_98 = vector.broadcast %sub3A_97 : i32 to vector<104x1xi32>
      %sub3A_99 = arith.subi %div3A_76, %sub3A_98 : vector<104x1xi32>
      %select_n3A_100 = arith.select %and3A, %sub3A_99, %div3A_76 : vector<104x1xi1>, vector<104x1xi32>
      %lt3A = vector.broadcast %select_n3A_100 : vector<104x1xi32> to vector<104x16384xi32>
      %lt3A_101 = arith.cmpi slt, %iota3A, %lt3A : vector<104x16384xi32>
      %and3A_102 = arith.andi %eq3A_57, %lt3A_101 : vector<104x16384xi1>
      %convert_element_type3A_103 = arith.extui %and3A_102 : vector<104x16384xi1> to vector<104x16384xi32>
      %reduce_sum3A_104 = arith.constant dense<0> : vector<104xi32>
      %reduce_sum3A_105 = vector.multi_reduction <add>, %convert_element_type3A_103, %reduce_sum3A_104 [1] : vector<104x16384xi32> to vector<104xi32>
      %broadcast_in_dim3A_106 = vector.shape_cast %reduce_sum3A_105 : vector<104xi32> to vector<104x1xi32>
      %ge3A_107 = arith.cmpi sge, %broadcast_in_dim3A_106, %sub3A_55 : vector<104x1xi32>
      %add3A_108 = arith.constant 1 : i32
      %add3A_109 = vector.broadcast %add3A_108 : i32 to vector<104x1xi32>
      %add3A_110 = arith.addi %select_n3A_100, %add3A_109 : vector<104x1xi32>
      %select_n3A_111 = arith.select %ge3A_107, %scan3A_74, %add3A_110 : vector<104x1xi1>, vector<104x1xi32>
      %select_n3A_112 = arith.select %ge3A_107, %select_n3A_100, %scan3A_75 : vector<104x1xi1>, vector<104x1xi32>
      scf.yield %select_n3A_111, %select_n3A_112 : vector<104x1xi32>, vector<104x1xi32>
    }
    %swap3A_67 = arith.constant 0 : index
    %swap3A_68 = arith.constant 0 : index
    %swap3A_69 = vector.load %arg3[%swap3A_67, %swap3A_68] : memref<104x1xi32, #tpu.memory_space<vmem>>, vector<104x1xi32>
    tpu.vector_store %arg3[%swap3A_67, %swap3A_68], %xor3A_46 {strides = array<i32>} : memref<104x1xi32, #tpu.memory_space<vmem>>, vector<104x1xi32>,
    %swap3A_70 = arith.constant 0 : index
    %swap3A_71 = arith.constant 0 : index
    %swap3A_72 = vector.load %arg4[%swap3A_70, %swap3A_71] : memref<104x1xi32, #tpu.memory_space<vmem>>, vector<104x1xi32>
    tpu.vector_store %arg4[%swap3A_70, %swap3A_71], %scan3A_66#1 {strides = array<i32>} : memref<104x1xi32, #tpu.memory_space<vmem>>, vector<104x1xi32>,
    return
  }
}

module attributes {stable_mosaic.version = 14 : i64} {
  func.func @_keyproj_kernel(%arg0: i32, %arg1: memref<1024x256xf32, #tpu.memory_space<vmem>>, %arg2: memref<256x256xf32, #tpu.memory_space<vmem>>, %arg3: memref<256x256xf32, #tpu.memory_space<vmem>>, %arg4: memref<104x256xf32, #tpu.memory_space<vmem>>, %arg5: memref<104x256xf32, #tpu.memory_space<vmem>>, %arg6: memref<104x1024xf32, #tpu.memory_space<vmem>>, %arg7: memref<104x1024xf32, #tpu.memory_space<vmem>>, %arg8: memref<1024x128xi32, #tpu.memory_space<vmem>>) attributes {dimension_semantics = [#tpu.dimension_semantics<arbitrary>], iteration_bounds = array<i64: 16>, scalar_prefetch = 0 : i64, scratch_operands = 0 : i64, tpu.core_type = #tpu.core_type<tc>, window_params = [{transform_indices = @transform_0, window_bounds = array<i64: 1024, 256>}, {pipeline_mode = #tpu.pipeline_mode<synchronous>, transform_indices = @transform_1, window_bounds = array<i64: 256, 256>}, {pipeline_mode = #tpu.pipeline_mode<synchronous>, transform_indices = @transform_2, window_bounds = array<i64: 256, 256>}, {pipeline_mode = #tpu.pipeline_mode<synchronous>, transform_indices = @transform_3, window_bounds = array<i64: 104, 256>}, {pipeline_mode = #tpu.pipeline_mode<synchronous>, transform_indices = @transform_4, window_bounds = array<i64: 104, 256>}, {transform_indices = @transform_5, window_bounds = array<i64: 104, 1024>}, {transform_indices = @transform_6, window_bounds = array<i64: 104, 1024>}, {transform_indices = @transform_7, window_bounds = array<i64: 1024, 128>}]} {
    %get3A = arith.constant 0 : index
    %get3A_0 = arith.constant 0 : index
    %get3A_1 = vector.load %arg1[%get3A, %get3A_0] : memref<1024x256xf32, #tpu.memory_space<vmem>>, vector<1024x256xf32>
    %get3A_2 = arith.constant 0 : index
    %get3A_3 = arith.constant 0 : index
    %get3A_4 = vector.load %arg2[%get3A_2, %get3A_3] : memref<256x256xf32, #tpu.memory_space<vmem>>, vector<256x256xf32>
    %dot_general3A = arith.constant dense<0.000000e+00> : vector<1024x256xf32>
    %dot_general3A_5 = tpu.matmul %get3A_1, %get3A_4, %dot_general3A {dimension_numbers = #tpu.dot_dimension_numbers<[1], [0], [0], [1], [0, 0, 1, 1], [], []>, transpose_lhs_hint = false} : vector<1024x256xf32>, vector<256x256xf32>, vector<1024x256xf32> -> vector<1024x256xf32>
    %get3A_6 = arith.constant 0 : index
    %get3A_7 = arith.constant 0 : index
    %get3A_8 = vector.load %arg4[%get3A_6, %get3A_7] : memref<104x256xf32, #tpu.memory_space<vmem>>, vector<104x256xf32>
    %dot_general3A_9 = arith.constant dense<0.000000e+00> : vector<104x1024xf32>
    %dot_general3A_10 = tpu.matmul %get3A_8, %dot_general3A_5, %dot_general3A_9 {dimension_numbers = #tpu.dot_dimension_numbers<[1], [1], [0], [0], [0, 0, 1, 0], [], []>, transpose_lhs_hint = false} : vector<104x256xf32>, vector<1024x256xf32>, vector<104x1024xf32> -> vector<104x1024xf32>
    %swap3A = arith.constant 0 : index
    %swap3A_11 = arith.constant 0 : index
    %swap3A_12 = vector.load %arg6[%swap3A, %swap3A_11] : memref<104x1024xf32, #tpu.memory_space<vmem>>, vector<104x1024xf32>
    tpu.vector_store %arg6[%swap3A, %swap3A_11], %dot_general3A_10 {strides = array<i32>} : memref<104x1024xf32, #tpu.memory_space<vmem>>, vector<104x1024xf32>,
    %get3A_13 = arith.constant 0 : index
    %get3A_14 = arith.constant 0 : index
    %get3A_15 = vector.load %arg5[%get3A_13, %get3A_14] : memref<104x256xf32, #tpu.memory_space<vmem>>, vector<104x256xf32>
    %dot_general3A_16 = arith.constant dense<0.000000e+00> : vector<104x1024xf32>
    %dot_general3A_17 = tpu.matmul %get3A_15, %dot_general3A_5, %dot_general3A_16 {dimension_numbers = #tpu.dot_dimension_numbers<[1], [1], [0], [0], [0, 0, 1, 0], [], []>, transpose_lhs_hint = false} : vector<104x256xf32>, vector<1024x256xf32>, vector<104x1024xf32> -> vector<104x1024xf32>
    %swap3A_18 = arith.constant 0 : index
    %swap3A_19 = arith.constant 0 : index
    %swap3A_20 = vector.load %arg7[%swap3A_18, %swap3A_19] : memref<104x1024xf32, #tpu.memory_space<vmem>>, vector<104x1024xf32>
    tpu.vector_store %arg7[%swap3A_18, %swap3A_19], %dot_general3A_17 {strides = array<i32>} : memref<104x1024xf32, #tpu.memory_space<vmem>>, vector<104x1024xf32>,
    %get3A_21 = arith.constant 0 : index
    %get3A_22 = arith.constant 0 : index
    %get3A_23 = vector.load %arg3[%get3A_21, %get3A_22] : memref<256x256xf32, #tpu.memory_space<vmem>>, vector<256x256xf32>
    %dot_general3A_24 = arith.constant dense<0.000000e+00> : vector<1024x256xf32>
    %dot_general3A_25 = tpu.matmul %dot_general3A_5, %get3A_23, %dot_general3A_24 {dimension_numbers = #tpu.dot_dimension_numbers<[1], [0], [0], [1], [0, 0, 1, 1], [], []>, transpose_lhs_hint = false} : vector<1024x256xf32>, vector<256x256xf32>, vector<1024x256xf32> -> vector<1024x256xf32>
    %slice3A = vector.extract_strided_slice %dot_general3A_25 {offsets = [0, 0], sizes = [1024, 128], strides = [1, 1]} : vector<1024x256xf32> to vector<1024x128xf32>
    %bitcast_convert_type3A = tpu.bitcast %slice3A : vector<1024x128xf32> -> vector<1024x128xi32>
    %slice3A_26 = vector.extract_strided_slice %dot_general3A_25 {offsets = [0, 128], sizes = [1024, 128], strides = [1, 1]} : vector<1024x256xf32> to vector<1024x128xf32>
    %bitcast_convert_type3A_27 = tpu.bitcast %slice3A_26 : vector<1024x128xf32> -> vector<1024x128xi32>
    %add3A = arith.constant 32768 : i32
    %add3A_28 = vector.broadcast %add3A : i32 to vector<1024x128xi32>
    %add3A_29 = arith.addi %bitcast_convert_type3A, %add3A_28 : vector<1024x128xi32>
    %shift_right_arithmetic3A = arith.constant 16 : i32
    %shift_right_arithmetic3A_30 = vector.broadcast %shift_right_arithmetic3A : i32 to vector<1024x128xi32>
    %shift_right_arithmetic3A_31 = arith.shrsi %add3A_29, %shift_right_arithmetic3A_30 : vector<1024x128xi32>
    %and3A = arith.constant 65535 : i32
    %and3A_32 = vector.broadcast %and3A : i32 to vector<1024x128xi32>
    %and3A_33 = arith.andi %shift_right_arithmetic3A_31, %and3A_32 : vector<1024x128xi32>
    %add3A_34 = arith.constant 32768 : i32
    %add3A_35 = vector.broadcast %add3A_34 : i32 to vector<1024x128xi32>
    %add3A_36 = arith.addi %bitcast_convert_type3A_27, %add3A_35 : vector<1024x128xi32>
    %and3A_37 = arith.constant -65536 : i32
    %and3A_38 = vector.broadcast %and3A_37 : i32 to vector<1024x128xi32>
    %and3A_39 = arith.andi %add3A_36, %and3A_38 : vector<1024x128xi32>
    %or3A = arith.ori %and3A_33, %and3A_39 : vector<1024x128xi32>
    %swap3A_40 = arith.constant 0 : index
    %swap3A_41 = arith.constant 0 : index
    %swap3A_42 = vector.load %arg8[%swap3A_40, %swap3A_41] : memref<1024x128xi32, #tpu.memory_space<vmem>>, vector<1024x128xi32>
    tpu.vector_store %arg8[%swap3A_40, %swap3A_41], %or3A {strides = array<i32>} : memref<1024x128xi32, #tpu.memory_space<vmem>>, vector<1024x128xi32>,
    return
  }
  func.func @transform_0(%arg0: i32) -> (i32, i32) {
    %c0_i32 = arith.constant 0 : i32
    %c0_i32_0 = arith.constant 0 : i32
    return %arg0, %c0_i32 : i32, i32
  }
  func.func @transform_1(%arg0: i32) -> (i32, i32) {
    %c0_i32 = arith.constant 0 : i32
    %c0_i32_0 = arith.constant 0 : i32
    %c0_i32_1 = arith.constant 0 : i32
    return %c0_i32, %c0_i32_0 : i32, i32
  }
  func.func @transform_2(%arg0: i32) -> (i32, i32) {
    %c0_i32 = arith.constant 0 : i32
    %c0_i32_0 = arith.constant 0 : i32
    %c0_i32_1 = arith.constant 0 : i32
    return %c0_i32, %c0_i32_0 : i32, i32
  }
  func.func @transform_3(%arg0: i32) -> (i32, i32) {
    %c0_i32 = arith.constant 0 : i32
    %c0_i32_0 = arith.constant 0 : i32
    %c0_i32_1 = arith.constant 0 : i32
    return %c0_i32, %c0_i32_0 : i32, i32
  }
  func.func @transform_4(%arg0: i32) -> (i32, i32) {
    %c0_i32 = arith.constant 0 : i32
    %c0_i32_0 = arith.constant 0 : i32
    %c0_i32_1 = arith.constant 0 : i32
    return %c0_i32, %c0_i32_0 : i32, i32
  }
  func.func @transform_5(%arg0: i32) -> (i32, i32) {
    %c0_i32 = arith.constant 0 : i32
    %c0_i32_0 = arith.constant 0 : i32
    return %c0_i32, %arg0 : i32, i32
  }
  func.func @transform_6(%arg0: i32) -> (i32, i32) {
    %c0_i32 = arith.constant 0 : i32
    %c0_i32_0 = arith.constant 0 : i32
    return %c0_i32, %arg0 : i32, i32
  }
  func.func @transform_7(%arg0: i32) -> (i32, i32) {
    %c0_i32 = arith.constant 0 : i32
    %c0_i32_0 = arith.constant 0 : i32
    return %arg0, %c0_i32 : i32, i32
  }
}

module attributes {stable_mosaic.version = 14 : i64} {
  func.func @_mlp_kernel(%arg0: i32, %arg1: memref<1024x128xi32, #tpu.memory_space<vmem>>, %arg2: memref<104x256xf32, #tpu.memory_space<vmem>>, %arg3: memref<8x128xf32, #tpu.memory_space<vmem>>, %arg4: memref<8x128xf32, #tpu.memory_space<vmem>>, %arg5: memref<1x1x1024xf32, #tpu.memory_space<vmem>>) attributes {dimension_semantics = [#tpu.dimension_semantics<arbitrary>], iteration_bounds = array<i64: 100>, scalar_prefetch = 0 : i64, scratch_operands = 0 : i64, tpu.core_type = #tpu.core_type<tc>, window_params = [{transform_indices = @transform_0, window_bounds = array<i64: 1024, 128>}, {pipeline_mode = #tpu.pipeline_mode<synchronous>, transform_indices = @transform_1, window_bounds = array<i64: 104, 256>}, {pipeline_mode = #tpu.pipeline_mode<synchronous>, transform_indices = @transform_2, window_bounds = array<i64: 8, 128>}, {pipeline_mode = #tpu.pipeline_mode<synchronous>, transform_indices = @transform_3, window_bounds = array<i64: 8, 128>}, {transform_indices = @transform_4, window_bounds = array<i64: 1, 1, 1024>}]} {
    %get3A = arith.index_cast %arg0 : i32 to index
    %get3A_0 = arith.constant 0 : index
    %get3A_1 = vector.load %arg2[%get3A, %get3A_0] : memref<104x256xf32, #tpu.memory_space<vmem>>, vector<1x256xf32>
    %get3A_2 = arith.constant 0 : index
    %get3A_3 = arith.constant 0 : index
    %get3A_4 = vector.load %arg1[%get3A_2, %get3A_3] : memref<1024x128xi32, #tpu.memory_space<vmem>>, vector<1024x128xi32>
    %shift_left3A = arith.constant 16 : i32
    %shift_left3A_5 = vector.broadcast %shift_left3A : i32 to vector<1024x128xi32>
    %shift_left3A_6 = arith.shli %get3A_4, %shift_left3A_5 : vector<1024x128xi32>
    %bitcast_convert_type3A = tpu.bitcast %shift_left3A_6 : vector<1024x128xi32> -> vector<1024x128xf32>
    %and3A = arith.constant -65536 : i32
    %and3A_7 = vector.broadcast %and3A : i32 to vector<1024x128xi32>
    %and3A_8 = arith.andi %get3A_4, %and3A_7 : vector<1024x128xi32>
    %bitcast_convert_type3A_9 = tpu.bitcast %and3A_8 : vector<1024x128xi32> -> vector<1024x128xf32>
    %slice3A = vector.extract_strided_slice %get3A_1 {offsets = [0, 0], sizes = [1, 128], strides = [1, 1]} : vector<1x256xf32> to vector<1x128xf32>
    %add3A = vector.broadcast %slice3A : vector<1x128xf32> to vector<1024x128xf32>
    %add3A_10 = arith.addf %bitcast_convert_type3A, %add3A : vector<1024x128xf32>
    %tanh3A = math.tanh %add3A_10 : vector<1024x128xf32>
    %convert_element_type3A = arith.truncf %tanh3A : vector<1024x128xf32> to vector<1024x128xbf16>
    %slice3A_11 = vector.extract_strided_slice %get3A_1 {offsets = [0, 128], sizes = [1, 128], strides = [1, 1]} : vector<1x256xf32> to vector<1x128xf32>
    %add3A_12 = vector.broadcast %slice3A_11 : vector<1x128xf32> to vector<1024x128xf32>
    %add3A_13 = arith.addf %bitcast_convert_type3A_9, %add3A_12 : vector<1024x128xf32>
    %tanh3A_14 = math.tanh %add3A_13 : vector<1024x128xf32>
    %convert_element_type3A_15 = arith.truncf %tanh3A_14 : vector<1024x128xf32> to vector<1024x128xbf16>
    %get3A_16 = arith.constant 0 : index
    %get3A_17 = arith.constant 0 : index
    %get3A_18 = vector.load %arg3[%get3A_16, %get3A_17] : memref<8x128xf32, #tpu.memory_space<vmem>>, vector<8x128xf32>
    %convert_element_type3A_19 = arith.truncf %get3A_18 : vector<8x128xf32> to vector<8x128xbf16>
    %dot_general3A = arith.constant dense<0.000000e+00> : vector<1024x8xf32>
    %dot_general3A_20 = tpu.matmul %convert_element_type3A, %convert_element_type3A_19, %dot_general3A {dimension_numbers = #tpu.dot_dimension_numbers<[1], [1], [0], [0], [0, 0, 1, 0], [], []>, transpose_lhs_hint = false} : vector<1024x128xbf16>, vector<8x128xbf16>, vector<1024x8xf32> -> vector<1024x8xf32>
    %get3A_21 = arith.constant 0 : index
    %get3A_22 = arith.constant 0 : index
    %get3A_23 = vector.load %arg4[%get3A_21, %get3A_22] : memref<8x128xf32, #tpu.memory_space<vmem>>, vector<8x128xf32>
    %convert_element_type3A_24 = arith.truncf %get3A_23 : vector<8x128xf32> to vector<8x128xbf16>
    %dot_general3A_25 = arith.constant dense<0.000000e+00> : vector<1024x8xf32>
    %dot_general3A_26 = tpu.matmul %convert_element_type3A_15, %convert_element_type3A_24, %dot_general3A_25 {dimension_numbers = #tpu.dot_dimension_numbers<[1], [1], [0], [0], [0, 0, 1, 0], [], []>, transpose_lhs_hint = false} : vector<1024x128xbf16>, vector<8x128xbf16>, vector<1024x8xf32> -> vector<1024x8xf32>
    %add3A_27 = arith.addf %dot_general3A_20, %dot_general3A_26 : vector<1024x8xf32>
    %slice3A_28 = vector.extract_strided_slice %add3A_27 {offsets = [0, 0], sizes = [1024, 1], strides = [1, 1]} : vector<1024x8xf32> to vector<1024x1xf32>
    %transpose3A = tpu.transpose %slice3A_28, [1, 0] : vector<1024x1xf32> -> vector<1x1024xf32>
    %reshape3A = vector.shape_cast %transpose3A : vector<1x1024xf32> to vector<1x1x1024xf32>
    %swap3A = arith.constant 0 : index
    %swap3A_29 = arith.constant 0 : index
    %swap3A_30 = arith.constant 0 : index
    %swap3A_31 = vector.load %arg5[%swap3A, %swap3A_29, %swap3A_30] : memref<1x1x1024xf32, #tpu.memory_space<vmem>>, vector<1x1x1024xf32>
    tpu.vector_store %arg5[%swap3A, %swap3A_29, %swap3A_30], %reshape3A {strides = array<i32>} : memref<1x1x1024xf32, #tpu.memory_space<vmem>>, vector<1x1x1024xf32>,
    return
  }
  func.func @transform_0(%arg0: i32) -> (i32, i32) {
    %c0_i32 = arith.constant 0 : i32
    %c0_i32_0 = arith.constant 0 : i32
    return %arg0, %c0_i32 : i32, i32
  }
  func.func @transform_1(%arg0: i32) -> (i32, i32) {
    %c0_i32 = arith.constant 0 : i32
    %c0_i32_0 = arith.constant 0 : i32
    %c0_i32_1 = arith.constant 0 : i32
    return %c0_i32, %c0_i32_0 : i32, i32
  }
  func.func @transform_2(%arg0: i32) -> (i32, i32) {
    %c0_i32 = arith.constant 0 : i32
    %c0_i32_0 = arith.constant 0 : i32
    %c0_i32_1 = arith.constant 0 : i32
    return %c0_i32, %c0_i32_0 : i32, i32
  }
  func.func @transform_3(%arg0: i32) -> (i32, i32) {
    %c0_i32 = arith.constant 0 : i32
    %c0_i32_0 = arith.constant 0 : i32
    %c0_i32_1 = arith.constant 0 : i32
    return %c0_i32, %c0_i32_0 : i32, i32
  }
  func.func @transform_4(%arg0: i32) -> (i32, i32, i32) {
    %c0_i32 = arith.constant 0 : i32
    %c0_i32_0 = arith.constant 0 : i32
    %c0_i32_1 = arith.constant 0 : i32
    return %arg0, %c0_i32, %c0_i32_0 : i32, i32, i32
  }
}

</mosaic_0001>

<sc_bundles>
// kernel: kernel.10.cloned.1.call-start
scs
__scs_entry_jumppad:
0x0: {  	(pc) =	sbr.rel $0x88, $3  }
0x1: {  	(tag) =	ssettag $0x0;
	lr =	simm.s32 $0x1  }
0x2: {  	[smem:$0x3F98] =	sst lr;
	_ =	strace $0xD0000000  }
0x3: {  	_ = 	snop  }
0x4: {  	_ = 	snop  }
0x5: {  	_ = 	snop  }
0x6: {  	_ = 	snop  }
0x7: {  	_ = 	snop  }
__scs_overlays_trampoline_lowered:
0x8: {  	[smem:$0x3FA7] =	sst s0  }
0x9: {  	[smem:$0x3FA8] =	sst s1  }
0xa: {  	[smem:$0x3FA9] =	sst s2  }
0xb: {  	[smem:$0x3FAA] =	sst s3  }
0xc: {  	[smem:$0x3FAB] =	sst s4  }
0xd: {  	[smem:$0x3FAC] =	sst s5  }
0xe: {  	[smem:$0x3FAD] =	sst s6  }
0xf: {  	[smem:$0x3FAE] =	sst s7  }
0x10: {  	[smem:$0x3FAF] =	sst s8  }
0x11: {  	[smem:$0x3FB0] =	sst s9;
	s0 =	simm.s32 @!p0 $0x0  }
0x12: {  	s1 =	sld [smem:$0x3F96];
	s0 =	simm.s32 @p0 $0x1  }
0x13: {  	[smem:$0x3FB1] =	sst s0;
	s0 =	simm.s32 @!p1 $0x0  }
0x14: {  	s2 =	sld [smem:$0x3F95];
	s0 =	simm.s32 @p1 $0x1  }
0x15: {  	[smem:$0x3FB2] =	sst s0;
	s0 =	simm.s32 @!p2 $0x0  }
0x16: {  	s3 =	sld [smem:$0x3FDB];
	s0 =	simm.s32 @p2 $0x1  }
0x17: {  	s4 =	simm.s32 $0x1BF5;
	[smem:$0x3FB4] =	sst s0  }
0x18: {  	s0 =	sld [smem:$0x3F97];
	_ =	swait.ge [sflag:s4], $0x0  }
0x19: {  	s7 =	sld [smem:$0x3F98]  }
0x1a: {  	s8 =	sadd.s32 $0xFFFFE003, lr  }
0x1b: {  	s9 =	sadd.s32 $0xFFFFFEF7, lr;
	s5 =	simm.s32 $0xFFFFFFFF;
	p2 =	slt.u32 s8, $0xFFFFF086  }
0x1c: {  	p1 =	slt.u32 s9, $0xF7A;
	s5 =	simm.s32 @!p2 $0x0  }
0x1d: {  	s5 =	simm.s32 @p1 $0x1;
	p0 =	seq.s32 s7, s2  }
0x1e: {  	s7 =	smul.u32 @!p0 $0xF7A, s2;
	p2 =	seq.s32 @!p0 s5, $0x0  }
0x1f: {  	s9 =	smul.u32 $0xF7A, s1;
	s8 =	simm.s32 @!p0 $0x1BF5;
	p2 =	por !p2, p0  }
0x20: {  	[sflag:s8] =	ssyncset.s32 @!p0 $0xFFFFF086;
	s6 =	sadd.s32 @!p0 s3, s7;
	s7 =	simm.s32 @!p0 $0x108  }
0x21: {  	s3 =	sadd.s32 s3, s9;
	s6 =	sadd.s32 @!p0 $0x88, s6;
	s7 =	simm.s32 @p2 $0x1082  }
0x22: {  	[simem:s7], [sflag:s8] =	dma.local @!p0 [hbm:s6], $0xF7A  }
0x23: {  	s9 =	sor.u32 $0xD0000000, s2;
	s6 =	simm.s32 $0x108;
	_ =	swait.ge @!p0 [sflag:s8], $0x0  }
0x24: {  	s3 =	sadd.s32 $0x88, s3;
	s6 =	simm.s32 @!p1 $0x1082;
	[sflag:s4] =	ssyncset.s32 $0xFFFFF086  }
0x25: {  	[simem:s6], [sflag:s4] =	dma.local [hbm:s3], $0xF7A  }
0x26: {  	[smem:$0x3F98] =	sst s1;
	(tag) =	ssettag s2;
	_ =	strace s9  }
0x27: {  	s1 =	sld [smem:$0x3FA8]  }
0x28: {  	s2 =	sld [smem:$0x3FA9]  }
0x29: {  	s4 =	sld [smem:$0x3FAB]  }
0x2a: {  	p0 =	seq.s32 s5, $0x0;
	s5 =	sld [smem:$0x3FAC]  }
0x2b: {  	s6 =	sld [smem:$0x3FAD]  }
0x2c: {  	s7 =	sld [smem:$0x3FAE]  }
0x2d: {  	s3 =	simm.s32 $0x108;
	s8 =	sld [smem:$0x3FAF]  }
0x2e: {  	s3 =	simm.s32 @!p0 $0x1082;
	s9 =	sld [smem:$0x3FB0]  }
0x2f: {  	lr =	sadd.s32 s0, s3;
	s0 =	sld [smem:$0x3FA7]  }
0x30: {  	s3 =	sld [smem:$0x3FAA]  }
0x31: {  	[smem:$0x3FB3] =	sst s10  }
0x32: {  	s10 =	sld [smem:$0x3FB1];
	_ =	sdelay $0x3  }
0x33: {  	p0 =	seq.s32 s10, $0x1;
	s10 =	sld [smem:$0x3FB3];
	_ =	sdelay $0x3  }
0x34: {  	[smem:$0x3FB3] =	sst s10  }
0x35: {  	s10 =	sld [smem:$0x3FB2];
	_ =	sdelay $0x3  }
0x36: {  	p1 =	seq.s32 s10, $0x1;
	s10 =	sld [smem:$0x3FB3];
	_ =	sdelay $0x3  }
0x37: {  	[smem:$0x3FB3] =	sst s10  }
0x38: {  	s10 =	sld [smem:$0x3FB4]  }
0x39: {  	_ = 	snop;
	(pc) =	sbr.ind lr, $3  }
0x3a: {  	_ = 	snop  }
0x3b: {  	_ = 	snop  }
0x3c: {  	p2 =	seq.s32 s10, $0x1;
	s10 =	sld [smem:$0x3FB3]  }
0x3d: {  	_ =	shalt  }
0x3e: {  	_ =	shalt  }
0x3f: {  	_ =	shalt  }
0x40: {  	_ =	shalt  }
0x41: {  	_ =	shalt  }
0x42: {  	_ =	shalt  }
0x43: {  	_ =	shalt  }
0x44: {  	_ =	shalt  }
0x45: {  	_ =	shalt  }
0x46: {  	_ =	shalt  }
0x47: {  	_ =	shalt  }
0x48: {  	_ =	shalt  }
0x49: {  	_ =	shalt  }
0x4a: {  	_ =	shalt  }
0x4b: {  	_ =	shalt  }
0x4c: {  	_ =	shalt  }
0x4d: {  	_ =	shalt  }
0x4e: {  	_ =	shalt  }
0x4f: {  	_ =	shalt  }
0x50: {  	_ =	shalt  }
0x51: {  	_ =	shalt  }
0x52: {  	_ =	shalt  }
0x53: {  	_ =	shalt  }
0x54: {  	_ =	shalt  }
0x55: {  	_ =	shalt  }
0x56: {  	_ =	shalt  }
0x57: {  	_ =	shalt  }
0x58: {  	_ =	shalt  }
0x59: {  	_ =	shalt  }
0x5a: {  	_ =	shalt  }
0x5b: {  	_ =	shalt  }
0x5c: {  	_ =	shalt  }
0x5d: {  	_ =	shalt  }
0x5e: {  	_ =	shalt  }
0x5f: {  	_ =	shalt  }
0x60: {  	_ =	shalt  }
0x61: {  	_ =	shalt  }
0x62: {  	_ =	shalt  }
0x63: {  	_ =	shalt  }
0x64: {  	_ =	shalt  }
0x65: {  	_ =	shalt  }
0x66: {  	_ =	shalt  }
0x67: {  	_ =	shalt  }
0x68: {  	_ =	shalt  }
0x69: {  	_ =	shalt  }
0x6a: {  	_ =	shalt  }
0x6b: {  	_ =	shalt  }
0x6c: {  	_ =	shalt  }
0x6d: {  	_ =	shalt  }
0x6e: {  	_ =	shalt  }
0x6f: {  	_ =	shalt  }
0x70: {  	_ =	shalt  }
0x71: {  	_ =	shalt  }
0x72: {  	_ =	shalt  }
0x73: {  	_ =	shalt  }
0x74: {  	_ =	shalt  }
0x75: {  	_ =	shalt  }
0x76: {  	_ =	shalt  }
0x77: {  	_ =	shalt  }
0x78: {  	_ =	shalt  }
0x79: {  	_ =	shalt  }
0x7a: {  	_ =	shalt  }
0x7b: {  	_ =	shalt  }
0x7c: {  	_ =	shalt  }
0x7d: {  	_ =	shalt  }
0x7e: {  	_ =	shalt  }
0x7f: {  	_ =	shalt  }
0x80: {  	_ =	shalt  }
0x81: {  	_ =	shalt  }
0x82: {  	_ =	shalt  }
0x83: {  	_ =	shalt  }
0x84: {  	_ =	shalt  }
0x85: {  	_ =	shalt  }
0x86: {  	_ =	shalt  }
0x87: {  	_ =	shalt  }
.Lfunc_end0:
.L_simem_size_0:
called_computation_lowered:
.L_overlay_start_0:
0x88: {  	s2 =	sld [smem:$0x3FD9]  }
0x89: {  	s3 =	sld [smem:$0x3FFE];
	_ =	sdelay $0x1  }
0x8a: {  	s1 =	srdreg.scid  }
0x8b: {  	s0 =	sand.u32 $0x1, s1  }
0x8c: {  	s17 =	sshll.u32 s0, $0xA;
	s2 =	sadd.s32 s3, s2  }
0x8d: {  	s2 =	sadd.s32 s2, s17  }
0x8e: {  	[smem:$0x3FBF] =	sst s2  }
0x8f: {  	_ = 	snop  }
0x90: {  	s18 =	sld [smem:$0x3FD0];
	(tm) =	ssettm $0x1  }
0x91: {  	s19 =	sld [smem:$0x3FFB];
	_ =	sdelay $0x3  }
0x92: {  	_ =	strace s19  }
0x93: {  	s2 =	sld [smem:$0x3FFC];
	_ =	sdelay $0x3  }
0x94: {  	_ =	strace s2  }
0x95: {  	s2 =	sld [smem:$0x3FFD];
	_ =	sdelay $0x3  }
0x96: {  	_ =	strace s2  }
0x97: {  	_ =	strace $0x8FFFFFFF  }
0x98: {  	s20 =	sld [smem:$0x3FDB];
	_ =	sdelay $0x1  }
0x99: {  	s4 =	simm.s32 $_scs_section_size  }
0x9a: {  	s5 =	simm.s32 $_size__tile_overlayer_lowered;
	s6 =	simm.s32 $_tile_overlayer_lowered  }
0x9b: {  	s7 =	simm.s32 $0x1BFF;
	s21 =	sshll.u32 s6, $0x1;
	s4 =	sadd.s32 s4, s20  }
0x9c: {  	s22 =	simm.s32 $0x0;
	s5 =	sshll.u32 s5, $0x1;
	s6 =	sadd.s32 s21, s4  }
0x9d: {  	[timem:s22], [sflag:s7] =	dma.local [hbm:s6], s5  }
0x9e: {  	_ =	swait.ge [sflag:s7], s5  }
0x9f: {  	s5 =	ssub.s32 $0x0, s5;
	[sflag:s7] =	ssyncset.done $0x0  }
0xa0: {  	[sflag:s7] =	ssyncadd.s32 s5;
	_ =	sdelay $0x1  }
0xa1: {  	s23 =	simm.s32 $0x1B8B  }
0xa2: {  	_ =	swait.ge [sflag:s23], $0x1  }
0xa3: {  	[sflag:s23] =	ssyncset.done $0x0  }
0xa4: {  	[sflag:s23] =	ssyncadd.s32 $0xFFFFFFFF  }
0xa5: {  	s5 =	sld [smem:$0x0]  }
0xa6: {  	s6 =	sand.u32 $0xFFFFFFFE, s1  }
0xa7: {  	p0 =	sne.s32 s1, s6  }
0xa8: {  	s6 =	sshll.u32 @p0 s6, $0xE  }
0xa9: {  	s6 =	sadd.s32 @p0 $0x11B8D, s6;
	s7 =	sshll.u32 @p0 s5, $0x11  }
0xaa: {  	s6 =	sor.u32 @p0 s7, s6  }
0xab: {  	[sflag:s6] =	ssyncadd.remote.s32 @p0 $0x1;
	_ =	sdelay $0x1  }
0xac: {  	s6 =	simm.s32 @p0 $0x1B8D  }
0xad: {  	_ =	swait.eq @p0 [sflag:s6], $0x1  }
0xae: {  	[sflag:s6] =	ssyncadd.s32 @p0 $0xFFFFFFFF  }
0xaf: {  	s7 =	sshll.u32 @!p0 s1, $0xE  }
0xb0: {  	s7 =	sor.u32 @!p0 $0x4000, s7;
	s6 =	simm.s32 @!p0 $0x1B8D  }
0xb1: {  	s5 =	sshll.u32 @!p0 s5, $0x11;
	s7 =	sadd.s32 @!p0 $0x11B8D, s7;
	_ =	swait.eq @!p0 [sflag:s6], $0x1  }
0xb2: {  	s5 =	sor.u32 @!p0 s5, s7;
	[sflag:s6] =	ssyncadd.s32 @!p0 $0xFFFFFFFF  }
0xb3: {  	s25 =	simm.s32 $0x1B8E;
	s24 =	sld [smem:$0x3FFE];
	[sflag:s5] =	ssyncadd.remote.s32 @!p0 $0x1  }
0xb4: {  	s26 =	simm.s32 $execute0_lowered;
	[smem:$0x3FD2] =	sst s25  }
0xb5: {  	s6 =	sshll.u32 s26, $0x1;
	_ =	strace $0x80000049;
	[dreg:$0x1] =	wrdreg $0xFFFFFFFF  }
0xb6: {  	s28 =	simm.s32 $_size_execute0_lowered;
	s4 =	sadd.s32 s4, s6;
	[dreg:$0x0] =	wrdreg $0x0  }
0xb7: {  	s6 =	sshll.u32 s28, $0x1;
	[dreg:$0x2] =	wrdreg s4  }
0xb8: {  	[dreg:$0x3] =	wrdreg s6  }
0xb9: {  	[dreg:$0x4] =	wrdreg $0xC0  }
0xba: {  	_ =	task [dreg:s22], $0x5FFFF  }
0xbb: {  	[dreg:$0x1] =	wrdreg $0xFFFFFFFF  }
0xbc: {  	[dreg:$0x0] =	wrdreg $0x60  }
0xbd: {  	[dreg:$0x2] =	wrdreg s18  }
0xbe: {  	[dreg:$0x3] =	wrdreg s24  }
0xbf: {  	[dreg:$0x4] =	wrdreg $0x9  }
0xc0: {  	_ =	task.clear_ibuf [dreg:s22], $0x5FFFF;
	_ =	strace $0x90000049  }
0xc1: {  	s29 =	simm.s32 $0x9;
	_ =	strace $0x8000004B  }
0xc2: {  	_ =	swait.ge [sflag:s29], $0x1  }
0xc3: {  	[sflag:s29] =	ssyncadd.s32 $0xFFFFFFFF  }
0xc4: {  	_ =	strace $0x9000004B  }
0xc5: {  	_ =	sfence  }
0xc6: {  	s30 =	sld [smem:$0x0];
	_ =	sdelay $0x2  }
0xc7: {  	s31 =	sshll.u32 s1, $0xD;
	s1 =	sshrl.u32 s1, $0x2  }
0xc8: {  	s4 =	sand.u32 $0x4000, s31;
	s1 =	sadd.s32 s1, s30  }
0xc9: {  	s0 =	sor.u32 s4, s0;
	s1 =	sshll.u32 s1, $0x11  }
0xca: {  	s0 =	sor.u32 s1, s0  }
0xcb: {  	s0 =	sadd.s32 $0x8F2B, s0  }
0xcc: {  	[sflag:s0] =	ssyncadd.remote.s32 $0x1  }
0xcd: {  	_ =	sfence.sel $0xFFFF  }
0xce: {  	[dreg:$0x0] =	wrdreg $0xFFFFFFFF;
	(pc) =	sbr.abs _section_cstart, $3  }
0xcf: {  	[dreg:$0x1] =	wrdreg $0xFFFFFFFF  }
0xd0: {  	_ =	task.clear_ibuf [dreg:s22], $0x2FFFF;
	_ =	strace $0x9FFFFFFF  }
0xd1: {  	(tm) =	ssettm $0x7FFFFFFF  }
tec
execute0_lowered:
.L_overlay_start_1:
0x0: {  	(tag) =	ssettag $0x1  }
0x1: {  	s2 =	rddreg [dreg:$0x0]  }
0x2: {  	s0 =	rddreg [dreg:$0x1];
	s1 =	simm.s32 $0x0;
	s3 =	srdreg.scid  }
0x3: {  	s18 =	stileid.u32;
	s29 =	simm.s32 $0x100;
	s30 =	simm.s32 $0x4400  }
0x4: {  	[smem:$0x7FF] =	sst s1;
	s3 =	sand.u32 $0x1, s3;
	s4 =	sshll.u32 s18, $0x1  }
0x5: {  	s7 =	sadd.s32 $0x399A00, s0;
	s8 =	sadd.s32 $0x209A00, s0;
	s24 =	sshrl.u32 s18, $0x2  }
0x6: {  	s28 =	sadd.s32 $0x1E00, s0;
	p0 =	sgt.u32 s18, $0x1;
	s18 =	simm.s32 $0x14400  }
0x7: {  	s5 =	sor.u32 s3, s4;
	s3 =	ssub.s32 $0x2, s3;
	s25 =	sshll.u32 s24, $0x11  }
0x8: {  	s4 =	sshll.u32 s24, $0xD;
	s6 =	sshll.u32 s5, $0x7;
	s10 =	sshrl.u32 s3, $0x1  }
0x9: {  	s26 =	sshll.u32 s5, $0xE;
	s23 =	sshll.u32 s5, $0x4;
	s9 =	sand.u32 $0x380, s6  }
0xa: {  	s3 =	ssub.s32 s3, s10;
	s15 =	sadd.s32 s8, s26;
	s10 =	sadd.s32 $0x20AA00, s0  }
0xb: {  	s6 =	sor.u32 s25, s9;
	s4 =	sor.u32 s4, s9;
	[dreg:$0x5] =	wrdreg s15  }
0xc: {  	s11 =	sadd.s32 s26, s10;
	s31 =	smax.u32 s3, $0x1;
	s6 =	sshrl.u32 s6, $0x3  }
0xd: {  	s4 =	sshrl.u32 s4, $0x3;
	[dreg:$0x6] =	wrdreg s11;
	s6 =	sadd.s32 s2, s6  }
0xe: {  	s11 =	sadd.s32 $0x20BA00, s0;
	s4 =	sadd.s32 s7, s4;
	[dreg:$0x3] =	wrdreg s6  }
0xf: {  	s3 =	simm.s32 $0xC400;
	s13 =	sadd.s32 s26, s11;
	[dreg:$0x4] =	wrdreg s4  }
0x10: {  	s6 =	sor.u32 $0x20, s5;
	[dreg:$0x7] =	wrdreg s13;
	s13 =	sadd.s32 $0x20CA00, s0  }
0x11: {  	s12 =	sshrl.u32 s6, $0x3;
	s4 =	sadd.s32 s26, s13;
	s15 =	sshll.u32 s6, $0xE  }
0x12: {  	v1 =	vmov s6;
	s6 =	simm.s32 $0x3;
	[dreg:$0x8] =	wrdreg s4;
	s21 =	sadd.s32 s8, s15  }
0x13: {  	s14 =	sshll.u32 s12, $0x11;
	s24 =	sadd.s32 s15, s10;
	[dreg:$0xb] =	wrdreg s21  }
0x14: {  	s12 =	sshll.u32 s12, $0xD;
	s25 =	sadd.s32 s15, s11;
	[dreg:$0xe] =	wrdreg s24  }
0x15: {  	s26 =	sadd.s32 s15, s13;
	s16 =	sor.u32 s9, s14;
	[dreg:$0xf] =	wrdreg s25  }
0x16: {  	s12 =	sor.u32 s9, s12;
	s14 =	sor.u32 $0x40, s5;
	[dreg:$0x10] =	wrdreg s26  }
0x17: {  	s25 =	sadd.s32 $0x75E00, s0;
	s26 =	sadd.s32 $0x76000, s0;
	s4 =	sshrl.u32 s16, $0x3  }
0x18: {  	s0 =	simm.s32 $0x5;
	s17 =	sshrl.u32 s12, $0x3;
	s4 =	sadd.s32 s2, s4  }
0x19: {  	s19 =	sshrl.u32 s14, $0x3;
	[dreg:$0x9] =	wrdreg s4;
	s4 =	sadd.s32 s7, s17  }
0x1a: {  	s20 =	sshll.u32 s19, $0x11;
	s12 =	sshll.u32 s19, $0xD;
	[dreg:$0xa] =	wrdreg s4  }
0x1b: {  	s4 =	sor.u32 s9, s20;
	s9 =	sor.u32 s9, s12;
	s12 =	sor.u32 $0x60, s5  }
0x1c: {  	v0 =	vmov s5;
	s5 =	simm.s32 $0x2;
	s4 =	sshrl.u32 s4, $0x3;
	s9 =	sshrl.u32 s9, $0x3  }
0x1d: {  	s15 =	sshll.u32 s12, $0xE;
	s4 =	sadd.s32 s2, s4;
	s22 =	sadd.s32 s7, s9  }
0x1e: {  	s2 =	sadd.s32 s23, s2;
	s9 =	sshll.u32 s14, $0xE;
	[dreg:$0xc] =	wrdreg s4  }
0x1f: {  	s21 =	sadd.s32 s15, s10;
	[dreg:$0xd] =	wrdreg s22;
	s4 =	sadd.s32 s23, s7  }
0x20: {  	s16 =	sadd.s32 s8, s9;
	s17 =	sadd.s32 s9, s10;
	s19 =	sadd.s32 s9, s11  }
0x21: {  	s20 =	sadd.s32 s9, s13;
	s8 =	sadd.s32 s8, s15;
	[dreg:$0x12] =	wrdreg s21  }
0x22: {  	s22 =	sadd.s32 s15, s11;
	s7 =	sadd.s32 s15, s13;
	s23 =	sadd.s32 $0x30000, s2  }
0x23: {  	s21 =	simm.s32 $0x14480;
	s2 =	simm.s32 $0x4100;
	[dreg:$0x11] =	wrdreg s8  }
.Ltmp0:
0x24: {  	s9 =	simm.s32 $0x4300;
	[dreg:$0x13] =	wrdreg s22;
	(pc) =	sbr.rel .LBB2_1-.Ltmp0, $4  }
0x25: {  	s10 =	simm.s32 $0x0;
	[dreg:$0x14] =	wrdreg s7;
	s24 =	sadd.s32 $0x3000, s4  }
0x26: {  	s22 =	simm.s32 $0x80;
	s4 =	simm.s32 $0x1;
	s7 =	simm.s32 $0x4200  }
0x27: {  	v4 =	vlaneseq.u32;
	s8 =	simm.s32 $0x4;
	_ =	strace $0x8000004A;
	[dreg:$0x15] =	wrdreg s23  }
0x28: {  	v5 =	vimm.s32 $0x0;
	v2 =	vmov s14;
	v3 =	vmov s12;
	[dreg:$0x16] =	wrdreg s24;
	s23 =	simm.s32 $0x400;
	s24 =	simm.s32 $0x4000  }
.LBB2_10:
0x29: {  	v9 =	vxor.u32 $0x7FFFFFFF, v8;
	vm0 =	vlt.s32 v8, $0x0  }
0x2a: {  	v63 =	vor.u32 s12, v4;
	v8 =	vsel vm0, v9, v8  }
0x2b: {  	vm1 =	vlt.s32 v63, v7;
	vm0 =	veq.s32 v8, v6  }
0x2c: {  	vm2 =	vgt.s32 v8, v6;
	vm0 =	vmand vm1, vm0  }
0x2d: {  	vm0 =	vmor vm2, vm0  }
0x2e: {  	v6 =	vsel vm0, $0x1, v5  }
0x2f: {  	(xrf0) =	vadd.scan.msk.s32 $0xffff, v6;
	_ =	sdelay $0x5  }
0x30: {  	v6, _, _ =	vpop (xrf0)  }
0x31: {  	(v2sf) =	vpush v6, $0xF;
	_ =	sdelay $0xa  }
0x32: {  	s14 =	spop (v2sf)  }
0x33: {  	s11 =	sadd.s32 s11, s14  }
0x34: {  	[tilespmem:s11+$0x4000] =	vst.msk vm0, v63;
	s11 =	rddreg [dreg:$0x16]  }
0x35: {  	[hbm4b:s11+s22] =	stream.strided.scatter [tilespmem:s24], [sflag:$0x5], $0x400, s23, s22, $0x38;
	[tilespmem:$0x14500] =	vst v63  }
0x36: {  	s15 =	spop (v2sf)  }
0x37: {  	_ =	swait.ge [sflag:s0], $0x400  }
0x38: {  	[sflag:s0] =	ssyncset.done $0x0  }
0x39: {  	[sflag:s0] =	ssyncadd.s32 $0xFFFFFC00  }
0x3a: {  	[tilespmem:s30], [sflag:$0x1] =	stream.indirect.gather [hbm4b:s28+s29], $0x80, s24, s29, $0xb8;
	[tilespmem:$0x14500] =	vst v63  }
0x3b: {  	_ = 	snop  }
0x3c: {  	[tilespmem:s3], [sflag:$0x2] =	stream.indirect.gather [hbm4b:s28+s29], $0x80, s2, s29, $0xb8;
	[tilespmem:$0x14500] =	vst v63  }
0x3d: {  	_ =	swait.ge [sflag:s4], $0x8000  }
0x3e: {  	[sflag:s4] =	ssyncset.done $0x0  }
0x3f: {  	s12 =	rddreg [dreg:$0x11];
	[sflag:s4] =	ssyncadd.s32 $0xFFFF8000  }
0x40: {  	[hbm4b:s12+s1] =	stream.linear.scatter [tilespmem:s30], [sflag:$0x3], $0x8000, $0x38;
	[tilespmem:$0x14500] =	vst v63  }
0x41: {  	_ =	swait.ge [sflag:s5], $0x8000  }
0x42: {  	[sflag:s5] =	ssyncset.done $0x0  }
0x43: {  	s13 =	rddreg [dreg:$0x12];
	[sflag:s5] =	ssyncadd.s32 $0xFFFF8000  }
0x44: {  	[hbm4b:s13+s1] =	stream.linear.scatter [tilespmem:s3], [sflag:$0x4], $0x8000, $0x38;
	[tilespmem:$0x14500] =	vst v63  }
0x45: {  	_ =	swait.ge [sflag:s6], $0x8000  }
0x46: {  	[sflag:s6] =	ssyncset.done $0x0  }
0x47: {  	[sflag:s6] =	ssyncadd.s32 $0xFFFF8000  }
0x48: {  	[tilespmem:s30], [sflag:$0x1] =	stream.indirect.gather [hbm4b:s28+s29], $0x80, s7, s29, $0xb8;
	[tilespmem:$0x14500] =	vst v63  }
0x49: {  	_ =	swait.ge [sflag:s8], $0x8000  }
0x4a: {  	[sflag:s8] =	ssyncset.done $0x0  }
0x4b: {  	[sflag:s8] =	ssyncadd.s32 $0xFFFF8000  }
0x4c: {  	[tilespmem:s3], [sflag:$0x2] =	stream.indirect.gather [hbm4b:s28+s29], $0x80, s9, s29, $0xb8;
	[tilespmem:$0x14500] =	vst v63  }
0x4d: {  	_ =	swait.ge [sflag:s4], $0x8000  }
0x4e: {  	[sflag:s4] =	ssyncset.done $0x0  }
0x4f: {  	s14 =	rddreg [dreg:$0x13];
	[sflag:s4] =	ssyncadd.s32 $0xFFFF8000  }
0x50: {  	[hbm4b:s14+s1] =	stream.linear.scatter [tilespmem:s30], [sflag:$0x3], $0x8000, $0x38;
	[tilespmem:$0x14500] =	vst v63  }
0x51: {  	_ =	swait.ge [sflag:s5], $0x8000  }
0x52: {  	[sflag:s5] =	ssyncset.done $0x0  }
0x53: {  	s15 =	rddreg [dreg:$0x14];
	[sflag:s5] =	ssyncadd.s32 $0xFFFF8000  }
0x54: {  	[hbm4b:s15+s1] =	stream.linear.scatter [tilespmem:s3], [sflag:$0x4], $0x8000, $0x38;
	[tilespmem:$0x14500] =	vst v63  }
0x55: {  	_ =	swait.ge [sflag:s6], $0x8000  }
0x56: {  	[sflag:s6] =	ssyncset.done $0x0  }
0x57: {  	[sflag:s6] =	ssyncadd.s32 $0xFFFF8000  }
0x58: {  	_ =	swait.ge [sflag:s8], $0x8000  }
0x59: {  	[sflag:s8] =	ssyncset.done $0x0  }
0x5a: {  	[sflag:s8] =	ssyncadd.s32 $0xFFFF8000  }
.LBB2_11:
0x5b: {  	s10 =	sadd.s32 $0x1, s10  }
0x5c: {  	p1 =	sne.s32 s10, s31  }
.Ltmp1:
0x5d: {  	_ = 	snop;
	(pc) =	sbr.rel @!p1 .LBB2_12-.Ltmp1, $1  }
0x5e: {  	_ =	sdelay $0x3  }
.LBB2_1:
0x5f: {  	[tilespmem:s18], [sflag:$0x5] =	stream.linear.gather [hbm4b:s25+s1], $0x80, $0x38;
	[tilespmem:$0x14500] =	vst v63  }
0x60: {  	_ =	swait.ge [sflag:s0], $0x80  }
0x61: {  	[sflag:s0] =	ssyncset.done $0x0  }
0x62: {  	[sflag:s0] =	ssyncadd.s32 $0xFFFFFF80  }
0x63: {  	[tilespmem:s21], [sflag:$0x5] =	stream.linear.gather [hbm4b:s26+s1], $0x80, $0x38;
	[tilespmem:$0x14500] =	vst v63  }
0x64: {  	_ =	swait.ge [sflag:s0], $0x80  }
0x65: {  	[sflag:s0] =	ssyncset.done $0x0  }
0x66: {  	s11 =	rddreg [dreg:$0x3];
	[sflag:s0] =	ssyncadd.s32 $0xFFFFFF80  }
0x67: {  	[tilespmem:s1], [sflag:$0x5] =	stream.strided.gather [hbm4b:s11+s22], $0x4000, s23, s22, $0x38;
	[tilespmem:$0x14500] =	vst v63  }
0x68: {  	_ =	swait.ge [sflag:s0], $0x4000  }
0x69: {  	[sflag:s0] =	ssyncset.done $0x0  }
0x6a: {  	[sflag:s0] =	ssyncadd.s32 $0xFFFFC000  }
0x6b: {  	v8 =	vld [tilespmem:s1+$0x0]  }
0x6c: {  	v6 =	vld.idx.msk [tilespmem:v0+s18+$0x0], $0xffff  }
0x6d: {  	v7 =	vld.idx.msk [tilespmem:v0+s21+$0x0], $0xffff;
	_ =	sdelay $0x2  }
0x6e: {  	v9 =	vxor.u32 $0x7FFFFFFF, v8;
	vm0 =	vlt.s32 v8, $0x0  }
0x6f: {  	v8 =	vsel vm0, v9, v8;
	v9 =	vor.u32 s1, v4  }
0x70: {  	vm0 =	veq.s32 v8, v6;
	vm1 =	vlt.s32 v9, v7  }
0x71: {  	vm2 =	vgt.s32 v8, v6;
	vm0 =	vmand vm1, vm0  }
0x72: {  	vm0 =	vmor vm2, vm0  }
0x73: {  	v8 =	vsel vm0, $0x1, v5  }
0x74: {  	(xrf0) =	vadd.scan.msk.s32 $0xffff, v8;
	_ =	sdelay $0x5  }
0x75: {  	s12 =	simm.s32 $0x10;
	[tilespmem:s1+$0x4000] =	vst.msk vm0, v9;
	v9, _, _ =	vpop (xrf0)  }
0x76: {  	s13 =	simm.s32 $0x20;
	s14 =	simm.s32 $0x10;
	s11 =	simm.s32 $0x0;
	v8 =	vld [tilespmem:s12+$0x0];
	(v2sf) =	vpush v9, $0xF  }
.LBB2_2:
0x77: {  	p1 =	sne.s32 s13, $0x3FF0;
	_ =	sdelay $0x3  }
0x78: {  	v9 =	vxor.u32 $0x7FFFFFFF, v8;
	vm0 =	vlt.s32 v8, $0x0  }
0x79: {  	v8 =	vsel vm0, v9, v8;
	v9 =	vor.u32 s12, v4;
	s12 =	smov.u32 s13  }
0x7a: {  	vm0 =	veq.s32 v8, v6;
	vm1 =	vlt.s32 v9, v7  }
0x7b: {  	vm2 =	vgt.s32 v8, v6;
	vm0 =	vmand vm1, vm0  }
0x7c: {  	vm0 =	vmor vm2, vm0  }
0x7d: {  	v8 =	vsel vm0, $0x1, v5  }
0x7e: {  	(xrf0) =	vadd.scan.msk.s32 $0xffff, v8;
	_ =	sdelay $0x2  }
.Ltmp2:
0x7f: {  	(pc) =	sbr.rel @p1 .LBB2_2-.Ltmp2, $4  }
0x80: {  	s15 =	spop (v2sf)  }
0x81: {  	s11 =	sadd.s32 s11, s15  }
0x82: {  	s14 =	sadd.s32 $0x10, s14;
	[tilespmem:s11+$0x4000] =	vst.msk vm0, v9;
	v9, _, _ =	vpop (xrf0)  }
0x83: {  	s13 =	sadd.s32 $0x10, s13;
	v8 =	vld [tilespmem:s14+$0x0];
	(v2sf) =	vpush v9, $0xF  }
0x84: {  	_ =	sdelay $0x3  }
0x85: {  	v9 =	vxor.u32 $0x7FFFFFFF, v8;
	vm0 =	vlt.s32 v8, $0x0  }
0x86: {  	v8 =	vsel vm0, v9, v8;
	v9 =	vor.u32 s12, v4  }
0x87: {  	vm0 =	veq.s32 v8, v6;
	vm1 =	vlt.s32 v9, v7  }
0x88: {  	vm2 =	vgt.s32 v8, v6;
	vm0 =	vmand vm1, vm0  }
0x89: {  	vm0 =	vmor vm2, vm0  }
0x8a: {  	v6 =	vsel vm0, $0x1, v5  }
0x8b: {  	(xrf0) =	vadd.scan.msk.s32 $0xffff, v6;
	_ =	sdelay $0x5  }
0x8c: {  	v6, _, _ =	vpop (xrf0)  }
0x8d: {  	(v2sf) =	vpush v6, $0xF;
	_ =	sdelay $0xa  }
0x8e: {  	s15 =	spop (v2sf)  }
0x8f: {  	s11 =	sadd.s32 s11, s15  }
0x90: {  	[tilespmem:s11+$0x4000] =	vst.msk vm0, v9;
	s11 =	rddreg [dreg:$0x4]  }
0x91: {  	[hbm4b:s11+s22] =	stream.strided.scatter [tilespmem:s24], [sflag:$0x5], $0x400, s23, s22, $0x38;
	[tilespmem:$0x14500] =	vst v63  }
0x92: {  	s13 =	spop (v2sf)  }
0x93: {  	_ =	swait.ge [sflag:s0], $0x400  }
0x94: {  	[sflag:s0] =	ssyncset.done $0x0  }
0x95: {  	[sflag:s0] =	ssyncadd.s32 $0xFFFFFC00  }
0x96: {  	[tilespmem:s30], [sflag:$0x1] =	stream.indirect.gather [hbm4b:s28+s29], $0x80, s24, s29, $0xb8;
	[tilespmem:$0x14500] =	vst v63  }
0x97: {  	_ = 	snop  }
0x98: {  	[tilespmem:s3], [sflag:$0x2] =	stream.indirect.gather [hbm4b:s28+s29], $0x80, s2, s29, $0xb8;
	[tilespmem:$0x14500] =	vst v63  }
0x99: {  	_ =	swait.ge [sflag:s4], $0x8000  }
0x9a: {  	[sflag:s4] =	ssyncset.done $0x0  }
0x9b: {  	s11 =	simm.s32 $0x0;
	s14 =	rddreg [dreg:$0x5];
	[sflag:s4] =	ssyncadd.s32 $0xFFFF8000  }
0x9c: {  	[hbm4b:s14+s11] =	stream.linear.scatter [tilespmem:s30], [sflag:$0x3], $0x8000, $0x38;
	[tilespmem:$0x14500] =	vst v63  }
0x9d: {  	_ =	swait.ge [sflag:s5], $0x8000  }
0x9e: {  	[sflag:s5] =	ssyncset.done $0x0  }
0x9f: {  	s15 =	rddreg [dreg:$0x6];
	[sflag:s5] =	ssyncadd.s32 $0xFFFF8000  }
0xa0: {  	[hbm4b:s15+s11] =	stream.linear.scatter [tilespmem:s3], [sflag:$0x4], $0x8000, $0x38;
	[tilespmem:$0x14500] =	vst v63  }
0xa1: {  	_ =	swait.ge [sflag:s6], $0x8000  }
0xa2: {  	[sflag:s6] =	ssyncset.done $0x0  }
0xa3: {  	[sflag:s6] =	ssyncadd.s32 $0xFFFF8000  }
0xa4: {  	[tilespmem:s30], [sflag:$0x1] =	stream.indirect.gather [hbm4b:s28+s29], $0x80, s7, s29, $0xb8;
	[tilespmem:$0x14500] =	vst v63  }
0xa5: {  	_ =	swait.ge [sflag:s8], $0x8000  }
0xa6: {  	[sflag:s8] =	ssyncset.done $0x0  }
0xa7: {  	[sflag:s8] =	ssyncadd.s32 $0xFFFF8000  }
0xa8: {  	[tilespmem:s3], [sflag:$0x2] =	stream.indirect.gather [hbm4b:s28+s29], $0x80, s9, s29, $0xb8;
	[tilespmem:$0x14500] =	vst v63  }
0xa9: {  	_ =	swait.ge [sflag:s4], $0x8000  }
0xaa: {  	[sflag:s4] =	ssyncset.done $0x0  }
0xab: {  	s13 =	rddreg [dreg:$0x7];
	[sflag:s4] =	ssyncadd.s32 $0xFFFF8000  }
0xac: {  	[hbm4b:s13+s11] =	stream.linear.scatter [tilespmem:s30], [sflag:$0x3], $0x8000, $0x38;
	[tilespmem:$0x14500] =	vst v63  }
0xad: {  	_ =	swait.ge [sflag:s5], $0x8000  }
0xae: {  	[sflag:s5] =	ssyncset.done $0x0  }
0xaf: {  	s14 =	rddreg [dreg:$0x8];
	[sflag:s5] =	ssyncadd.s32 $0xFFFF8000  }
0xb0: {  	[hbm4b:s14+s11] =	stream.linear.scatter [tilespmem:s3], [sflag:$0x4], $0x8000, $0x38;
	[tilespmem:$0x14500] =	vst v63  }
0xb1: {  	_ =	swait.ge [sflag:s6], $0x8000  }
0xb2: {  	[sflag:s6] =	ssyncset.done $0x0  }
0xb3: {  	[sflag:s6] =	ssyncadd.s32 $0xFFFF8000  }
0xb4: {  	_ =	swait.ge [sflag:s8], $0x8000  }
0xb5: {  	[sflag:s8] =	ssyncset.done $0x0  }
0xb6: {  	s15 =	rddreg [dreg:$0x9];
	[sflag:s8] =	ssyncadd.s32 $0xFFFF8000  }
0xb7: {  	[tilespmem:s11], [sflag:$0x5] =	stream.strided.gather [hbm4b:s15+s22], $0x4000, s23, s22, $0x38;
	[tilespmem:$0x14500] =	vst v63  }
0xb8: {  	_ =	swait.ge [sflag:s0], $0x4000  }
0xb9: {  	[sflag:s0] =	ssyncset.done $0x0  }
0xba: {  	[sflag:s0] =	ssyncadd.s32 $0xFFFFC000  }
0xbb: {  	v8 =	vld [tilespmem:s11+$0x0]  }
0xbc: {  	v6 =	vld.idx.msk [tilespmem:v1+s18+$0x0], $0xffff  }
0xbd: {  	v7 =	vld.idx.msk [tilespmem:v1+s21+$0x0], $0xffff;
	_ =	sdelay $0x2  }
0xbe: {  	v9 =	vxor.u32 $0x7FFFFFFF, v8;
	vm13 =	vlt.s32 v8, $0x0  }
0xbf: {  	v8 =	vsel vm13, v9, v8;
	v9 =	vor.u32 s11, v4  }
0xc0: {  	vm0 =	veq.s32 v8, v6;
	vm14 =	vlt.s32 v9, v7  }
0xc1: {  	vm15 =	vgt.s32 v8, v6;
	vm0 =	vmand vm14, vm0  }
0xc2: {  	vm0 =	vmor vm15, vm0  }
0xc3: {  	v8 =	vsel vm0, $0x1, v5  }
0xc4: {  	(xrf0) =	vadd.scan.msk.s32 $0xffff, v8;
	_ =	sdelay $0x5  }
0xc5: {  	s12 =	simm.s32 $0x10;
	[tilespmem:s11+$0x4000] =	vst.msk vm0, v9;
	v9, _, _ =	vpop (xrf0)  }
0xc6: {  	s13 =	simm.s32 $0x20;
	s14 =	simm.s32 $0x10;
	v8 =	vld [tilespmem:s12+$0x0];
	(v2sf) =	vpush v9, $0xF  }
.LBB2_4:
0xc7: {  	p1 =	sne.s32 s13, $0x3FF0;
	_ =	sdelay $0x3  }
0xc8: {  	v9 =	vxor.u32 $0x7FFFFFFF, v8;
	vm0 =	vlt.s32 v8, $0x0  }
0xc9: {  	v8 =	vsel vm0, v9, v8;
	v9 =	vor.u32 s12, v4;
	s12 =	smov.u32 s13  }
0xca: {  	vm0 =	veq.s32 v8, v6;
	vm1 =	vlt.s32 v9, v7  }
0xcb: {  	vm2 =	vgt.s32 v8, v6;
	vm0 =	vmand vm1, vm0  }
0xcc: {  	vm0 =	vmor vm2, vm0  }
0xcd: {  	v8 =	vsel vm0, $0x1, v5  }
0xce: {  	(xrf0) =	vadd.scan.msk.s32 $0xffff, v8;
	_ =	sdelay $0x2  }
.Ltmp3:
0xcf: {  	(pc) =	sbr.rel @p1 .LBB2_4-.Ltmp3, $4  }
0xd0: {  	s15 =	spop (v2sf)  }
0xd1: {  	s11 =	sadd.s32 s11, s15  }
0xd2: {  	s14 =	sadd.s32 $0x10, s14;
	[tilespmem:s11+$0x4000] =	vst.msk vm0, v9;
	v9, _, _ =	vpop (xrf0)  }
0xd3: {  	s13 =	sadd.s32 $0x10, s13;
	v8 =	vld [tilespmem:s14+$0x0];
	(v2sf) =	vpush v9, $0xF  }
0xd4: {  	_ =	sdelay $0x3  }
0xd5: {  	v9 =	vxor.u32 $0x7FFFFFFF, v8;
	vm0 =	vlt.s32 v8, $0x0  }
0xd6: {  	v8 =	vsel vm0, v9, v8;
	v9 =	vor.u32 s12, v4  }
0xd7: {  	vm0 =	veq.s32 v8, v6;
	vm1 =	vlt.s32 v9, v7  }
0xd8: {  	vm2 =	vgt.s32 v8, v6;
	vm0 =	vmand vm1, vm0  }
0xd9: {  	vm0 =	vmor vm2, vm0  }
0xda: {  	v6 =	vsel vm0, $0x1, v5  }
0xdb: {  	(xrf0) =	vadd.scan.msk.s32 $0xffff, v6;
	_ =	sdelay $0x5  }
0xdc: {  	v6, _, _ =	vpop (xrf0)  }
0xdd: {  	(v2sf) =	vpush v6, $0xF;
	_ =	sdelay $0xa  }
0xde: {  	s15 =	spop (v2sf)  }
0xdf: {  	s11 =	sadd.s32 s11, s15  }
0xe0: {  	[tilespmem:s11+$0x4000] =	vst.msk vm0, v9;
	s11 =	rddreg [dreg:$0xa]  }
0xe1: {  	[hbm4b:s11+s22] =	stream.strided.scatter [tilespmem:s24], [sflag:$0x5], $0x400, s23, s22, $0x38;
	[tilespmem:$0x14500] =	vst v63  }
0xe2: {  	s13 =	spop (v2sf)  }
0xe3: {  	_ =	swait.ge [sflag:s0], $0x400  }
0xe4: {  	[sflag:s0] =	ssyncset.done $0x0  }
0xe5: {  	[sflag:s0] =	ssyncadd.s32 $0xFFFFFC00  }
0xe6: {  	[tilespmem:s30], [sflag:$0x1] =	stream.indirect.gather [hbm4b:s28+s29], $0x80, s24, s29, $0xb8;
	[tilespmem:$0x14500] =	vst v63  }
0xe7: {  	_ = 	snop  }
0xe8: {  	[tilespmem:s3], [sflag:$0x2] =	stream.indirect.gather [hbm4b:s28+s29], $0x80, s2, s29, $0xb8;
	[tilespmem:$0x14500] =	vst v63  }
0xe9: {  	_ =	swait.ge [sflag:s4], $0x8000  }
0xea: {  	[sflag:s4] =	ssyncset.done $0x0  }
0xeb: {  	s11 =	simm.s32 $0x0;
	s14 =	rddreg [dreg:$0xb];
	[sflag:s4] =	ssyncadd.s32 $0xFFFF8000  }
0xec: {  	[hbm4b:s14+s11] =	stream.linear.scatter [tilespmem:s30], [sflag:$0x3], $0x8000, $0x38;
	[tilespmem:$0x14500] =	vst v63  }
0xed: {  	_ =	swait.ge [sflag:s5], $0x8000  }
0xee: {  	[sflag:s5] =	ssyncset.done $0x0  }
0xef: {  	s15 =	rddreg [dreg:$0xe];
	[sflag:s5] =	ssyncadd.s32 $0xFFFF8000  }
0xf0: {  	[hbm4b:s15+s11] =	stream.linear.scatter [tilespmem:s3], [sflag:$0x4], $0x8000, $0x38;
	[tilespmem:$0x14500] =	vst v63  }
0xf1: {  	_ =	swait.ge [sflag:s6], $0x8000  }
0xf2: {  	[sflag:s6] =	ssyncset.done $0x0  }
0xf3: {  	[sflag:s6] =	ssyncadd.s32 $0xFFFF8000  }
0xf4: {  	[tilespmem:s30], [sflag:$0x1] =	stream.indirect.gather [hbm4b:s28+s29], $0x80, s7, s29, $0xb8;
	[tilespmem:$0x14500] =	vst v63  }
0xf5: {  	_ =	swait.ge [sflag:s8], $0x8000  }
0xf6: {  	[sflag:s8] =	ssyncset.done $0x0  }
0xf7: {  	[sflag:s8] =	ssyncadd.s32 $0xFFFF8000  }
0xf8: {  	[tilespmem:s3], [sflag:$0x2] =	stream.indirect.gather [hbm4b:s28+s29], $0x80, s9, s29, $0xb8;
	[tilespmem:$0x14500] =	vst v63  }
0xf9: {  	_ =	swait.ge [sflag:s4], $0x8000  }
0xfa: {  	[sflag:s4] =	ssyncset.done $0x0  }
0xfb: {  	s13 =	rddreg [dreg:$0xf];
	[sflag:s4] =	ssyncadd.s32 $0xFFFF8000  }
0xfc: {  	[hbm4b:s13+s11] =	stream.linear.scatter [tilespmem:s30], [sflag:$0x3], $0x8000, $0x38;
	[tilespmem:$0x14500] =	vst v63  }
0xfd: {  	_ =	swait.ge [sflag:s5], $0x8000  }
0xfe: {  	[sflag:s5] =	ssyncset.done $0x0  }
0xff: {  	s14 =	rddreg [dreg:$0x10];
	[sflag:s5] =	ssyncadd.s32 $0xFFFF8000  }
0x100: {  	[hbm4b:s14+s11] =	stream.linear.scatter [tilespmem:s3], [sflag:$0x4], $0x8000, $0x38;
	[tilespmem:$0x14500] =	vst v63  }
0x101: {  	_ =	swait.ge [sflag:s6], $0x8000  }
0x102: {  	[sflag:s6] =	ssyncset.done $0x0  }
0x103: {  	[sflag:s6] =	ssyncadd.s32 $0xFFFF8000  }
0x104: {  	_ =	swait.ge [sflag:s8], $0x8000  }
0x105: {  	[sflag:s8] =	ssyncset.done $0x0  }
0x106: {  	s15 =	rddreg [dreg:$0xc];
	[sflag:s8] =	ssyncadd.s32 $0xFFFF8000  }
0x107: {  	[tilespmem:s11], [sflag:$0x5] =	stream.strided.gather [hbm4b:s15+s22], $0x4000, s23, s22, $0x38;
	[tilespmem:$0x14500] =	vst v63  }
0x108: {  	_ =	swait.ge [sflag:s0], $0x4000  }
0x109: {  	[sflag:s0] =	ssyncset.done $0x0  }
0x10a: {  	[sflag:s0] =	ssyncadd.s32 $0xFFFFC000  }
0x10b: {  	v8 =	vld [tilespmem:s11+$0x0]  }
0x10c: {  	v6 =	vld.idx.msk [tilespmem:v2+s18+$0x0], $0xffff  }
0x10d: {  	v7 =	vld.idx.msk [tilespmem:v2+s21+$0x0], $0xffff;
	_ =	sdelay $0x2  }
0x10e: {  	v9 =	vxor.u32 $0x7FFFFFFF, v8;
	vm13 =	vlt.s32 v8, $0x0  }
0x10f: {  	v8 =	vsel vm13, v9, v8;
	v9 =	vor.u32 s11, v4  }
0x110: {  	vm0 =	veq.s32 v8, v6;
	vm14 =	vlt.s32 v9, v7  }
0x111: {  	vm15 =	vgt.s32 v8, v6;
	vm0 =	vmand vm14, vm0  }
0x112: {  	vm0 =	vmor vm15, vm0  }
0x113: {  	v8 =	vsel vm0, $0x1, v5  }
0x114: {  	(xrf0) =	vadd.scan.msk.s32 $0xffff, v8;
	_ =	sdelay $0x5  }
0x115: {  	s12 =	simm.s32 $0x10;
	[tilespmem:s11+$0x4000] =	vst.msk vm0, v9;
	v9, _, _ =	vpop (xrf0)  }
0x116: {  	s13 =	simm.s32 $0x20;
	s14 =	simm.s32 $0x10;
	v8 =	vld [tilespmem:s12+$0x0];
	(v2sf) =	vpush v9, $0xF  }
.LBB2_6:
0x117: {  	p1 =	sne.s32 s13, $0x3FF0;
	_ =	sdelay $0x3  }
0x118: {  	v9 =	vxor.u32 $0x7FFFFFFF, v8;
	vm0 =	vlt.s32 v8, $0x0  }
0x119: {  	v8 =	vsel vm0, v9, v8;
	v9 =	vor.u32 s12, v4;
	s12 =	smov.u32 s13  }
0x11a: {  	vm0 =	veq.s32 v8, v6;
	vm1 =	vlt.s32 v9, v7  }
0x11b: {  	vm2 =	vgt.s32 v8, v6;
	vm0 =	vmand vm1, vm0  }
0x11c: {  	vm0 =	vmor vm2, vm0  }
0x11d: {  	v8 =	vsel vm0, $0x1, v5  }
0x11e: {  	(xrf0) =	vadd.scan.msk.s32 $0xffff, v8;
	_ =	sdelay $0x2  }
.Ltmp4:
0x11f: {  	(pc) =	sbr.rel @p1 .LBB2_6-.Ltmp4, $4  }
0x120: {  	s15 =	spop (v2sf)  }
0x121: {  	s11 =	sadd.s32 s11, s15  }
0x122: {  	s14 =	sadd.s32 $0x10, s14;
	[tilespmem:s11+$0x4000] =	vst.msk vm0, v9;
	v9, _, _ =	vpop (xrf0)  }
0x123: {  	s13 =	sadd.s32 $0x10, s13;
	v8 =	vld [tilespmem:s14+$0x0];
	(v2sf) =	vpush v9, $0xF  }
0x124: {  	_ =	sdelay $0x3  }
0x125: {  	v9 =	vxor.u32 $0x7FFFFFFF, v8;
	vm0 =	vlt.s32 v8, $0x0  }
0x126: {  	v63 =	vor.u32 s12, v4;
	v8 =	vsel vm0, v9, v8  }
0x127: {  	vm1 =	vlt.s32 v63, v7;
	vm0 =	veq.s32 v8, v6  }
0x128: {  	vm2 =	vgt.s32 v8, v6;
	vm0 =	vmand vm1, vm0  }
0x129: {  	vm0 =	vmor vm2, vm0  }
0x12a: {  	v6 =	vsel vm0, $0x1, v5  }
0x12b: {  	(xrf0) =	vadd.scan.msk.s32 $0xffff, v6;
	_ =	sdelay $0x5  }
0x12c: {  	v6, _, _ =	vpop (xrf0)  }
0x12d: {  	(v2sf) =	vpush v6, $0xF;
	_ =	sdelay $0xa  }
0x12e: {  	s14 =	spop (v2sf)  }
0x12f: {  	s11 =	sadd.s32 s11, s14  }
0x130: {  	[tilespmem:s11+$0x4000] =	vst.msk vm0, v63;
	s11 =	rddreg [dreg:$0xd]  }
0x131: {  	[hbm4b:s11+s22] =	stream.strided.scatter [tilespmem:s24], [sflag:$0x5], $0x400, s23, s22, $0x38;
	[tilespmem:$0x14500] =	vst v63  }
0x132: {  	s15 =	spop (v2sf)  }
0x133: {  	_ =	swait.ge [sflag:s0], $0x400  }
0x134: {  	[sflag:s0] =	ssyncset.done $0x0  }
0x135: {  	[sflag:s0] =	ssyncadd.s32 $0xFFFFFC00  }
0x136: {  	[tilespmem:s30], [sflag:$0x1] =	stream.indirect.gather [hbm4b:s28+s29], $0x80, s24, s29, $0xb8;
	[tilespmem:$0x14500] =	vst v63  }
0x137: {  	_ = 	snop  }
0x138: {  	[tilespmem:s3], [sflag:$0x2] =	stream.indirect.gather [hbm4b:s28+s29], $0x80, s2, s29, $0xb8;
	[tilespmem:$0x14500] =	vst v63  }
0x139: {  	_ =	swait.ge [sflag:s4], $0x8000  }
0x13a: {  	[sflag:s4] =	ssyncset.done $0x0  }
0x13b: {  	[sflag:s4] =	ssyncadd.s32 $0xFFFF8000  }
0x13c: {  	[hbm4b:s16+s1] =	stream.linear.scatter [tilespmem:s30], [sflag:$0x3], $0x8000, $0x38;
	[tilespmem:$0x14500] =	vst v63  }
0x13d: {  	_ =	swait.ge [sflag:s5], $0x8000  }
0x13e: {  	[sflag:s5] =	ssyncset.done $0x0  }
0x13f: {  	[sflag:s5] =	ssyncadd.s32 $0xFFFF8000  }
0x140: {  	[hbm4b:s17+s1] =	stream.linear.scatter [tilespmem:s3], [sflag:$0x4], $0x8000, $0x38;
	[tilespmem:$0x14500] =	vst v63  }
0x141: {  	_ =	swait.ge [sflag:s6], $0x8000  }
0x142: {  	[sflag:s6] =	ssyncset.done $0x0  }
0x143: {  	[sflag:s6] =	ssyncadd.s32 $0xFFFF8000  }
0x144: {  	[tilespmem:s30], [sflag:$0x1] =	stream.indirect.gather [hbm4b:s28+s29], $0x80, s7, s29, $0xb8;
	[tilespmem:$0x14500] =	vst v63  }
0x145: {  	_ =	swait.ge [sflag:s8], $0x8000  }
0x146: {  	[sflag:s8] =	ssyncset.done $0x0  }
0x147: {  	[sflag:s8] =	ssyncadd.s32 $0xFFFF8000  }
0x148: {  	[tilespmem:s3], [sflag:$0x2] =	stream.indirect.gather [hbm4b:s28+s29], $0x80, s9, s29, $0xb8;
	[tilespmem:$0x14500] =	vst v63  }
0x149: {  	_ =	swait.ge [sflag:s4], $0x8000  }
0x14a: {  	[sflag:s4] =	ssyncset.done $0x0  }
0x14b: {  	[sflag:s4] =	ssyncadd.s32 $0xFFFF8000  }
0x14c: {  	[hbm4b:s19+s1] =	stream.linear.scatter [tilespmem:s30], [sflag:$0x3], $0x8000, $0x38;
	[tilespmem:$0x14500] =	vst v63  }
0x14d: {  	_ =	swait.ge [sflag:s5], $0x8000  }
0x14e: {  	[sflag:s5] =	ssyncset.done $0x0  }
0x14f: {  	[sflag:s5] =	ssyncadd.s32 $0xFFFF8000  }
0x150: {  	[hbm4b:s20+s1] =	stream.linear.scatter [tilespmem:s3], [sflag:$0x4], $0x8000, $0x38;
	[tilespmem:$0x14500] =	vst v63  }
0x151: {  	_ =	swait.ge [sflag:s6], $0x8000  }
.Ltmp5:
0x152: {  	[sflag:s6] =	ssyncset.done $0x0;
	(pc) =	sbr.rel @p0 .LBB2_11-.Ltmp5, $4  }
0x153: {  	[sflag:s6] =	ssyncadd.s32 $0xFFFF8000  }
0x154: {  	_ =	swait.ge [sflag:s8], $0x8000  }
0x155: {  	[sflag:s8] =	ssyncset.done $0x0  }
0x156: {  	[sflag:s8] =	ssyncadd.s32 $0xFFFF8000  }
0x157: {  	s11 =	simm.s32 $0x0;
	s12 =	rddreg [dreg:$0x15]  }
0x158: {  	[tilespmem:s11], [sflag:$0x5] =	stream.strided.gather [hbm4b:s12+s22], $0x4000, s23, s22, $0x38;
	[tilespmem:$0x14500] =	vst v63  }
0x159: {  	_ =	swait.ge [sflag:s0], $0x4000  }
0x15a: {  	[sflag:s0] =	ssyncset.done $0x0  }
0x15b: {  	[sflag:s0] =	ssyncadd.s32 $0xFFFFC000  }
0x15c: {  	v8 =	vld [tilespmem:s11+$0x0]  }
0x15d: {  	v6 =	vld.idx.msk [tilespmem:v3+s18+$0x0], $0xffff  }
0x15e: {  	v7 =	vld.idx.msk [tilespmem:v3+s21+$0x0], $0xffff;
	_ =	sdelay $0x2  }
0x15f: {  	v9 =	vxor.u32 $0x7FFFFFFF, v8;
	vm0 =	vlt.s32 v8, $0x0  }
0x160: {  	v8 =	vsel vm0, v9, v8;
	v9 =	vor.u32 s11, v4  }
0x161: {  	vm0 =	veq.s32 v8, v6;
	vm1 =	vlt.s32 v9, v7  }
0x162: {  	vm2 =	vgt.s32 v8, v6;
	vm0 =	vmand vm1, vm0  }
0x163: {  	vm0 =	vmor vm2, vm0  }
0x164: {  	v8 =	vsel vm0, $0x1, v5  }
0x165: {  	(xrf0) =	vadd.scan.msk.s32 $0xffff, v8;
	_ =	sdelay $0x5  }
0x166: {  	s12 =	simm.s32 $0x10;
	[tilespmem:s11+$0x4000] =	vst.msk vm0, v9;
	v9, _, _ =	vpop (xrf0)  }
0x167: {  	s13 =	simm.s32 $0x20;
	s14 =	simm.s32 $0x10;
	v8 =	vld [tilespmem:s12+$0x0];
	(v2sf) =	vpush v9, $0xF  }
.LBB2_9:
0x168: {  	p1 =	sne.s32 s13, $0x3FF0;
	_ =	sdelay $0x3  }
0x169: {  	v9 =	vxor.u32 $0x7FFFFFFF, v8;
	vm0 =	vlt.s32 v8, $0x0  }
0x16a: {  	v8 =	vsel vm0, v9, v8;
	v9 =	vor.u32 s12, v4;
	s12 =	smov.u32 s13  }
0x16b: {  	vm0 =	veq.s32 v8, v6;
	vm1 =	vlt.s32 v9, v7  }
0x16c: {  	vm2 =	vgt.s32 v8, v6;
	vm0 =	vmand vm1, vm0  }
0x16d: {  	vm0 =	vmor vm2, vm0  }
0x16e: {  	v8 =	vsel vm0, $0x1, v5  }
0x16f: {  	(xrf0) =	vadd.scan.msk.s32 $0xffff, v8;
	_ =	sdelay $0x2  }
.Ltmp6:
0x170: {  	(pc) =	sbr.rel @p1 .LBB2_9-.Ltmp6, $4  }
0x171: {  	s15 =	spop (v2sf)  }
0x172: {  	s11 =	sadd.s32 s11, s15  }
0x173: {  	s14 =	sadd.s32 $0x10, s14;
	[tilespmem:s11+$0x4000] =	vst.msk vm0, v9;
	v9, _, _ =	vpop (xrf0)  }
0x174: {  	s13 =	sadd.s32 $0x10, s13;
	v8 =	vld [tilespmem:s14+$0x0];
	(v2sf) =	vpush v9, $0xF  }
.Ltmp7:
0x175: {  	_ = 	snop;
	(pc) =	sbr.rel .LBB2_10-.Ltmp7, $1  }
0x176: {  	_ =	sdelay $0x3  }
.LBB2_12:
0x177: {  	_ =	sfence.sel $0x180000  }
0x178: {  	[bflag:$0x0] =	sbarrier.arrive $0xFFFF  }
0x179: {  	_ =	strace $0x9000004A  }
0x17a: {  	s0 =	stileid.u32;
	[bflag:$0x2] =	sbarrier.arrive $0xFFFF  }
0x17b: {  	p0 =	sne.s32 s0, $0x0;
	s0 =	rddreg [dreg:$0x2]  }
0x17c: {  	s0 =	sadd.s32 @!p0 $0x100000, s0  }
0x17d: {  	[sflag:s0] =	ssyncadd.tile.s32 @!p0 $0x1;
	_ =	shalt  }
.Lfunc_end2:
_tile_overlayer_lowered:
.L_overlay_start_2:
0x17e: {  	(tag) =	ssettag $0x2  }
0x17f: {  	s0 =	rddreg [dreg:$0x0];
	s2 =	stileid.u32  }
0x180: {  	s1 =	rddreg [dreg:$0x1];
	p0 =	sne.s32 s2, $0x0  }
0x181: {  	s3 =	rddreg [dreg:$0x2];
	[bflag:$0x3] =	sbarrier.arrive $0xFFFF;
	s2 =	simm.s32 @!p0 $0x1C05  }
0x182: {  	[timem:s3], [sflag:s2] =	dma.local @!p0 [hbm:s0], s1  }
0x183: {  	s0 =	simm.s32 @!p0 $0x5  }
0x184: {  	_ =	swait.ge @!p0 [sflag:s0], s1  }
0x185: {  	s1 =	ssub.s32 @!p0 $0x0, s1;
	[sflag:s0] =	ssyncset.done @!p0 $0x0  }
0x186: {  	[sflag:s0] =	ssyncadd.s32 @!p0 s1  }
0x187: {  	[bflag:$0x3] =	sbarrier.arrive $0xFFFF  }
0x188: {  	_ =	shalt  }

// kernel: kernel.13.cloned.1.call-start
scs
__scs_entry_jumppad:
0x0: {  	(pc) =	sbr.rel $0x88, $3  }
0x1: {  	(tag) =	ssettag $0x0;
	lr =	simm.s32 $0x1  }
0x2: {  	[smem:$0x3F98] =	sst lr;
	_ =	strace $0xD0000000  }
0x3: {  	_ = 	snop  }
0x4: {  	_ = 	snop  }
0x5: {  	_ = 	snop  }
0x6: {  	_ = 	snop  }
0x7: {  	_ = 	snop  }
__scs_overlays_trampoline_lowered:
0x8: {  	[smem:$0x3FA7] =	sst s0  }
0x9: {  	[smem:$0x3FA8] =	sst s1  }
0xa: {  	[smem:$0x3FA9] =	sst s2  }
0xb: {  	[smem:$0x3FAA] =	sst s3  }
0xc: {  	[smem:$0x3FAB] =	sst s4  }
0xd: {  	[smem:$0x3FAC] =	sst s5  }
0xe: {  	[smem:$0x3FAD] =	sst s6  }
0xf: {  	[smem:$0x3FAE] =	sst s7  }
0x10: {  	[smem:$0x3FAF] =	sst s8  }
0x11: {  	[smem:$0x3FB0] =	sst s9;
	s0 =	simm.s32 @!p0 $0x0  }
0x12: {  	s1 =	sld [smem:$0x3F96];
	s0 =	simm.s32 @p0 $0x1  }
0x13: {  	[smem:$0x3FB1] =	sst s0;
	s0 =	simm.s32 @!p1 $0x0  }
0x14: {  	s2 =	sld [smem:$0x3F95];
	s0 =	simm.s32 @p1 $0x1  }
0x15: {  	[smem:$0x3FB2] =	sst s0;
	s0 =	simm.s32 @!p2 $0x0  }
0x16: {  	s3 =	sld [smem:$0x3FDB];
	s0 =	simm.s32 @p2 $0x1  }
0x17: {  	s4 =	simm.s32 $0x1BF5;
	[smem:$0x3FB4] =	sst s0  }
0x18: {  	s0 =	sld [smem:$0x3F97];
	_ =	swait.ge [sflag:s4], $0x0  }
0x19: {  	s7 =	sld [smem:$0x3F98]  }
0x1a: {  	s8 =	sadd.s32 $0xFFFFE003, lr  }
0x1b: {  	s9 =	sadd.s32 $0xFFFFFEF7, lr;
	s5 =	simm.s32 $0xFFFFFFFF;
	p2 =	slt.u32 s8, $0xFFFFF086  }
0x1c: {  	p1 =	slt.u32 s9, $0xF7A;
	s5 =	simm.s32 @!p2 $0x0  }
0x1d: {  	s5 =	simm.s32 @p1 $0x1;
	p0 =	seq.s32 s7, s2  }
0x1e: {  	s7 =	smul.u32 @!p0 $0xF7A, s2;
	p2 =	seq.s32 @!p0 s5, $0x0  }
0x1f: {  	s9 =	smul.u32 $0xF7A, s1;
	s8 =	simm.s32 @!p0 $0x1BF5;
	p2 =	por !p2, p0  }
0x20: {  	[sflag:s8] =	ssyncset.s32 @!p0 $0xFFFFF086;
	s6 =	sadd.s32 @!p0 s3, s7;
	s7 =	simm.s32 @!p0 $0x108  }
0x21: {  	s3 =	sadd.s32 s3, s9;
	s6 =	sadd.s32 @!p0 $0x88, s6;
	s7 =	simm.s32 @p2 $0x1082  }
0x22: {  	[simem:s7], [sflag:s8] =	dma.local @!p0 [hbm:s6], $0xF7A  }
0x23: {  	s9 =	sor.u32 $0xD0000000, s2;
	s6 =	simm.s32 $0x108;
	_ =	swait.ge @!p0 [sflag:s8], $0x0  }
0x24: {  	s3 =	sadd.s32 $0x88, s3;
	s6 =	simm.s32 @!p1 $0x1082;
	[sflag:s4] =	ssyncset.s32 $0xFFFFF086  }
0x25: {  	[simem:s6], [sflag:s4] =	dma.local [hbm:s3], $0xF7A  }
0x26: {  	[smem:$0x3F98] =	sst s1;
	(tag) =	ssettag s2;
	_ =	strace s9  }
0x27: {  	s1 =	sld [smem:$0x3FA8]  }
0x28: {  	s2 =	sld [smem:$0x3FA9]  }
0x29: {  	s4 =	sld [smem:$0x3FAB]  }
0x2a: {  	p0 =	seq.s32 s5, $0x0;
	s5 =	sld [smem:$0x3FAC]  }
0x2b: {  	s6 =	sld [smem:$0x3FAD]  }
0x2c: {  	s7 =	sld [smem:$0x3FAE]  }
0x2d: {  	s3 =	simm.s32 $0x108;
	s8 =	sld [smem:$0x3FAF]  }
0x2e: {  	s3 =	simm.s32 @!p0 $0x1082;
	s9 =	sld [smem:$0x3FB0]  }
0x2f: {  	lr =	sadd.s32 s0, s3;
	s0 =	sld [smem:$0x3FA7]  }
0x30: {  	s3 =	sld [smem:$0x3FAA]  }
0x31: {  	[smem:$0x3FB3] =	sst s10  }
0x32: {  	s10 =	sld [smem:$0x3FB1];
	_ =	sdelay $0x3  }
0x33: {  	p0 =	seq.s32 s10, $0x1;
	s10 =	sld [smem:$0x3FB3];
	_ =	sdelay $0x3  }
0x34: {  	[smem:$0x3FB3] =	sst s10  }
0x35: {  	s10 =	sld [smem:$0x3FB2];
	_ =	sdelay $0x3  }
0x36: {  	p1 =	seq.s32 s10, $0x1;
	s10 =	sld [smem:$0x3FB3];
	_ =	sdelay $0x3  }
0x37: {  	[smem:$0x3FB3] =	sst s10  }
0x38: {  	s10 =	sld [smem:$0x3FB4]  }
0x39: {  	_ = 	snop;
	(pc) =	sbr.ind lr, $3  }
0x3a: {  	_ = 	snop  }
0x3b: {  	_ = 	snop  }
0x3c: {  	p2 =	seq.s32 s10, $0x1;
	s10 =	sld [smem:$0x3FB3]  }
0x3d: {  	_ =	shalt  }
0x3e: {  	_ =	shalt  }
0x3f: {  	_ =	shalt  }
0x40: {  	_ =	shalt  }
0x41: {  	_ =	shalt  }
0x42: {  	_ =	shalt  }
0x43: {  	_ =	shalt  }
0x44: {  	_ =	shalt  }
0x45: {  	_ =	shalt  }
0x46: {  	_ =	shalt  }
0x47: {  	_ =	shalt  }
0x48: {  	_ =	shalt  }
0x49: {  	_ =	shalt  }
0x4a: {  	_ =	shalt  }
0x4b: {  	_ =	shalt  }
0x4c: {  	_ =	shalt  }
0x4d: {  	_ =	shalt  }
0x4e: {  	_ =	shalt  }
0x4f: {  	_ =	shalt  }
0x50: {  	_ =	shalt  }
0x51: {  	_ =	shalt  }
0x52: {  	_ =	shalt  }
0x53: {  	_ =	shalt  }
0x54: {  	_ =	shalt  }
0x55: {  	_ =	shalt  }
0x56: {  	_ =	shalt  }
0x57: {  	_ =	shalt  }
0x58: {  	_ =	shalt  }
0x59: {  	_ =	shalt  }
0x5a: {  	_ =	shalt  }
0x5b: {  	_ =	shalt  }
0x5c: {  	_ =	shalt  }
0x5d: {  	_ =	shalt  }
0x5e: {  	_ =	shalt  }
0x5f: {  	_ =	shalt  }
0x60: {  	_ =	shalt  }
0x61: {  	_ =	shalt  }
0x62: {  	_ =	shalt  }
0x63: {  	_ =	shalt  }
0x64: {  	_ =	shalt  }
0x65: {  	_ =	shalt  }
0x66: {  	_ =	shalt  }
0x67: {  	_ =	shalt  }
0x68: {  	_ =	shalt  }
0x69: {  	_ =	shalt  }
0x6a: {  	_ =	shalt  }
0x6b: {  	_ =	shalt  }
0x6c: {  	_ =	shalt  }
0x6d: {  	_ =	shalt  }
0x6e: {  	_ =	shalt  }
0x6f: {  	_ =	shalt  }
0x70: {  	_ =	shalt  }
0x71: {  	_ =	shalt  }
0x72: {  	_ =	shalt  }
0x73: {  	_ =	shalt  }
0x74: {  	_ =	shalt  }
0x75: {  	_ =	shalt  }
0x76: {  	_ =	shalt  }
0x77: {  	_ =	shalt  }
0x78: {  	_ =	shalt  }
0x79: {  	_ =	shalt  }
0x7a: {  	_ =	shalt  }
0x7b: {  	_ =	shalt  }
0x7c: {  	_ =	shalt  }
0x7d: {  	_ =	shalt  }
0x7e: {  	_ =	shalt  }
0x7f: {  	_ =	shalt  }
0x80: {  	_ =	shalt  }
0x81: {  	_ =	shalt  }
0x82: {  	_ =	shalt  }
0x83: {  	_ =	shalt  }
0x84: {  	_ =	shalt  }
0x85: {  	_ =	shalt  }
0x86: {  	_ =	shalt  }
0x87: {  	_ =	shalt  }
.Lfunc_end0:
.L_simem_size_0:
called_computation.1_lowered:
.L_overlay_start_0:
0x88: {  	s2 =	sld [smem:$0x3FD9]  }
0x89: {  	s3 =	sld [smem:$0x3FFE];
	_ =	sdelay $0x1  }
0x8a: {  	s1 =	srdreg.scid  }
0x8b: {  	s0 =	sand.u32 $0x1, s1  }
0x8c: {  	s17 =	sshll.u32 s0, $0xA;
	s2 =	sadd.s32 s3, s2  }
0x8d: {  	s2 =	sadd.s32 s2, s17  }
0x8e: {  	[smem:$0x3FBF] =	sst s2  }
0x8f: {  	_ = 	snop  }
0x90: {  	s2 =	sld [smem:$0x3FD0];
	(tm) =	ssettm $0x1  }
0x91: {  	s18 =	sld [smem:$0x3FFB];
	_ =	sdelay $0x3  }
0x92: {  	_ =	strace s18  }
0x93: {  	s3 =	sld [smem:$0x3FFC];
	_ =	sdelay $0x3  }
0x94: {  	_ =	strace s3  }
0x95: {  	s3 =	sld [smem:$0x3FFD];
	_ =	sdelay $0x3  }
0x96: {  	_ =	strace s3  }
0x97: {  	_ =	strace $0x8FFFFFFF  }
0x98: {  	s19 =	sld [smem:$0x3FDB];
	_ =	sdelay $0x1  }
0x99: {  	s4 =	simm.s32 $_scs_section_size  }
0x9a: {  	s5 =	simm.s32 $_size__tile_overlayer_lowered;
	s6 =	simm.s32 $_tile_overlayer_lowered  }
0x9b: {  	s22 =	simm.s32 $0x1BFF;
	s21 =	sshll.u32 s6, $0x1;
	s3 =	sadd.s32 s4, s19  }
0x9c: {  	s7 =	simm.s32 $0x0;
	s20 =	sshll.u32 s5, $0x1;
	s5 =	sadd.s32 s21, s3  }
0x9d: {  	[timem:s7], [sflag:s22] =	dma.local [hbm:s5], s20  }
0x9e: {  	_ =	swait.ge [sflag:s22], s20  }
0x9f: {  	s4 =	ssub.s32 $0x0, s20;
	[sflag:s22] =	ssyncset.done $0x0  }
0xa0: {  	[sflag:s22] =	ssyncadd.s32 s4;
	_ =	sdelay $0x1  }
0xa1: {  	s23 =	simm.s32 $0x1B8B  }
0xa2: {  	_ =	swait.ge [sflag:s23], $0x1  }
0xa3: {  	[sflag:s23] =	ssyncset.done $0x0  }
0xa4: {  	s25 =	simm.s32 $0x1B8E;
	s24 =	sld [smem:$0x3FFE];
	[sflag:s23] =	ssyncadd.s32 $0xFFFFFFFF  }
0xa5: {  	s26 =	simm.s32 $execute0_lowered;
	[smem:$0x3FD2] =	sst s25  }
0xa6: {  	s5 =	sshll.u32 s26, $0x1;
	_ =	strace $0x80000046;
	[dreg:$0x1] =	wrdreg $0xFFFFFFFF  }
0xa7: {  	s28 =	simm.s32 $_size_execute0_lowered;
	s3 =	sadd.s32 s3, s5;
	[dreg:$0x0] =	wrdreg $0x0  }
0xa8: {  	s5 =	sshll.u32 s28, $0x1;
	[dreg:$0x2] =	wrdreg s3  }
0xa9: {  	[dreg:$0x3] =	wrdreg s5  }
0xaa: {  	[dreg:$0x4] =	wrdreg $0xC0  }
0xab: {  	_ =	task [dreg:s7], $0x5FFFF  }
0xac: {  	[dreg:$0x1] =	wrdreg $0xFFFFFFFF  }
0xad: {  	[dreg:$0x0] =	wrdreg $0x60  }
0xae: {  	[dreg:$0x2] =	wrdreg s2  }
0xaf: {  	[dreg:$0x3] =	wrdreg s24  }
0xb0: {  	[dreg:$0x4] =	wrdreg $0xA  }
0xb1: {  	_ =	task.clear_ibuf [dreg:s7], $0x5FFFF;
	_ =	strace $0x90000046  }
0xb2: {  	s29 =	simm.s32 $0xA;
	_ =	strace $0x80000048  }
0xb3: {  	_ =	swait.ge [sflag:s29], $0x1  }
0xb4: {  	[sflag:s29] =	ssyncadd.s32 $0xFFFFFFFF  }
0xb5: {  	_ =	strace $0x90000048  }
0xb6: {  	_ =	sfence  }
0xb7: {  	s30 =	sld [smem:$0x0];
	_ =	sdelay $0x2  }
0xb8: {  	s31 =	sshll.u32 s1, $0xD;
	s1 =	sshrl.u32 s1, $0x2  }
0xb9: {  	s3 =	sand.u32 $0x4000, s31;
	s1 =	sadd.s32 s1, s30  }
0xba: {  	s0 =	sor.u32 s3, s0;
	s1 =	sshll.u32 s1, $0x11  }
0xbb: {  	s0 =	sor.u32 s1, s0  }
0xbc: {  	s0 =	sadd.s32 $0x8F2B, s0  }
0xbd: {  	[sflag:s0] =	ssyncadd.remote.s32 $0x1  }
0xbe: {  	_ =	sfence.sel $0xFFFF  }
0xbf: {  	[dreg:$0x0] =	wrdreg $0xFFFFFFFF;
	(pc) =	sbr.abs _section_cstart, $3  }
0xc0: {  	[dreg:$0x1] =	wrdreg $0xFFFFFFFF  }
0xc1: {  	_ =	task.clear_ibuf [dreg:s7], $0x2FFFF;
	_ =	strace $0x9FFFFFFF  }
0xc2: {  	(tm) =	ssettm $0x7FFFFFFF  }
0xc3: {  	_ =	shalt  }
tec
execute0_lowered:
.L_overlay_start_1:
0x0: {  	(tag) =	ssettag $0x1  }
0x1: {  	s3 =	rddreg [dreg:$0x0]  }
0x2: {  	s0 =	rddreg [dreg:$0x1];
	s1 =	simm.s32 $0x0  }
0x3: {  	s2 =	srdreg.scid;
	s16 =	stileid.u32;
	s31 =	simm.s32 $0x14580  }
0x4: {  	[smem:$0x7FF] =	sst s1;
	s4 =	sadd.s32 $0x206600, s0;
	s2 =	sand.u32 $0x1, s2  }
0x5: {  	s5 =	sshll.u32 s16, $0x1;
	s6 =	sadd.s32 $0x76600, s0;
	s11 =	sshrl.u32 s16, $0x2  }
0x6: {  	s28 =	sadd.s32 $0x76200, s0;
	s29 =	sadd.s32 $0x76400, s0;
	s30 =	sadd.s32 $0x1E00, s0  }
0x7: {  	p0 =	sgt.u32 s16, $0x1;
	s7 =	ssub.s32 $0x2, s2;
	s9 =	sor.u32 s2, s5  }
0x8: {  	s10 =	sshll.u32 s11, $0x11;
	s5 =	sshll.u32 s11, $0xD;
	s26 =	sshrl.u32 s7, $0x1  }
0x9: {  	s8 =	sshll.u32 s9, $0x7;
	s11 =	sshll.u32 s9, $0xE;
	s22 =	sshll.u32 s9, $0x4  }
0xa: {  	s8 =	sand.u32 $0x380, s8;
	s2 =	ssub.s32 s7, s26;
	s13 =	sadd.s32 s6, s11  }
0xb: {  	s12 =	sor.u32 s10, s8;
	s5 =	sor.u32 s5, s8;
	[dreg:$0x5] =	wrdreg s13  }
0xc: {  	s10 =	sor.u32 $0x20, s9;
	s13 =	sadd.s32 $0x79600, s0;
	s7 =	sshrl.u32 s12, $0x3  }
0xd: {  	s5 =	sshrl.u32 s5, $0x3;
	s15 =	sshrl.u32 s10, $0x3;
	s7 =	sadd.s32 s3, s7  }
0xe: {  	s20 =	sshll.u32 s10, $0xE;
	s5 =	sadd.s32 s4, s5;
	[dreg:$0x3] =	wrdreg s7  }
0xf: {  	s25 =	sadd.s32 s20, s13;
	[dreg:$0x4] =	wrdreg s5;
	s5 =	sadd.s32 $0x77600, s0  }
0x10: {  	s7 =	sadd.s32 $0x78600, s0;
	[dreg:$0x10] =	wrdreg s25;
	s12 =	sadd.s32 s11, s5  }
0x11: {  	v1 =	vmov s10;
	s10 =	simm.s32 $0x3;
	s14 =	sadd.s32 s11, s7;
	[dreg:$0x6] =	wrdreg s12  }
0x12: {  	s25 =	sadd.s32 $0x75E00, s0;
	s11 =	sadd.s32 s11, s13;
	[dreg:$0x7] =	wrdreg s14  }
0x13: {  	s23 =	sadd.s32 s20, s5;
	s24 =	sadd.s32 s20, s7;
	[dreg:$0x8] =	wrdreg s11  }
0x14: {  	s14 =	sshll.u32 s15, $0x11;
	s12 =	sshll.u32 s15, $0xD;
	[dreg:$0xe] =	wrdreg s23  }
0x15: {  	[dreg:$0xf] =	wrdreg s24;
	s17 =	sor.u32 s8, s14;
	s12 =	sor.u32 s8, s12  }
0x16: {  	s14 =	sor.u32 $0x40, s9;
	s11 =	sshrl.u32 s17, $0x3;
	s12 =	sshrl.u32 s12, $0x3  }
0x17: {  	s19 =	sshrl.u32 s14, $0x3;
	s17 =	sadd.s32 s6, s20;
	s26 =	sshll.u32 s14, $0xE  }
0x18: {  	v2 =	vmov s14;
	s14 =	simm.s32 $0x0;
	s11 =	sadd.s32 s3, s11;
	s18 =	sadd.s32 s4, s12  }
0x19: {  	s15 =	sshll.u32 s19, $0x11;
	[dreg:$0xb] =	wrdreg s17;
	s12 =	sor.u32 $0x60, s9  }
0x1a: {  	s17 =	sadd.s32 s6, s26;
	s20 =	sadd.s32 s26, s7;
	[dreg:$0x9] =	wrdreg s11  }
0x1b: {  	v0 =	vmov s9;
	s9 =	simm.s32 $0x2;
	[dreg:$0xa] =	wrdreg s18;
	s11 =	sshll.u32 s19, $0xD  }
0x1c: {  	s15 =	sor.u32 s8, s15;
	[dreg:$0x11] =	wrdreg s17;
	s18 =	sadd.s32 s26, s5  }
0x1d: {  	s19 =	sshll.u32 s12, $0xE;
	[dreg:$0x13] =	wrdreg s20;
	v3 =	vmov s12;
	s12 =	simm.s32 $0x4  }
0x1e: {  	s8 =	sor.u32 s8, s11;
	s21 =	sshrl.u32 s15, $0x3;
	[dreg:$0x12] =	wrdreg s18  }
0x1f: {  	s6 =	sadd.s32 s6, s19;
	s5 =	sadd.s32 s19, s5;
	s18 =	simm.s32 $0x80  }
0x20: {  	s8 =	sshrl.u32 s8, $0x3;
	s11 =	sadd.s32 s3, s21;
	[dreg:$0x15] =	wrdreg s6  }
0x21: {  	s3 =	sadd.s32 s22, s3;
	[dreg:$0x16] =	wrdreg s5;
	s21 =	sadd.s32 s19, s7  }
0x22: {  	s5 =	simm.s32 $0x4400;
	s6 =	simm.s32 $0x4100;
	s7 =	simm.s32 $0xC400  }
0x23: {  	[dreg:$0xc] =	wrdreg s11;
	s8 =	sadd.s32 s4, s8;
	s4 =	sadd.s32 s22, s4  }
0x24: {  	[dreg:$0x17] =	wrdreg s21;
	s22 =	sadd.s32 s19, s13;
	s23 =	sadd.s32 $0x30000, s3  }
0x25: {  	s21 =	simm.s32 $0x14400;
	s3 =	simm.s32 $0x4000;
	[dreg:$0xd] =	wrdreg s8  }
0x26: {  	s11 =	simm.s32 $0x4200;
	s8 =	sadd.s32 s26, s13;
	[dreg:$0x18] =	wrdreg s22  }
.Ltmp0:
0x27: {  	s26 =	sadd.s32 $0x76000, s0;
	s24 =	sadd.s32 $0x3000, s4;
	(pc) =	sbr.rel .LBB2_1-.Ltmp0, $4  }
0x28: {  	s0 =	smax.u32 s2, $0x1;
	s22 =	simm.s32 $0x5;
	s2 =	simm.s32 $0x400  }
0x29: {  	s4 =	simm.s32 $0x100;
	s13 =	simm.s32 $0x4300;
	[dreg:$0x14] =	wrdreg s8  }
0x2a: {  	s8 =	simm.s32 $0x1;
	_ =	strace $0x80000047;
	[dreg:$0x19] =	wrdreg s23  }
0x2b: {  	v4 =	vlaneseq.u32;
	v5 =	vimm.s32 $0x0;
	[dreg:$0x1a] =	wrdreg s24;
	s23 =	simm.s32 $0x14480;
	s24 =	simm.s32 $0x14500  }
.LBB2_10:
0x2c: {  	v11 =	vxor.u32 $0x7FFFFFFF, v10;
	vm0 =	vlt.s32 v10, $0x0;
	v12 =	vor.u32 s16, v4  }
0x2d: {  	v10 =	vsel vm0, v11, v10;
	vm14 =	vge.s32 v12, v8;
	vm1 =	vlt.s32 v12, v9  }
0x2e: {  	vm2 =	vle.s32 v10, v6;
	vm3 =	vne.s32 v10, v6;
	vm4 =	veq.s32 v10, v7  }
0x2f: {  	vm15 =	vgt.s32 v10, v7;
	vm0 =	vmor vm14, vm3;
	vm1 =	vmand vm1, vm4  }
0x30: {  	vm0 =	vmand vm2, vm0;
	vm1 =	vmor vm15, vm1  }
0x31: {  	vm0 =	vmand vm1, vm0  }
0x32: {  	v6 =	vsel vm0, $0x1, v5  }
0x33: {  	(xrf0) =	vadd.scan.msk.s32 $0xffff, v6;
	_ =	sdelay $0x5  }
0x34: {  	v6, _, _ =	vpop (xrf0)  }
0x35: {  	(v2sf) =	vpush v6, $0xF;
	_ =	sdelay $0xa  }
0x36: {  	s19 =	spop (v2sf)  }
0x37: {  	s15 =	sadd.s32 s15, s19  }
0x38: {  	[tilespmem:s15+$0x4000] =	vst.msk vm0, v12;
	s15 =	rddreg [dreg:$0x1a]  }
0x39: {  	[hbm4b:s15+s18] =	stream.strided.scatter [tilespmem:s3], [sflag:$0x5], $0x400, s2, s18, $0x38;
	[tilespmem:$0x14600] =	vst v63  }
0x3a: {  	s20 =	spop (v2sf)  }
0x3b: {  	_ =	swait.ge [sflag:s22], $0x400  }
0x3c: {  	[sflag:s22] =	ssyncset.done $0x0  }
0x3d: {  	[sflag:s22] =	ssyncadd.s32 $0xFFFFFC00  }
0x3e: {  	[tilespmem:s5], [sflag:$0x1] =	stream.indirect.gather [hbm4b:s30+s4], $0x80, s3, s4, $0xb8;
	[tilespmem:$0x14600] =	vst v63  }
0x3f: {  	_ = 	snop  }
0x40: {  	[tilespmem:s7], [sflag:$0x2] =	stream.indirect.gather [hbm4b:s30+s4], $0x80, s6, s4, $0xb8;
	[tilespmem:$0x14600] =	vst v63  }
0x41: {  	_ =	swait.ge [sflag:s8], $0x8000  }
0x42: {  	[sflag:s8] =	ssyncset.done $0x0  }
0x43: {  	s16 =	rddreg [dreg:$0x15];
	[sflag:s8] =	ssyncadd.s32 $0xFFFF8000  }
0x44: {  	[hbm4b:s16+s1] =	stream.linear.scatter [tilespmem:s5], [sflag:$0x3], $0x8000, $0x38;
	[tilespmem:$0x14600] =	vst v63  }
0x45: {  	_ =	swait.ge [sflag:s9], $0x8000  }
0x46: {  	[sflag:s9] =	ssyncset.done $0x0  }
0x47: {  	s17 =	rddreg [dreg:$0x16];
	[sflag:s9] =	ssyncadd.s32 $0xFFFF8000  }
0x48: {  	[hbm4b:s17+s1] =	stream.linear.scatter [tilespmem:s7], [sflag:$0x4], $0x8000, $0x38;
	[tilespmem:$0x14600] =	vst v63  }
0x49: {  	_ =	swait.ge [sflag:s10], $0x8000  }
0x4a: {  	[sflag:s10] =	ssyncset.done $0x0  }
0x4b: {  	[sflag:s10] =	ssyncadd.s32 $0xFFFF8000  }
0x4c: {  	[tilespmem:s5], [sflag:$0x1] =	stream.indirect.gather [hbm4b:s30+s4], $0x80, s11, s4, $0xb8;
	[tilespmem:$0x14600] =	vst v63  }
0x4d: {  	_ =	swait.ge [sflag:s12], $0x8000  }
0x4e: {  	[sflag:s12] =	ssyncset.done $0x0  }
0x4f: {  	[sflag:s12] =	ssyncadd.s32 $0xFFFF8000  }
0x50: {  	[tilespmem:s7], [sflag:$0x2] =	stream.indirect.gather [hbm4b:s30+s4], $0x80, s13, s4, $0xb8;
	[tilespmem:$0x14600] =	vst v63  }
0x51: {  	_ =	swait.ge [sflag:s8], $0x8000  }
0x52: {  	[sflag:s8] =	ssyncset.done $0x0  }
0x53: {  	s19 =	rddreg [dreg:$0x17];
	[sflag:s8] =	ssyncadd.s32 $0xFFFF8000  }
0x54: {  	[hbm4b:s19+s1] =	stream.linear.scatter [tilespmem:s5], [sflag:$0x3], $0x8000, $0x38;
	[tilespmem:$0x14600] =	vst v63  }
0x55: {  	_ =	swait.ge [sflag:s9], $0x8000  }
0x56: {  	[sflag:s9] =	ssyncset.done $0x0  }
0x57: {  	s20 =	rddreg [dreg:$0x18];
	[sflag:s9] =	ssyncadd.s32 $0xFFFF8000  }
0x58: {  	[hbm4b:s20+s1] =	stream.linear.scatter [tilespmem:s7], [sflag:$0x4], $0x8000, $0x38;
	[tilespmem:$0x14600] =	vst v63  }
0x59: {  	_ =	swait.ge [sflag:s10], $0x8000  }
0x5a: {  	[sflag:s10] =	ssyncset.done $0x0  }
0x5b: {  	[sflag:s10] =	ssyncadd.s32 $0xFFFF8000  }
0x5c: {  	_ =	swait.ge [sflag:s12], $0x8000  }
0x5d: {  	[sflag:s12] =	ssyncset.done $0x0  }
0x5e: {  	[sflag:s12] =	ssyncadd.s32 $0xFFFF8000  }
.LBB2_11:
0x5f: {  	s14 =	sadd.s32 $0x1, s14  }
0x60: {  	p1 =	sne.s32 s14, s0  }
.Ltmp1:
0x61: {  	_ = 	snop;
	(pc) =	sbr.rel @!p1 .LBB2_12-.Ltmp1, $1  }
0x62: {  	_ =	sdelay $0x3  }
.LBB2_1:
0x63: {  	[tilespmem:s21], [sflag:$0x5] =	stream.linear.gather [hbm4b:s25+s1], $0x80, $0x38;
	[tilespmem:$0x14600] =	vst v63  }
0x64: {  	_ =	swait.ge [sflag:s22], $0x80  }
0x65: {  	[sflag:s22] =	ssyncset.done $0x0  }
0x66: {  	[sflag:s22] =	ssyncadd.s32 $0xFFFFFF80  }
0x67: {  	[tilespmem:s23], [sflag:$0x5] =	stream.linear.gather [hbm4b:s26+s1], $0x80, $0x38;
	[tilespmem:$0x14600] =	vst v63  }
0x68: {  	_ =	swait.ge [sflag:s22], $0x80  }
0x69: {  	[sflag:s22] =	ssyncset.done $0x0  }
0x6a: {  	[sflag:s22] =	ssyncadd.s32 $0xFFFFFF80  }
0x6b: {  	[tilespmem:s24], [sflag:$0x5] =	stream.linear.gather [hbm4b:s28+s1], $0x80, $0x38;
	[tilespmem:$0x14600] =	vst v63  }
0x6c: {  	_ =	swait.ge [sflag:s22], $0x80  }
0x6d: {  	[sflag:s22] =	ssyncset.done $0x0  }
0x6e: {  	[sflag:s22] =	ssyncadd.s32 $0xFFFFFF80  }
0x6f: {  	[tilespmem:s31], [sflag:$0x5] =	stream.linear.gather [hbm4b:s29+s1], $0x80, $0x38;
	[tilespmem:$0x14600] =	vst v63  }
0x70: {  	_ =	swait.ge [sflag:s22], $0x80  }
0x71: {  	[sflag:s22] =	ssyncset.done $0x0  }
0x72: {  	s15 =	rddreg [dreg:$0x3];
	[sflag:s22] =	ssyncadd.s32 $0xFFFFFF80  }
0x73: {  	[tilespmem:s1], [sflag:$0x5] =	stream.strided.gather [hbm4b:s15+s18], $0x4000, s2, s18, $0x38;
	[tilespmem:$0x14600] =	vst v63  }
0x74: {  	_ =	swait.ge [sflag:s22], $0x4000  }
0x75: {  	[sflag:s22] =	ssyncset.done $0x0  }
0x76: {  	[sflag:s22] =	ssyncadd.s32 $0xFFFFC000  }
0x77: {  	v6 =	vld.idx.msk [tilespmem:v0+s21+$0x0], $0xffff  }
0x78: {  	v8 =	vld.idx.msk [tilespmem:v0+s23+$0x0], $0xffff  }
0x79: {  	v10 =	vld [tilespmem:s1+$0x0]  }
0x7a: {  	v9 =	vld.idx.msk [tilespmem:v0+s31+$0x0], $0xffff  }
0x7b: {  	v7 =	vld.idx.msk [tilespmem:v0+s24+$0x0], $0xffff;
	_ =	sdelay $0x2  }
0x7c: {  	v12 =	vor.u32 s1, v4;
	v11 =	vxor.u32 $0x7FFFFFFF, v10;
	vm0 =	vlt.s32 v10, $0x0  }
0x7d: {  	vm14 =	vge.s32 v12, v8;
	vm1 =	vlt.s32 v12, v9;
	v10 =	vsel vm0, v11, v10  }
0x7e: {  	vm2 =	vle.s32 v10, v6;
	vm3 =	vne.s32 v10, v6;
	vm4 =	veq.s32 v10, v7  }
0x7f: {  	vm15 =	vgt.s32 v10, v7;
	vm0 =	vmor vm14, vm3;
	vm1 =	vmand vm1, vm4  }
0x80: {  	vm0 =	vmand vm2, vm0;
	vm1 =	vmor vm15, vm1  }
0x81: {  	vm0 =	vmand vm1, vm0  }
0x82: {  	v10 =	vsel vm0, $0x1, v5  }
0x83: {  	(xrf0) =	vadd.scan.msk.s32 $0xffff, v10;
	_ =	sdelay $0x5  }
0x84: {  	s16 =	simm.s32 $0x10;
	[tilespmem:s1+$0x4000] =	vst.msk vm0, v12;
	v11, _, _ =	vpop (xrf0)  }
0x85: {  	s17 =	simm.s32 $0x20;
	s19 =	simm.s32 $0x10;
	s15 =	simm.s32 $0x0;
	v10 =	vld [tilespmem:s16+$0x0];
	(v2sf) =	vpush v11, $0xF  }
.LBB2_2:
0x86: {  	p1 =	sne.s32 s17, $0x3FF0;
	_ =	sdelay $0x3  }
0x87: {  	v12 =	vor.u32 s16, v4;
	s16 =	smov.u32 s17;
	v11 =	vxor.u32 $0x7FFFFFFF, v10;
	vm0 =	vlt.s32 v10, $0x0  }
0x88: {  	vm1 =	vlt.s32 v12, v9;
	v10 =	vsel vm0, v11, v10;
	vm0 =	vge.s32 v12, v8  }
0x89: {  	vm2 =	vle.s32 v10, v6;
	vm3 =	vne.s32 v10, v6;
	vm4 =	veq.s32 v10, v7  }
0x8a: {  	vm0 =	vmor vm0, vm3;
	vm3 =	vgt.s32 v10, v7;
	vm1 =	vmand vm1, vm4  }
0x8b: {  	vm0 =	vmand vm2, vm0;
	vm1 =	vmor vm3, vm1  }
0x8c: {  	vm0 =	vmand vm1, vm0  }
0x8d: {  	v10 =	vsel vm0, $0x1, v5  }
0x8e: {  	(xrf0) =	vadd.scan.msk.s32 $0xffff, v10;
	_ =	sdelay $0x2  }
.Ltmp2:
0x8f: {  	s20 =	spop (v2sf);
	(pc) =	sbr.rel @p1 .LBB2_2-.Ltmp2, $4  }
0x90: {  	s15 =	sadd.s32 s15, s20  }
0x91: {  	[tilespmem:s15+$0x4000] =	vst.msk vm0, v12  }
0x92: {  	s19 =	sadd.s32 $0x10, s19;
	v11, _, _ =	vpop (xrf0)  }
0x93: {  	s17 =	sadd.s32 $0x10, s17;
	v10 =	vld [tilespmem:s19+$0x0];
	(v2sf) =	vpush v11, $0xF  }
0x94: {  	_ =	sdelay $0x3  }
0x95: {  	v12 =	vor.u32 s16, v4;
	v11 =	vxor.u32 $0x7FFFFFFF, v10;
	vm0 =	vlt.s32 v10, $0x0  }
0x96: {  	vm15 =	vge.s32 v12, v8;
	vm1 =	vlt.s32 v12, v9;
	v10 =	vsel vm0, v11, v10  }
0x97: {  	vm2 =	vle.s32 v10, v6;
	vm3 =	vne.s32 v10, v6;
	vm4 =	veq.s32 v10, v7  }
0x98: {  	vm8 =	vgt.s32 v10, v7;
	vm0 =	vmor vm15, vm3;
	vm1 =	vmand vm1, vm4  }
0x99: {  	vm0 =	vmand vm2, vm0;
	vm1 =	vmor vm8, vm1  }
0x9a: {  	vm0 =	vmand vm1, vm0  }
0x9b: {  	v6 =	vsel vm0, $0x1, v5  }
0x9c: {  	(xrf0) =	vadd.scan.msk.s32 $0xffff, v6;
	_ =	sdelay $0x5  }
0x9d: {  	v6, _, _ =	vpop (xrf0)  }
0x9e: {  	(v2sf) =	vpush v6, $0xF;
	_ =	sdelay $0xa  }
0x9f: {  	s20 =	spop (v2sf)  }
0xa0: {  	s15 =	sadd.s32 s15, s20  }
0xa1: {  	[tilespmem:s15+$0x4000] =	vst.msk vm0, v12;
	s15 =	rddreg [dreg:$0x4]  }
0xa2: {  	[hbm4b:s15+s18] =	stream.strided.scatter [tilespmem:s3], [sflag:$0x5], $0x400, s2, s18, $0x38;
	[tilespmem:$0x14600] =	vst v63  }
0xa3: {  	s17 =	spop (v2sf)  }
0xa4: {  	_ =	swait.ge [sflag:s22], $0x400  }
0xa5: {  	[sflag:s22] =	ssyncset.done $0x0  }
0xa6: {  	[sflag:s22] =	ssyncadd.s32 $0xFFFFFC00  }
0xa7: {  	[tilespmem:s5], [sflag:$0x1] =	stream.indirect.gather [hbm4b:s30+s4], $0x80, s3, s4, $0xb8;
	[tilespmem:$0x14600] =	vst v63  }
0xa8: {  	_ = 	snop  }
0xa9: {  	[tilespmem:s7], [sflag:$0x2] =	stream.indirect.gather [hbm4b:s30+s4], $0x80, s6, s4, $0xb8;
	[tilespmem:$0x14600] =	vst v63  }
0xaa: {  	_ =	swait.ge [sflag:s8], $0x8000  }
0xab: {  	[sflag:s8] =	ssyncset.done $0x0  }
0xac: {  	s15 =	simm.s32 $0x0;
	s19 =	rddreg [dreg:$0x5];
	[sflag:s8] =	ssyncadd.s32 $0xFFFF8000  }
0xad: {  	[hbm4b:s19+s15] =	stream.linear.scatter [tilespmem:s5], [sflag:$0x3], $0x8000, $0x38;
	[tilespmem:$0x14600] =	vst v63  }
0xae: {  	_ =	swait.ge [sflag:s9], $0x8000  }
0xaf: {  	[sflag:s9] =	ssyncset.done $0x0  }
0xb0: {  	s20 =	rddreg [dreg:$0x6];
	[sflag:s9] =	ssyncadd.s32 $0xFFFF8000  }
0xb1: {  	[hbm4b:s20+s15] =	stream.linear.scatter [tilespmem:s7], [sflag:$0x4], $0x8000, $0x38;
	[tilespmem:$0x14600] =	vst v63  }
0xb2: {  	_ =	swait.ge [sflag:s10], $0x8000  }
0xb3: {  	[sflag:s10] =	ssyncset.done $0x0  }
0xb4: {  	[sflag:s10] =	ssyncadd.s32 $0xFFFF8000  }
0xb5: {  	[tilespmem:s5], [sflag:$0x1] =	stream.indirect.gather [hbm4b:s30+s4], $0x80, s11, s4, $0xb8;
	[tilespmem:$0x14600] =	vst v63  }
0xb6: {  	_ =	swait.ge [sflag:s12], $0x8000  }
0xb7: {  	[sflag:s12] =	ssyncset.done $0x0  }
0xb8: {  	[sflag:s12] =	ssyncadd.s32 $0xFFFF8000  }
0xb9: {  	[tilespmem:s7], [sflag:$0x2] =	stream.indirect.gather [hbm4b:s30+s4], $0x80, s13, s4, $0xb8;
	[tilespmem:$0x14600] =	vst v63  }
0xba: {  	_ =	swait.ge [sflag:s8], $0x8000  }
0xbb: {  	[sflag:s8] =	ssyncset.done $0x0  }
0xbc: {  	s17 =	rddreg [dreg:$0x7];
	[sflag:s8] =	ssyncadd.s32 $0xFFFF8000  }
0xbd: {  	[hbm4b:s17+s15] =	stream.linear.scatter [tilespmem:s5], [sflag:$0x3], $0x8000, $0x38;
	[tilespmem:$0x14600] =	vst v63  }
0xbe: {  	_ =	swait.ge [sflag:s9], $0x8000  }
0xbf: {  	[sflag:s9] =	ssyncset.done $0x0  }
0xc0: {  	s19 =	rddreg [dreg:$0x8];
	[sflag:s9] =	ssyncadd.s32 $0xFFFF8000  }
0xc1: {  	[hbm4b:s19+s15] =	stream.linear.scatter [tilespmem:s7], [sflag:$0x4], $0x8000, $0x38;
	[tilespmem:$0x14600] =	vst v63  }
0xc2: {  	_ =	swait.ge [sflag:s10], $0x8000  }
0xc3: {  	[sflag:s10] =	ssyncset.done $0x0  }
0xc4: {  	[sflag:s10] =	ssyncadd.s32 $0xFFFF8000  }
0xc5: {  	_ =	swait.ge [sflag:s12], $0x8000  }
0xc6: {  	[sflag:s12] =	ssyncset.done $0x0  }
0xc7: {  	s20 =	rddreg [dreg:$0x9];
	[sflag:s12] =	ssyncadd.s32 $0xFFFF8000  }
0xc8: {  	[tilespmem:s15], [sflag:$0x5] =	stream.strided.gather [hbm4b:s20+s18], $0x4000, s2, s18, $0x38;
	[tilespmem:$0x14600] =	vst v63  }
0xc9: {  	_ =	swait.ge [sflag:s22], $0x4000  }
0xca: {  	[sflag:s22] =	ssyncset.done $0x0  }
0xcb: {  	[sflag:s22] =	ssyncadd.s32 $0xFFFFC000  }
0xcc: {  	v6 =	vld.idx.msk [tilespmem:v1+s21+$0x0], $0xffff  }
0xcd: {  	v8 =	vld.idx.msk [tilespmem:v1+s23+$0x0], $0xffff  }
0xce: {  	v10 =	vld [tilespmem:s15+$0x0]  }
0xcf: {  	v9 =	vld.idx.msk [tilespmem:v1+s31+$0x0], $0xffff  }
0xd0: {  	v7 =	vld.idx.msk [tilespmem:v1+s24+$0x0], $0xffff;
	_ =	sdelay $0x2  }
0xd1: {  	v63 =	vor.u32 s15, v4;
	v11 =	vxor.u32 $0x7FFFFFFF, v10;
	vm9 =	vlt.s32 v10, $0x0  }
0xd2: {  	vm10 =	vge.s32 v63, v8;
	vm11 =	vlt.s32 v63, v9;
	v10 =	vsel vm9, v11, v10  }
0xd3: {  	vm12 =	vle.s32 v10, v6;
	vm13 =	vne.s32 v10, v6;
	vm14 =	veq.s32 v10, v7  }
0xd4: {  	vm15 =	vgt.s32 v10, v7;
	vm0 =	vmor vm10, vm13;
	vm1 =	vmand vm11, vm14  }
0xd5: {  	vm0 =	vmand vm12, vm0;
	vm1 =	vmor vm15, vm1  }
0xd6: {  	vm0 =	vmand vm1, vm0  }
0xd7: {  	v10 =	vsel vm0, $0x1, v5  }
0xd8: {  	(xrf0) =	vadd.scan.msk.s32 $0xffff, v10;
	_ =	sdelay $0x5  }
0xd9: {  	s16 =	simm.s32 $0x10;
	[tilespmem:s15+$0x4000] =	vst.msk vm0, v63;
	v11, _, _ =	vpop (xrf0)  }
0xda: {  	s17 =	simm.s32 $0x20;
	s19 =	simm.s32 $0x10;
	v10 =	vld [tilespmem:s16+$0x0];
	(v2sf) =	vpush v11, $0xF  }
.LBB2_4:
0xdb: {  	p1 =	sne.s32 s17, $0x3FF0;
	_ =	sdelay $0x3  }
0xdc: {  	v12 =	vor.u32 s16, v4;
	s16 =	smov.u32 s17;
	v11 =	vxor.u32 $0x7FFFFFFF, v10;
	vm0 =	vlt.s32 v10, $0x0  }
0xdd: {  	vm1 =	vlt.s32 v12, v9;
	v10 =	vsel vm0, v11, v10;
	vm0 =	vge.s32 v12, v8  }
0xde: {  	vm2 =	vle.s32 v10, v6;
	vm3 =	vne.s32 v10, v6;
	vm4 =	veq.s32 v10, v7  }
0xdf: {  	vm0 =	vmor vm0, vm3;
	vm3 =	vgt.s32 v10, v7;
	vm1 =	vmand vm1, vm4  }
0xe0: {  	vm0 =	vmand vm2, vm0;
	vm1 =	vmor vm3, vm1  }
0xe1: {  	vm0 =	vmand vm1, vm0  }
0xe2: {  	v10 =	vsel vm0, $0x1, v5  }
0xe3: {  	(xrf0) =	vadd.scan.msk.s32 $0xffff, v10;
	_ =	sdelay $0x2  }
.Ltmp3:
0xe4: {  	s20 =	spop (v2sf);
	(pc) =	sbr.rel @p1 .LBB2_4-.Ltmp3, $4  }
0xe5: {  	s15 =	sadd.s32 s15, s20  }
0xe6: {  	[tilespmem:s15+$0x4000] =	vst.msk vm0, v12  }
0xe7: {  	s19 =	sadd.s32 $0x10, s19;
	v11, _, _ =	vpop (xrf0)  }
0xe8: {  	s17 =	sadd.s32 $0x10, s17;
	v10 =	vld [tilespmem:s19+$0x0];
	(v2sf) =	vpush v11, $0xF  }
0xe9: {  	_ =	sdelay $0x3  }
0xea: {  	v12 =	vor.u32 s16, v4;
	v11 =	vxor.u32 $0x7FFFFFFF, v10;
	vm0 =	vlt.s32 v10, $0x0  }
0xeb: {  	vm15 =	vge.s32 v12, v8;
	vm1 =	vlt.s32 v12, v9;
	v10 =	vsel vm0, v11, v10  }
0xec: {  	vm2 =	vle.s32 v10, v6;
	vm3 =	vne.s32 v10, v6;
	vm4 =	veq.s32 v10, v7  }
0xed: {  	vm8 =	vgt.s32 v10, v7;
	vm0 =	vmor vm15, vm3;
	vm1 =	vmand vm1, vm4  }
0xee: {  	vm0 =	vmand vm2, vm0;
	vm1 =	vmor vm8, vm1  }
0xef: {  	vm0 =	vmand vm1, vm0  }
0xf0: {  	v6 =	vsel vm0, $0x1, v5  }
0xf1: {  	(xrf0) =	vadd.scan.msk.s32 $0xffff, v6;
	_ =	sdelay $0x5  }
0xf2: {  	v6, _, _ =	vpop (xrf0)  }
0xf3: {  	(v2sf) =	vpush v6, $0xF;
	_ =	sdelay $0xa  }
0xf4: {  	s20 =	spop (v2sf)  }
0xf5: {  	s15 =	sadd.s32 s15, s20  }
0xf6: {  	[tilespmem:s15+$0x4000] =	vst.msk vm0, v12;
	s15 =	rddreg [dreg:$0xa]  }
0xf7: {  	[hbm4b:s15+s18] =	stream.strided.scatter [tilespmem:s3], [sflag:$0x5], $0x400, s2, s18, $0x38;
	[tilespmem:$0x14600] =	vst v63  }
0xf8: {  	s17 =	spop (v2sf)  }
0xf9: {  	_ =	swait.ge [sflag:s22], $0x400  }
0xfa: {  	[sflag:s22] =	ssyncset.done $0x0  }
0xfb: {  	[sflag:s22] =	ssyncadd.s32 $0xFFFFFC00  }
0xfc: {  	[tilespmem:s5], [sflag:$0x1] =	stream.indirect.gather [hbm4b:s30+s4], $0x80, s3, s4, $0xb8;
	[tilespmem:$0x14600] =	vst v63  }
0xfd: {  	_ = 	snop  }
0xfe: {  	[tilespmem:s7], [sflag:$0x2] =	stream.indirect.gather [hbm4b:s30+s4], $0x80, s6, s4, $0xb8;
	[tilespmem:$0x14600] =	vst v63  }
0xff: {  	_ =	swait.ge [sflag:s8], $0x8000  }
0x100: {  	[sflag:s8] =	ssyncset.done $0x0  }
0x101: {  	s15 =	simm.s32 $0x0;
	s19 =	rddreg [dreg:$0xb];
	[sflag:s8] =	ssyncadd.s32 $0xFFFF8000  }
0x102: {  	[hbm4b:s19+s15] =	stream.linear.scatter [tilespmem:s5], [sflag:$0x3], $0x8000, $0x38;
	[tilespmem:$0x14600] =	vst v63  }
0x103: {  	_ =	swait.ge [sflag:s9], $0x8000  }
0x104: {  	[sflag:s9] =	ssyncset.done $0x0  }
0x105: {  	s20 =	rddreg [dreg:$0xe];
	[sflag:s9] =	ssyncadd.s32 $0xFFFF8000  }
0x106: {  	[hbm4b:s20+s15] =	stream.linear.scatter [tilespmem:s7], [sflag:$0x4], $0x8000, $0x38;
	[tilespmem:$0x14600] =	vst v63  }
0x107: {  	_ =	swait.ge [sflag:s10], $0x8000  }
0x108: {  	[sflag:s10] =	ssyncset.done $0x0  }
0x109: {  	[sflag:s10] =	ssyncadd.s32 $0xFFFF8000  }
0x10a: {  	[tilespmem:s5], [sflag:$0x1] =	stream.indirect.gather [hbm4b:s30+s4], $0x80, s11, s4, $0xb8;
	[tilespmem:$0x14600] =	vst v63  }
0x10b: {  	_ =	swait.ge [sflag:s12], $0x8000  }
0x10c: {  	[sflag:s12] =	ssyncset.done $0x0  }
0x10d: {  	[sflag:s12] =	ssyncadd.s32 $0xFFFF8000  }
0x10e: {  	[tilespmem:s7], [sflag:$0x2] =	stream.indirect.gather [hbm4b:s30+s4], $0x80, s13, s4, $0xb8;
	[tilespmem:$0x14600] =	vst v63  }
0x10f: {  	_ =	swait.ge [sflag:s8], $0x8000  }
0x110: {  	[sflag:s8] =	ssyncset.done $0x0  }
0x111: {  	s17 =	rddreg [dreg:$0xf];
	[sflag:s8] =	ssyncadd.s32 $0xFFFF8000  }
0x112: {  	[hbm4b:s17+s15] =	stream.linear.scatter [tilespmem:s5], [sflag:$0x3], $0x8000, $0x38;
	[tilespmem:$0x14600] =	vst v63  }
0x113: {  	_ =	swait.ge [sflag:s9], $0x8000  }
0x114: {  	[sflag:s9] =	ssyncset.done $0x0  }
0x115: {  	s19 =	rddreg [dreg:$0x10];
	[sflag:s9] =	ssyncadd.s32 $0xFFFF8000  }
0x116: {  	[hbm4b:s19+s15] =	stream.linear.scatter [tilespmem:s7], [sflag:$0x4], $0x8000, $0x38;
	[tilespmem:$0x14600] =	vst v63  }
0x117: {  	_ =	swait.ge [sflag:s10], $0x8000  }
0x118: {  	[sflag:s10] =	ssyncset.done $0x0  }
0x119: {  	[sflag:s10] =	ssyncadd.s32 $0xFFFF8000  }
0x11a: {  	_ =	swait.ge [sflag:s12], $0x8000  }
0x11b: {  	[sflag:s12] =	ssyncset.done $0x0  }
0x11c: {  	s20 =	rddreg [dreg:$0xc];
	[sflag:s12] =	ssyncadd.s32 $0xFFFF8000  }
0x11d: {  	[tilespmem:s15], [sflag:$0x5] =	stream.strided.gather [hbm4b:s20+s18], $0x4000, s2, s18, $0x38;
	[tilespmem:$0x14600] =	vst v63  }
0x11e: {  	_ =	swait.ge [sflag:s22], $0x4000  }
0x11f: {  	[sflag:s22] =	ssyncset.done $0x0  }
0x120: {  	[sflag:s22] =	ssyncadd.s32 $0xFFFFC000  }
0x121: {  	v6 =	vld.idx.msk [tilespmem:v2+s21+$0x0], $0xffff  }
0x122: {  	v8 =	vld.idx.msk [tilespmem:v2+s23+$0x0], $0xffff  }
0x123: {  	v10 =	vld [tilespmem:s15+$0x0]  }
0x124: {  	v9 =	vld.idx.msk [tilespmem:v2+s31+$0x0], $0xffff  }
0x125: {  	v7 =	vld.idx.msk [tilespmem:v2+s24+$0x0], $0xffff;
	_ =	sdelay $0x2  }
0x126: {  	v63 =	vor.u32 s15, v4;
	v11 =	vxor.u32 $0x7FFFFFFF, v10;
	vm9 =	vlt.s32 v10, $0x0  }
0x127: {  	vm10 =	vge.s32 v63, v8;
	vm11 =	vlt.s32 v63, v9;
	v10 =	vsel vm9, v11, v10  }
0x128: {  	vm12 =	vle.s32 v10, v6;
	vm13 =	vne.s32 v10, v6;
	vm14 =	veq.s32 v10, v7  }
0x129: {  	vm15 =	vgt.s32 v10, v7;
	vm0 =	vmor vm10, vm13;
	vm1 =	vmand vm11, vm14  }
0x12a: {  	vm0 =	vmand vm12, vm0;
	vm1 =	vmor vm15, vm1  }
0x12b: {  	vm0 =	vmand vm1, vm0  }
0x12c: {  	v10 =	vsel vm0, $0x1, v5  }
0x12d: {  	(xrf0) =	vadd.scan.msk.s32 $0xffff, v10;
	_ =	sdelay $0x5  }
0x12e: {  	s16 =	simm.s32 $0x10;
	[tilespmem:s15+$0x4000] =	vst.msk vm0, v63;
	v11, _, _ =	vpop (xrf0)  }
0x12f: {  	s17 =	simm.s32 $0x20;
	s19 =	simm.s32 $0x10;
	v10 =	vld [tilespmem:s16+$0x0];
	(v2sf) =	vpush v11, $0xF  }
.LBB2_6:
0x130: {  	p1 =	sne.s32 s17, $0x3FF0;
	_ =	sdelay $0x3  }
0x131: {  	v12 =	vor.u32 s16, v4;
	s16 =	smov.u32 s17;
	v11 =	vxor.u32 $0x7FFFFFFF, v10;
	vm0 =	vlt.s32 v10, $0x0  }
0x132: {  	vm1 =	vlt.s32 v12, v9;
	v10 =	vsel vm0, v11, v10;
	vm0 =	vge.s32 v12, v8  }
0x133: {  	vm2 =	vle.s32 v10, v6;
	vm3 =	vne.s32 v10, v6;
	vm4 =	veq.s32 v10, v7  }
0x134: {  	vm0 =	vmor vm0, vm3;
	vm3 =	vgt.s32 v10, v7;
	vm1 =	vmand vm1, vm4  }
0x135: {  	vm0 =	vmand vm2, vm0;
	vm1 =	vmor vm3, vm1  }
0x136: {  	vm0 =	vmand vm1, vm0  }
0x137: {  	v10 =	vsel vm0, $0x1, v5  }
0x138: {  	(xrf0) =	vadd.scan.msk.s32 $0xffff, v10;
	_ =	sdelay $0x2  }
.Ltmp4:
0x139: {  	s20 =	spop (v2sf);
	(pc) =	sbr.rel @p1 .LBB2_6-.Ltmp4, $4  }
0x13a: {  	s15 =	sadd.s32 s15, s20  }
0x13b: {  	[tilespmem:s15+$0x4000] =	vst.msk vm0, v12  }
0x13c: {  	s19 =	sadd.s32 $0x10, s19;
	v11, _, _ =	vpop (xrf0)  }
0x13d: {  	s17 =	sadd.s32 $0x10, s17;
	v10 =	vld [tilespmem:s19+$0x0];
	(v2sf) =	vpush v11, $0xF  }
0x13e: {  	_ =	sdelay $0x3  }
0x13f: {  	v12 =	vor.u32 s16, v4;
	v11 =	vxor.u32 $0x7FFFFFFF, v10;
	vm0 =	vlt.s32 v10, $0x0  }
0x140: {  	vm14 =	vge.s32 v12, v8;
	vm1 =	vlt.s32 v12, v9;
	v10 =	vsel vm0, v11, v10  }
0x141: {  	vm2 =	vle.s32 v10, v6;
	vm3 =	vne.s32 v10, v6;
	vm4 =	veq.s32 v10, v7  }
0x142: {  	vm15 =	vgt.s32 v10, v7;
	vm0 =	vmor vm14, vm3;
	vm1 =	vmand vm1, vm4  }
0x143: {  	vm0 =	vmand vm2, vm0;
	vm1 =	vmor vm15, vm1  }
0x144: {  	vm0 =	vmand vm1, vm0  }
0x145: {  	v6 =	vsel vm0, $0x1, v5  }
0x146: {  	(xrf0) =	vadd.scan.msk.s32 $0xffff, v6;
	_ =	sdelay $0x5  }
0x147: {  	v6, _, _ =	vpop (xrf0)  }
0x148: {  	(v2sf) =	vpush v6, $0xF;
	_ =	sdelay $0xa  }
0x149: {  	s19 =	spop (v2sf)  }
0x14a: {  	s15 =	sadd.s32 s15, s19  }
0x14b: {  	[tilespmem:s15+$0x4000] =	vst.msk vm0, v12;
	s15 =	rddreg [dreg:$0xd]  }
0x14c: {  	[hbm4b:s15+s18] =	stream.strided.scatter [tilespmem:s3], [sflag:$0x5], $0x400, s2, s18, $0x38;
	[tilespmem:$0x14600] =	vst v63  }
0x14d: {  	s20 =	spop (v2sf)  }
0x14e: {  	_ =	swait.ge [sflag:s22], $0x400  }
0x14f: {  	[sflag:s22] =	ssyncset.done $0x0  }
0x150: {  	[sflag:s22] =	ssyncadd.s32 $0xFFFFFC00  }
0x151: {  	[tilespmem:s5], [sflag:$0x1] =	stream.indirect.gather [hbm4b:s30+s4], $0x80, s3, s4, $0xb8;
	[tilespmem:$0x14600] =	vst v63  }
0x152: {  	_ = 	snop  }
0x153: {  	[tilespmem:s7], [sflag:$0x2] =	stream.indirect.gather [hbm4b:s30+s4], $0x80, s6, s4, $0xb8;
	[tilespmem:$0x14600] =	vst v63  }
0x154: {  	_ =	swait.ge [sflag:s8], $0x8000  }
0x155: {  	[sflag:s8] =	ssyncset.done $0x0  }
0x156: {  	s16 =	rddreg [dreg:$0x11];
	[sflag:s8] =	ssyncadd.s32 $0xFFFF8000  }
0x157: {  	[hbm4b:s16+s1] =	stream.linear.scatter [tilespmem:s5], [sflag:$0x3], $0x8000, $0x38;
	[tilespmem:$0x14600] =	vst v63  }
0x158: {  	_ =	swait.ge [sflag:s9], $0x8000  }
0x159: {  	[sflag:s9] =	ssyncset.done $0x0  }
0x15a: {  	s17 =	rddreg [dreg:$0x12];
	[sflag:s9] =	ssyncadd.s32 $0xFFFF8000  }
0x15b: {  	[hbm4b:s17+s1] =	stream.linear.scatter [tilespmem:s7], [sflag:$0x4], $0x8000, $0x38;
	[tilespmem:$0x14600] =	vst v63  }
0x15c: {  	_ =	swait.ge [sflag:s10], $0x8000  }
0x15d: {  	[sflag:s10] =	ssyncset.done $0x0  }
0x15e: {  	[sflag:s10] =	ssyncadd.s32 $0xFFFF8000  }
0x15f: {  	[tilespmem:s5], [sflag:$0x1] =	stream.indirect.gather [hbm4b:s30+s4], $0x80, s11, s4, $0xb8;
	[tilespmem:$0x14600] =	vst v63  }
0x160: {  	_ =	swait.ge [sflag:s12], $0x8000  }
0x161: {  	[sflag:s12] =	ssyncset.done $0x0  }
0x162: {  	[sflag:s12] =	ssyncadd.s32 $0xFFFF8000  }
0x163: {  	[tilespmem:s7], [sflag:$0x2] =	stream.indirect.gather [hbm4b:s30+s4], $0x80, s13, s4, $0xb8;
	[tilespmem:$0x14600] =	vst v63  }
0x164: {  	_ =	swait.ge [sflag:s8], $0x8000  }
0x165: {  	[sflag:s8] =	ssyncset.done $0x0  }
0x166: {  	s19 =	rddreg [dreg:$0x13];
	[sflag:s8] =	ssyncadd.s32 $0xFFFF8000  }
0x167: {  	[hbm4b:s19+s1] =	stream.linear.scatter [tilespmem:s5], [sflag:$0x3], $0x8000, $0x38;
	[tilespmem:$0x14600] =	vst v63  }
0x168: {  	_ =	swait.ge [sflag:s9], $0x8000  }
0x169: {  	[sflag:s9] =	ssyncset.done $0x0  }
0x16a: {  	s20 =	rddreg [dreg:$0x14];
	[sflag:s9] =	ssyncadd.s32 $0xFFFF8000  }
0x16b: {  	[hbm4b:s20+s1] =	stream.linear.scatter [tilespmem:s7], [sflag:$0x4], $0x8000, $0x38;
	[tilespmem:$0x14600] =	vst v63  }
0x16c: {  	_ =	swait.ge [sflag:s10], $0x8000  }
.Ltmp5:
0x16d: {  	[sflag:s10] =	ssyncset.done $0x0;
	(pc) =	sbr.rel @p0 .LBB2_11-.Ltmp5, $4  }
0x16e: {  	[sflag:s10] =	ssyncadd.s32 $0xFFFF8000  }
0x16f: {  	_ =	swait.ge [sflag:s12], $0x8000  }
0x170: {  	[sflag:s12] =	ssyncset.done $0x0  }
0x171: {  	[sflag:s12] =	ssyncadd.s32 $0xFFFF8000  }
0x172: {  	s15 =	simm.s32 $0x0;
	s16 =	rddreg [dreg:$0x19]  }
0x173: {  	[tilespmem:s15], [sflag:$0x5] =	stream.strided.gather [hbm4b:s16+s18], $0x4000, s2, s18, $0x38;
	[tilespmem:$0x14600] =	vst v63  }
0x174: {  	_ =	swait.ge [sflag:s22], $0x4000  }
0x175: {  	[sflag:s22] =	ssyncset.done $0x0  }
0x176: {  	[sflag:s22] =	ssyncadd.s32 $0xFFFFC000  }
0x177: {  	v6 =	vld.idx.msk [tilespmem:v3+s21+$0x0], $0xffff  }
0x178: {  	v8 =	vld.idx.msk [tilespmem:v3+s23+$0x0], $0xffff  }
0x179: {  	v10 =	vld [tilespmem:s15+$0x0]  }
0x17a: {  	v9 =	vld.idx.msk [tilespmem:v3+s31+$0x0], $0xffff  }
0x17b: {  	v7 =	vld.idx.msk [tilespmem:v3+s24+$0x0], $0xffff;
	_ =	sdelay $0x2  }
0x17c: {  	v12 =	vor.u32 s15, v4;
	v11 =	vxor.u32 $0x7FFFFFFF, v10;
	vm0 =	vlt.s32 v10, $0x0  }
0x17d: {  	vm14 =	vge.s32 v12, v8;
	vm1 =	vlt.s32 v12, v9;
	v10 =	vsel vm0, v11, v10  }
0x17e: {  	vm2 =	vle.s32 v10, v6;
	vm3 =	vne.s32 v10, v6;
	vm4 =	veq.s32 v10, v7  }
0x17f: {  	vm15 =	vgt.s32 v10, v7;
	vm0 =	vmor vm14, vm3;
	vm1 =	vmand vm1, vm4  }
0x180: {  	vm0 =	vmand vm2, vm0;
	vm1 =	vmor vm15, vm1  }
0x181: {  	vm0 =	vmand vm1, vm0  }
0x182: {  	v10 =	vsel vm0, $0x1, v5  }
0x183: {  	(xrf0) =	vadd.scan.msk.s32 $0xffff, v10;
	_ =	sdelay $0x5  }
0x184: {  	s16 =	simm.s32 $0x10;
	[tilespmem:s15+$0x4000] =	vst.msk vm0, v12;
	v11, _, _ =	vpop (xrf0)  }
0x185: {  	s17 =	simm.s32 $0x20;
	s19 =	simm.s32 $0x10;
	v10 =	vld [tilespmem:s16+$0x0];
	(v2sf) =	vpush v11, $0xF  }
.LBB2_9:
0x186: {  	p1 =	sne.s32 s17, $0x3FF0;
	_ =	sdelay $0x3  }
0x187: {  	v11 =	vxor.u32 $0x7FFFFFFF, v10;
	vm0 =	vlt.s32 v10, $0x0;
	v12 =	vor.u32 s16, v4;
	s16 =	smov.u32 s17  }
0x188: {  	v10 =	vsel vm0, v11, v10;
	vm0 =	vge.s32 v12, v8;
	vm1 =	vlt.s32 v12, v9  }
0x189: {  	vm2 =	vle.s32 v10, v6;
	vm3 =	vne.s32 v10, v6;
	vm4 =	veq.s32 v10, v7  }
0x18a: {  	vm0 =	vmor vm0, vm3;
	vm3 =	vgt.s32 v10, v7;
	vm1 =	vmand vm1, vm4  }
0x18b: {  	vm0 =	vmand vm2, vm0;
	vm1 =	vmor vm3, vm1  }
0x18c: {  	vm0 =	vmand vm1, vm0  }
0x18d: {  	v10 =	vsel vm0, $0x1, v5  }
0x18e: {  	(xrf0) =	vadd.scan.msk.s32 $0xffff, v10;
	_ =	sdelay $0x2  }
.Ltmp6:
0x18f: {  	s20 =	spop (v2sf);
	(pc) =	sbr.rel @p1 .LBB2_9-.Ltmp6, $4  }
0x190: {  	s15 =	sadd.s32 s15, s20  }
0x191: {  	[tilespmem:s15+$0x4000] =	vst.msk vm0, v12  }
0x192: {  	s19 =	sadd.s32 $0x10, s19;
	v11, _, _ =	vpop (xrf0)  }
0x193: {  	s17 =	sadd.s32 $0x10, s17;
	v10 =	vld [tilespmem:s19+$0x0];
	(v2sf) =	vpush v11, $0xF  }
.Ltmp7:
0x194: {  	_ = 	snop;
	(pc) =	sbr.rel .LBB2_10-.Ltmp7, $1  }
0x195: {  	_ =	sdelay $0x3  }
.LBB2_12:
0x196: {  	_ =	sfence.sel $0x180000  }
0x197: {  	[bflag:$0x0] =	sbarrier.arrive $0xFFFF  }
0x198: {  	_ =	strace $0x90000047  }
0x199: {  	s0 =	stileid.u32;
	[bflag:$0x2] =	sbarrier.arrive $0xFFFF  }
0x19a: {  	p0 =	sne.s32 s0, $0x0;
	s0 =	rddreg [dreg:$0x2]  }
0x19b: {  	s0 =	sadd.s32 @!p0 $0x100000, s0  }
0x19c: {  	[sflag:s0] =	ssyncadd.tile.s32 @!p0 $0x1;
	_ =	shalt  }
.Lfunc_end2:
_tile_overlayer_lowered:
.L_overlay_start_2:
0x19d: {  	(tag) =	ssettag $0x2  }
0x19e: {  	s0 =	rddreg [dreg:$0x0];
	s2 =	stileid.u32  }
0x19f: {  	s1 =	rddreg [dreg:$0x1];
	p0 =	sne.s32 s2, $0x0  }
0x1a0: {  	s3 =	rddreg [dreg:$0x2];
	[bflag:$0x3] =	sbarrier.arrive $0xFFFF;
	s2 =	simm.s32 @!p0 $0x1C05  }
0x1a1: {  	[timem:s3], [sflag:s2] =	dma.local @!p0 [hbm:s0], s1  }
0x1a2: {  	s0 =	simm.s32 @!p0 $0x5  }
0x1a3: {  	_ =	swait.ge @!p0 [sflag:s0], s1  }
0x1a4: {  	s1 =	ssub.s32 @!p0 $0x0, s1;
	[sflag:s0] =	ssyncset.done @!p0 $0x0  }
0x1a5: {  	[sflag:s0] =	ssyncadd.s32 @!p0 s1  }
0x1a6: {  	[bflag:$0x3] =	sbarrier.arrive $0xFFFF  }
0x1a7: {  	_ =	shalt  }

// kernel: kernel.16.cloned.1.call-start
scs
__scs_entry_jumppad:
0x0: {  	(pc) =	sbr.rel $0x88, $3  }
0x1: {  	(tag) =	ssettag $0x0;
	lr =	simm.s32 $0x1  }
0x2: {  	[smem:$0x3F98] =	sst lr;
	_ =	strace $0xD0000000  }
0x3: {  	_ = 	snop  }
0x4: {  	_ = 	snop  }
0x5: {  	_ = 	snop  }
0x6: {  	_ = 	snop  }
0x7: {  	_ = 	snop  }
__scs_overlays_trampoline_lowered:
0x8: {  	[smem:$0x3FA7] =	sst s0  }
0x9: {  	[smem:$0x3FA8] =	sst s1  }
0xa: {  	[smem:$0x3FA9] =	sst s2  }
0xb: {  	[smem:$0x3FAA] =	sst s3  }
0xc: {  	[smem:$0x3FAB] =	sst s4  }
0xd: {  	[smem:$0x3FAC] =	sst s5  }
0xe: {  	[smem:$0x3FAD] =	sst s6  }
0xf: {  	[smem:$0x3FAE] =	sst s7  }
0x10: {  	[smem:$0x3FAF] =	sst s8  }
0x11: {  	[smem:$0x3FB0] =	sst s9;
	s0 =	simm.s32 @!p0 $0x0  }
0x12: {  	s1 =	sld [smem:$0x3F96];
	s0 =	simm.s32 @p0 $0x1  }
0x13: {  	[smem:$0x3FB1] =	sst s0;
	s0 =	simm.s32 @!p1 $0x0  }
0x14: {  	s2 =	sld [smem:$0x3F95];
	s0 =	simm.s32 @p1 $0x1  }
0x15: {  	[smem:$0x3FB2] =	sst s0;
	s0 =	simm.s32 @!p2 $0x0  }
0x16: {  	s3 =	sld [smem:$0x3FDB];
	s0 =	simm.s32 @p2 $0x1  }
0x17: {  	s4 =	simm.s32 $0x1BF5;
	[smem:$0x3FB4] =	sst s0  }
0x18: {  	s0 =	sld [smem:$0x3F97];
	_ =	swait.ge [sflag:s4], $0x0  }
0x19: {  	s7 =	sld [smem:$0x3F98]  }
0x1a: {  	s8 =	sadd.s32 $0xFFFFE003, lr  }
0x1b: {  	s9 =	sadd.s32 $0xFFFFFEF7, lr;
	s5 =	simm.s32 $0xFFFFFFFF;
	p2 =	slt.u32 s8, $0xFFFFF086  }
0x1c: {  	p1 =	slt.u32 s9, $0xF7A;
	s5 =	simm.s32 @!p2 $0x0  }
0x1d: {  	s5 =	simm.s32 @p1 $0x1;
	p0 =	seq.s32 s7, s2  }
0x1e: {  	s7 =	smul.u32 @!p0 $0xF7A, s2;
	p2 =	seq.s32 @!p0 s5, $0x0  }
0x1f: {  	s9 =	smul.u32 $0xF7A, s1;
	s8 =	simm.s32 @!p0 $0x1BF5;
	p2 =	por !p2, p0  }
0x20: {  	[sflag:s8] =	ssyncset.s32 @!p0 $0xFFFFF086;
	s6 =	sadd.s32 @!p0 s3, s7;
	s7 =	simm.s32 @!p0 $0x108  }
0x21: {  	s3 =	sadd.s32 s3, s9;
	s6 =	sadd.s32 @!p0 $0x88, s6;
	s7 =	simm.s32 @p2 $0x1082  }
0x22: {  	[simem:s7], [sflag:s8] =	dma.local @!p0 [hbm:s6], $0xF7A  }
0x23: {  	s9 =	sor.u32 $0xD0000000, s2;
	s6 =	simm.s32 $0x108;
	_ =	swait.ge @!p0 [sflag:s8], $0x0  }
0x24: {  	s3 =	sadd.s32 $0x88, s3;
	s6 =	simm.s32 @!p1 $0x1082;
	[sflag:s4] =	ssyncset.s32 $0xFFFFF086  }
0x25: {  	[simem:s6], [sflag:s4] =	dma.local [hbm:s3], $0xF7A  }
0x26: {  	[smem:$0x3F98] =	sst s1;
	(tag) =	ssettag s2;
	_ =	strace s9  }
0x27: {  	s1 =	sld [smem:$0x3FA8]  }
0x28: {  	s2 =	sld [smem:$0x3FA9]  }
0x29: {  	s4 =	sld [smem:$0x3FAB]  }
0x2a: {  	p0 =	seq.s32 s5, $0x0;
	s5 =	sld [smem:$0x3FAC]  }
0x2b: {  	s6 =	sld [smem:$0x3FAD]  }
0x2c: {  	s7 =	sld [smem:$0x3FAE]  }
0x2d: {  	s3 =	simm.s32 $0x108;
	s8 =	sld [smem:$0x3FAF]  }
0x2e: {  	s3 =	simm.s32 @!p0 $0x1082;
	s9 =	sld [smem:$0x3FB0]  }
0x2f: {  	lr =	sadd.s32 s0, s3;
	s0 =	sld [smem:$0x3FA7]  }
0x30: {  	s3 =	sld [smem:$0x3FAA]  }
0x31: {  	[smem:$0x3FB3] =	sst s10  }
0x32: {  	s10 =	sld [smem:$0x3FB1];
	_ =	sdelay $0x3  }
0x33: {  	p0 =	seq.s32 s10, $0x1;
	s10 =	sld [smem:$0x3FB3];
	_ =	sdelay $0x3  }
0x34: {  	[smem:$0x3FB3] =	sst s10  }
0x35: {  	s10 =	sld [smem:$0x3FB2];
	_ =	sdelay $0x3  }
0x36: {  	p1 =	seq.s32 s10, $0x1;
	s10 =	sld [smem:$0x3FB3];
	_ =	sdelay $0x3  }
0x37: {  	[smem:$0x3FB3] =	sst s10  }
0x38: {  	s10 =	sld [smem:$0x3FB4]  }
0x39: {  	_ = 	snop;
	(pc) =	sbr.ind lr, $3  }
0x3a: {  	_ = 	snop  }
0x3b: {  	_ = 	snop  }
0x3c: {  	p2 =	seq.s32 s10, $0x1;
	s10 =	sld [smem:$0x3FB3]  }
0x3d: {  	_ =	shalt  }
0x3e: {  	_ =	shalt  }
0x3f: {  	_ =	shalt  }
0x40: {  	_ =	shalt  }
0x41: {  	_ =	shalt  }
0x42: {  	_ =	shalt  }
0x43: {  	_ =	shalt  }
0x44: {  	_ =	shalt  }
0x45: {  	_ =	shalt  }
0x46: {  	_ =	shalt  }
0x47: {  	_ =	shalt  }
0x48: {  	_ =	shalt  }
0x49: {  	_ =	shalt  }
0x4a: {  	_ =	shalt  }
0x4b: {  	_ =	shalt  }
0x4c: {  	_ =	shalt  }
0x4d: {  	_ =	shalt  }
0x4e: {  	_ =	shalt  }
0x4f: {  	_ =	shalt  }
0x50: {  	_ =	shalt  }
0x51: {  	_ =	shalt  }
0x52: {  	_ =	shalt  }
0x53: {  	_ =	shalt  }
0x54: {  	_ =	shalt  }
0x55: {  	_ =	shalt  }
0x56: {  	_ =	shalt  }
0x57: {  	_ =	shalt  }
0x58: {  	_ =	shalt  }
0x59: {  	_ =	shalt  }
0x5a: {  	_ =	shalt  }
0x5b: {  	_ =	shalt  }
0x5c: {  	_ =	shalt  }
0x5d: {  	_ =	shalt  }
0x5e: {  	_ =	shalt  }
0x5f: {  	_ =	shalt  }
0x60: {  	_ =	shalt  }
0x61: {  	_ =	shalt  }
0x62: {  	_ =	shalt  }
0x63: {  	_ =	shalt  }
0x64: {  	_ =	shalt  }
0x65: {  	_ =	shalt  }
0x66: {  	_ =	shalt  }
0x67: {  	_ =	shalt  }
0x68: {  	_ =	shalt  }
0x69: {  	_ =	shalt  }
0x6a: {  	_ =	shalt  }
0x6b: {  	_ =	shalt  }
0x6c: {  	_ =	shalt  }
0x6d: {  	_ =	shalt  }
0x6e: {  	_ =	shalt  }
0x6f: {  	_ =	shalt  }
0x70: {  	_ =	shalt  }
0x71: {  	_ =	shalt  }
0x72: {  	_ =	shalt  }
0x73: {  	_ =	shalt  }
0x74: {  	_ =	shalt  }
0x75: {  	_ =	shalt  }
0x76: {  	_ =	shalt  }
0x77: {  	_ =	shalt  }
0x78: {  	_ =	shalt  }
0x79: {  	_ =	shalt  }
0x7a: {  	_ =	shalt  }
0x7b: {  	_ =	shalt  }
0x7c: {  	_ =	shalt  }
0x7d: {  	_ =	shalt  }
0x7e: {  	_ =	shalt  }
0x7f: {  	_ =	shalt  }
0x80: {  	_ =	shalt  }
0x81: {  	_ =	shalt  }
0x82: {  	_ =	shalt  }
0x83: {  	_ =	shalt  }
0x84: {  	_ =	shalt  }
0x85: {  	_ =	shalt  }
0x86: {  	_ =	shalt  }
0x87: {  	_ =	shalt  }
.Lfunc_end0:
.L_simem_size_0:
called_computation.2_lowered:
.L_overlay_start_0:
0x88: {  	s2 =	sld [smem:$0x3FD9]  }
0x89: {  	s3 =	sld [smem:$0x3FFE];
	_ =	sdelay $0x1  }
0x8a: {  	s1 =	srdreg.scid  }
0x8b: {  	s0 =	sand.u32 $0x1, s1  }
0x8c: {  	s17 =	sshll.u32 s0, $0xA;
	s2 =	sadd.s32 s3, s2  }
0x8d: {  	s2 =	sadd.s32 s2, s17  }
0x8e: {  	[smem:$0x3FBF] =	sst s2  }
0x8f: {  	_ = 	snop  }
0x90: {  	s2 =	sld [smem:$0x3FD0];
	(tm) =	ssettm $0x1  }
0x91: {  	s18 =	sld [smem:$0x3FFB];
	_ =	sdelay $0x3  }
0x92: {  	_ =	strace s18  }
0x93: {  	s3 =	sld [smem:$0x3FFC];
	_ =	sdelay $0x3  }
0x94: {  	_ =	strace s3  }
0x95: {  	s3 =	sld [smem:$0x3FFD];
	_ =	sdelay $0x3  }
0x96: {  	_ =	strace s3  }
0x97: {  	_ =	strace $0x8FFFFFFF  }
0x98: {  	s19 =	sld [smem:$0x3FDB];
	_ =	sdelay $0x1  }
0x99: {  	s4 =	simm.s32 $_scs_section_size  }
0x9a: {  	s5 =	simm.s32 $_size__tile_overlayer_lowered;
	s6 =	simm.s32 $_tile_overlayer_lowered  }
0x9b: {  	s22 =	simm.s32 $0x1BFF;
	s21 =	sshll.u32 s6, $0x1;
	s3 =	sadd.s32 s4, s19  }
0x9c: {  	s7 =	simm.s32 $0x0;
	s20 =	sshll.u32 s5, $0x1;
	s5 =	sadd.s32 s21, s3  }
0x9d: {  	[timem:s7], [sflag:s22] =	dma.local [hbm:s5], s20  }
0x9e: {  	_ =	swait.ge [sflag:s22], s20  }
0x9f: {  	s4 =	ssub.s32 $0x0, s20;
	[sflag:s22] =	ssyncset.done $0x0  }
0xa0: {  	[sflag:s22] =	ssyncadd.s32 s4;
	_ =	sdelay $0x1  }
0xa1: {  	s23 =	simm.s32 $0x1B8B  }
0xa2: {  	_ =	swait.ge [sflag:s23], $0x1  }
0xa3: {  	[sflag:s23] =	ssyncset.done $0x0  }
0xa4: {  	s25 =	simm.s32 $0x1B8E;
	s24 =	sld [smem:$0x3FFE];
	[sflag:s23] =	ssyncadd.s32 $0xFFFFFFFF  }
0xa5: {  	s26 =	simm.s32 $execute0_lowered;
	[smem:$0x3FD2] =	sst s25  }
0xa6: {  	s5 =	sshll.u32 s26, $0x1;
	_ =	strace $0x8000004C;
	[dreg:$0x1] =	wrdreg $0xFFFFFFFF  }
0xa7: {  	s28 =	simm.s32 $_size_execute0_lowered;
	s3 =	sadd.s32 s3, s5;
	[dreg:$0x0] =	wrdreg $0x0  }
0xa8: {  	s5 =	sshll.u32 s28, $0x1;
	[dreg:$0x2] =	wrdreg s3  }
0xa9: {  	[dreg:$0x3] =	wrdreg s5  }
0xaa: {  	[dreg:$0x4] =	wrdreg $0xC0  }
0xab: {  	_ =	task [dreg:s7], $0x5FFFF  }
0xac: {  	[dreg:$0x1] =	wrdreg $0xFFFFFFFF  }
0xad: {  	[dreg:$0x0] =	wrdreg $0x60  }
0xae: {  	[dreg:$0x2] =	wrdreg s24  }
0xaf: {  	[dreg:$0x3] =	wrdreg s2  }
0xb0: {  	[dreg:$0x4] =	wrdreg $0x9  }
0xb1: {  	_ =	task.clear_ibuf [dreg:s7], $0x5FFFF;
	_ =	strace $0x9000004C  }
0xb2: {  	s29 =	simm.s32 $0x9;
	_ =	strace $0x8000004E  }
0xb3: {  	_ =	swait.ge [sflag:s29], $0x1  }
0xb4: {  	[sflag:s29] =	ssyncadd.s32 $0xFFFFFFFF  }
0xb5: {  	_ =	strace $0x9000004E  }
0xb6: {  	_ =	sfence  }
0xb7: {  	s30 =	sld [smem:$0x0];
	_ =	sdelay $0x2  }
0xb8: {  	s31 =	sshll.u32 s1, $0xD;
	s1 =	sshrl.u32 s1, $0x2  }
0xb9: {  	s3 =	sand.u32 $0x4000, s31;
	s1 =	sadd.s32 s1, s30  }
0xba: {  	s0 =	sor.u32 s3, s0;
	s1 =	sshll.u32 s1, $0x11  }
0xbb: {  	s0 =	sor.u32 s1, s0  }
0xbc: {  	s0 =	sadd.s32 $0x8F2B, s0  }
0xbd: {  	[sflag:s0] =	ssyncadd.remote.s32 $0x1  }
0xbe: {  	_ =	sfence.sel $0xFFFF  }
0xbf: {  	[dreg:$0x0] =	wrdreg $0xFFFFFFFF;
	(pc) =	sbr.abs _section_cstart, $3  }
0xc0: {  	[dreg:$0x1] =	wrdreg $0xFFFFFFFF  }
0xc1: {  	_ =	task.clear_ibuf [dreg:s7], $0x2FFFF;
	_ =	strace $0x9FFFFFFF  }
0xc2: {  	(tm) =	ssettm $0x7FFFFFFF  }
0xc3: {  	_ =	shalt  }
tec
execute0_lowered:
.L_overlay_start_1:
0x0: {  	(tag) =	ssettag $0x1  }
0x1: {  	s2 =	rddreg [dreg:$0x0]  }
0x2: {  	s1 =	rddreg [dreg:$0x1];
	s0 =	simm.s32 $0x0;
	s3 =	srdreg.scid  }
0x3: {  	s25 =	stileid.u32;
	s29 =	simm.s32 $0x80;
	s30 =	simm.s32 $0x400  }
0x4: {  	s31 =	simm.s32 $0x1;
	[smem:$0x7FF] =	sst s0;
	s15 =	sadd.s32 $0x399A00, s2  }
0x5: {  	s14 =	sadd.s32 $0x41E00, s2;
	s16 =	sadd.s32 $0x5200, s2;
	s17 =	sadd.s32 $0x206600, s2  }
0x6: {  	s18 =	sadd.s32 $0x1E00, s2;
	s7 =	sand.u32 $0x1, s3;
	s8 =	sshll.u32 s25, $0x8  }
0x7: {  	s6 =	sshrl.u32 s25, $0x2;
	p0 =	sgt.u32 s25, $0x1;
	s4 =	sshll.u32 s7, $0x7  }
0x8: {  	s3 =	sand.u32 $0x300, s8;
	s2 =	ssub.s32 $0x2, s7;
	s9 =	sshll.u32 s6, $0xD  }
0x9: {  	s5 =	sshll.u32 s6, $0x11;
	s7 =	sor.u32 $0x4, s6;
	s12 =	sor.u32 s4, s3  }
0xa: {  	s10 =	sshrl.u32 s2, $0x1;
	s8 =	sshll.u32 s7, $0xD;
	s7 =	sshll.u32 s7, $0x11  }
0xb: {  	s3 =	sor.u32 s9, s12;
	s20 =	ssub.s32 s2, s10;
	s11 =	sor.u32 s5, s12  }
0xc: {  	s8 =	sor.u32 s12, s8;
	s21 =	sor.u32 s12, s7;
	s10 =	sor.u32 $0x8, s6  }
0xd: {  	s23 =	sshrl.u32 s12, $0x3;
	s13 =	sshrl.u32 s3, $0x3;
	s19 =	sshrl.u32 s11, $0x3  }
0xe: {  	s9 =	sshrl.u32 s8, $0x3;
	s11 =	sshll.u32 s10, $0xD;
	s10 =	sshll.u32 s10, $0x11  }
0xf: {  	s24 =	sor.u32 $0x3000, s23;
	s28 =	smax.u32 s20, $0x1;
	s20 =	simm.s32 $0x4000  }
0x10: {  	s2 =	sadd.s32 s15, s13;
	s3 =	sadd.s32 s16, s13;
	s4 =	sadd.s32 s17, s13  }
0x11: {  	s5 =	sadd.s32 s18, s13;
	s6 =	sadd.s32 s15, s9;
	s7 =	sadd.s32 s16, s9  }
0x12: {  	s8 =	sadd.s32 s17, s9;
	s11 =	sor.u32 s12, s11;
	s9 =	sadd.s32 s18, s9  }
0x13: {  	s22 =	sor.u32 s12, s10;
	s26 =	sadd.s32 s17, s24;
	s13 =	sshrl.u32 s11, $0x3  }
0x14: {  	[dreg:$0x5] =	wrdreg s26;
	s26 =	sor.u32 $0x30000, s23;
	s10 =	sadd.s32 s15, s13  }
0x15: {  	s11 =	sadd.s32 s16, s13;
	s12 =	sadd.s32 s17, s13;
	s15 =	sadd.s32 s15, s24  }
0x16: {  	s13 =	sadd.s32 s18, s13;
	s16 =	sadd.s32 s16, s24;
	[dreg:$0x3] =	wrdreg s15  }
0x17: {  	s17 =	sshrl.u32 s21, $0x3;
	[dreg:$0x4] =	wrdreg s16;
	s16 =	sadd.s32 s18, s24  }
0x18: {  	s18 =	sadd.s32 s14, s19;
	s19 =	sadd.s32 s1, s19;
	s24 =	sshrl.u32 s22, $0x3  }
.Ltmp0:
0x19: {  	s21 =	sadd.s32 s14, s17;
	s22 =	sadd.s32 s1, s17;
	(pc) =	sbr.rel .LBB2_1-.Ltmp0, $4  }
0x1a: {  	[dreg:$0x6] =	wrdreg s16;
	s23 =	sadd.s32 s14, s24;
	s14 =	sadd.s32 s14, s26  }
0x1b: {  	s24 =	sadd.s32 s1, s24;
	s1 =	sadd.s32 s1, s26;
	[dreg:$0x7] =	wrdreg s14  }
0x1c: {  	s15 =	simm.s32 $0x4C00;
	s16 =	simm.s32 $0x0;
	[dreg:$0x8] =	wrdreg s1  }
0x1d: {  	s1 =	simm.s32 $0x4400;
	s14 =	simm.s32 $0x4800;
	_ =	strace $0x8000004D  }
.LBB2_10:
0x1e: {  	_ =	sdelay $0x3  }
0x1f: {  	s17 =	sshra.s32 s17, $0x2;
	[tilespmem:v0+s0+$0x0] =	vst.idx.add.f32.msk $0xffff, v1  }
0x20: {  	v0 =	vld [tilespmem:s17+$0x4000];
	_ =	sdelay $0x2  }
0x21: {  	v1 =	vld [tilespmem:s17+$0x4400];
	_ =	sdelay $0x4  }
0x22: {  	[tilespmem:v0+s0+$0x0] =	vst.idx.add.f32.msk $0xffff, v1  }
0x23: {  	v0 =	vld [tilespmem:s17+$0x4800];
	_ =	sdelay $0x2  }
0x24: {  	v1 =	vld [tilespmem:s17+$0x4C00];
	_ =	sdelay $0x4  }
0x25: {  	s26 =	rddreg [dreg:$0x8];
	[tilespmem:v0+s0+$0x0] =	vst.idx.add.f32.msk $0xffff, v1  }
0x26: {  	[hbm4b:s26+s29] =	stream.strided.scatter [tilespmem:s0], [sflag:$0x1], $0x4000, s30, s29, $0x38;
	[tilespmem:$0x5000] =	vst v63  }
0x27: {  	_ =	swait.ge [sflag:s31], $0x4000  }
0x28: {  	[sflag:s31] =	ssyncset.done $0x0  }
0x29: {  	[sflag:s31] =	ssyncadd.s32 $0xFFFFC000  }
.LBB2_11:
0x2a: {  	s16 =	sadd.s32 $0x1, s16  }
0x2b: {  	p1 =	sne.s32 s16, s28  }
.Ltmp1:
0x2c: {  	_ = 	snop;
	(pc) =	sbr.rel @!p1 .LBB2_12-.Ltmp1, $1  }
0x2d: {  	_ =	sdelay $0x3  }
.LBB2_1:
0x2e: {  	[tilespmem:s0], [sflag:$0x1] =	stream.strided.gather [hbm4b:s18+s29], $0x4000, s30, s29, $0x38;
	[tilespmem:$0x5000] =	vst v63  }
0x2f: {  	_ =	swait.ge [sflag:s31], $0x4000  }
0x30: {  	[sflag:s31] =	ssyncset.done $0x0  }
0x31: {  	[sflag:s31] =	ssyncadd.s32 $0xFFFFC000  }
0x32: {  	[tilespmem:s20], [sflag:$0x1] =	stream.strided.gather [hbm4b:s2+s29], $0x400, s30, s29, $0x38;
	[tilespmem:$0x5000] =	vst v63  }
0x33: {  	_ =	swait.ge [sflag:s31], $0x400  }
0x34: {  	[sflag:s31] =	ssyncset.done $0x0  }
0x35: {  	[sflag:s31] =	ssyncadd.s32 $0xFFFFFC00  }
0x36: {  	[tilespmem:s1], [sflag:$0x1] =	stream.strided.gather [hbm4b:s3+s29], $0x400, s30, s29, $0x38;
	[tilespmem:$0x5000] =	vst v63  }
0x37: {  	_ =	swait.ge [sflag:s31], $0x400  }
0x38: {  	[sflag:s31] =	ssyncset.done $0x0  }
0x39: {  	[sflag:s31] =	ssyncadd.s32 $0xFFFFFC00  }
0x3a: {  	[tilespmem:s14], [sflag:$0x1] =	stream.strided.gather [hbm4b:s4+s29], $0x400, s30, s29, $0x38;
	[tilespmem:$0x5000] =	vst v63  }
0x3b: {  	_ =	swait.ge [sflag:s31], $0x400  }
0x3c: {  	[sflag:s31] =	ssyncset.done $0x0  }
0x3d: {  	[sflag:s31] =	ssyncadd.s32 $0xFFFFFC00  }
0x3e: {  	[tilespmem:s15], [sflag:$0x1] =	stream.strided.gather [hbm4b:s5+s29], $0x400, s30, s29, $0x38;
	[tilespmem:$0x5000] =	vst v63  }
0x3f: {  	_ =	swait.ge [sflag:s31], $0x400  }
0x40: {  	[sflag:s31] =	ssyncset.done $0x0  }
0x41: {  	s26 =	simm.s32 $0x0;
	[sflag:s31] =	ssyncadd.s32 $0xFFFFFC00  }
0x42: {  	v0 =	vld [tilespmem:s26+$0x4000];
	_ =	sdelay $0x2  }
0x43: {  	v1 =	vld [tilespmem:s26+$0x4400];
	_ =	sdelay $0x4  }
0x44: {  	[tilespmem:v0+s0+$0x0] =	vst.idx.add.f32.msk $0xffff, v1  }
0x45: {  	v0 =	vld [tilespmem:s26+$0x4800];
	_ =	sdelay $0x2  }
0x46: {  	s17 =	simm.s32 $0x40;
	s25 =	simm.s32 $0x80;
	v1 =	vld [tilespmem:s26+$0x4C00]  }
.LBB2_2:
0x47: {  	_ =	sdelay $0x2  }
0x48: {  	p1 =	sne.s32 s25, $0xFC0  }
0x49: {  	s26 =	sshra.s32 s17, $0x2;
	s17 =	smov.u32 s25;
	s25 =	sadd.s32 $0x40, s25;
	[tilespmem:v0+s0+$0x0] =	vst.idx.add.f32.msk $0xffff, v1  }
0x4a: {  	v0 =	vld [tilespmem:s26+$0x4000];
	_ =	sdelay $0x2  }
0x4b: {  	v1 =	vld [tilespmem:s26+$0x4400];
	_ =	sdelay $0x4  }
.Ltmp2:
0x4c: {  	[tilespmem:v0+s0+$0x0] =	vst.idx.add.f32.msk $0xffff, v1;
	(pc) =	sbr.rel @p1 .LBB2_2-.Ltmp2, $2  }
0x4d: {  	v0 =	vld [tilespmem:s26+$0x4800];
	_ =	sdelay $0x2  }
0x4e: {  	v1 =	vld [tilespmem:s26+$0x4C00]  }
0x4f: {  	_ =	sdelay $0x4  }
0x50: {  	s17 =	sshra.s32 s17, $0x2;
	[tilespmem:v0+s0+$0x0] =	vst.idx.add.f32.msk $0xffff, v1  }
0x51: {  	v0 =	vld [tilespmem:s17+$0x4000];
	_ =	sdelay $0x2  }
0x52: {  	v1 =	vld [tilespmem:s17+$0x4400];
	_ =	sdelay $0x4  }
0x53: {  	[tilespmem:v0+s0+$0x0] =	vst.idx.add.f32.msk $0xffff, v1  }
0x54: {  	v0 =	vld [tilespmem:s17+$0x4800];
	_ =	sdelay $0x2  }
0x55: {  	v1 =	vld [tilespmem:s17+$0x4C00];
	_ =	sdelay $0x4  }
0x56: {  	s26 =	simm.s32 $0x0;
	[tilespmem:v0+s0+$0x0] =	vst.idx.add.f32.msk $0xffff, v1  }
0x57: {  	[hbm4b:s19+s29] =	stream.strided.scatter [tilespmem:s26], [sflag:$0x1], $0x4000, s30, s29, $0x38;
	[tilespmem:$0x5000] =	vst v63  }
0x58: {  	_ =	swait.ge [sflag:s31], $0x4000  }
0x59: {  	[sflag:s31] =	ssyncset.done $0x0  }
0x5a: {  	[sflag:s31] =	ssyncadd.s32 $0xFFFFC000  }
0x5b: {  	[tilespmem:s26], [sflag:$0x1] =	stream.strided.gather [hbm4b:s21+s29], $0x4000, s30, s29, $0x38;
	[tilespmem:$0x5000] =	vst v63  }
0x5c: {  	_ =	swait.ge [sflag:s31], $0x4000  }
0x5d: {  	[sflag:s31] =	ssyncset.done $0x0  }
0x5e: {  	[sflag:s31] =	ssyncadd.s32 $0xFFFFC000  }
0x5f: {  	[tilespmem:s20], [sflag:$0x1] =	stream.strided.gather [hbm4b:s6+s29], $0x400, s30, s29, $0x38;
	[tilespmem:$0x5000] =	vst v63  }
0x60: {  	_ =	swait.ge [sflag:s31], $0x400  }
0x61: {  	[sflag:s31] =	ssyncset.done $0x0  }
0x62: {  	[sflag:s31] =	ssyncadd.s32 $0xFFFFFC00  }
0x63: {  	[tilespmem:s1], [sflag:$0x1] =	stream.strided.gather [hbm4b:s7+s29], $0x400, s30, s29, $0x38;
	[tilespmem:$0x5000] =	vst v63  }
0x64: {  	_ =	swait.ge [sflag:s31], $0x400  }
0x65: {  	[sflag:s31] =	ssyncset.done $0x0  }
0x66: {  	[sflag:s31] =	ssyncadd.s32 $0xFFFFFC00  }
0x67: {  	[tilespmem:s14], [sflag:$0x1] =	stream.strided.gather [hbm4b:s8+s29], $0x400, s30, s29, $0x38;
	[tilespmem:$0x5000] =	vst v63  }
0x68: {  	_ =	swait.ge [sflag:s31], $0x400  }
0x69: {  	[sflag:s31] =	ssyncset.done $0x0  }
0x6a: {  	[sflag:s31] =	ssyncadd.s32 $0xFFFFFC00  }
0x6b: {  	[tilespmem:s15], [sflag:$0x1] =	stream.strided.gather [hbm4b:s9+s29], $0x400, s30, s29, $0x38;
	[tilespmem:$0x5000] =	vst v63  }
0x6c: {  	_ =	swait.ge [sflag:s31], $0x400  }
0x6d: {  	[sflag:s31] =	ssyncset.done $0x0  }
0x6e: {  	s26 =	simm.s32 $0x0;
	[sflag:s31] =	ssyncadd.s32 $0xFFFFFC00  }
0x6f: {  	v0 =	vld [tilespmem:s26+$0x4000];
	_ =	sdelay $0x2  }
0x70: {  	v1 =	vld [tilespmem:s26+$0x4400];
	_ =	sdelay $0x4  }
0x71: {  	[tilespmem:v0+s0+$0x0] =	vst.idx.add.f32.msk $0xffff, v1  }
0x72: {  	v0 =	vld [tilespmem:s26+$0x4800];
	_ =	sdelay $0x2  }
0x73: {  	s25 =	simm.s32 $0x80;
	s17 =	simm.s32 $0x40;
	v1 =	vld [tilespmem:s26+$0x4C00]  }
.LBB2_4:
0x74: {  	_ =	sdelay $0x2  }
0x75: {  	p1 =	sne.s32 s25, $0xFC0  }
0x76: {  	s26 =	sshra.s32 s17, $0x2;
	s17 =	smov.u32 s25;
	s25 =	sadd.s32 $0x40, s25;
	[tilespmem:v0+s0+$0x0] =	vst.idx.add.f32.msk $0xffff, v1  }
0x77: {  	v0 =	vld [tilespmem:s26+$0x4000];
	_ =	sdelay $0x2  }
0x78: {  	v1 =	vld [tilespmem:s26+$0x4400];
	_ =	sdelay $0x4  }
.Ltmp3:
0x79: {  	[tilespmem:v0+s0+$0x0] =	vst.idx.add.f32.msk $0xffff, v1;
	(pc) =	sbr.rel @p1 .LBB2_4-.Ltmp3, $2  }
0x7a: {  	v0 =	vld [tilespmem:s26+$0x4800];
	_ =	sdelay $0x2  }
0x7b: {  	v1 =	vld [tilespmem:s26+$0x4C00]  }
0x7c: {  	_ =	sdelay $0x4  }
0x7d: {  	s17 =	sshra.s32 s17, $0x2;
	[tilespmem:v0+s0+$0x0] =	vst.idx.add.f32.msk $0xffff, v1  }
0x7e: {  	v0 =	vld [tilespmem:s17+$0x4000];
	_ =	sdelay $0x2  }
0x7f: {  	v1 =	vld [tilespmem:s17+$0x4400];
	_ =	sdelay $0x4  }
0x80: {  	[tilespmem:v0+s0+$0x0] =	vst.idx.add.f32.msk $0xffff, v1  }
0x81: {  	v0 =	vld [tilespmem:s17+$0x4800];
	_ =	sdelay $0x2  }
0x82: {  	v1 =	vld [tilespmem:s17+$0x4C00];
	_ =	sdelay $0x4  }
0x83: {  	s26 =	simm.s32 $0x0;
	[tilespmem:v0+s0+$0x0] =	vst.idx.add.f32.msk $0xffff, v1  }
0x84: {  	[hbm4b:s22+s29] =	stream.strided.scatter [tilespmem:s26], [sflag:$0x1], $0x4000, s30, s29, $0x38;
	[tilespmem:$0x5000] =	vst v63  }
0x85: {  	_ =	swait.ge [sflag:s31], $0x4000  }
0x86: {  	[sflag:s31] =	ssyncset.done $0x0  }
0x87: {  	[sflag:s31] =	ssyncadd.s32 $0xFFFFC000  }
0x88: {  	[tilespmem:s26], [sflag:$0x1] =	stream.strided.gather [hbm4b:s23+s29], $0x4000, s30, s29, $0x38;
	[tilespmem:$0x5000] =	vst v63  }
0x89: {  	_ =	swait.ge [sflag:s31], $0x4000  }
0x8a: {  	[sflag:s31] =	ssyncset.done $0x0  }
0x8b: {  	[sflag:s31] =	ssyncadd.s32 $0xFFFFC000  }
0x8c: {  	[tilespmem:s20], [sflag:$0x1] =	stream.strided.gather [hbm4b:s10+s29], $0x400, s30, s29, $0x38;
	[tilespmem:$0x5000] =	vst v63  }
0x8d: {  	_ =	swait.ge [sflag:s31], $0x400  }
0x8e: {  	[sflag:s31] =	ssyncset.done $0x0  }
0x8f: {  	[sflag:s31] =	ssyncadd.s32 $0xFFFFFC00  }
0x90: {  	[tilespmem:s1], [sflag:$0x1] =	stream.strided.gather [hbm4b:s11+s29], $0x400, s30, s29, $0x38;
	[tilespmem:$0x5000] =	vst v63  }
0x91: {  	_ =	swait.ge [sflag:s31], $0x400  }
0x92: {  	[sflag:s31] =	ssyncset.done $0x0  }
0x93: {  	[sflag:s31] =	ssyncadd.s32 $0xFFFFFC00  }
0x94: {  	[tilespmem:s14], [sflag:$0x1] =	stream.strided.gather [hbm4b:s12+s29], $0x400, s30, s29, $0x38;
	[tilespmem:$0x5000] =	vst v63  }
0x95: {  	_ =	swait.ge [sflag:s31], $0x400  }
0x96: {  	[sflag:s31] =	ssyncset.done $0x0  }
0x97: {  	[sflag:s31] =	ssyncadd.s32 $0xFFFFFC00  }
0x98: {  	[tilespmem:s15], [sflag:$0x1] =	stream.strided.gather [hbm4b:s13+s29], $0x400, s30, s29, $0x38;
	[tilespmem:$0x5000] =	vst v63  }
0x99: {  	_ =	swait.ge [sflag:s31], $0x400  }
0x9a: {  	[sflag:s31] =	ssyncset.done $0x0  }
0x9b: {  	s26 =	simm.s32 $0x0;
	[sflag:s31] =	ssyncadd.s32 $0xFFFFFC00  }
0x9c: {  	v0 =	vld [tilespmem:s26+$0x4000];
	_ =	sdelay $0x2  }
0x9d: {  	v1 =	vld [tilespmem:s26+$0x4400];
	_ =	sdelay $0x4  }
0x9e: {  	[tilespmem:v0+s0+$0x0] =	vst.idx.add.f32.msk $0xffff, v1  }
0x9f: {  	v0 =	vld [tilespmem:s26+$0x4800];
	_ =	sdelay $0x2  }
0xa0: {  	s25 =	simm.s32 $0x80;
	s17 =	simm.s32 $0x40;
	v1 =	vld [tilespmem:s26+$0x4C00]  }
.LBB2_6:
0xa1: {  	_ =	sdelay $0x2  }
0xa2: {  	p1 =	sne.s32 s25, $0xFC0  }
0xa3: {  	s26 =	sshra.s32 s17, $0x2;
	s17 =	smov.u32 s25;
	s25 =	sadd.s32 $0x40, s25;
	[tilespmem:v0+s0+$0x0] =	vst.idx.add.f32.msk $0xffff, v1  }
0xa4: {  	v0 =	vld [tilespmem:s26+$0x4000];
	_ =	sdelay $0x2  }
0xa5: {  	v1 =	vld [tilespmem:s26+$0x4400];
	_ =	sdelay $0x4  }
.Ltmp4:
0xa6: {  	[tilespmem:v0+s0+$0x0] =	vst.idx.add.f32.msk $0xffff, v1;
	(pc) =	sbr.rel @p1 .LBB2_6-.Ltmp4, $2  }
0xa7: {  	v0 =	vld [tilespmem:s26+$0x4800];
	_ =	sdelay $0x2  }
0xa8: {  	v1 =	vld [tilespmem:s26+$0x4C00]  }
0xa9: {  	_ =	sdelay $0x4  }
0xaa: {  	s17 =	sshra.s32 s17, $0x2;
	[tilespmem:v0+s0+$0x0] =	vst.idx.add.f32.msk $0xffff, v1  }
0xab: {  	v0 =	vld [tilespmem:s17+$0x4000];
	_ =	sdelay $0x2  }
0xac: {  	v1 =	vld [tilespmem:s17+$0x4400];
	_ =	sdelay $0x4  }
0xad: {  	[tilespmem:v0+s0+$0x0] =	vst.idx.add.f32.msk $0xffff, v1  }
0xae: {  	v0 =	vld [tilespmem:s17+$0x4800];
	_ =	sdelay $0x2  }
0xaf: {  	v1 =	vld [tilespmem:s17+$0x4C00];
	_ =	sdelay $0x4  }
.Ltmp5:
0xb0: {  	[tilespmem:v0+s0+$0x0] =	vst.idx.add.f32.msk $0xffff, v1;
	(pc) =	sbr.rel @p0 .LBB2_11-.Ltmp5, $4  }
0xb1: {  	[hbm4b:s24+s29] =	stream.strided.scatter [tilespmem:s0], [sflag:$0x1], $0x4000, s30, s29, $0x38;
	[tilespmem:$0x5000] =	vst v63  }
0xb2: {  	_ =	swait.ge [sflag:s31], $0x4000  }
0xb3: {  	[sflag:s31] =	ssyncset.done $0x0  }
0xb4: {  	[sflag:s31] =	ssyncadd.s32 $0xFFFFC000  }
0xb5: {  	s17 =	simm.s32 $0x0;
	s25 =	rddreg [dreg:$0x7]  }
0xb6: {  	[tilespmem:s17], [sflag:$0x1] =	stream.strided.gather [hbm4b:s25+s29], $0x4000, s30, s29, $0x38;
	[tilespmem:$0x5000] =	vst v63  }
0xb7: {  	_ =	swait.ge [sflag:s31], $0x4000  }
0xb8: {  	[sflag:s31] =	ssyncset.done $0x0  }
0xb9: {  	s25 =	rddreg [dreg:$0x3];
	[sflag:s31] =	ssyncadd.s32 $0xFFFFC000  }
0xba: {  	[tilespmem:s20], [sflag:$0x1] =	stream.strided.gather [hbm4b:s25+s29], $0x400, s30, s29, $0x38;
	[tilespmem:$0x5000] =	vst v63  }
0xbb: {  	_ =	swait.ge [sflag:s31], $0x400  }
0xbc: {  	[sflag:s31] =	ssyncset.done $0x0  }
0xbd: {  	s26 =	rddreg [dreg:$0x4];
	[sflag:s31] =	ssyncadd.s32 $0xFFFFFC00  }
0xbe: {  	[tilespmem:s1], [sflag:$0x1] =	stream.strided.gather [hbm4b:s26+s29], $0x400, s30, s29, $0x38;
	[tilespmem:$0x5000] =	vst v63  }
0xbf: {  	_ =	swait.ge [sflag:s31], $0x400  }
0xc0: {  	[sflag:s31] =	ssyncset.done $0x0  }
0xc1: {  	s25 =	rddreg [dreg:$0x5];
	[sflag:s31] =	ssyncadd.s32 $0xFFFFFC00  }
0xc2: {  	[tilespmem:s14], [sflag:$0x1] =	stream.strided.gather [hbm4b:s25+s29], $0x400, s30, s29, $0x38;
	[tilespmem:$0x5000] =	vst v63  }
0xc3: {  	_ =	swait.ge [sflag:s31], $0x400  }
0xc4: {  	[sflag:s31] =	ssyncset.done $0x0  }
0xc5: {  	s26 =	rddreg [dreg:$0x6];
	[sflag:s31] =	ssyncadd.s32 $0xFFFFFC00  }
0xc6: {  	[tilespmem:s15], [sflag:$0x1] =	stream.strided.gather [hbm4b:s26+s29], $0x400, s30, s29, $0x38;
	[tilespmem:$0x5000] =	vst v63  }
0xc7: {  	_ =	swait.ge [sflag:s31], $0x400  }
0xc8: {  	[sflag:s31] =	ssyncset.done $0x0  }
0xc9: {  	s26 =	simm.s32 $0x0;
	[sflag:s31] =	ssyncadd.s32 $0xFFFFFC00  }
0xca: {  	v0 =	vld [tilespmem:s26+$0x4000];
	_ =	sdelay $0x2  }
0xcb: {  	v1 =	vld [tilespmem:s26+$0x4400];
	_ =	sdelay $0x4  }
0xcc: {  	[tilespmem:v0+s0+$0x0] =	vst.idx.add.f32.msk $0xffff, v1  }
0xcd: {  	v0 =	vld [tilespmem:s26+$0x4800];
	_ =	sdelay $0x2  }
0xce: {  	v1 =	vld [tilespmem:s26+$0x4C00];
	_ =	sdelay $0x2  }
0xcf: {  	s17 =	simm.s32 $0x40;
	s25 =	simm.s32 $0x80  }
.LBB2_9:
0xd0: {  	p1 =	sne.s32 s25, $0xFC0  }
0xd1: {  	s26 =	sshra.s32 s17, $0x2;
	[tilespmem:v0+s0+$0x0] =	vst.idx.add.f32.msk $0xffff, v1;
	s17 =	smov.u32 s25;
	s25 =	sadd.s32 $0x40, s25  }
0xd2: {  	v0 =	vld [tilespmem:s26+$0x4000];
	_ =	sdelay $0x2  }
0xd3: {  	v1 =	vld [tilespmem:s26+$0x4400];
	_ =	sdelay $0x4  }
.Ltmp6:
0xd4: {  	[tilespmem:v0+s0+$0x0] =	vst.idx.add.f32.msk $0xffff, v1;
	(pc) =	sbr.rel @p1 .LBB2_9-.Ltmp6, $2  }
0xd5: {  	v0 =	vld [tilespmem:s26+$0x4800];
	_ =	sdelay $0x2  }
0xd6: {  	v1 =	vld [tilespmem:s26+$0x4C00]  }
.Ltmp7:
0xd7: {  	_ = 	snop;
	(pc) =	sbr.rel .LBB2_10-.Ltmp7, $1  }
0xd8: {  	_ =	sdelay $0x3  }
.LBB2_12:
0xd9: {  	_ =	sfence.sel $0x180000  }
0xda: {  	[bflag:$0x0] =	sbarrier.arrive $0xFFFF  }
0xdb: {  	_ =	strace $0x9000004D  }
0xdc: {  	s0 =	stileid.u32;
	[bflag:$0x2] =	sbarrier.arrive $0xFFFF  }
0xdd: {  	p0 =	sne.s32 s0, $0x0;
	s0 =	rddreg [dreg:$0x2]  }
0xde: {  	s0 =	sadd.s32 @!p0 $0x100000, s0  }
0xdf: {  	[sflag:s0] =	ssyncadd.tile.s32 @!p0 $0x1;
	_ =	shalt  }
.Lfunc_end2:
_tile_overlayer_lowered:
.L_overlay_start_2:
0xe0: {  	(tag) =	ssettag $0x2  }
0xe1: {  	s0 =	rddreg [dreg:$0x0];
	s2 =	stileid.u32  }
0xe2: {  	s1 =	rddreg [dreg:$0x1];
	p0 =	sne.s32 s2, $0x0  }
0xe3: {  	s3 =	rddreg [dreg:$0x2];
	[bflag:$0x3] =	sbarrier.arrive $0xFFFF;
	s2 =	simm.s32 @!p0 $0x1C01  }
0xe4: {  	[timem:s3], [sflag:s2] =	dma.local @!p0 [hbm:s0], s1  }
0xe5: {  	s0 =	simm.s32 @!p0 $0x1  }
0xe6: {  	_ =	swait.ge @!p0 [sflag:s0], s1  }
0xe7: {  	s1 =	ssub.s32 @!p0 $0x0, s1;
	[sflag:s0] =	ssyncset.done @!p0 $0x0  }
0xe8: {  	[sflag:s0] =	ssyncadd.s32 @!p0 s1  }
0xe9: {  	[bflag:$0x3] =	sbarrier.arrive $0xFFFF  }
0xea: {  	_ =	shalt  }

</sc_bundles>
